<compile_context>
chip_gen: v7x
topology: tpu7x:2x2x1
jax: 0.10.2.dev20260603
libtpu: 0.0.44.dev20260713+nightly
codegen_flags: <defaults>
</compile_context>

<pallas_src>
import functools

import jax
import jax.numpy as jnp
from jax import lax
from jax.experimental import pallas as pl
from jax.experimental.pallas import tpu as pltpu
from jax.experimental.pallas import tpu_sc as plsc

_D = 64
_L = 16
_BATCH = 4096
_SEQ = 200
_B_TOTAL = _BATCH * _SEQ
_NC = 2
_NS = 16
_NW = _NC * _NS
_B_PER_W = _B_TOTAL // _NW
_CHUNK = 256
_HALF = _CHUNK // 2
_N_ITERS = _B_PER_W // _CHUNK
_N_PAIRS = _N_ITERS // 2


def _gather_body(table_hbm, idx_hbm, out_hbm, idx_v, bufg0, bufg1,
                 bufw0, bufw1, sg0, sg1, sw0, sw1):
    wid = lax.axis_index("s") * _NC + lax.axis_index("c")
    base0 = wid * _B_PER_W
    bufgs = (bufg0, bufg1)
    bufws = (bufw0, bufw1)
    sgs = (sg0, sg1)
    sws = (sw0, sw1)

    def start_gather(i, b):
        pltpu.async_copy(
            table_hbm.at[idx_v.at[pl.ds(i * _CHUNK, _CHUNK)]], bufgs[b],
            sgs[b])

    def wait_gather(b):
        pltpu.make_async_copy(
            table_hbm.at[idx_v.at[pl.ds(0, _CHUNK)]], bufgs[b], sgs[b]).wait()

    def start_write(i, h):
        dst = out_hbm.at[pl.ds(base0 + i * _CHUNK + h * _HALF, _HALF)]
        pltpu.async_copy(bufws[h], dst, sws[h])

    def wait_write(h):
        dst = out_hbm.at[pl.ds(base0, _HALF)]
        pltpu.make_async_copy(bufws[h], dst, sws[h]).wait()

    def extract_half(b, h):
        src = bufgs[b]
        dst = bufws[h]

        def ebody(it, carry):
            r0 = it * _L
            for u in range(_L):
                r = r0 + u
                for k in range(_D // _L):
                    dst[r, pl.ds(k * _L, _L)] = (
                        src[h * _HALF + r, pl.ds(k * _L, _L)])
            return carry

        lax.fori_loop(0, _HALF // _L, ebody, 0)

    pltpu.sync_copy(idx_hbm.at[wid], idx_v)

    start_gather(0, 0)
    start_gather(1, 1)

    def pair(p, carry):
        for b in range(2):
            i = 2 * p + b
            wait_gather(b)
            for h in range(2):
                if b == 0:
                    @pl.when(p > 0)
                    def _():
                        wait_write(h)
                else:
                    wait_write(h)
                extract_half(b, h)
                start_write(i, h)

            @pl.when(p < _N_PAIRS - 1)
            def _():
                start_gather(i + 2, b)

        return carry

    lax.fori_loop(0, _N_PAIRS, pair, 0)

    for h in range(2):
        wait_write(h)


@jax.jit
def kernel(x, vocab_table):
    mesh = plsc.VectorSubcoreMesh(core_axis_name="c", subcore_axis_name="s")
    gather = functools.partial(
        pl.kernel,
        mesh=mesh,
        out_type=jax.ShapeDtypeStruct((_B_TOTAL, _D), jnp.float32),
        scratch_types=[
            pltpu.VMEM((_B_PER_W,), jnp.int32),
            pltpu.VMEM((_CHUNK, 2 * _D), jnp.float32),
            pltpu.VMEM((_CHUNK, 2 * _D), jnp.float32),
            pltpu.VMEM((_HALF, _D), jnp.float32),
            pltpu.VMEM((_HALF, _D), jnp.float32),
            pltpu.SemaphoreType.DMA,
            pltpu.SemaphoreType.DMA,
            pltpu.SemaphoreType.DMA,
            pltpu.SemaphoreType.DMA,
        ],
        compiler_params=pltpu.CompilerParams(use_tc_tiling_on_sc=True),
    )(_gather_body)
    table_wide = jnp.pad(vocab_table, ((0, 0), (0, _D)))
    out = gather(table_wide, x.reshape(_NW, _B_PER_W))
    return out.reshape(_BATCH, _SEQ, _D)

# --- scband reference (transcript-rebuilt; emitter-appended) ---
"""Pipeline reference for scband-token-embedding-22694607192357 (READ-ONLY COPY).

The authoritative reference and input builder live on the scoring server;
editing this copy changes nothing except your own understanding.
"""

import jax, jax.numpy as jnp
import numpy as np

VOCAB_SIZE = 1000000
EMBED_DIM = 64
BATCH = 4096
SEQ_LEN = 200


def setup_inputs(seed: int = 0) -> dict:
    key = jax.random.key(seed)
    k_idx, k_tab = jax.random.split(key)
    x = jax.random.randint(k_idx, (BATCH, SEQ_LEN), 0, VOCAB_SIZE, dtype=jnp.int64 if jax.config.jax_enable_x64 else jnp.int32)
    vocab_table = jax.random.normal(k_tab, (VOCAB_SIZE, EMBED_DIM), dtype=jnp.float32)
    return {"x": x, "vocab_table": vocab_table}


def reference(x, vocab_table):
    # Faithful translation of TokenEmbedding.forward: vocab_table[x]
    return jnp.take(vocab_table, x, axis=0)

if __name__ == "__main__":
    import jax
    _d = setup_inputs()
    print(jax.jit(kernel)(*tuple(_d.values())))

</pallas_src>

<mosaic_0001>
#map = affine_map<(d0, d1) -> (0, 0)>
module attributes {stable_mosaic.version = 14 : i64} {
  func.func @_gather_body(%arg0: i32, %arg1: i32, %arg2: memref<1000000x128xf32, #tpu.memory_space<hbm>>, %arg3: memref<32x25600xi32, #tpu.memory_space<hbm>>, %arg4: memref<819200x64xf32, #tpu.memory_space<hbm>>, %arg5: memref<25600xi32, #tpu.memory_space<vmem>>, %arg6: memref<256x128xf32, #tpu.memory_space<vmem>>, %arg7: memref<256x128xf32, #tpu.memory_space<vmem>>, %arg8: memref<128x64xf32, #tpu.memory_space<vmem>>, %arg9: memref<128x64xf32, #tpu.memory_space<vmem>>, %arg10: memref<!tpu.dma_semaphore, #tpu.memory_space<semaphore_mem>>, %arg11: memref<!tpu.dma_semaphore, #tpu.memory_space<semaphore_mem>>, %arg12: memref<!tpu.dma_semaphore, #tpu.memory_space<semaphore_mem>>, %arg13: memref<!tpu.dma_semaphore, #tpu.memory_space<semaphore_mem>>) attributes {dimension_semantics = [#tpu.dimension_semantics<core_parallel>, #tpu.dimension_semantics<subcore_parallel>], iteration_bounds = array<i64: 2, 16>, scalar_prefetch = 0 : i64, scratch_operands = 9 : i64, tpu.core_type = #tpu.core_type<sc_vector_subcore>, window_params = [{transform_indices = #map}, {transform_indices = #map}, {transform_indices = #map}]} {
    %mul3A = arith.constant 2 : i32
    %mul3A_0 = arith.muli %arg1, %mul3A : i32
    %add3A = arith.addi %mul3A_0, %arg0 : i32
    %mul3A_1 = arith.constant 25600 : i32
    %mul3A_2 = arith.muli %add3A, %mul3A_1 : i32
    "tpu.region"() ({
      %run_scoped3A = tpu.sem_alloc : memref<!tpu.dma_semaphore, #tpu.memory_space<semaphore_mem>>
      %dma_start3A_24 = arith.constant 0 : i32
      %dma_start3A_25 = tpu.memref_slice %arg3[%add3A, %dma_start3A_24] : memref<32x25600xi32, #tpu.memory_space<hbm>> -> memref<1x25600xi32, #tpu.memory_space<hbm>>
      %dma_start3A_26 = tpu.memref_squeeze %dma_start3A_25 : memref<1x25600xi32, #tpu.memory_space<hbm>> -> memref<25600xi32, #tpu.memory_space<hbm>>
      %dma_start3A_27 = arith.constant 0 : i32
      %dma_start3A_28 = tpu.memref_slice %arg3[%add3A, %dma_start3A_27] : memref<32x25600xi32, #tpu.memory_space<hbm>> -> memref<1x25600xi32, #tpu.memory_space<hbm>>
      %dma_start3A_29 = tpu.memref_squeeze %dma_start3A_28 : memref<1x25600xi32, #tpu.memory_space<hbm>> -> memref<25600xi32, #tpu.memory_space<hbm>>
      tpu.enqueue_dma source(%dma_start3A_29 : memref<25600xi32, #tpu.memory_space<hbm>>) target(%arg5 : memref<25600xi32, #tpu.memory_space<vmem>>) target_semaphore(%run_scoped3A : memref<!tpu.dma_semaphore, #tpu.memory_space<semaphore_mem>>)
      %dma_wait3A_30 = arith.constant 0 : i32
      %dma_wait3A_31 = tpu.memref_slice %arg3[%add3A, %dma_wait3A_30] : memref<32x25600xi32, #tpu.memory_space<hbm>> -> memref<1x25600xi32, #tpu.memory_space<hbm>>
      %dma_wait3A_32 = tpu.memref_squeeze %dma_wait3A_31 : memref<1x25600xi32, #tpu.memory_space<hbm>> -> memref<25600xi32, #tpu.memory_space<hbm>>
      %dma_wait3A_33 = arith.constant 0 : i32
      %dma_wait3A_34 = tpu.memref_slice %arg3[%add3A, %dma_wait3A_33] : memref<32x25600xi32, #tpu.memory_space<hbm>> -> memref<1x25600xi32, #tpu.memory_space<hbm>>
      %dma_wait3A_35 = tpu.memref_squeeze %dma_wait3A_34 : memref<1x25600xi32, #tpu.memory_space<hbm>> -> memref<25600xi32, #tpu.memory_space<hbm>>
      tpu.wait_dma2 semaphore(%run_scoped3A : memref<!tpu.dma_semaphore, #tpu.memory_space<semaphore_mem>>) src(%dma_wait3A_35 : memref<25600xi32, #tpu.memory_space<hbm>>) dst(%arg5 : memref<25600xi32, #tpu.memory_space<vmem>>)
      tpu.yield
    }) : () -> ()
    %dma_start3A = arith.constant 0 : i32
    %dma_start3A_3 = tpu.memref_slice %arg5[%dma_start3A] : memref<25600xi32, #tpu.memory_space<vmem>> -> memref<256xi32, #tpu.memory_space<vmem>>
    %dma_start3A_4 = arith.constant 0 : i32
    %dma_start3A_5 = arith.constant 0 : i32
    %dma_start3A_6 = tpu.memref_slice %arg2[%dma_start3A_4, %dma_start3A_5] : memref<1000000x128xf32, #tpu.memory_space<hbm>> -> memref<1000000x128xf32, #tpu.memory_space<hbm>>
    tpu.enqueue_indirect_dma source(%dma_start3A_6 : memref<1000000x128xf32, #tpu.memory_space<hbm>>) target(%arg6 : memref<256x128xf32, #tpu.memory_space<vmem>>) offsets(%dma_start3A_3 : memref<256xi32, #tpu.memory_space<vmem>>) semaphore(%arg10 : memref<!tpu.dma_semaphore, #tpu.memory_space<semaphore_mem>>)
    %dma_start3A_7 = arith.constant 256 : i32
    %dma_start3A_8 = tpu.memref_slice %arg5[%dma_start3A_7] : memref<25600xi32, #tpu.memory_space<vmem>> -> memref<256xi32, #tpu.memory_space<vmem>>
    %dma_start3A_9 = arith.constant 0 : i32
    %dma_start3A_10 = arith.constant 0 : i32
    %dma_start3A_11 = tpu.memref_slice %arg2[%dma_start3A_9, %dma_start3A_10] : memref<1000000x128xf32, #tpu.memory_space<hbm>> -> memref<1000000x128xf32, #tpu.memory_space<hbm>>
    tpu.enqueue_indirect_dma source(%dma_start3A_11 : memref<1000000x128xf32, #tpu.memory_space<hbm>>) target(%arg7 : memref<256x128xf32, #tpu.memory_space<vmem>>) offsets(%dma_start3A_8 : memref<256xi32, #tpu.memory_space<vmem>>) semaphore(%arg11 : memref<!tpu.dma_semaphore, #tpu.memory_space<semaphore_mem>>)
    %scan3A = arith.constant 0 : i32
    %scan3A_12 = arith.constant 0 : i32
    %scan3A_13 = arith.constant 50 : i32
    %scan3A_14 = arith.addi %scan3A_12, %scan3A_13 : i32
    %scan3A_15 = arith.constant 1 : i32
    scf.for %scan3A_24 = %scan3A_12 to %scan3A_14 step %scan3A_15  : i32 {
      %mul3A_25 = arith.constant 2 : i32
      %mul3A_26 = arith.muli %mul3A_25, %scan3A_24 : i32
      %add3A_27 = arith.constant 0 : i32
      %add3A_28 = arith.addi %mul3A_26, %add3A_27 : i32
      %dma_wait3A_29 = arith.constant 0 : i32
      %dma_wait3A_30 = tpu.memref_slice %arg5[%dma_wait3A_29] : memref<25600xi32, #tpu.memory_space<vmem>> -> memref<256xi32, #tpu.memory_space<vmem>>
      %dma_wait3A_31 = arith.constant 0 : i32
      %dma_wait3A_32 = arith.constant 0 : i32
      %dma_wait3A_33 = tpu.memref_slice %arg2[%dma_wait3A_31, %dma_wait3A_32] : memref<1000000x128xf32, #tpu.memory_space<hbm>> -> memref<1000000x128xf32, #tpu.memory_space<hbm>>
      tpu.wait_indirect_dma semaphore(%arg10 : memref<!tpu.dma_semaphore, #tpu.memory_space<semaphore_mem>>) src(%dma_wait3A_33 : memref<1000000x128xf32, #tpu.memory_space<hbm>>) dst(%arg6 : memref<256x128xf32, #tpu.memory_space<vmem>>)
      %gt3A = arith.constant 0 : i32
      %gt3A_34 = arith.cmpi sgt, %scan3A_24, %gt3A : i32
      %convert_element_type3A = arith.extui %gt3A_34 : i1 to i32
      %cond3A = arith.constant 0 : i32
      %cond3A_35 = arith.cmpi ne, %convert_element_type3A, %cond3A : i32
      scf.if %cond3A_35 {
        %dma_wait3A_127 = arith.constant 0 : i32
        %dma_wait3A_128 = tpu.memref_slice %arg4[%mul3A_2, %dma_wait3A_127] : memref<819200x64xf32, #tpu.memory_space<hbm>> -> memref<128x64xf32, #tpu.memory_space<hbm>>
        %dma_wait3A_129 = arith.constant 0 : i32
        %dma_wait3A_130 = tpu.memref_slice %arg4[%mul3A_2, %dma_wait3A_129] : memref<819200x64xf32, #tpu.memory_space<hbm>> -> memref<128x64xf32, #tpu.memory_space<hbm>>
        tpu.wait_dma2 semaphore(%arg12 : memref<!tpu.dma_semaphore, #tpu.memory_space<semaphore_mem>>) src(%arg8 : memref<128x64xf32, #tpu.memory_space<vmem>>) dst(%dma_wait3A_130 : memref<128x64xf32, #tpu.memory_space<hbm>>)
      } else {
      }
      %scan3A_36 = arith.constant 0 : i32
      %scan3A_37 = arith.constant 0 : i32
      %scan3A_38 = arith.constant 8 : i32
      %scan3A_39 = arith.addi %scan3A_37, %scan3A_38 : i32
      %scan3A_40 = arith.constant 1 : i32
      scf.for %scan3A_127 = %scan3A_37 to %scan3A_39 step %scan3A_40  : i32 {
        %mul3A_128 = arith.constant 16 : i32
        %mul3A_129 = arith.muli %scan3A_127, %mul3A_128 : i32
        %add3A_130 = arith.constant 0 : i32
        %add3A_131 = arith.addi %mul3A_129, %add3A_130 : i32
        %add3A_132 = arith.constant 0 : i32
        %add3A_133 = arith.addi %add3A_132, %add3A_131 : i32
        %get3A = arith.index_cast %add3A_133 : i32 to index
        %get3A_134 = arith.constant 0 : index
        %get3A_135 = tpu.vector_load %arg6[%get3A, %get3A_134] {strides = array<i32>} : memref<256x128xf32, #tpu.memory_space<vmem>>, vector<1x16xf32>,
        %get3A_136 = vector.shape_cast %get3A_135 : vector<1x16xf32> to vector<16xf32>
        %swap3A = arith.index_cast %add3A_131 : i32 to index
        %swap3A_137 = arith.constant 0 : index
        %swap3A_138 = tpu.vector_load %arg8[%swap3A, %swap3A_137] {strides = array<i32>} : memref<128x64xf32, #tpu.memory_space<vmem>>, vector<1x16xf32>,
        %swap3A_139 = vector.shape_cast %swap3A_138 : vector<1x16xf32> to vector<16xf32>
        %swap3A_140 = vector.shape_cast %get3A_136 : vector<16xf32> to vector<1x16xf32>
        tpu.vector_store %arg8[%swap3A, %swap3A_137], %swap3A_140 {strides = array<i32>} : memref<128x64xf32, #tpu.memory_space<vmem>>, vector<1x16xf32>,
        %add3A_141 = arith.constant 0 : i32
        %add3A_142 = arith.addi %add3A_141, %add3A_131 : i32
        %get3A_143 = arith.index_cast %add3A_142 : i32 to index
        %get3A_144 = arith.constant 16 : index
        %get3A_145 = tpu.vector_load %arg6[%get3A_143, %get3A_144] {strides = array<i32>} : memref<256x128xf32, #tpu.memory_space<vmem>>, vector<1x16xf32>,
        %get3A_146 = vector.shape_cast %get3A_145 : vector<1x16xf32> to vector<16xf32>
        %swap3A_147 = arith.index_cast %add3A_131 : i32 to index
        %swap3A_148 = arith.constant 16 : index
        %swap3A_149 = tpu.vector_load %arg8[%swap3A_147, %swap3A_148] {strides = array<i32>} : memref<128x64xf32, #tpu.memory_space<vmem>>, vector<1x16xf32>,
        %swap3A_150 = vector.shape_cast %swap3A_149 : vector<1x16xf32> to vector<16xf32>
        %swap3A_151 = vector.shape_cast %get3A_146 : vector<16xf32> to vector<1x16xf32>
        tpu.vector_store %arg8[%swap3A_147, %swap3A_148], %swap3A_151 {strides = array<i32>} : memref<128x64xf32, #tpu.memory_space<vmem>>, vector<1x16xf32>,
        %add3A_152 = arith.constant 0 : i32
        %add3A_153 = arith.addi %add3A_152, %add3A_131 : i32
        %get3A_154 = arith.index_cast %add3A_153 : i32 to index
        %get3A_155 = arith.constant 32 : index
        %get3A_156 = tpu.vector_load %arg6[%get3A_154, %get3A_155] {strides = array<i32>} : memref<256x128xf32, #tpu.memory_space<vmem>>, vector<1x16xf32>,
        %get3A_157 = vector.shape_cast %get3A_156 : vector<1x16xf32> to vector<16xf32>
        %swap3A_158 = arith.index_cast %add3A_131 : i32 to index
        %swap3A_159 = arith.constant 32 : index
        %swap3A_160 = tpu.vector_load %arg8[%swap3A_158, %swap3A_159] {strides = array<i32>} : memref<128x64xf32, #tpu.memory_space<vmem>>, vector<1x16xf32>,
        %swap3A_161 = vector.shape_cast %swap3A_160 : vector<1x16xf32> to vector<16xf32>
        %swap3A_162 = vector.shape_cast %get3A_157 : vector<16xf32> to vector<1x16xf32>
        tpu.vector_store %arg8[%swap3A_158, %swap3A_159], %swap3A_162 {strides = array<i32>} : memref<128x64xf32, #tpu.memory_space<vmem>>, vector<1x16xf32>,
        %add3A_163 = arith.constant 0 : i32
        %add3A_164 = arith.addi %add3A_163, %add3A_131 : i32
        %get3A_165 = arith.index_cast %add3A_164 : i32 to index
        %get3A_166 = arith.constant 48 : index
        %get3A_167 = tpu.vector_load %arg6[%get3A_165, %get3A_166] {strides = array<i32>} : memref<256x128xf32, #tpu.memory_space<vmem>>, vector<1x16xf32>,
        %get3A_168 = vector.shape_cast %get3A_167 : vector<1x16xf32> to vector<16xf32>
        %swap3A_169 = arith.index_cast %add3A_131 : i32 to index
        %swap3A_170 = arith.constant 48 : index
        %swap3A_171 = tpu.vector_load %arg8[%swap3A_169, %swap3A_170] {strides = array<i32>} : memref<128x64xf32, #tpu.memory_space<vmem>>, vector<1x16xf32>,
        %swap3A_172 = vector.shape_cast %swap3A_171 : vector<1x16xf32> to vector<16xf32>
        %swap3A_173 = vector.shape_cast %get3A_168 : vector<16xf32> to vector<1x16xf32>
        tpu.vector_store %arg8[%swap3A_169, %swap3A_170], %swap3A_173 {strides = array<i32>} : memref<128x64xf32, #tpu.memory_space<vmem>>, vector<1x16xf32>,
        %add3A_174 = arith.constant 1 : i32
        %add3A_175 = arith.addi %mul3A_129, %add3A_174 : i32
        %add3A_176 = arith.constant 0 : i32
        %add3A_177 = arith.addi %add3A_176, %add3A_175 : i32
        %get3A_178 = arith.index_cast %add3A_177 : i32 to index
        %get3A_179 = arith.constant 0 : index
        %get3A_180 = tpu.vector_load %arg6[%get3A_178, %get3A_179] {strides = array<i32>} : memref<256x128xf32, #tpu.memory_space<vmem>>, vector<1x16xf32>,
        %get3A_181 = vector.shape_cast %get3A_180 : vector<1x16xf32> to vector<16xf32>
        %swap3A_182 = arith.index_cast %add3A_175 : i32 to index
        %swap3A_183 = arith.constant 0 : index
        %swap3A_184 = tpu.vector_load %arg8[%swap3A_182, %swap3A_183] {strides = array<i32>} : memref<128x64xf32, #tpu.memory_space<vmem>>, vector<1x16xf32>,
        %swap3A_185 = vector.shape_cast %swap3A_184 : vector<1x16xf32> to vector<16xf32>
        %swap3A_186 = vector.shape_cast %get3A_181 : vector<16xf32> to vector<1x16xf32>
        tpu.vector_store %arg8[%swap3A_182, %swap3A_183], %swap3A_186 {strides = array<i32>} : memref<128x64xf32, #tpu.memory_space<vmem>>, vector<1x16xf32>,
        %add3A_187 = arith.constant 0 : i32
        %add3A_188 = arith.addi %add3A_187, %add3A_175 : i32
        %get3A_189 = arith.index_cast %add3A_188 : i32 to index
        %get3A_190 = arith.constant 16 : index
        %get3A_191 = tpu.vector_load %arg6[%get3A_189, %get3A_190] {strides = array<i32>} : memref<256x128xf32, #tpu.memory_space<vmem>>, vector<1x16xf32>,
        %get3A_192 = vector.shape_cast %get3A_191 : vector<1x16xf32> to vector<16xf32>
        %swap3A_193 = arith.index_cast %add3A_175 : i32 to index
        %swap3A_194 = arith.constant 16 : index
        %swap3A_195 = tpu.vector_load %arg8[%swap3A_193, %swap3A_194] {strides = array<i32>} : memref<128x64xf32, #tpu.memory_space<vmem>>, vector<1x16xf32>,
        %swap3A_196 = vector.shape_cast %swap3A_195 : vector<1x16xf32> to vector<16xf32>
        %swap3A_197 = vector.shape_cast %get3A_192 : vector<16xf32> to vector<1x16xf32>
        tpu.vector_store %arg8[%swap3A_193, %swap3A_194], %swap3A_197 {strides = array<i32>} : memref<128x64xf32, #tpu.memory_space<vmem>>, vector<1x16xf32>,
        %add3A_198 = arith.constant 0 : i32
        %add3A_199 = arith.addi %add3A_198, %add3A_175 : i32
        %get3A_200 = arith.index_cast %add3A_199 : i32 to index
        %get3A_201 = arith.constant 32 : index
        %get3A_202 = tpu.vector_load %arg6[%get3A_200, %get3A_201] {strides = array<i32>} : memref<256x128xf32, #tpu.memory_space<vmem>>, vector<1x16xf32>,
        %get3A_203 = vector.shape_cast %get3A_202 : vector<1x16xf32> to vector<16xf32>
        %swap3A_204 = arith.index_cast %add3A_175 : i32 to index
        %swap3A_205 = arith.constant 32 : index
        %swap3A_206 = tpu.vector_load %arg8[%swap3A_204, %swap3A_205] {strides = array<i32>} : memref<128x64xf32, #tpu.memory_space<vmem>>, vector<1x16xf32>,
        %swap3A_207 = vector.shape_cast %swap3A_206 : vector<1x16xf32> to vector<16xf32>
        %swap3A_208 = vector.shape_cast %get3A_203 : vector<16xf32> to vector<1x16xf32>
        tpu.vector_store %arg8[%swap3A_204, %swap3A_205], %swap3A_208 {strides = array<i32>} : memref<128x64xf32, #tpu.memory_space<vmem>>, vector<1x16xf32>,
        %add3A_209 = arith.constant 0 : i32
        %add3A_210 = arith.addi %add3A_209, %add3A_175 : i32
        %get3A_211 = arith.index_cast %add3A_210 : i32 to index
        %get3A_212 = arith.constant 48 : index
        %get3A_213 = tpu.vector_load %arg6[%get3A_211, %get3A_212] {strides = array<i32>} : memref<256x128xf32, #tpu.memory_space<vmem>>, vector<1x16xf32>,
        %get3A_214 = vector.shape_cast %get3A_213 : vector<1x16xf32> to vector<16xf32>
        %swap3A_215 = arith.index_cast %add3A_175 : i32 to index
        %swap3A_216 = arith.constant 48 : index
        %swap3A_217 = tpu.vector_load %arg8[%swap3A_215, %swap3A_216] {strides = array<i32>} : memref<128x64xf32, #tpu.memory_space<vmem>>, vector<1x16xf32>,
        %swap3A_218 = vector.shape_cast %swap3A_217 : vector<1x16xf32> to vector<16xf32>
        %swap3A_219 = vector.shape_cast %get3A_214 : vector<16xf32> to vector<1x16xf32>
        tpu.vector_store %arg8[%swap3A_215, %swap3A_216], %swap3A_219 {strides = array<i32>} : memref<128x64xf32, #tpu.memory_space<vmem>>, vector<1x16xf32>,
        %add3A_220 = arith.constant 2 : i32
        %add3A_221 = arith.addi %mul3A_129, %add3A_220 : i32
        %add3A_222 = arith.constant 0 : i32
        %add3A_223 = arith.addi %add3A_222, %add3A_221 : i32
        %get3A_224 = arith.index_cast %add3A_223 : i32 to index
        %get3A_225 = arith.constant 0 : index
        %get3A_226 = tpu.vector_load %arg6[%get3A_224, %get3A_225] {strides = array<i32>} : memref<256x128xf32, #tpu.memory_space<vmem>>, vector<1x16xf32>,
        %get3A_227 = vector.shape_cast %get3A_226 : vector<1x16xf32> to vector<16xf32>
        %swap3A_228 = arith.index_cast %add3A_221 : i32 to index
        %swap3A_229 = arith.constant 0 : index
        %swap3A_230 = tpu.vector_load %arg8[%swap3A_228, %swap3A_229] {strides = array<i32>} : memref<128x64xf32, #tpu.memory_space<vmem>>, vector<1x16xf32>,
        %swap3A_231 = vector.shape_cast %swap3A_230 : vector<1x16xf32> to vector<16xf32>
        %swap3A_232 = vector.shape_cast %get3A_227 : vector<16xf32> to vector<1x16xf32>
        tpu.vector_store %arg8[%swap3A_228, %swap3A_229], %swap3A_232 {strides = array<i32>} : memref<128x64xf32, #tpu.memory_space<vmem>>, vector<1x16xf32>,
        %add3A_233 = arith.constant 0 : i32
        %add3A_234 = arith.addi %add3A_233, %add3A_221 : i32
        %get3A_235 = arith.index_cast %add3A_234 : i32 to index
        %get3A_236 = arith.constant 16 : index
        %get3A_237 = tpu.vector_load %arg6[%get3A_235, %get3A_236] {strides = array<i32>} : memref<256x128xf32, #tpu.memory_space<vmem>>, vector<1x16xf32>,
        %get3A_238 = vector.shape_cast %get3A_237 : vector<1x16xf32> to vector<16xf32>
        %swap3A_239 = arith.index_cast %add3A_221 : i32 to index
        %swap3A_240 = arith.constant 16 : index
        %swap3A_241 = tpu.vector_load %arg8[%swap3A_239, %swap3A_240] {strides = array<i32>} : memref<128x64xf32, #tpu.memory_space<vmem>>, vector<1x16xf32>,
        %swap3A_242 = vector.shape_cast %swap3A_241 : vector<1x16xf32> to vector<16xf32>
        %swap3A_243 = vector.shape_cast %get3A_238 : vector<16xf32> to vector<1x16xf32>
        tpu.vector_store %arg8[%swap3A_239, %swap3A_240], %swap3A_243 {strides = array<i32>} : memref<128x64xf32, #tpu.memory_space<vmem>>, vector<1x16xf32>,
        %add3A_244 = arith.constant 0 : i32
        %add3A_245 = arith.addi %add3A_244, %add3A_221 : i32
        %get3A_246 = arith.index_cast %add3A_245 : i32 to index
        %get3A_247 = arith.constant 32 : index
        %get3A_248 = tpu.vector_load %arg6[%get3A_246, %get3A_247] {strides = array<i32>} : memref<256x128xf32, #tpu.memory_space<vmem>>, vector<1x16xf32>,
        %get3A_249 = vector.shape_cast %get3A_248 : vector<1x16xf32> to vector<16xf32>
        %swap3A_250 = arith.index_cast %add3A_221 : i32 to index
        %swap3A_251 = arith.constant 32 : index
        %swap3A_252 = tpu.vector_load %arg8[%swap3A_250, %swap3A_251] {strides = array<i32>} : memref<128x64xf32, #tpu.memory_space<vmem>>, vector<1x16xf32>,
        %swap3A_253 = vector.shape_cast %swap3A_252 : vector<1x16xf32> to vector<16xf32>
        %swap3A_254 = vector.shape_cast %get3A_249 : vector<16xf32> to vector<1x16xf32>
        tpu.vector_store %arg8[%swap3A_250, %swap3A_251], %swap3A_254 {strides = array<i32>} : memref<128x64xf32, #tpu.memory_space<vmem>>, vector<1x16xf32>,
        %add3A_255 = arith.constant 0 : i32
        %add3A_256 = arith.addi %add3A_255, %add3A_221 : i32
        %get3A_257 = arith.index_cast %add3A_256 : i32 to index
        %get3A_258 = arith.constant 48 : index
        %get3A_259 = tpu.vector_load %arg6[%get3A_257, %get3A_258] {strides = array<i32>} : memref<256x128xf32, #tpu.memory_space<vmem>>, vector<1x16xf32>,
        %get3A_260 = vector.shape_cast %get3A_259 : vector<1x16xf32> to vector<16xf32>
        %swap3A_261 = arith.index_cast %add3A_221 : i32 to index
        %swap3A_262 = arith.constant 48 : index
        %swap3A_263 = tpu.vector_load %arg8[%swap3A_261, %swap3A_262] {strides = array<i32>} : memref<128x64xf32, #tpu.memory_space<vmem>>, vector<1x16xf32>,
        %swap3A_264 = vector.shape_cast %swap3A_263 : vector<1x16xf32> to vector<16xf32>
        %swap3A_265 = vector.shape_cast %get3A_260 : vector<16xf32> to vector<1x16xf32>
        tpu.vector_store %arg8[%swap3A_261, %swap3A_262], %swap3A_265 {strides = array<i32>} : memref<128x64xf32, #tpu.memory_space<vmem>>, vector<1x16xf32>,
        %add3A_266 = arith.constant 3 : i32
        %add3A_267 = arith.addi %mul3A_129, %add3A_266 : i32
        %add3A_268 = arith.constant 0 : i32
        %add3A_269 = arith.addi %add3A_268, %add3A_267 : i32
        %get3A_270 = arith.index_cast %add3A_269 : i32 to index
        %get3A_271 = arith.constant 0 : index
        %get3A_272 = tpu.vector_load %arg6[%get3A_270, %get3A_271] {strides = array<i32>} : memref<256x128xf32, #tpu.memory_space<vmem>>, vector<1x16xf32>,
        %get3A_273 = vector.shape_cast %get3A_272 : vector<1x16xf32> to vector<16xf32>
        %swap3A_274 = arith.index_cast %add3A_267 : i32 to index
        %swap3A_275 = arith.constant 0 : index
        %swap3A_276 = tpu.vector_load %arg8[%swap3A_274, %swap3A_275] {strides = array<i32>} : memref<128x64xf32, #tpu.memory_space<vmem>>, vector<1x16xf32>,
        %swap3A_277 = vector.shape_cast %swap3A_276 : vector<1x16xf32> to vector<16xf32>
        %swap3A_278 = vector.shape_cast %get3A_273 : vector<16xf32> to vector<1x16xf32>
        tpu.vector_store %arg8[%swap3A_274, %swap3A_275], %swap3A_278 {strides = array<i32>} : memref<128x64xf32, #tpu.memory_space<vmem>>, vector<1x16xf32>,
        %add3A_279 = arith.constant 0 : i32
        %add3A_280 = arith.addi %add3A_279, %add3A_267 : i32
        %get3A_281 = arith.index_cast %add3A_280 : i32 to index
        %get3A_282 = arith.constant 16 : index
        %get3A_283 = tpu.vector_load %arg6[%get3A_281, %get3A_282] {strides = array<i32>} : memref<256x128xf32, #tpu.memory_space<vmem>>, vector<1x16xf32>,
        %get3A_284 = vector.shape_cast %get3A_283 : vector<1x16xf32> to vector<16xf32>
        %swap3A_285 = arith.index_cast %add3A_267 : i32 to index
        %swap3A_286 = arith.constant 16 : index
        %swap3A_287 = tpu.vector_load %arg8[%swap3A_285, %swap3A_286] {strides = array<i32>} : memref<128x64xf32, #tpu.memory_space<vmem>>, vector<1x16xf32>,
        %swap3A_288 = vector.shape_cast %swap3A_287 : vector<1x16xf32> to vector<16xf32>
        %swap3A_289 = vector.shape_cast %get3A_284 : vector<16xf32> to vector<1x16xf32>
        tpu.vector_store %arg8[%swap3A_285, %swap3A_286], %swap3A_289 {strides = array<i32>} : memref<128x64xf32, #tpu.memory_space<vmem>>, vector<1x16xf32>,
        %add3A_290 = arith.constant 0 : i32
        %add3A_291 = arith.addi %add3A_290, %add3A_267 : i32
        %get3A_292 = arith.index_cast %add3A_291 : i32 to index
        %get3A_293 = arith.constant 32 : index
        %get3A_294 = tpu.vector_load %arg6[%get3A_292, %get3A_293] {strides = array<i32>} : memref<256x128xf32, #tpu.memory_space<vmem>>, vector<1x16xf32>,
        %get3A_295 = vector.shape_cast %get3A_294 : vector<1x16xf32> to vector<16xf32>
        %swap3A_296 = arith.index_cast %add3A_267 : i32 to index
        %swap3A_297 = arith.constant 32 : index
        %swap3A_298 = tpu.vector_load %arg8[%swap3A_296, %swap3A_297] {strides = array<i32>} : memref<128x64xf32, #tpu.memory_space<vmem>>, vector<1x16xf32>,
        %swap3A_299 = vector.shape_cast %swap3A_298 : vector<1x16xf32> to vector<16xf32>
        %swap3A_300 = vector.shape_cast %get3A_295 : vector<16xf32> to vector<1x16xf32>
        tpu.vector_store %arg8[%swap3A_296, %swap3A_297], %swap3A_300 {strides = array<i32>} : memref<128x64xf32, #tpu.memory_space<vmem>>, vector<1x16xf32>,
        %add3A_301 = arith.constant 0 : i32
        %add3A_302 = arith.addi %add3A_301, %add3A_267 : i32
        %get3A_303 = arith.index_cast %add3A_302 : i32 to index
        %get3A_304 = arith.constant 48 : index
        %get3A_305 = tpu.vector_load %arg6[%get3A_303, %get3A_304] {strides = array<i32>} : memref<256x128xf32, #tpu.memory_space<vmem>>, vector<1x16xf32>,
        %get3A_306 = vector.shape_cast %get3A_305 : vector<1x16xf32> to vector<16xf32>
        %swap3A_307 = arith.index_cast %add3A_267 : i32 to index
        %swap3A_308 = arith.constant 48 : index
        %swap3A_309 = tpu.vector_load %arg8[%swap3A_307, %swap3A_308] {strides = array<i32>} : memref<128x64xf32, #tpu.memory_space<vmem>>, vector<1x16xf32>,
        %swap3A_310 = vector.shape_cast %swap3A_309 : vector<1x16xf32> to vector<16xf32>
        %swap3A_311 = vector.shape_cast %get3A_306 : vector<16xf32> to vector<1x16xf32>
        tpu.vector_store %arg8[%swap3A_307, %swap3A_308], %swap3A_311 {strides = array<i32>} : memref<128x64xf32, #tpu.memory_space<vmem>>, vector<1x16xf32>,
        %add3A_312 = arith.constant 4 : i32
        %add3A_313 = arith.addi %mul3A_129, %add3A_312 : i32
        %add3A_314 = arith.constant 0 : i32
        %add3A_315 = arith.addi %add3A_314, %add3A_313 : i32
        %get3A_316 = arith.index_cast %add3A_315 : i32 to index
        %get3A_317 = arith.constant 0 : index
        %get3A_318 = tpu.vector_load %arg6[%get3A_316, %get3A_317] {strides = array<i32>} : memref<256x128xf32, #tpu.memory_space<vmem>>, vector<1x16xf32>,
        %get3A_319 = vector.shape_cast %get3A_318 : vector<1x16xf32> to vector<16xf32>
        %swap3A_320 = arith.index_cast %add3A_313 : i32 to index
        %swap3A_321 = arith.constant 0 : index
        %swap3A_322 = tpu.vector_load %arg8[%swap3A_320, %swap3A_321] {strides = array<i32>} : memref<128x64xf32, #tpu.memory_space<vmem>>, vector<1x16xf32>,
        %swap3A_323 = vector.shape_cast %swap3A_322 : vector<1x16xf32> to vector<16xf32>
        %swap3A_324 = vector.shape_cast %get3A_319 : vector<16xf32> to vector<1x16xf32>
        tpu.vector_store %arg8[%swap3A_320, %swap3A_321], %swap3A_324 {strides = array<i32>} : memref<128x64xf32, #tpu.memory_space<vmem>>, vector<1x16xf32>,
        %add3A_325 = arith.constant 0 : i32
        %add3A_326 = arith.addi %add3A_325, %add3A_313 : i32
        %get3A_327 = arith.index_cast %add3A_326 : i32 to index
        %get3A_328 = arith.constant 16 : index
        %get3A_329 = tpu.vector_load %arg6[%get3A_327, %get3A_328] {strides = array<i32>} : memref<256x128xf32, #tpu.memory_space<vmem>>, vector<1x16xf32>,
        %get3A_330 = vector.shape_cast %get3A_329 : vector<1x16xf32> to vector<16xf32>
        %swap3A_331 = arith.index_cast %add3A_313 : i32 to index
        %swap3A_332 = arith.constant 16 : index
        %swap3A_333 = tpu.vector_load %arg8[%swap3A_331, %swap3A_332] {strides = array<i32>} : memref<128x64xf32, #tpu.memory_space<vmem>>, vector<1x16xf32>,
        %swap3A_334 = vector.shape_cast %swap3A_333 : vector<1x16xf32> to vector<16xf32>
        %swap3A_335 = vector.shape_cast %get3A_330 : vector<16xf32> to vector<1x16xf32>
        tpu.vector_store %arg8[%swap3A_331, %swap3A_332], %swap3A_335 {strides = array<i32>} : memref<128x64xf32, #tpu.memory_space<vmem>>, vector<1x16xf32>,
        %add3A_336 = arith.constant 0 : i32
        %add3A_337 = arith.addi %add3A_336, %add3A_313 : i32
        %get3A_338 = arith.index_cast %add3A_337 : i32 to index
        %get3A_339 = arith.constant 32 : index
        %get3A_340 = tpu.vector_load %arg6[%get3A_338, %get3A_339] {strides = array<i32>} : memref<256x128xf32, #tpu.memory_space<vmem>>, vector<1x16xf32>,
        %get3A_341 = vector.shape_cast %get3A_340 : vector<1x16xf32> to vector<16xf32>
        %swap3A_342 = arith.index_cast %add3A_313 : i32 to index
        %swap3A_343 = arith.constant 32 : index
        %swap3A_344 = tpu.vector_load %arg8[%swap3A_342, %swap3A_343] {strides = array<i32>} : memref<128x64xf32, #tpu.memory_space<vmem>>, vector<1x16xf32>,
        %swap3A_345 = vector.shape_cast %swap3A_344 : vector<1x16xf32> to vector<16xf32>
        %swap3A_346 = vector.shape_cast %get3A_341 : vector<16xf32> to vector<1x16xf32>
        tpu.vector_store %arg8[%swap3A_342, %swap3A_343], %swap3A_346 {strides = array<i32>} : memref<128x64xf32, #tpu.memory_space<vmem>>, vector<1x16xf32>,
        %add3A_347 = arith.constant 0 : i32
        %add3A_348 = arith.addi %add3A_347, %add3A_313 : i32
        %get3A_349 = arith.index_cast %add3A_348 : i32 to index
        %get3A_350 = arith.constant 48 : index
        %get3A_351 = tpu.vector_load %arg6[%get3A_349, %get3A_350] {strides = array<i32>} : memref<256x128xf32, #tpu.memory_space<vmem>>, vector<1x16xf32>,
        %get3A_352 = vector.shape_cast %get3A_351 : vector<1x16xf32> to vector<16xf32>
        %swap3A_353 = arith.index_cast %add3A_313 : i32 to index
        %swap3A_354 = arith.constant 48 : index
        %swap3A_355 = tpu.vector_load %arg8[%swap3A_353, %swap3A_354] {strides = array<i32>} : memref<128x64xf32, #tpu.memory_space<vmem>>, vector<1x16xf32>,
        %swap3A_356 = vector.shape_cast %swap3A_355 : vector<1x16xf32> to vector<16xf32>
        %swap3A_357 = vector.shape_cast %get3A_352 : vector<16xf32> to vector<1x16xf32>
        tpu.vector_store %arg8[%swap3A_353, %swap3A_354], %swap3A_357 {strides = array<i32>} : memref<128x64xf32, #tpu.memory_space<vmem>>, vector<1x16xf32>,
        %add3A_358 = arith.constant 5 : i32
        %add3A_359 = arith.addi %mul3A_129, %add3A_358 : i32
        %add3A_360 = arith.constant 0 : i32
        %add3A_361 = arith.addi %add3A_360, %add3A_359 : i32
        %get3A_362 = arith.index_cast %add3A_361 : i32 to index
        %get3A_363 = arith.constant 0 : index
        %get3A_364 = tpu.vector_load %arg6[%get3A_362, %get3A_363] {strides = array<i32>} : memref<256x128xf32, #tpu.memory_space<vmem>>, vector<1x16xf32>,
        %get3A_365 = vector.shape_cast %get3A_364 : vector<1x16xf32> to vector<16xf32>
        %swap3A_366 = arith.index_cast %add3A_359 : i32 to index
        %swap3A_367 = arith.constant 0 : index
        %swap3A_368 = tpu.vector_load %arg8[%swap3A_366, %swap3A_367] {strides = array<i32>} : memref<128x64xf32, #tpu.memory_space<vmem>>, vector<1x16xf32>,
        %swap3A_369 = vector.shape_cast %swap3A_368 : vector<1x16xf32> to vector<16xf32>
        %swap3A_370 = vector.shape_cast %get3A_365 : vector<16xf32> to vector<1x16xf32>
        tpu.vector_store %arg8[%swap3A_366, %swap3A_367], %swap3A_370 {strides = array<i32>} : memref<128x64xf32, #tpu.memory_space<vmem>>, vector<1x16xf32>,
        %add3A_371 = arith.constant 0 : i32
        %add3A_372 = arith.addi %add3A_371, %add3A_359 : i32
        %get3A_373 = arith.index_cast %add3A_372 : i32 to index
        %get3A_374 = arith.constant 16 : index
        %get3A_375 = tpu.vector_load %arg6[%get3A_373, %get3A_374] {strides = array<i32>} : memref<256x128xf32, #tpu.memory_space<vmem>>, vector<1x16xf32>,
        %get3A_376 = vector.shape_cast %get3A_375 : vector<1x16xf32> to vector<16xf32>
        %swap3A_377 = arith.index_cast %add3A_359 : i32 to index
        %swap3A_378 = arith.constant 16 : index
        %swap3A_379 = tpu.vector_load %arg8[%swap3A_377, %swap3A_378] {strides = array<i32>} : memref<128x64xf32, #tpu.memory_space<vmem>>, vector<1x16xf32>,
        %swap3A_380 = vector.shape_cast %swap3A_379 : vector<1x16xf32> to vector<16xf32>
        %swap3A_381 = vector.shape_cast %get3A_376 : vector<16xf32> to vector<1x16xf32>
        tpu.vector_store %arg8[%swap3A_377, %swap3A_378], %swap3A_381 {strides = array<i32>} : memref<128x64xf32, #tpu.memory_space<vmem>>, vector<1x16xf32>,
        %add3A_382 = arith.constant 0 : i32
        %add3A_383 = arith.addi %add3A_382, %add3A_359 : i32
        %get3A_384 = arith.index_cast %add3A_383 : i32 to index
        %get3A_385 = arith.constant 32 : index
        %get3A_386 = tpu.vector_load %arg6[%get3A_384, %get3A_385] {strides = array<i32>} : memref<256x128xf32, #tpu.memory_space<vmem>>, vector<1x16xf32>,
        %get3A_387 = vector.shape_cast %get3A_386 : vector<1x16xf32> to vector<16xf32>
        %swap3A_388 = arith.index_cast %add3A_359 : i32 to index
        %swap3A_389 = arith.constant 32 : index
        %swap3A_390 = tpu.vector_load %arg8[%swap3A_388, %swap3A_389] {strides = array<i32>} : memref<128x64xf32, #tpu.memory_space<vmem>>, vector<1x16xf32>,
        %swap3A_391 = vector.shape_cast %swap3A_390 : vector<1x16xf32> to vector<16xf32>
        %swap3A_392 = vector.shape_cast %get3A_387 : vector<16xf32> to vector<1x16xf32>
        tpu.vector_store %arg8[%swap3A_388, %swap3A_389], %swap3A_392 {strides = array<i32>} : memref<128x64xf32, #tpu.memory_space<vmem>>, vector<1x16xf32>,
        %add3A_393 = arith.constant 0 : i32
        %add3A_394 = arith.addi %add3A_393, %add3A_359 : i32
        %get3A_395 = arith.index_cast %add3A_394 : i32 to index
        %get3A_396 = arith.constant 48 : index
        %get3A_397 = tpu.vector_load %arg6[%get3A_395, %get3A_396] {strides = array<i32>} : memref<256x128xf32, #tpu.memory_space<vmem>>, vector<1x16xf32>,
        %get3A_398 = vector.shape_cast %get3A_397 : vector<1x16xf32> to vector<16xf32>
        %swap3A_399 = arith.index_cast %add3A_359 : i32 to index
        %swap3A_400 = arith.constant 48 : index
        %swap3A_401 = tpu.vector_load %arg8[%swap3A_399, %swap3A_400] {strides = array<i32>} : memref<128x64xf32, #tpu.memory_space<vmem>>, vector<1x16xf32>,
        %swap3A_402 = vector.shape_cast %swap3A_401 : vector<1x16xf32> to vector<16xf32>
        %swap3A_403 = vector.shape_cast %get3A_398 : vector<16xf32> to vector<1x16xf32>
        tpu.vector_store %arg8[%swap3A_399, %swap3A_400], %swap3A_403 {strides = array<i32>} : memref<128x64xf32, #tpu.memory_space<vmem>>, vector<1x16xf32>,
        %add3A_404 = arith.constant 6 : i32
        %add3A_405 = arith.addi %mul3A_129, %add3A_404 : i32
        %add3A_406 = arith.constant 0 : i32
        %add3A_407 = arith.addi %add3A_406, %add3A_405 : i32
        %get3A_408 = arith.index_cast %add3A_407 : i32 to index
        %get3A_409 = arith.constant 0 : index
        %get3A_410 = tpu.vector_load %arg6[%get3A_408, %get3A_409] {strides = array<i32>} : memref<256x128xf32, #tpu.memory_space<vmem>>, vector<1x16xf32>,
        %get3A_411 = vector.shape_cast %get3A_410 : vector<1x16xf32> to vector<16xf32>
        %swap3A_412 = arith.index_cast %add3A_405 : i32 to index
        %swap3A_413 = arith.constant 0 : index
        %swap3A_414 = tpu.vector_load %arg8[%swap3A_412, %swap3A_413] {strides = array<i32>} : memref<128x64xf32, #tpu.memory_space<vmem>>, vector<1x16xf32>,
        %swap3A_415 = vector.shape_cast %swap3A_414 : vector<1x16xf32> to vector<16xf32>
        %swap3A_416 = vector.shape_cast %get3A_411 : vector<16xf32> to vector<1x16xf32>
        tpu.vector_store %arg8[%swap3A_412, %swap3A_413], %swap3A_416 {strides = array<i32>} : memref<128x64xf32, #tpu.memory_space<vmem>>, vector<1x16xf32>,
        %add3A_417 = arith.constant 0 : i32
        %add3A_418 = arith.addi %add3A_417, %add3A_405 : i32
        %get3A_419 = arith.index_cast %add3A_418 : i32 to index
        %get3A_420 = arith.constant 16 : index
        %get3A_421 = tpu.vector_load %arg6[%get3A_419, %get3A_420] {strides = array<i32>} : memref<256x128xf32, #tpu.memory_space<vmem>>, vector<1x16xf32>,
        %get3A_422 = vector.shape_cast %get3A_421 : vector<1x16xf32> to vector<16xf32>
        %swap3A_423 = arith.index_cast %add3A_405 : i32 to index
        %swap3A_424 = arith.constant 16 : index
        %swap3A_425 = tpu.vector_load %arg8[%swap3A_423, %swap3A_424] {strides = array<i32>} : memref<128x64xf32, #tpu.memory_space<vmem>>, vector<1x16xf32>,
        %swap3A_426 = vector.shape_cast %swap3A_425 : vector<1x16xf32> to vector<16xf32>
        %swap3A_427 = vector.shape_cast %get3A_422 : vector<16xf32> to vector<1x16xf32>
        tpu.vector_store %arg8[%swap3A_423, %swap3A_424], %swap3A_427 {strides = array<i32>} : memref<128x64xf32, #tpu.memory_space<vmem>>, vector<1x16xf32>,
        %add3A_428 = arith.constant 0 : i32
        %add3A_429 = arith.addi %add3A_428, %add3A_405 : i32
        %get3A_430 = arith.index_cast %add3A_429 : i32 to index
        %get3A_431 = arith.constant 32 : index
        %get3A_432 = tpu.vector_load %arg6[%get3A_430, %get3A_431] {strides = array<i32>} : memref<256x128xf32, #tpu.memory_space<vmem>>, vector<1x16xf32>,
        %get3A_433 = vector.shape_cast %get3A_432 : vector<1x16xf32> to vector<16xf32>
        %swap3A_434 = arith.index_cast %add3A_405 : i32 to index
        %swap3A_435 = arith.constant 32 : index
        %swap3A_436 = tpu.vector_load %arg8[%swap3A_434, %swap3A_435] {strides = array<i32>} : memref<128x64xf32, #tpu.memory_space<vmem>>, vector<1x16xf32>,
        %swap3A_437 = vector.shape_cast %swap3A_436 : vector<1x16xf32> to vector<16xf32>
        %swap3A_438 = vector.shape_cast %get3A_433 : vector<16xf32> to vector<1x16xf32>
        tpu.vector_store %arg8[%swap3A_434, %swap3A_435], %swap3A_438 {strides = array<i32>} : memref<128x64xf32, #tpu.memory_space<vmem>>, vector<1x16xf32>,
        %add3A_439 = arith.constant 0 : i32
        %add3A_440 = arith.addi %add3A_439, %add3A_405 : i32
        %get3A_441 = arith.index_cast %add3A_440 : i32 to index
        %get3A_442 = arith.constant 48 : index
        %get3A_443 = tpu.vector_load %arg6[%get3A_441, %get3A_442] {strides = array<i32>} : memref<256x128xf32, #tpu.memory_space<vmem>>, vector<1x16xf32>,
        %get3A_444 = vector.shape_cast %get3A_443 : vector<1x16xf32> to vector<16xf32>
        %swap3A_445 = arith.index_cast %add3A_405 : i32 to index
        %swap3A_446 = arith.constant 48 : index
        %swap3A_447 = tpu.vector_load %arg8[%swap3A_445, %swap3A_446] {strides = array<i32>} : memref<128x64xf32, #tpu.memory_space<vmem>>, vector<1x16xf32>,
        %swap3A_448 = vector.shape_cast %swap3A_447 : vector<1x16xf32> to vector<16xf32>
        %swap3A_449 = vector.shape_cast %get3A_444 : vector<16xf32> to vector<1x16xf32>
        tpu.vector_store %arg8[%swap3A_445, %swap3A_446], %swap3A_449 {strides = array<i32>} : memref<128x64xf32, #tpu.memory_space<vmem>>, vector<1x16xf32>,
        %add3A_450 = arith.constant 7 : i32
        %add3A_451 = arith.addi %mul3A_129, %add3A_450 : i32
        %add3A_452 = arith.constant 0 : i32
        %add3A_453 = arith.addi %add3A_452, %add3A_451 : i32
        %get3A_454 = arith.index_cast %add3A_453 : i32 to index
        %get3A_455 = arith.constant 0 : index
        %get3A_456 = tpu.vector_load %arg6[%get3A_454, %get3A_455] {strides = array<i32>} : memref<256x128xf32, #tpu.memory_space<vmem>>, vector<1x16xf32>,
        %get3A_457 = vector.shape_cast %get3A_456 : vector<1x16xf32> to vector<16xf32>
        %swap3A_458 = arith.index_cast %add3A_451 : i32 to index
        %swap3A_459 = arith.constant 0 : index
        %swap3A_460 = tpu.vector_load %arg8[%swap3A_458, %swap3A_459] {strides = array<i32>} : memref<128x64xf32, #tpu.memory_space<vmem>>, vector<1x16xf32>,
        %swap3A_461 = vector.shape_cast %swap3A_460 : vector<1x16xf32> to vector<16xf32>
        %swap3A_462 = vector.shape_cast %get3A_457 : vector<16xf32> to vector<1x16xf32>
        tpu.vector_store %arg8[%swap3A_458, %swap3A_459], %swap3A_462 {strides = array<i32>} : memref<128x64xf32, #tpu.memory_space<vmem>>, vector<1x16xf32>,
        %add3A_463 = arith.constant 0 : i32
        %add3A_464 = arith.addi %add3A_463, %add3A_451 : i32
        %get3A_465 = arith.index_cast %add3A_464 : i32 to index
        %get3A_466 = arith.constant 16 : index
        %get3A_467 = tpu.vector_load %arg6[%get3A_465, %get3A_466] {strides = array<i32>} : memref<256x128xf32, #tpu.memory_space<vmem>>, vector<1x16xf32>,
        %get3A_468 = vector.shape_cast %get3A_467 : vector<1x16xf32> to vector<16xf32>
        %swap3A_469 = arith.index_cast %add3A_451 : i32 to index
        %swap3A_470 = arith.constant 16 : index
        %swap3A_471 = tpu.vector_load %arg8[%swap3A_469, %swap3A_470] {strides = array<i32>} : memref<128x64xf32, #tpu.memory_space<vmem>>, vector<1x16xf32>,
        %swap3A_472 = vector.shape_cast %swap3A_471 : vector<1x16xf32> to vector<16xf32>
        %swap3A_473 = vector.shape_cast %get3A_468 : vector<16xf32> to vector<1x16xf32>
        tpu.vector_store %arg8[%swap3A_469, %swap3A_470], %swap3A_473 {strides = array<i32>} : memref<128x64xf32, #tpu.memory_space<vmem>>, vector<1x16xf32>,
        %add3A_474 = arith.constant 0 : i32
        %add3A_475 = arith.addi %add3A_474, %add3A_451 : i32
        %get3A_476 = arith.index_cast %add3A_475 : i32 to index
        %get3A_477 = arith.constant 32 : index
        %get3A_478 = tpu.vector_load %arg6[%get3A_476, %get3A_477] {strides = array<i32>} : memref<256x128xf32, #tpu.memory_space<vmem>>, vector<1x16xf32>,
        %get3A_479 = vector.shape_cast %get3A_478 : vector<1x16xf32> to vector<16xf32>
        %swap3A_480 = arith.index_cast %add3A_451 : i32 to index
        %swap3A_481 = arith.constant 32 : index
        %swap3A_482 = tpu.vector_load %arg8[%swap3A_480, %swap3A_481] {strides = array<i32>} : memref<128x64xf32, #tpu.memory_space<vmem>>, vector<1x16xf32>,
        %swap3A_483 = vector.shape_cast %swap3A_482 : vector<1x16xf32> to vector<16xf32>
        %swap3A_484 = vector.shape_cast %get3A_479 : vector<16xf32> to vector<1x16xf32>
        tpu.vector_store %arg8[%swap3A_480, %swap3A_481], %swap3A_484 {strides = array<i32>} : memref<128x64xf32, #tpu.memory_space<vmem>>, vector<1x16xf32>,
        %add3A_485 = arith.constant 0 : i32
        %add3A_486 = arith.addi %add3A_485, %add3A_451 : i32
        %get3A_487 = arith.index_cast %add3A_486 : i32 to index
        %get3A_488 = arith.constant 48 : index
        %get3A_489 = tpu.vector_load %arg6[%get3A_487, %get3A_488] {strides = array<i32>} : memref<256x128xf32, #tpu.memory_space<vmem>>, vector<1x16xf32>,
        %get3A_490 = vector.shape_cast %get3A_489 : vector<1x16xf32> to vector<16xf32>
        %swap3A_491 = arith.index_cast %add3A_451 : i32 to index
        %swap3A_492 = arith.constant 48 : index
        %swap3A_493 = tpu.vector_load %arg8[%swap3A_491, %swap3A_492] {strides = array<i32>} : memref<128x64xf32, #tpu.memory_space<vmem>>, vector<1x16xf32>,
        %swap3A_494 = vector.shape_cast %swap3A_493 : vector<1x16xf32> to vector<16xf32>
        %swap3A_495 = vector.shape_cast %get3A_490 : vector<16xf32> to vector<1x16xf32>
        tpu.vector_store %arg8[%swap3A_491, %swap3A_492], %swap3A_495 {strides = array<i32>} : memref<128x64xf32, #tpu.memory_space<vmem>>, vector<1x16xf32>,
        %add3A_496 = arith.constant 8 : i32
        %add3A_497 = arith.addi %mul3A_129, %add3A_496 : i32
        %add3A_498 = arith.constant 0 : i32
        %add3A_499 = arith.addi %add3A_498, %add3A_497 : i32
        %get3A_500 = arith.index_cast %add3A_499 : i32 to index
        %get3A_501 = arith.constant 0 : index
        %get3A_502 = tpu.vector_load %arg6[%get3A_500, %get3A_501] {strides = array<i32>} : memref<256x128xf32, #tpu.memory_space<vmem>>, vector<1x16xf32>,
        %get3A_503 = vector.shape_cast %get3A_502 : vector<1x16xf32> to vector<16xf32>
        %swap3A_504 = arith.index_cast %add3A_497 : i32 to index
        %swap3A_505 = arith.constant 0 : index
        %swap3A_506 = tpu.vector_load %arg8[%swap3A_504, %swap3A_505] {strides = array<i32>} : memref<128x64xf32, #tpu.memory_space<vmem>>, vector<1x16xf32>,
        %swap3A_507 = vector.shape_cast %swap3A_506 : vector<1x16xf32> to vector<16xf32>
        %swap3A_508 = vector.shape_cast %get3A_503 : vector<16xf32> to vector<1x16xf32>
        tpu.vector_store %arg8[%swap3A_504, %swap3A_505], %swap3A_508 {strides = array<i32>} : memref<128x64xf32, #tpu.memory_space<vmem>>, vector<1x16xf32>,
        %add3A_509 = arith.constant 0 : i32
        %add3A_510 = arith.addi %add3A_509, %add3A_497 : i32
        %get3A_511 = arith.index_cast %add3A_510 : i32 to index
        %get3A_512 = arith.constant 16 : index
        %get3A_513 = tpu.vector_load %arg6[%get3A_511, %get3A_512] {strides = array<i32>} : memref<256x128xf32, #tpu.memory_space<vmem>>, vector<1x16xf32>,
        %get3A_514 = vector.shape_cast %get3A_513 : vector<1x16xf32> to vector<16xf32>
        %swap3A_515 = arith.index_cast %add3A_497 : i32 to index
        %swap3A_516 = arith.constant 16 : index
        %swap3A_517 = tpu.vector_load %arg8[%swap3A_515, %swap3A_516] {strides = array<i32>} : memref<128x64xf32, #tpu.memory_space<vmem>>, vector<1x16xf32>,
        %swap3A_518 = vector.shape_cast %swap3A_517 : vector<1x16xf32> to vector<16xf32>
        %swap3A_519 = vector.shape_cast %get3A_514 : vector<16xf32> to vector<1x16xf32>
        tpu.vector_store %arg8[%swap3A_515, %swap3A_516], %swap3A_519 {strides = array<i32>} : memref<128x64xf32, #tpu.memory_space<vmem>>, vector<1x16xf32>,
        %add3A_520 = arith.constant 0 : i32
        %add3A_521 = arith.addi %add3A_520, %add3A_497 : i32
        %get3A_522 = arith.index_cast %add3A_521 : i32 to index
        %get3A_523 = arith.constant 32 : index
        %get3A_524 = tpu.vector_load %arg6[%get3A_522, %get3A_523] {strides = array<i32>} : memref<256x128xf32, #tpu.memory_space<vmem>>, vector<1x16xf32>,
        %get3A_525 = vector.shape_cast %get3A_524 : vector<1x16xf32> to vector<16xf32>
        %swap3A_526 = arith.index_cast %add3A_497 : i32 to index
        %swap3A_527 = arith.constant 32 : index
        %swap3A_528 = tpu.vector_load %arg8[%swap3A_526, %swap3A_527] {strides = array<i32>} : memref<128x64xf32, #tpu.memory_space<vmem>>, vector<1x16xf32>,
        %swap3A_529 = vector.shape_cast %swap3A_528 : vector<1x16xf32> to vector<16xf32>
        %swap3A_530 = vector.shape_cast %get3A_525 : vector<16xf32> to vector<1x16xf32>
        tpu.vector_store %arg8[%swap3A_526, %swap3A_527], %swap3A_530 {strides = array<i32>} : memref<128x64xf32, #tpu.memory_space<vmem>>, vector<1x16xf32>,
        %add3A_531 = arith.constant 0 : i32
        %add3A_532 = arith.addi %add3A_531, %add3A_497 : i32
        %get3A_533 = arith.index_cast %add3A_532 : i32 to index
        %get3A_534 = arith.constant 48 : index
        %get3A_535 = tpu.vector_load %arg6[%get3A_533, %get3A_534] {strides = array<i32>} : memref<256x128xf32, #tpu.memory_space<vmem>>, vector<1x16xf32>,
        %get3A_536 = vector.shape_cast %get3A_535 : vector<1x16xf32> to vector<16xf32>
        %swap3A_537 = arith.index_cast %add3A_497 : i32 to index
        %swap3A_538 = arith.constant 48 : index
        %swap3A_539 = tpu.vector_load %arg8[%swap3A_537, %swap3A_538] {strides = array<i32>} : memref<128x64xf32, #tpu.memory_space<vmem>>, vector<1x16xf32>,
        %swap3A_540 = vector.shape_cast %swap3A_539 : vector<1x16xf32> to vector<16xf32>
        %swap3A_541 = vector.shape_cast %get3A_536 : vector<16xf32> to vector<1x16xf32>
        tpu.vector_store %arg8[%swap3A_537, %swap3A_538], %swap3A_541 {strides = array<i32>} : memref<128x64xf32, #tpu.memory_space<vmem>>, vector<1x16xf32>,
        %add3A_542 = arith.constant 9 : i32
        %add3A_543 = arith.addi %mul3A_129, %add3A_542 : i32
        %add3A_544 = arith.constant 0 : i32
        %add3A_545 = arith.addi %add3A_544, %add3A_543 : i32
        %get3A_546 = arith.index_cast %add3A_545 : i32 to index
        %get3A_547 = arith.constant 0 : index
        %get3A_548 = tpu.vector_load %arg6[%get3A_546, %get3A_547] {strides = array<i32>} : memref<256x128xf32, #tpu.memory_space<vmem>>, vector<1x16xf32>,
        %get3A_549 = vector.shape_cast %get3A_548 : vector<1x16xf32> to vector<16xf32>
        %swap3A_550 = arith.index_cast %add3A_543 : i32 to index
        %swap3A_551 = arith.constant 0 : index
        %swap3A_552 = tpu.vector_load %arg8[%swap3A_550, %swap3A_551] {strides = array<i32>} : memref<128x64xf32, #tpu.memory_space<vmem>>, vector<1x16xf32>,
        %swap3A_553 = vector.shape_cast %swap3A_552 : vector<1x16xf32> to vector<16xf32>
        %swap3A_554 = vector.shape_cast %get3A_549 : vector<16xf32> to vector<1x16xf32>
        tpu.vector_store %arg8[%swap3A_550, %swap3A_551], %swap3A_554 {strides = array<i32>} : memref<128x64xf32, #tpu.memory_space<vmem>>, vector<1x16xf32>,
        %add3A_555 = arith.constant 0 : i32
        %add3A_556 = arith.addi %add3A_555, %add3A_543 : i32
        %get3A_557 = arith.index_cast %add3A_556 : i32 to index
        %get3A_558 = arith.constant 16 : index
        %get3A_559 = tpu.vector_load %arg6[%get3A_557, %get3A_558] {strides = array<i32>} : memref<256x128xf32, #tpu.memory_space<vmem>>, vector<1x16xf32>,
        %get3A_560 = vector.shape_cast %get3A_559 : vector<1x16xf32> to vector<16xf32>
        %swap3A_561 = arith.index_cast %add3A_543 : i32 to index
        %swap3A_562 = arith.constant 16 : index
        %swap3A_563 = tpu.vector_load %arg8[%swap3A_561, %swap3A_562] {strides = array<i32>} : memref<128x64xf32, #tpu.memory_space<vmem>>, vector<1x16xf32>,
        %swap3A_564 = vector.shape_cast %swap3A_563 : vector<1x16xf32> to vector<16xf32>
        %swap3A_565 = vector.shape_cast %get3A_560 : vector<16xf32> to vector<1x16xf32>
        tpu.vector_store %arg8[%swap3A_561, %swap3A_562], %swap3A_565 {strides = array<i32>} : memref<128x64xf32, #tpu.memory_space<vmem>>, vector<1x16xf32>,
        %add3A_566 = arith.constant 0 : i32
        %add3A_567 = arith.addi %add3A_566, %add3A_543 : i32
        %get3A_568 = arith.index_cast %add3A_567 : i32 to index
        %get3A_569 = arith.constant 32 : index
        %get3A_570 = tpu.vector_load %arg6[%get3A_568, %get3A_569] {strides = array<i32>} : memref<256x128xf32, #tpu.memory_space<vmem>>, vector<1x16xf32>,
        %get3A_571 = vector.shape_cast %get3A_570 : vector<1x16xf32> to vector<16xf32>
        %swap3A_572 = arith.index_cast %add3A_543 : i32 to index
        %swap3A_573 = arith.constant 32 : index
        %swap3A_574 = tpu.vector_load %arg8[%swap3A_572, %swap3A_573] {strides = array<i32>} : memref<128x64xf32, #tpu.memory_space<vmem>>, vector<1x16xf32>,
        %swap3A_575 = vector.shape_cast %swap3A_574 : vector<1x16xf32> to vector<16xf32>
        %swap3A_576 = vector.shape_cast %get3A_571 : vector<16xf32> to vector<1x16xf32>
        tpu.vector_store %arg8[%swap3A_572, %swap3A_573], %swap3A_576 {strides = array<i32>} : memref<128x64xf32, #tpu.memory_space<vmem>>, vector<1x16xf32>,
        %add3A_577 = arith.constant 0 : i32
        %add3A_578 = arith.addi %add3A_577, %add3A_543 : i32
        %get3A_579 = arith.index_cast %add3A_578 : i32 to index
        %get3A_580 = arith.constant 48 : index
        %get3A_581 = tpu.vector_load %arg6[%get3A_579, %get3A_580] {strides = array<i32>} : memref<256x128xf32, #tpu.memory_space<vmem>>, vector<1x16xf32>,
        %get3A_582 = vector.shape_cast %get3A_581 : vector<1x16xf32> to vector<16xf32>
        %swap3A_583 = arith.index_cast %add3A_543 : i32 to index
        %swap3A_584 = arith.constant 48 : index
        %swap3A_585 = tpu.vector_load %arg8[%swap3A_583, %swap3A_584] {strides = array<i32>} : memref<128x64xf32, #tpu.memory_space<vmem>>, vector<1x16xf32>,
        %swap3A_586 = vector.shape_cast %swap3A_585 : vector<1x16xf32> to vector<16xf32>
        %swap3A_587 = vector.shape_cast %get3A_582 : vector<16xf32> to vector<1x16xf32>
        tpu.vector_store %arg8[%swap3A_583, %swap3A_584], %swap3A_587 {strides = array<i32>} : memref<128x64xf32, #tpu.memory_space<vmem>>, vector<1x16xf32>,
        %add3A_588 = arith.constant 10 : i32
        %add3A_589 = arith.addi %mul3A_129, %add3A_588 : i32
        %add3A_590 = arith.constant 0 : i32
        %add3A_591 = arith.addi %add3A_590, %add3A_589 : i32
        %get3A_592 = arith.index_cast %add3A_591 : i32 to index
        %get3A_593 = arith.constant 0 : index
        %get3A_594 = tpu.vector_load %arg6[%get3A_592, %get3A_593] {strides = array<i32>} : memref<256x128xf32, #tpu.memory_space<vmem>>, vector<1x16xf32>,
        %get3A_595 = vector.shape_cast %get3A_594 : vector<1x16xf32> to vector<16xf32>
        %swap3A_596 = arith.index_cast %add3A_589 : i32 to index
        %swap3A_597 = arith.constant 0 : index
        %swap3A_598 = tpu.vector_load %arg8[%swap3A_596, %swap3A_597] {strides = array<i32>} : memref<128x64xf32, #tpu.memory_space<vmem>>, vector<1x16xf32>,
        %swap3A_599 = vector.shape_cast %swap3A_598 : vector<1x16xf32> to vector<16xf32>
        %swap3A_600 = vector.shape_cast %get3A_595 : vector<16xf32> to vector<1x16xf32>
        tpu.vector_store %arg8[%swap3A_596, %swap3A_597], %swap3A_600 {strides = array<i32>} : memref<128x64xf32, #tpu.memory_space<vmem>>, vector<1x16xf32>,
        %add3A_601 = arith.constant 0 : i32
        %add3A_602 = arith.addi %add3A_601, %add3A_589 : i32
        %get3A_603 = arith.index_cast %add3A_602 : i32 to index
        %get3A_604 = arith.constant 16 : index
        %get3A_605 = tpu.vector_load %arg6[%get3A_603, %get3A_604] {strides = array<i32>} : memref<256x128xf32, #tpu.memory_space<vmem>>, vector<1x16xf32>,
        %get3A_606 = vector.shape_cast %get3A_605 : vector<1x16xf32> to vector<16xf32>
        %swap3A_607 = arith.index_cast %add3A_589 : i32 to index
        %swap3A_608 = arith.constant 16 : index
        %swap3A_609 = tpu.vector_load %arg8[%swap3A_607, %swap3A_608] {strides = array<i32>} : memref<128x64xf32, #tpu.memory_space<vmem>>, vector<1x16xf32>,
        %swap3A_610 = vector.shape_cast %swap3A_609 : vector<1x16xf32> to vector<16xf32>
        %swap3A_611 = vector.shape_cast %get3A_606 : vector<16xf32> to vector<1x16xf32>
        tpu.vector_store %arg8[%swap3A_607, %swap3A_608], %swap3A_611 {strides = array<i32>} : memref<128x64xf32, #tpu.memory_space<vmem>>, vector<1x16xf32>,
        %add3A_612 = arith.constant 0 : i32
        %add3A_613 = arith.addi %add3A_612, %add3A_589 : i32
        %get3A_614 = arith.index_cast %add3A_613 : i32 to index
        %get3A_615 = arith.constant 32 : index
        %get3A_616 = tpu.vector_load %arg6[%get3A_614, %get3A_615] {strides = array<i32>} : memref<256x128xf32, #tpu.memory_space<vmem>>, vector<1x16xf32>,
        %get3A_617 = vector.shape_cast %get3A_616 : vector<1x16xf32> to vector<16xf32>
        %swap3A_618 = arith.index_cast %add3A_589 : i32 to index
        %swap3A_619 = arith.constant 32 : index
        %swap3A_620 = tpu.vector_load %arg8[%swap3A_618, %swap3A_619] {strides = array<i32>} : memref<128x64xf32, #tpu.memory_space<vmem>>, vector<1x16xf32>,
        %swap3A_621 = vector.shape_cast %swap3A_620 : vector<1x16xf32> to vector<16xf32>
        %swap3A_622 = vector.shape_cast %get3A_617 : vector<16xf32> to vector<1x16xf32>
        tpu.vector_store %arg8[%swap3A_618, %swap3A_619], %swap3A_622 {strides = array<i32>} : memref<128x64xf32, #tpu.memory_space<vmem>>, vector<1x16xf32>,
        %add3A_623 = arith.constant 0 : i32
        %add3A_624 = arith.addi %add3A_623, %add3A_589 : i32
        %get3A_625 = arith.index_cast %add3A_624 : i32 to index
        %get3A_626 = arith.constant 48 : index
        %get3A_627 = tpu.vector_load %arg6[%get3A_625, %get3A_626] {strides = array<i32>} : memref<256x128xf32, #tpu.memory_space<vmem>>, vector<1x16xf32>,
        %get3A_628 = vector.shape_cast %get3A_627 : vector<1x16xf32> to vector<16xf32>
        %swap3A_629 = arith.index_cast %add3A_589 : i32 to index
        %swap3A_630 = arith.constant 48 : index
        %swap3A_631 = tpu.vector_load %arg8[%swap3A_629, %swap3A_630] {strides = array<i32>} : memref<128x64xf32, #tpu.memory_space<vmem>>, vector<1x16xf32>,
        %swap3A_632 = vector.shape_cast %swap3A_631 : vector<1x16xf32> to vector<16xf32>
        %swap3A_633 = vector.shape_cast %get3A_628 : vector<16xf32> to vector<1x16xf32>
        tpu.vector_store %arg8[%swap3A_629, %swap3A_630], %swap3A_633 {strides = array<i32>} : memref<128x64xf32, #tpu.memory_space<vmem>>, vector<1x16xf32>,
        %add3A_634 = arith.constant 11 : i32
        %add3A_635 = arith.addi %mul3A_129, %add3A_634 : i32
        %add3A_636 = arith.constant 0 : i32
        %add3A_637 = arith.addi %add3A_636, %add3A_635 : i32
        %get3A_638 = arith.index_cast %add3A_637 : i32 to index
        %get3A_639 = arith.constant 0 : index
        %get3A_640 = tpu.vector_load %arg6[%get3A_638, %get3A_639] {strides = array<i32>} : memref<256x128xf32, #tpu.memory_space<vmem>>, vector<1x16xf32>,
        %get3A_641 = vector.shape_cast %get3A_640 : vector<1x16xf32> to vector<16xf32>
        %swap3A_642 = arith.index_cast %add3A_635 : i32 to index
        %swap3A_643 = arith.constant 0 : index
        %swap3A_644 = tpu.vector_load %arg8[%swap3A_642, %swap3A_643] {strides = array<i32>} : memref<128x64xf32, #tpu.memory_space<vmem>>, vector<1x16xf32>,
        %swap3A_645 = vector.shape_cast %swap3A_644 : vector<1x16xf32> to vector<16xf32>
        %swap3A_646 = vector.shape_cast %get3A_641 : vector<16xf32> to vector<1x16xf32>
        tpu.vector_store %arg8[%swap3A_642, %swap3A_643], %swap3A_646 {strides = array<i32>} : memref<128x64xf32, #tpu.memory_space<vmem>>, vector<1x16xf32>,
        %add3A_647 = arith.constant 0 : i32
        %add3A_648 = arith.addi %add3A_647, %add3A_635 : i32
        %get3A_649 = arith.index_cast %add3A_648 : i32 to index
        %get3A_650 = arith.constant 16 : index
        %get3A_651 = tpu.vector_load %arg6[%get3A_649, %get3A_650] {strides = array<i32>} : memref<256x128xf32, #tpu.memory_space<vmem>>, vector<1x16xf32>,
        %get3A_652 = vector.shape_cast %get3A_651 : vector<1x16xf32> to vector<16xf32>
        %swap3A_653 = arith.index_cast %add3A_635 : i32 to index
        %swap3A_654 = arith.constant 16 : index
        %swap3A_655 = tpu.vector_load %arg8[%swap3A_653, %swap3A_654] {strides = array<i32>} : memref<128x64xf32, #tpu.memory_space<vmem>>, vector<1x16xf32>,
        %swap3A_656 = vector.shape_cast %swap3A_655 : vector<1x16xf32> to vector<16xf32>
        %swap3A_657 = vector.shape_cast %get3A_652 : vector<16xf32> to vector<1x16xf32>
        tpu.vector_store %arg8[%swap3A_653, %swap3A_654], %swap3A_657 {strides = array<i32>} : memref<128x64xf32, #tpu.memory_space<vmem>>, vector<1x16xf32>,
        %add3A_658 = arith.constant 0 : i32
        %add3A_659 = arith.addi %add3A_658, %add3A_635 : i32
        %get3A_660 = arith.index_cast %add3A_659 : i32 to index
        %get3A_661 = arith.constant 32 : index
        %get3A_662 = tpu.vector_load %arg6[%get3A_660, %get3A_661] {strides = array<i32>} : memref<256x128xf32, #tpu.memory_space<vmem>>, vector<1x16xf32>,
        %get3A_663 = vector.shape_cast %get3A_662 : vector<1x16xf32> to vector<16xf32>
        %swap3A_664 = arith.index_cast %add3A_635 : i32 to index
        %swap3A_665 = arith.constant 32 : index
        %swap3A_666 = tpu.vector_load %arg8[%swap3A_664, %swap3A_665] {strides = array<i32>} : memref<128x64xf32, #tpu.memory_space<vmem>>, vector<1x16xf32>,
        %swap3A_667 = vector.shape_cast %swap3A_666 : vector<1x16xf32> to vector<16xf32>
        %swap3A_668 = vector.shape_cast %get3A_663 : vector<16xf32> to vector<1x16xf32>
        tpu.vector_store %arg8[%swap3A_664, %swap3A_665], %swap3A_668 {strides = array<i32>} : memref<128x64xf32, #tpu.memory_space<vmem>>, vector<1x16xf32>,
        %add3A_669 = arith.constant 0 : i32
        %add3A_670 = arith.addi %add3A_669, %add3A_635 : i32
        %get3A_671 = arith.index_cast %add3A_670 : i32 to index
        %get3A_672 = arith.constant 48 : index
        %get3A_673 = tpu.vector_load %arg6[%get3A_671, %get3A_672] {strides = array<i32>} : memref<256x128xf32, #tpu.memory_space<vmem>>, vector<1x16xf32>,
        %get3A_674 = vector.shape_cast %get3A_673 : vector<1x16xf32> to vector<16xf32>
        %swap3A_675 = arith.index_cast %add3A_635 : i32 to index
        %swap3A_676 = arith.constant 48 : index
        %swap3A_677 = tpu.vector_load %arg8[%swap3A_675, %swap3A_676] {strides = array<i32>} : memref<128x64xf32, #tpu.memory_space<vmem>>, vector<1x16xf32>,
        %swap3A_678 = vector.shape_cast %swap3A_677 : vector<1x16xf32> to vector<16xf32>
        %swap3A_679 = vector.shape_cast %get3A_674 : vector<16xf32> to vector<1x16xf32>
        tpu.vector_store %arg8[%swap3A_675, %swap3A_676], %swap3A_679 {strides = array<i32>} : memref<128x64xf32, #tpu.memory_space<vmem>>, vector<1x16xf32>,
        %add3A_680 = arith.constant 12 : i32
        %add3A_681 = arith.addi %mul3A_129, %add3A_680 : i32
        %add3A_682 = arith.constant 0 : i32
        %add3A_683 = arith.addi %add3A_682, %add3A_681 : i32
        %get3A_684 = arith.index_cast %add3A_683 : i32 to index
        %get3A_685 = arith.constant 0 : index
        %get3A_686 = tpu.vector_load %arg6[%get3A_684, %get3A_685] {strides = array<i32>} : memref<256x128xf32, #tpu.memory_space<vmem>>, vector<1x16xf32>,
        %get3A_687 = vector.shape_cast %get3A_686 : vector<1x16xf32> to vector<16xf32>
        %swap3A_688 = arith.index_cast %add3A_681 : i32 to index
        %swap3A_689 = arith.constant 0 : index
        %swap3A_690 = tpu.vector_load %arg8[%swap3A_688, %swap3A_689] {strides = array<i32>} : memref<128x64xf32, #tpu.memory_space<vmem>>, vector<1x16xf32>,
        %swap3A_691 = vector.shape_cast %swap3A_690 : vector<1x16xf32> to vector<16xf32>
        %swap3A_692 = vector.shape_cast %get3A_687 : vector<16xf32> to vector<1x16xf32>
        tpu.vector_store %arg8[%swap3A_688, %swap3A_689], %swap3A_692 {strides = array<i32>} : memref<128x64xf32, #tpu.memory_space<vmem>>, vector<1x16xf32>,
        %add3A_693 = arith.constant 0 : i32
        %add3A_694 = arith.addi %add3A_693, %add3A_681 : i32
        %get3A_695 = arith.index_cast %add3A_694 : i32 to index
        %get3A_696 = arith.constant 16 : index
        %get3A_697 = tpu.vector_load %arg6[%get3A_695, %get3A_696] {strides = array<i32>} : memref<256x128xf32, #tpu.memory_space<vmem>>, vector<1x16xf32>,
        %get3A_698 = vector.shape_cast %get3A_697 : vector<1x16xf32> to vector<16xf32>
        %swap3A_699 = arith.index_cast %add3A_681 : i32 to index
        %swap3A_700 = arith.constant 16 : index
        %swap3A_701 = tpu.vector_load %arg8[%swap3A_699, %swap3A_700] {strides = array<i32>} : memref<128x64xf32, #tpu.memory_space<vmem>>, vector<1x16xf32>,
        %swap3A_702 = vector.shape_cast %swap3A_701 : vector<1x16xf32> to vector<16xf32>
        %swap3A_703 = vector.shape_cast %get3A_698 : vector<16xf32> to vector<1x16xf32>
        tpu.vector_store %arg8[%swap3A_699, %swap3A_700], %swap3A_703 {strides = array<i32>} : memref<128x64xf32, #tpu.memory_space<vmem>>, vector<1x16xf32>,
        %add3A_704 = arith.constant 0 : i32
        %add3A_705 = arith.addi %add3A_704, %add3A_681 : i32
        %get3A_706 = arith.index_cast %add3A_705 : i32 to index
        %get3A_707 = arith.constant 32 : index
        %get3A_708 = tpu.vector_load %arg6[%get3A_706, %get3A_707] {strides = array<i32>} : memref<256x128xf32, #tpu.memory_space<vmem>>, vector<1x16xf32>,
        %get3A_709 = vector.shape_cast %get3A_708 : vector<1x16xf32> to vector<16xf32>
        %swap3A_710 = arith.index_cast %add3A_681 : i32 to index
        %swap3A_711 = arith.constant 32 : index
        %swap3A_712 = tpu.vector_load %arg8[%swap3A_710, %swap3A_711] {strides = array<i32>} : memref<128x64xf32, #tpu.memory_space<vmem>>, vector<1x16xf32>,
        %swap3A_713 = vector.shape_cast %swap3A_712 : vector<1x16xf32> to vector<16xf32>
        %swap3A_714 = vector.shape_cast %get3A_709 : vector<16xf32> to vector<1x16xf32>
        tpu.vector_store %arg8[%swap3A_710, %swap3A_711], %swap3A_714 {strides = array<i32>} : memref<128x64xf32, #tpu.memory_space<vmem>>, vector<1x16xf32>,
        %add3A_715 = arith.constant 0 : i32
        %add3A_716 = arith.addi %add3A_715, %add3A_681 : i32
        %get3A_717 = arith.index_cast %add3A_716 : i32 to index
        %get3A_718 = arith.constant 48 : index
        %get3A_719 = tpu.vector_load %arg6[%get3A_717, %get3A_718] {strides = array<i32>} : memref<256x128xf32, #tpu.memory_space<vmem>>, vector<1x16xf32>,
        %get3A_720 = vector.shape_cast %get3A_719 : vector<1x16xf32> to vector<16xf32>
        %swap3A_721 = arith.index_cast %add3A_681 : i32 to index
        %swap3A_722 = arith.constant 48 : index
        %swap3A_723 = tpu.vector_load %arg8[%swap3A_721, %swap3A_722] {strides = array<i32>} : memref<128x64xf32, #tpu.memory_space<vmem>>, vector<1x16xf32>,
        %swap3A_724 = vector.shape_cast %swap3A_723 : vector<1x16xf32> to vector<16xf32>
        %swap3A_725 = vector.shape_cast %get3A_720 : vector<16xf32> to vector<1x16xf32>
        tpu.vector_store %arg8[%swap3A_721, %swap3A_722], %swap3A_725 {strides = array<i32>} : memref<128x64xf32, #tpu.memory_space<vmem>>, vector<1x16xf32>,
        %add3A_726 = arith.constant 13 : i32
        %add3A_727 = arith.addi %mul3A_129, %add3A_726 : i32
        %add3A_728 = arith.constant 0 : i32
        %add3A_729 = arith.addi %add3A_728, %add3A_727 : i32
        %get3A_730 = arith.index_cast %add3A_729 : i32 to index
        %get3A_731 = arith.constant 0 : index
        %get3A_732 = tpu.vector_load %arg6[%get3A_730, %get3A_731] {strides = array<i32>} : memref<256x128xf32, #tpu.memory_space<vmem>>, vector<1x16xf32>,
        %get3A_733 = vector.shape_cast %get3A_732 : vector<1x16xf32> to vector<16xf32>
        %swap3A_734 = arith.index_cast %add3A_727 : i32 to index
        %swap3A_735 = arith.constant 0 : index
        %swap3A_736 = tpu.vector_load %arg8[%swap3A_734, %swap3A_735] {strides = array<i32>} : memref<128x64xf32, #tpu.memory_space<vmem>>, vector<1x16xf32>,
        %swap3A_737 = vector.shape_cast %swap3A_736 : vector<1x16xf32> to vector<16xf32>
        %swap3A_738 = vector.shape_cast %get3A_733 : vector<16xf32> to vector<1x16xf32>
        tpu.vector_store %arg8[%swap3A_734, %swap3A_735], %swap3A_738 {strides = array<i32>} : memref<128x64xf32, #tpu.memory_space<vmem>>, vector<1x16xf32>,
        %add3A_739 = arith.constant 0 : i32
        %add3A_740 = arith.addi %add3A_739, %add3A_727 : i32
        %get3A_741 = arith.index_cast %add3A_740 : i32 to index
        %get3A_742 = arith.constant 16 : index
        %get3A_743 = tpu.vector_load %arg6[%get3A_741, %get3A_742] {strides = array<i32>} : memref<256x128xf32, #tpu.memory_space<vmem>>, vector<1x16xf32>,
        %get3A_744 = vector.shape_cast %get3A_743 : vector<1x16xf32> to vector<16xf32>
        %swap3A_745 = arith.index_cast %add3A_727 : i32 to index
        %swap3A_746 = arith.constant 16 : index
        %swap3A_747 = tpu.vector_load %arg8[%swap3A_745, %swap3A_746] {strides = array<i32>} : memref<128x64xf32, #tpu.memory_space<vmem>>, vector<1x16xf32>,
        %swap3A_748 = vector.shape_cast %swap3A_747 : vector<1x16xf32> to vector<16xf32>
        %swap3A_749 = vector.shape_cast %get3A_744 : vector<16xf32> to vector<1x16xf32>
        tpu.vector_store %arg8[%swap3A_745, %swap3A_746], %swap3A_749 {strides = array<i32>} : memref<128x64xf32, #tpu.memory_space<vmem>>, vector<1x16xf32>,
        %add3A_750 = arith.constant 0 : i32
        %add3A_751 = arith.addi %add3A_750, %add3A_727 : i32
        %get3A_752 = arith.index_cast %add3A_751 : i32 to index
        %get3A_753 = arith.constant 32 : index
        %get3A_754 = tpu.vector_load %arg6[%get3A_752, %get3A_753] {strides = array<i32>} : memref<256x128xf32, #tpu.memory_space<vmem>>, vector<1x16xf32>,
        %get3A_755 = vector.shape_cast %get3A_754 : vector<1x16xf32> to vector<16xf32>
        %swap3A_756 = arith.index_cast %add3A_727 : i32 to index
        %swap3A_757 = arith.constant 32 : index
        %swap3A_758 = tpu.vector_load %arg8[%swap3A_756, %swap3A_757] {strides = array<i32>} : memref<128x64xf32, #tpu.memory_space<vmem>>, vector<1x16xf32>,
        %swap3A_759 = vector.shape_cast %swap3A_758 : vector<1x16xf32> to vector<16xf32>
        %swap3A_760 = vector.shape_cast %get3A_755 : vector<16xf32> to vector<1x16xf32>
        tpu.vector_store %arg8[%swap3A_756, %swap3A_757], %swap3A_760 {strides = array<i32>} : memref<128x64xf32, #tpu.memory_space<vmem>>, vector<1x16xf32>,
        %add3A_761 = arith.constant 0 : i32
        %add3A_762 = arith.addi %add3A_761, %add3A_727 : i32
        %get3A_763 = arith.index_cast %add3A_762 : i32 to index
        %get3A_764 = arith.constant 48 : index
        %get3A_765 = tpu.vector_load %arg6[%get3A_763, %get3A_764] {strides = array<i32>} : memref<256x128xf32, #tpu.memory_space<vmem>>, vector<1x16xf32>,
        %get3A_766 = vector.shape_cast %get3A_765 : vector<1x16xf32> to vector<16xf32>
        %swap3A_767 = arith.index_cast %add3A_727 : i32 to index
        %swap3A_768 = arith.constant 48 : index
        %swap3A_769 = tpu.vector_load %arg8[%swap3A_767, %swap3A_768] {strides = array<i32>} : memref<128x64xf32, #tpu.memory_space<vmem>>, vector<1x16xf32>,
        %swap3A_770 = vector.shape_cast %swap3A_769 : vector<1x16xf32> to vector<16xf32>
        %swap3A_771 = vector.shape_cast %get3A_766 : vector<16xf32> to vector<1x16xf32>
        tpu.vector_store %arg8[%swap3A_767, %swap3A_768], %swap3A_771 {strides = array<i32>} : memref<128x64xf32, #tpu.memory_space<vmem>>, vector<1x16xf32>,
        %add3A_772 = arith.constant 14 : i32
        %add3A_773 = arith.addi %mul3A_129, %add3A_772 : i32
        %add3A_774 = arith.constant 0 : i32
        %add3A_775 = arith.addi %add3A_774, %add3A_773 : i32
        %get3A_776 = arith.index_cast %add3A_775 : i32 to index
        %get3A_777 = arith.constant 0 : index
        %get3A_778 = tpu.vector_load %arg6[%get3A_776, %get3A_777] {strides = array<i32>} : memref<256x128xf32, #tpu.memory_space<vmem>>, vector<1x16xf32>,
        %get3A_779 = vector.shape_cast %get3A_778 : vector<1x16xf32> to vector<16xf32>
        %swap3A_780 = arith.index_cast %add3A_773 : i32 to index
        %swap3A_781 = arith.constant 0 : index
        %swap3A_782 = tpu.vector_load %arg8[%swap3A_780, %swap3A_781] {strides = array<i32>} : memref<128x64xf32, #tpu.memory_space<vmem>>, vector<1x16xf32>,
        %swap3A_783 = vector.shape_cast %swap3A_782 : vector<1x16xf32> to vector<16xf32>
        %swap3A_784 = vector.shape_cast %get3A_779 : vector<16xf32> to vector<1x16xf32>
        tpu.vector_store %arg8[%swap3A_780, %swap3A_781], %swap3A_784 {strides = array<i32>} : memref<128x64xf32, #tpu.memory_space<vmem>>, vector<1x16xf32>,
        %add3A_785 = arith.constant 0 : i32
        %add3A_786 = arith.addi %add3A_785, %add3A_773 : i32
        %get3A_787 = arith.index_cast %add3A_786 : i32 to index
        %get3A_788 = arith.constant 16 : index
        %get3A_789 = tpu.vector_load %arg6[%get3A_787, %get3A_788] {strides = array<i32>} : memref<256x128xf32, #tpu.memory_space<vmem>>, vector<1x16xf32>,
        %get3A_790 = vector.shape_cast %get3A_789 : vector<1x16xf32> to vector<16xf32>
        %swap3A_791 = arith.index_cast %add3A_773 : i32 to index
        %swap3A_792 = arith.constant 16 : index
        %swap3A_793 = tpu.vector_load %arg8[%swap3A_791, %swap3A_792] {strides = array<i32>} : memref<128x64xf32, #tpu.memory_space<vmem>>, vector<1x16xf32>,
        %swap3A_794 = vector.shape_cast %swap3A_793 : vector<1x16xf32> to vector<16xf32>
        %swap3A_795 = vector.shape_cast %get3A_790 : vector<16xf32> to vector<1x16xf32>
        tpu.vector_store %arg8[%swap3A_791, %swap3A_792], %swap3A_795 {strides = array<i32>} : memref<128x64xf32, #tpu.memory_space<vmem>>, vector<1x16xf32>,
        %add3A_796 = arith.constant 0 : i32
        %add3A_797 = arith.addi %add3A_796, %add3A_773 : i32
        %get3A_798 = arith.index_cast %add3A_797 : i32 to index
        %get3A_799 = arith.constant 32 : index
        %get3A_800 = tpu.vector_load %arg6[%get3A_798, %get3A_799] {strides = array<i32>} : memref<256x128xf32, #tpu.memory_space<vmem>>, vector<1x16xf32>,
        %get3A_801 = vector.shape_cast %get3A_800 : vector<1x16xf32> to vector<16xf32>
        %swap3A_802 = arith.index_cast %add3A_773 : i32 to index
        %swap3A_803 = arith.constant 32 : index
        %swap3A_804 = tpu.vector_load %arg8[%swap3A_802, %swap3A_803] {strides = array<i32>} : memref<128x64xf32, #tpu.memory_space<vmem>>, vector<1x16xf32>,
        %swap3A_805 = vector.shape_cast %swap3A_804 : vector<1x16xf32> to vector<16xf32>
        %swap3A_806 = vector.shape_cast %get3A_801 : vector<16xf32> to vector<1x16xf32>
        tpu.vector_store %arg8[%swap3A_802, %swap3A_803], %swap3A_806 {strides = array<i32>} : memref<128x64xf32, #tpu.memory_space<vmem>>, vector<1x16xf32>,
        %add3A_807 = arith.constant 0 : i32
        %add3A_808 = arith.addi %add3A_807, %add3A_773 : i32
        %get3A_809 = arith.index_cast %add3A_808 : i32 to index
        %get3A_810 = arith.constant 48 : index
        %get3A_811 = tpu.vector_load %arg6[%get3A_809, %get3A_810] {strides = array<i32>} : memref<256x128xf32, #tpu.memory_space<vmem>>, vector<1x16xf32>,
        %get3A_812 = vector.shape_cast %get3A_811 : vector<1x16xf32> to vector<16xf32>
        %swap3A_813 = arith.index_cast %add3A_773 : i32 to index
        %swap3A_814 = arith.constant 48 : index
        %swap3A_815 = tpu.vector_load %arg8[%swap3A_813, %swap3A_814] {strides = array<i32>} : memref<128x64xf32, #tpu.memory_space<vmem>>, vector<1x16xf32>,
        %swap3A_816 = vector.shape_cast %swap3A_815 : vector<1x16xf32> to vector<16xf32>
        %swap3A_817 = vector.shape_cast %get3A_812 : vector<16xf32> to vector<1x16xf32>
        tpu.vector_store %arg8[%swap3A_813, %swap3A_814], %swap3A_817 {strides = array<i32>} : memref<128x64xf32, #tpu.memory_space<vmem>>, vector<1x16xf32>,
        %add3A_818 = arith.constant 15 : i32
        %add3A_819 = arith.addi %mul3A_129, %add3A_818 : i32
        %add3A_820 = arith.constant 0 : i32
        %add3A_821 = arith.addi %add3A_820, %add3A_819 : i32
        %get3A_822 = arith.index_cast %add3A_821 : i32 to index
        %get3A_823 = arith.constant 0 : index
        %get3A_824 = tpu.vector_load %arg6[%get3A_822, %get3A_823] {strides = array<i32>} : memref<256x128xf32, #tpu.memory_space<vmem>>, vector<1x16xf32>,
        %get3A_825 = vector.shape_cast %get3A_824 : vector<1x16xf32> to vector<16xf32>
        %swap3A_826 = arith.index_cast %add3A_819 : i32 to index
        %swap3A_827 = arith.constant 0 : index
        %swap3A_828 = tpu.vector_load %arg8[%swap3A_826, %swap3A_827] {strides = array<i32>} : memref<128x64xf32, #tpu.memory_space<vmem>>, vector<1x16xf32>,
        %swap3A_829 = vector.shape_cast %swap3A_828 : vector<1x16xf32> to vector<16xf32>
        %swap3A_830 = vector.shape_cast %get3A_825 : vector<16xf32> to vector<1x16xf32>
        tpu.vector_store %arg8[%swap3A_826, %swap3A_827], %swap3A_830 {strides = array<i32>} : memref<128x64xf32, #tpu.memory_space<vmem>>, vector<1x16xf32>,
        %add3A_831 = arith.constant 0 : i32
        %add3A_832 = arith.addi %add3A_831, %add3A_819 : i32
        %get3A_833 = arith.index_cast %add3A_832 : i32 to index
        %get3A_834 = arith.constant 16 : index
        %get3A_835 = tpu.vector_load %arg6[%get3A_833, %get3A_834] {strides = array<i32>} : memref<256x128xf32, #tpu.memory_space<vmem>>, vector<1x16xf32>,
        %get3A_836 = vector.shape_cast %get3A_835 : vector<1x16xf32> to vector<16xf32>
        %swap3A_837 = arith.index_cast %add3A_819 : i32 to index
        %swap3A_838 = arith.constant 16 : index
        %swap3A_839 = tpu.vector_load %arg8[%swap3A_837, %swap3A_838] {strides = array<i32>} : memref<128x64xf32, #tpu.memory_space<vmem>>, vector<1x16xf32>,
        %swap3A_840 = vector.shape_cast %swap3A_839 : vector<1x16xf32> to vector<16xf32>
        %swap3A_841 = vector.shape_cast %get3A_836 : vector<16xf32> to vector<1x16xf32>
        tpu.vector_store %arg8[%swap3A_837, %swap3A_838], %swap3A_841 {strides = array<i32>} : memref<128x64xf32, #tpu.memory_space<vmem>>, vector<1x16xf32>,
        %add3A_842 = arith.constant 0 : i32
        %add3A_843 = arith.addi %add3A_842, %add3A_819 : i32
        %get3A_844 = arith.index_cast %add3A_843 : i32 to index
        %get3A_845 = arith.constant 32 : index
        %get3A_846 = tpu.vector_load %arg6[%get3A_844, %get3A_845] {strides = array<i32>} : memref<256x128xf32, #tpu.memory_space<vmem>>, vector<1x16xf32>,
        %get3A_847 = vector.shape_cast %get3A_846 : vector<1x16xf32> to vector<16xf32>
        %swap3A_848 = arith.index_cast %add3A_819 : i32 to index
        %swap3A_849 = arith.constant 32 : index
        %swap3A_850 = tpu.vector_load %arg8[%swap3A_848, %swap3A_849] {strides = array<i32>} : memref<128x64xf32, #tpu.memory_space<vmem>>, vector<1x16xf32>,
        %swap3A_851 = vector.shape_cast %swap3A_850 : vector<1x16xf32> to vector<16xf32>
        %swap3A_852 = vector.shape_cast %get3A_847 : vector<16xf32> to vector<1x16xf32>
        tpu.vector_store %arg8[%swap3A_848, %swap3A_849], %swap3A_852 {strides = array<i32>} : memref<128x64xf32, #tpu.memory_space<vmem>>, vector<1x16xf32>,
        %add3A_853 = arith.constant 0 : i32
        %add3A_854 = arith.addi %add3A_853, %add3A_819 : i32
        %get3A_855 = arith.index_cast %add3A_854 : i32 to index
        %get3A_856 = arith.constant 48 : index
        %get3A_857 = tpu.vector_load %arg6[%get3A_855, %get3A_856] {strides = array<i32>} : memref<256x128xf32, #tpu.memory_space<vmem>>, vector<1x16xf32>,
        %get3A_858 = vector.shape_cast %get3A_857 : vector<1x16xf32> to vector<16xf32>
        %swap3A_859 = arith.index_cast %add3A_819 : i32 to index
        %swap3A_860 = arith.constant 48 : index
        %swap3A_861 = tpu.vector_load %arg8[%swap3A_859, %swap3A_860] {strides = array<i32>} : memref<128x64xf32, #tpu.memory_space<vmem>>, vector<1x16xf32>,
        %swap3A_862 = vector.shape_cast %swap3A_861 : vector<1x16xf32> to vector<16xf32>
        %swap3A_863 = vector.shape_cast %get3A_858 : vector<16xf32> to vector<1x16xf32>
        tpu.vector_store %arg8[%swap3A_859, %swap3A_860], %swap3A_863 {strides = array<i32>} : memref<128x64xf32, #tpu.memory_space<vmem>>, vector<1x16xf32>,
      }
      %scan3A_41 = arith.constant 8 : i32
      %mul3A_42 = arith.constant 256 : i32
      %mul3A_43 = arith.muli %add3A_28, %mul3A_42 : i32
      %add3A_44 = arith.addi %mul3A_2, %mul3A_43 : i32
      %add3A_45 = arith.constant 0 : i32
      %add3A_46 = arith.addi %add3A_44, %add3A_45 : i32
      %dma_start3A_47 = arith.constant 0 : i32
      %dma_start3A_48 = tpu.memref_slice %arg4[%add3A_46, %dma_start3A_47] : memref<819200x64xf32, #tpu.memory_space<hbm>> -> memref<128x64xf32, #tpu.memory_space<hbm>>
      %dma_start3A_49 = arith.constant 0 : i32
      %dma_start3A_50 = tpu.memref_slice %arg4[%add3A_46, %dma_start3A_49] : memref<819200x64xf32, #tpu.memory_space<hbm>> -> memref<128x64xf32, #tpu.memory_space<hbm>>
      tpu.enqueue_dma source(%arg8 : memref<128x64xf32, #tpu.memory_space<vmem>>) target(%dma_start3A_50 : memref<128x64xf32, #tpu.memory_space<hbm>>) target_semaphore(%arg12 : memref<!tpu.dma_semaphore, #tpu.memory_space<semaphore_mem>>)
      %gt3A_51 = arith.constant 0 : i32
      %gt3A_52 = arith.cmpi sgt, %scan3A_24, %gt3A_51 : i32
      %convert_element_type3A_53 = arith.extui %gt3A_52 : i1 to i32
      %cond3A_54 = arith.constant 0 : i32
      %cond3A_55 = arith.cmpi ne, %convert_element_type3A_53, %cond3A_54 : i32
      scf.if %cond3A_55 {
        %dma_wait3A_127 = arith.constant 0 : i32
        %dma_wait3A_128 = tpu.memref_slice %arg4[%mul3A_2, %dma_wait3A_127] : memref<819200x64xf32, #tpu.memory_space<hbm>> -> memref<128x64xf32, #tpu.memory_space<hbm>>
        %dma_wait3A_129 = arith.constant 0 : i32
        %dma_wait3A_130 = tpu.memref_slice %arg4[%mul3A_2, %dma_wait3A_129] : memref<819200x64xf32, #tpu.memory_space<hbm>> -> memref<128x64xf32, #tpu.memory_space<hbm>>
        tpu.wait_dma2 semaphore(%arg13 : memref<!tpu.dma_semaphore, #tpu.memory_space<semaphore_mem>>) src(%arg9 : memref<128x64xf32, #tpu.memory_space<vmem>>) dst(%dma_wait3A_130 : memref<128x64xf32, #tpu.memory_space<hbm>>)
      } else {
      }
      %scan3A_56 = arith.constant 0 : i32
      %scan3A_57 = arith.constant 0 : i32
      %scan3A_58 = arith.constant 8 : i32
      %scan3A_59 = arith.addi %scan3A_57, %scan3A_58 : i32
      %scan3A_60 = arith.constant 1 : i32
      scf.for %scan3A_127 = %scan3A_57 to %scan3A_59 step %scan3A_60  : i32 {
        %mul3A_128 = arith.constant 16 : i32
        %mul3A_129 = arith.muli %scan3A_127, %mul3A_128 : i32
        %add3A_130 = arith.constant 0 : i32
        %add3A_131 = arith.addi %mul3A_129, %add3A_130 : i32
        %add3A_132 = arith.constant 128 : i32
        %add3A_133 = arith.addi %add3A_132, %add3A_131 : i32
        %get3A = arith.index_cast %add3A_133 : i32 to index
        %get3A_134 = arith.constant 0 : index
        %get3A_135 = tpu.vector_load %arg6[%get3A, %get3A_134] {strides = array<i32>} : memref<256x128xf32, #tpu.memory_space<vmem>>, vector<1x16xf32>,
        %get3A_136 = vector.shape_cast %get3A_135 : vector<1x16xf32> to vector<16xf32>
        %swap3A = arith.index_cast %add3A_131 : i32 to index
        %swap3A_137 = arith.constant 0 : index
        %swap3A_138 = tpu.vector_load %arg9[%swap3A, %swap3A_137] {strides = array<i32>} : memref<128x64xf32, #tpu.memory_space<vmem>>, vector<1x16xf32>,
        %swap3A_139 = vector.shape_cast %swap3A_138 : vector<1x16xf32> to vector<16xf32>
        %swap3A_140 = vector.shape_cast %get3A_136 : vector<16xf32> to vector<1x16xf32>
        tpu.vector_store %arg9[%swap3A, %swap3A_137], %swap3A_140 {strides = array<i32>} : memref<128x64xf32, #tpu.memory_space<vmem>>, vector<1x16xf32>,
        %add3A_141 = arith.constant 128 : i32
        %add3A_142 = arith.addi %add3A_141, %add3A_131 : i32
        %get3A_143 = arith.index_cast %add3A_142 : i32 to index
        %get3A_144 = arith.constant 16 : index
        %get3A_145 = tpu.vector_load %arg6[%get3A_143, %get3A_144] {strides = array<i32>} : memref<256x128xf32, #tpu.memory_space<vmem>>, vector<1x16xf32>,
        %get3A_146 = vector.shape_cast %get3A_145 : vector<1x16xf32> to vector<16xf32>
        %swap3A_147 = arith.index_cast %add3A_131 : i32 to index
        %swap3A_148 = arith.constant 16 : index
        %swap3A_149 = tpu.vector_load %arg9[%swap3A_147, %swap3A_148] {strides = array<i32>} : memref<128x64xf32, #tpu.memory_space<vmem>>, vector<1x16xf32>,
        %swap3A_150 = vector.shape_cast %swap3A_149 : vector<1x16xf32> to vector<16xf32>
        %swap3A_151 = vector.shape_cast %get3A_146 : vector<16xf32> to vector<1x16xf32>
        tpu.vector_store %arg9[%swap3A_147, %swap3A_148], %swap3A_151 {strides = array<i32>} : memref<128x64xf32, #tpu.memory_space<vmem>>, vector<1x16xf32>,
        %add3A_152 = arith.constant 128 : i32
        %add3A_153 = arith.addi %add3A_152, %add3A_131 : i32
        %get3A_154 = arith.index_cast %add3A_153 : i32 to index
        %get3A_155 = arith.constant 32 : index
        %get3A_156 = tpu.vector_load %arg6[%get3A_154, %get3A_155] {strides = array<i32>} : memref<256x128xf32, #tpu.memory_space<vmem>>, vector<1x16xf32>,
        %get3A_157 = vector.shape_cast %get3A_156 : vector<1x16xf32> to vector<16xf32>
        %swap3A_158 = arith.index_cast %add3A_131 : i32 to index
        %swap3A_159 = arith.constant 32 : index
        %swap3A_160 = tpu.vector_load %arg9[%swap3A_158, %swap3A_159] {strides = array<i32>} : memref<128x64xf32, #tpu.memory_space<vmem>>, vector<1x16xf32>,
        %swap3A_161 = vector.shape_cast %swap3A_160 : vector<1x16xf32> to vector<16xf32>
        %swap3A_162 = vector.shape_cast %get3A_157 : vector<16xf32> to vector<1x16xf32>
        tpu.vector_store %arg9[%swap3A_158, %swap3A_159], %swap3A_162 {strides = array<i32>} : memref<128x64xf32, #tpu.memory_space<vmem>>, vector<1x16xf32>,
        %add3A_163 = arith.constant 128 : i32
        %add3A_164 = arith.addi %add3A_163, %add3A_131 : i32
        %get3A_165 = arith.index_cast %add3A_164 : i32 to index
        %get3A_166 = arith.constant 48 : index
        %get3A_167 = tpu.vector_load %arg6[%get3A_165, %get3A_166] {strides = array<i32>} : memref<256x128xf32, #tpu.memory_space<vmem>>, vector<1x16xf32>,
        %get3A_168 = vector.shape_cast %get3A_167 : vector<1x16xf32> to vector<16xf32>
        %swap3A_169 = arith.index_cast %add3A_131 : i32 to index
        %swap3A_170 = arith.constant 48 : index
        %swap3A_171 = tpu.vector_load %arg9[%swap3A_169, %swap3A_170] {strides = array<i32>} : memref<128x64xf32, #tpu.memory_space<vmem>>, vector<1x16xf32>,
        %swap3A_172 = vector.shape_cast %swap3A_171 : vector<1x16xf32> to vector<16xf32>
        %swap3A_173 = vector.shape_cast %get3A_168 : vector<16xf32> to vector<1x16xf32>
        tpu.vector_store %arg9[%swap3A_169, %swap3A_170], %swap3A_173 {strides = array<i32>} : memref<128x64xf32, #tpu.memory_space<vmem>>, vector<1x16xf32>,
        %add3A_174 = arith.constant 1 : i32
        %add3A_175 = arith.addi %mul3A_129, %add3A_174 : i32
        %add3A_176 = arith.constant 128 : i32
        %add3A_177 = arith.addi %add3A_176, %add3A_175 : i32
        %get3A_178 = arith.index_cast %add3A_177 : i32 to index
        %get3A_179 = arith.constant 0 : index
        %get3A_180 = tpu.vector_load %arg6[%get3A_178, %get3A_179] {strides = array<i32>} : memref<256x128xf32, #tpu.memory_space<vmem>>, vector<1x16xf32>,
        %get3A_181 = vector.shape_cast %get3A_180 : vector<1x16xf32> to vector<16xf32>
        %swap3A_182 = arith.index_cast %add3A_175 : i32 to index
        %swap3A_183 = arith.constant 0 : index
        %swap3A_184 = tpu.vector_load %arg9[%swap3A_182, %swap3A_183] {strides = array<i32>} : memref<128x64xf32, #tpu.memory_space<vmem>>, vector<1x16xf32>,
        %swap3A_185 = vector.shape_cast %swap3A_184 : vector<1x16xf32> to vector<16xf32>
        %swap3A_186 = vector.shape_cast %get3A_181 : vector<16xf32> to vector<1x16xf32>
        tpu.vector_store %arg9[%swap3A_182, %swap3A_183], %swap3A_186 {strides = array<i32>} : memref<128x64xf32, #tpu.memory_space<vmem>>, vector<1x16xf32>,
        %add3A_187 = arith.constant 128 : i32
        %add3A_188 = arith.addi %add3A_187, %add3A_175 : i32
        %get3A_189 = arith.index_cast %add3A_188 : i32 to index
        %get3A_190 = arith.constant 16 : index
        %get3A_191 = tpu.vector_load %arg6[%get3A_189, %get3A_190] {strides = array<i32>} : memref<256x128xf32, #tpu.memory_space<vmem>>, vector<1x16xf32>,
        %get3A_192 = vector.shape_cast %get3A_191 : vector<1x16xf32> to vector<16xf32>
        %swap3A_193 = arith.index_cast %add3A_175 : i32 to index
        %swap3A_194 = arith.constant 16 : index
        %swap3A_195 = tpu.vector_load %arg9[%swap3A_193, %swap3A_194] {strides = array<i32>} : memref<128x64xf32, #tpu.memory_space<vmem>>, vector<1x16xf32>,
        %swap3A_196 = vector.shape_cast %swap3A_195 : vector<1x16xf32> to vector<16xf32>
        %swap3A_197 = vector.shape_cast %get3A_192 : vector<16xf32> to vector<1x16xf32>
        tpu.vector_store %arg9[%swap3A_193, %swap3A_194], %swap3A_197 {strides = array<i32>} : memref<128x64xf32, #tpu.memory_space<vmem>>, vector<1x16xf32>,
        %add3A_198 = arith.constant 128 : i32
        %add3A_199 = arith.addi %add3A_198, %add3A_175 : i32
        %get3A_200 = arith.index_cast %add3A_199 : i32 to index
        %get3A_201 = arith.constant 32 : index
        %get3A_202 = tpu.vector_load %arg6[%get3A_200, %get3A_201] {strides = array<i32>} : memref<256x128xf32, #tpu.memory_space<vmem>>, vector<1x16xf32>,
        %get3A_203 = vector.shape_cast %get3A_202 : vector<1x16xf32> to vector<16xf32>
        %swap3A_204 = arith.index_cast %add3A_175 : i32 to index
        %swap3A_205 = arith.constant 32 : index
        %swap3A_206 = tpu.vector_load %arg9[%swap3A_204, %swap3A_205] {strides = array<i32>} : memref<128x64xf32, #tpu.memory_space<vmem>>, vector<1x16xf32>,
        %swap3A_207 = vector.shape_cast %swap3A_206 : vector<1x16xf32> to vector<16xf32>
        %swap3A_208 = vector.shape_cast %get3A_203 : vector<16xf32> to vector<1x16xf32>
        tpu.vector_store %arg9[%swap3A_204, %swap3A_205], %swap3A_208 {strides = array<i32>} : memref<128x64xf32, #tpu.memory_space<vmem>>, vector<1x16xf32>,
        %add3A_209 = arith.constant 128 : i32
        %add3A_210 = arith.addi %add3A_209, %add3A_175 : i32
        %get3A_211 = arith.index_cast %add3A_210 : i32 to index
        %get3A_212 = arith.constant 48 : index
        %get3A_213 = tpu.vector_load %arg6[%get3A_211, %get3A_212] {strides = array<i32>} : memref<256x128xf32, #tpu.memory_space<vmem>>, vector<1x16xf32>,
        %get3A_214 = vector.shape_cast %get3A_213 : vector<1x16xf32> to vector<16xf32>
        %swap3A_215 = arith.index_cast %add3A_175 : i32 to index
        %swap3A_216 = arith.constant 48 : index
        %swap3A_217 = tpu.vector_load %arg9[%swap3A_215, %swap3A_216] {strides = array<i32>} : memref<128x64xf32, #tpu.memory_space<vmem>>, vector<1x16xf32>,
        %swap3A_218 = vector.shape_cast %swap3A_217 : vector<1x16xf32> to vector<16xf32>
        %swap3A_219 = vector.shape_cast %get3A_214 : vector<16xf32> to vector<1x16xf32>
        tpu.vector_store %arg9[%swap3A_215, %swap3A_216], %swap3A_219 {strides = array<i32>} : memref<128x64xf32, #tpu.memory_space<vmem>>, vector<1x16xf32>,
        %add3A_220 = arith.constant 2 : i32
        %add3A_221 = arith.addi %mul3A_129, %add3A_220 : i32
        %add3A_222 = arith.constant 128 : i32
        %add3A_223 = arith.addi %add3A_222, %add3A_221 : i32
        %get3A_224 = arith.index_cast %add3A_223 : i32 to index
        %get3A_225 = arith.constant 0 : index
        %get3A_226 = tpu.vector_load %arg6[%get3A_224, %get3A_225] {strides = array<i32>} : memref<256x128xf32, #tpu.memory_space<vmem>>, vector<1x16xf32>,
        %get3A_227 = vector.shape_cast %get3A_226 : vector<1x16xf32> to vector<16xf32>
        %swap3A_228 = arith.index_cast %add3A_221 : i32 to index
        %swap3A_229 = arith.constant 0 : index
        %swap3A_230 = tpu.vector_load %arg9[%swap3A_228, %swap3A_229] {strides = array<i32>} : memref<128x64xf32, #tpu.memory_space<vmem>>, vector<1x16xf32>,
        %swap3A_231 = vector.shape_cast %swap3A_230 : vector<1x16xf32> to vector<16xf32>
        %swap3A_232 = vector.shape_cast %get3A_227 : vector<16xf32> to vector<1x16xf32>
        tpu.vector_store %arg9[%swap3A_228, %swap3A_229], %swap3A_232 {strides = array<i32>} : memref<128x64xf32, #tpu.memory_space<vmem>>, vector<1x16xf32>,
        %add3A_233 = arith.constant 128 : i32
        %add3A_234 = arith.addi %add3A_233, %add3A_221 : i32
        %get3A_235 = arith.index_cast %add3A_234 : i32 to index
        %get3A_236 = arith.constant 16 : index
        %get3A_237 = tpu.vector_load %arg6[%get3A_235, %get3A_236] {strides = array<i32>} : memref<256x128xf32, #tpu.memory_space<vmem>>, vector<1x16xf32>,
        %get3A_238 = vector.shape_cast %get3A_237 : vector<1x16xf32> to vector<16xf32>
        %swap3A_239 = arith.index_cast %add3A_221 : i32 to index
        %swap3A_240 = arith.constant 16 : index
        %swap3A_241 = tpu.vector_load %arg9[%swap3A_239, %swap3A_240] {strides = array<i32>} : memref<128x64xf32, #tpu.memory_space<vmem>>, vector<1x16xf32>,
        %swap3A_242 = vector.shape_cast %swap3A_241 : vector<1x16xf32> to vector<16xf32>
        %swap3A_243 = vector.shape_cast %get3A_238 : vector<16xf32> to vector<1x16xf32>
        tpu.vector_store %arg9[%swap3A_239, %swap3A_240], %swap3A_243 {strides = array<i32>} : memref<128x64xf32, #tpu.memory_space<vmem>>, vector<1x16xf32>,
        %add3A_244 = arith.constant 128 : i32
        %add3A_245 = arith.addi %add3A_244, %add3A_221 : i32
        %get3A_246 = arith.index_cast %add3A_245 : i32 to index
        %get3A_247 = arith.constant 32 : index
        %get3A_248 = tpu.vector_load %arg6[%get3A_246, %get3A_247] {strides = array<i32>} : memref<256x128xf32, #tpu.memory_space<vmem>>, vector<1x16xf32>,
        %get3A_249 = vector.shape_cast %get3A_248 : vector<1x16xf32> to vector<16xf32>
        %swap3A_250 = arith.index_cast %add3A_221 : i32 to index
        %swap3A_251 = arith.constant 32 : index
        %swap3A_252 = tpu.vector_load %arg9[%swap3A_250, %swap3A_251] {strides = array<i32>} : memref<128x64xf32, #tpu.memory_space<vmem>>, vector<1x16xf32>,
        %swap3A_253 = vector.shape_cast %swap3A_252 : vector<1x16xf32> to vector<16xf32>
        %swap3A_254 = vector.shape_cast %get3A_249 : vector<16xf32> to vector<1x16xf32>
        tpu.vector_store %arg9[%swap3A_250, %swap3A_251], %swap3A_254 {strides = array<i32>} : memref<128x64xf32, #tpu.memory_space<vmem>>, vector<1x16xf32>,
        %add3A_255 = arith.constant 128 : i32
        %add3A_256 = arith.addi %add3A_255, %add3A_221 : i32
        %get3A_257 = arith.index_cast %add3A_256 : i32 to index
        %get3A_258 = arith.constant 48 : index
        %get3A_259 = tpu.vector_load %arg6[%get3A_257, %get3A_258] {strides = array<i32>} : memref<256x128xf32, #tpu.memory_space<vmem>>, vector<1x16xf32>,
        %get3A_260 = vector.shape_cast %get3A_259 : vector<1x16xf32> to vector<16xf32>
        %swap3A_261 = arith.index_cast %add3A_221 : i32 to index
        %swap3A_262 = arith.constant 48 : index
        %swap3A_263 = tpu.vector_load %arg9[%swap3A_261, %swap3A_262] {strides = array<i32>} : memref<128x64xf32, #tpu.memory_space<vmem>>, vector<1x16xf32>,
        %swap3A_264 = vector.shape_cast %swap3A_263 : vector<1x16xf32> to vector<16xf32>
        %swap3A_265 = vector.shape_cast %get3A_260 : vector<16xf32> to vector<1x16xf32>
        tpu.vector_store %arg9[%swap3A_261, %swap3A_262], %swap3A_265 {strides = array<i32>} : memref<128x64xf32, #tpu.memory_space<vmem>>, vector<1x16xf32>,
        %add3A_266 = arith.constant 3 : i32
        %add3A_267 = arith.addi %mul3A_129, %add3A_266 : i32
        %add3A_268 = arith.constant 128 : i32
        %add3A_269 = arith.addi %add3A_268, %add3A_267 : i32
        %get3A_270 = arith.index_cast %add3A_269 : i32 to index
        %get3A_271 = arith.constant 0 : index
        %get3A_272 = tpu.vector_load %arg6[%get3A_270, %get3A_271] {strides = array<i32>} : memref<256x128xf32, #tpu.memory_space<vmem>>, vector<1x16xf32>,
        %get3A_273 = vector.shape_cast %get3A_272 : vector<1x16xf32> to vector<16xf32>
        %swap3A_274 = arith.index_cast %add3A_267 : i32 to index
        %swap3A_275 = arith.constant 0 : index
        %swap3A_276 = tpu.vector_load %arg9[%swap3A_274, %swap3A_275] {strides = array<i32>} : memref<128x64xf32, #tpu.memory_space<vmem>>, vector<1x16xf32>,
        %swap3A_277 = vector.shape_cast %swap3A_276 : vector<1x16xf32> to vector<16xf32>
        %swap3A_278 = vector.shape_cast %get3A_273 : vector<16xf32> to vector<1x16xf32>
        tpu.vector_store %arg9[%swap3A_274, %swap3A_275], %swap3A_278 {strides = array<i32>} : memref<128x64xf32, #tpu.memory_space<vmem>>, vector<1x16xf32>,
        %add3A_279 = arith.constant 128 : i32
        %add3A_280 = arith.addi %add3A_279, %add3A_267 : i32
        %get3A_281 = arith.index_cast %add3A_280 : i32 to index
        %get3A_282 = arith.constant 16 : index
        %get3A_283 = tpu.vector_load %arg6[%get3A_281, %get3A_282] {strides = array<i32>} : memref<256x128xf32, #tpu.memory_space<vmem>>, vector<1x16xf32>,
        %get3A_284 = vector.shape_cast %get3A_283 : vector<1x16xf32> to vector<16xf32>
        %swap3A_285 = arith.index_cast %add3A_267 : i32 to index
        %swap3A_286 = arith.constant 16 : index
        %swap3A_287 = tpu.vector_load %arg9[%swap3A_285, %swap3A_286] {strides = array<i32>} : memref<128x64xf32, #tpu.memory_space<vmem>>, vector<1x16xf32>,
        %swap3A_288 = vector.shape_cast %swap3A_287 : vector<1x16xf32> to vector<16xf32>
        %swap3A_289 = vector.shape_cast %get3A_284 : vector<16xf32> to vector<1x16xf32>
        tpu.vector_store %arg9[%swap3A_285, %swap3A_286], %swap3A_289 {strides = array<i32>} : memref<128x64xf32, #tpu.memory_space<vmem>>, vector<1x16xf32>,
        %add3A_290 = arith.constant 128 : i32
        %add3A_291 = arith.addi %add3A_290, %add3A_267 : i32
        %get3A_292 = arith.index_cast %add3A_291 : i32 to index
        %get3A_293 = arith.constant 32 : index
        %get3A_294 = tpu.vector_load %arg6[%get3A_292, %get3A_293] {strides = array<i32>} : memref<256x128xf32, #tpu.memory_space<vmem>>, vector<1x16xf32>,
        %get3A_295 = vector.shape_cast %get3A_294 : vector<1x16xf32> to vector<16xf32>
        %swap3A_296 = arith.index_cast %add3A_267 : i32 to index
        %swap3A_297 = arith.constant 32 : index
        %swap3A_298 = tpu.vector_load %arg9[%swap3A_296, %swap3A_297] {strides = array<i32>} : memref<128x64xf32, #tpu.memory_space<vmem>>, vector<1x16xf32>,
        %swap3A_299 = vector.shape_cast %swap3A_298 : vector<1x16xf32> to vector<16xf32>
        %swap3A_300 = vector.shape_cast %get3A_295 : vector<16xf32> to vector<1x16xf32>
        tpu.vector_store %arg9[%swap3A_296, %swap3A_297], %swap3A_300 {strides = array<i32>} : memref<128x64xf32, #tpu.memory_space<vmem>>, vector<1x16xf32>,
        %add3A_301 = arith.constant 128 : i32
        %add3A_302 = arith.addi %add3A_301, %add3A_267 : i32
        %get3A_303 = arith.index_cast %add3A_302 : i32 to index
        %get3A_304 = arith.constant 48 : index
        %get3A_305 = tpu.vector_load %arg6[%get3A_303, %get3A_304] {strides = array<i32>} : memref<256x128xf32, #tpu.memory_space<vmem>>, vector<1x16xf32>,
        %get3A_306 = vector.shape_cast %get3A_305 : vector<1x16xf32> to vector<16xf32>
        %swap3A_307 = arith.index_cast %add3A_267 : i32 to index
        %swap3A_308 = arith.constant 48 : index
        %swap3A_309 = tpu.vector_load %arg9[%swap3A_307, %swap3A_308] {strides = array<i32>} : memref<128x64xf32, #tpu.memory_space<vmem>>, vector<1x16xf32>,
        %swap3A_310 = vector.shape_cast %swap3A_309 : vector<1x16xf32> to vector<16xf32>
        %swap3A_311 = vector.shape_cast %get3A_306 : vector<16xf32> to vector<1x16xf32>
        tpu.vector_store %arg9[%swap3A_307, %swap3A_308], %swap3A_311 {strides = array<i32>} : memref<128x64xf32, #tpu.memory_space<vmem>>, vector<1x16xf32>,
        %add3A_312 = arith.constant 4 : i32
        %add3A_313 = arith.addi %mul3A_129, %add3A_312 : i32
        %add3A_314 = arith.constant 128 : i32
        %add3A_315 = arith.addi %add3A_314, %add3A_313 : i32
        %get3A_316 = arith.index_cast %add3A_315 : i32 to index
        %get3A_317 = arith.constant 0 : index
        %get3A_318 = tpu.vector_load %arg6[%get3A_316, %get3A_317] {strides = array<i32>} : memref<256x128xf32, #tpu.memory_space<vmem>>, vector<1x16xf32>,
        %get3A_319 = vector.shape_cast %get3A_318 : vector<1x16xf32> to vector<16xf32>
        %swap3A_320 = arith.index_cast %add3A_313 : i32 to index
        %swap3A_321 = arith.constant 0 : index
        %swap3A_322 = tpu.vector_load %arg9[%swap3A_320, %swap3A_321] {strides = array<i32>} : memref<128x64xf32, #tpu.memory_space<vmem>>, vector<1x16xf32>,
        %swap3A_323 = vector.shape_cast %swap3A_322 : vector<1x16xf32> to vector<16xf32>
        %swap3A_324 = vector.shape_cast %get3A_319 : vector<16xf32> to vector<1x16xf32>
        tpu.vector_store %arg9[%swap3A_320, %swap3A_321], %swap3A_324 {strides = array<i32>} : memref<128x64xf32, #tpu.memory_space<vmem>>, vector<1x16xf32>,
        %add3A_325 = arith.constant 128 : i32
        %add3A_326 = arith.addi %add3A_325, %add3A_313 : i32
        %get3A_327 = arith.index_cast %add3A_326 : i32 to index
        %get3A_328 = arith.constant 16 : index
        %get3A_329 = tpu.vector_load %arg6[%get3A_327, %get3A_328] {strides = array<i32>} : memref<256x128xf32, #tpu.memory_space<vmem>>, vector<1x16xf32>,
        %get3A_330 = vector.shape_cast %get3A_329 : vector<1x16xf32> to vector<16xf32>
        %swap3A_331 = arith.index_cast %add3A_313 : i32 to index
        %swap3A_332 = arith.constant 16 : index
        %swap3A_333 = tpu.vector_load %arg9[%swap3A_331, %swap3A_332] {strides = array<i32>} : memref<128x64xf32, #tpu.memory_space<vmem>>, vector<1x16xf32>,
        %swap3A_334 = vector.shape_cast %swap3A_333 : vector<1x16xf32> to vector<16xf32>
        %swap3A_335 = vector.shape_cast %get3A_330 : vector<16xf32> to vector<1x16xf32>
        tpu.vector_store %arg9[%swap3A_331, %swap3A_332], %swap3A_335 {strides = array<i32>} : memref<128x64xf32, #tpu.memory_space<vmem>>, vector<1x16xf32>,
        %add3A_336 = arith.constant 128 : i32
        %add3A_337 = arith.addi %add3A_336, %add3A_313 : i32
        %get3A_338 = arith.index_cast %add3A_337 : i32 to index
        %get3A_339 = arith.constant 32 : index
        %get3A_340 = tpu.vector_load %arg6[%get3A_338, %get3A_339] {strides = array<i32>} : memref<256x128xf32, #tpu.memory_space<vmem>>, vector<1x16xf32>,
        %get3A_341 = vector.shape_cast %get3A_340 : vector<1x16xf32> to vector<16xf32>
        %swap3A_342 = arith.index_cast %add3A_313 : i32 to index
        %swap3A_343 = arith.constant 32 : index
        %swap3A_344 = tpu.vector_load %arg9[%swap3A_342, %swap3A_343] {strides = array<i32>} : memref<128x64xf32, #tpu.memory_space<vmem>>, vector<1x16xf32>,
        %swap3A_345 = vector.shape_cast %swap3A_344 : vector<1x16xf32> to vector<16xf32>
        %swap3A_346 = vector.shape_cast %get3A_341 : vector<16xf32> to vector<1x16xf32>
        tpu.vector_store %arg9[%swap3A_342, %swap3A_343], %swap3A_346 {strides = array<i32>} : memref<128x64xf32, #tpu.memory_space<vmem>>, vector<1x16xf32>,
        %add3A_347 = arith.constant 128 : i32
        %add3A_348 = arith.addi %add3A_347, %add3A_313 : i32
        %get3A_349 = arith.index_cast %add3A_348 : i32 to index
        %get3A_350 = arith.constant 48 : index
        %get3A_351 = tpu.vector_load %arg6[%get3A_349, %get3A_350] {strides = array<i32>} : memref<256x128xf32, #tpu.memory_space<vmem>>, vector<1x16xf32>,
        %get3A_352 = vector.shape_cast %get3A_351 : vector<1x16xf32> to vector<16xf32>
        %swap3A_353 = arith.index_cast %add3A_313 : i32 to index
        %swap3A_354 = arith.constant 48 : index
        %swap3A_355 = tpu.vector_load %arg9[%swap3A_353, %swap3A_354] {strides = array<i32>} : memref<128x64xf32, #tpu.memory_space<vmem>>, vector<1x16xf32>,
        %swap3A_356 = vector.shape_cast %swap3A_355 : vector<1x16xf32> to vector<16xf32>
        %swap3A_357 = vector.shape_cast %get3A_352 : vector<16xf32> to vector<1x16xf32>
        tpu.vector_store %arg9[%swap3A_353, %swap3A_354], %swap3A_357 {strides = array<i32>} : memref<128x64xf32, #tpu.memory_space<vmem>>, vector<1x16xf32>,
        %add3A_358 = arith.constant 5 : i32
        %add3A_359 = arith.addi %mul3A_129, %add3A_358 : i32
        %add3A_360 = arith.constant 128 : i32
        %add3A_361 = arith.addi %add3A_360, %add3A_359 : i32
        %get3A_362 = arith.index_cast %add3A_361 : i32 to index
        %get3A_363 = arith.constant 0 : index
        %get3A_364 = tpu.vector_load %arg6[%get3A_362, %get3A_363] {strides = array<i32>} : memref<256x128xf32, #tpu.memory_space<vmem>>, vector<1x16xf32>,
        %get3A_365 = vector.shape_cast %get3A_364 : vector<1x16xf32> to vector<16xf32>
        %swap3A_366 = arith.index_cast %add3A_359 : i32 to index
        %swap3A_367 = arith.constant 0 : index
        %swap3A_368 = tpu.vector_load %arg9[%swap3A_366, %swap3A_367] {strides = array<i32>} : memref<128x64xf32, #tpu.memory_space<vmem>>, vector<1x16xf32>,
        %swap3A_369 = vector.shape_cast %swap3A_368 : vector<1x16xf32> to vector<16xf32>
        %swap3A_370 = vector.shape_cast %get3A_365 : vector<16xf32> to vector<1x16xf32>
        tpu.vector_store %arg9[%swap3A_366, %swap3A_367], %swap3A_370 {strides = array<i32>} : memref<128x64xf32, #tpu.memory_space<vmem>>, vector<1x16xf32>,
        %add3A_371 = arith.constant 128 : i32
        %add3A_372 = arith.addi %add3A_371, %add3A_359 : i32
        %get3A_373 = arith.index_cast %add3A_372 : i32 to index
        %get3A_374 = arith.constant 16 : index
        %get3A_375 = tpu.vector_load %arg6[%get3A_373, %get3A_374] {strides = array<i32>} : memref<256x128xf32, #tpu.memory_space<vmem>>, vector<1x16xf32>,
        %get3A_376 = vector.shape_cast %get3A_375 : vector<1x16xf32> to vector<16xf32>
        %swap3A_377 = arith.index_cast %add3A_359 : i32 to index
        %swap3A_378 = arith.constant 16 : index
        %swap3A_379 = tpu.vector_load %arg9[%swap3A_377, %swap3A_378] {strides = array<i32>} : memref<128x64xf32, #tpu.memory_space<vmem>>, vector<1x16xf32>,
        %swap3A_380 = vector.shape_cast %swap3A_379 : vector<1x16xf32> to vector<16xf32>
        %swap3A_381 = vector.shape_cast %get3A_376 : vector<16xf32> to vector<1x16xf32>
        tpu.vector_store %arg9[%swap3A_377, %swap3A_378], %swap3A_381 {strides = array<i32>} : memref<128x64xf32, #tpu.memory_space<vmem>>, vector<1x16xf32>,
        %add3A_382 = arith.constant 128 : i32
        %add3A_383 = arith.addi %add3A_382, %add3A_359 : i32
        %get3A_384 = arith.index_cast %add3A_383 : i32 to index
        %get3A_385 = arith.constant 32 : index
        %get3A_386 = tpu.vector_load %arg6[%get3A_384, %get3A_385] {strides = array<i32>} : memref<256x128xf32, #tpu.memory_space<vmem>>, vector<1x16xf32>,
        %get3A_387 = vector.shape_cast %get3A_386 : vector<1x16xf32> to vector<16xf32>
        %swap3A_388 = arith.index_cast %add3A_359 : i32 to index
        %swap3A_389 = arith.constant 32 : index
        %swap3A_390 = tpu.vector_load %arg9[%swap3A_388, %swap3A_389] {strides = array<i32>} : memref<128x64xf32, #tpu.memory_space<vmem>>, vector<1x16xf32>,
        %swap3A_391 = vector.shape_cast %swap3A_390 : vector<1x16xf32> to vector<16xf32>
        %swap3A_392 = vector.shape_cast %get3A_387 : vector<16xf32> to vector<1x16xf32>
        tpu.vector_store %arg9[%swap3A_388, %swap3A_389], %swap3A_392 {strides = array<i32>} : memref<128x64xf32, #tpu.memory_space<vmem>>, vector<1x16xf32>,
        %add3A_393 = arith.constant 128 : i32
        %add3A_394 = arith.addi %add3A_393, %add3A_359 : i32
        %get3A_395 = arith.index_cast %add3A_394 : i32 to index
        %get3A_396 = arith.constant 48 : index
        %get3A_397 = tpu.vector_load %arg6[%get3A_395, %get3A_396] {strides = array<i32>} : memref<256x128xf32, #tpu.memory_space<vmem>>, vector<1x16xf32>,
        %get3A_398 = vector.shape_cast %get3A_397 : vector<1x16xf32> to vector<16xf32>
        %swap3A_399 = arith.index_cast %add3A_359 : i32 to index
        %swap3A_400 = arith.constant 48 : index
        %swap3A_401 = tpu.vector_load %arg9[%swap3A_399, %swap3A_400] {strides = array<i32>} : memref<128x64xf32, #tpu.memory_space<vmem>>, vector<1x16xf32>,
        %swap3A_402 = vector.shape_cast %swap3A_401 : vector<1x16xf32> to vector<16xf32>
        %swap3A_403 = vector.shape_cast %get3A_398 : vector<16xf32> to vector<1x16xf32>
        tpu.vector_store %arg9[%swap3A_399, %swap3A_400], %swap3A_403 {strides = array<i32>} : memref<128x64xf32, #tpu.memory_space<vmem>>, vector<1x16xf32>,
        %add3A_404 = arith.constant 6 : i32
        %add3A_405 = arith.addi %mul3A_129, %add3A_404 : i32
        %add3A_406 = arith.constant 128 : i32
        %add3A_407 = arith.addi %add3A_406, %add3A_405 : i32
        %get3A_408 = arith.index_cast %add3A_407 : i32 to index
        %get3A_409 = arith.constant 0 : index
        %get3A_410 = tpu.vector_load %arg6[%get3A_408, %get3A_409] {strides = array<i32>} : memref<256x128xf32, #tpu.memory_space<vmem>>, vector<1x16xf32>,
        %get3A_411 = vector.shape_cast %get3A_410 : vector<1x16xf32> to vector<16xf32>
        %swap3A_412 = arith.index_cast %add3A_405 : i32 to index
        %swap3A_413 = arith.constant 0 : index
        %swap3A_414 = tpu.vector_load %arg9[%swap3A_412, %swap3A_413] {strides = array<i32>} : memref<128x64xf32, #tpu.memory_space<vmem>>, vector<1x16xf32>,
        %swap3A_415 = vector.shape_cast %swap3A_414 : vector<1x16xf32> to vector<16xf32>
        %swap3A_416 = vector.shape_cast %get3A_411 : vector<16xf32> to vector<1x16xf32>
        tpu.vector_store %arg9[%swap3A_412, %swap3A_413], %swap3A_416 {strides = array<i32>} : memref<128x64xf32, #tpu.memory_space<vmem>>, vector<1x16xf32>,
        %add3A_417 = arith.constant 128 : i32
        %add3A_418 = arith.addi %add3A_417, %add3A_405 : i32
        %get3A_419 = arith.index_cast %add3A_418 : i32 to index
        %get3A_420 = arith.constant 16 : index
        %get3A_421 = tpu.vector_load %arg6[%get3A_419, %get3A_420] {strides = array<i32>} : memref<256x128xf32, #tpu.memory_space<vmem>>, vector<1x16xf32>,
        %get3A_422 = vector.shape_cast %get3A_421 : vector<1x16xf32> to vector<16xf32>
        %swap3A_423 = arith.index_cast %add3A_405 : i32 to index
        %swap3A_424 = arith.constant 16 : index
        %swap3A_425 = tpu.vector_load %arg9[%swap3A_423, %swap3A_424] {strides = array<i32>} : memref<128x64xf32, #tpu.memory_space<vmem>>, vector<1x16xf32>,
        %swap3A_426 = vector.shape_cast %swap3A_425 : vector<1x16xf32> to vector<16xf32>
        %swap3A_427 = vector.shape_cast %get3A_422 : vector<16xf32> to vector<1x16xf32>
        tpu.vector_store %arg9[%swap3A_423, %swap3A_424], %swap3A_427 {strides = array<i32>} : memref<128x64xf32, #tpu.memory_space<vmem>>, vector<1x16xf32>,
        %add3A_428 = arith.constant 128 : i32
        %add3A_429 = arith.addi %add3A_428, %add3A_405 : i32
        %get3A_430 = arith.index_cast %add3A_429 : i32 to index
        %get3A_431 = arith.constant 32 : index
        %get3A_432 = tpu.vector_load %arg6[%get3A_430, %get3A_431] {strides = array<i32>} : memref<256x128xf32, #tpu.memory_space<vmem>>, vector<1x16xf32>,
        %get3A_433 = vector.shape_cast %get3A_432 : vector<1x16xf32> to vector<16xf32>
        %swap3A_434 = arith.index_cast %add3A_405 : i32 to index
        %swap3A_435 = arith.constant 32 : index
        %swap3A_436 = tpu.vector_load %arg9[%swap3A_434, %swap3A_435] {strides = array<i32>} : memref<128x64xf32, #tpu.memory_space<vmem>>, vector<1x16xf32>,
        %swap3A_437 = vector.shape_cast %swap3A_436 : vector<1x16xf32> to vector<16xf32>
        %swap3A_438 = vector.shape_cast %get3A_433 : vector<16xf32> to vector<1x16xf32>
        tpu.vector_store %arg9[%swap3A_434, %swap3A_435], %swap3A_438 {strides = array<i32>} : memref<128x64xf32, #tpu.memory_space<vmem>>, vector<1x16xf32>,
        %add3A_439 = arith.constant 128 : i32
        %add3A_440 = arith.addi %add3A_439, %add3A_405 : i32
        %get3A_441 = arith.index_cast %add3A_440 : i32 to index
        %get3A_442 = arith.constant 48 : index
        %get3A_443 = tpu.vector_load %arg6[%get3A_441, %get3A_442] {strides = array<i32>} : memref<256x128xf32, #tpu.memory_space<vmem>>, vector<1x16xf32>,
        %get3A_444 = vector.shape_cast %get3A_443 : vector<1x16xf32> to vector<16xf32>
        %swap3A_445 = arith.index_cast %add3A_405 : i32 to index
        %swap3A_446 = arith.constant 48 : index
        %swap3A_447 = tpu.vector_load %arg9[%swap3A_445, %swap3A_446] {strides = array<i32>} : memref<128x64xf32, #tpu.memory_space<vmem>>, vector<1x16xf32>,
        %swap3A_448 = vector.shape_cast %swap3A_447 : vector<1x16xf32> to vector<16xf32>
        %swap3A_449 = vector.shape_cast %get3A_444 : vector<16xf32> to vector<1x16xf32>
        tpu.vector_store %arg9[%swap3A_445, %swap3A_446], %swap3A_449 {strides = array<i32>} : memref<128x64xf32, #tpu.memory_space<vmem>>, vector<1x16xf32>,
        %add3A_450 = arith.constant 7 : i32
        %add3A_451 = arith.addi %mul3A_129, %add3A_450 : i32
        %add3A_452 = arith.constant 128 : i32
        %add3A_453 = arith.addi %add3A_452, %add3A_451 : i32
        %get3A_454 = arith.index_cast %add3A_453 : i32 to index
        %get3A_455 = arith.constant 0 : index
        %get3A_456 = tpu.vector_load %arg6[%get3A_454, %get3A_455] {strides = array<i32>} : memref<256x128xf32, #tpu.memory_space<vmem>>, vector<1x16xf32>,
        %get3A_457 = vector.shape_cast %get3A_456 : vector<1x16xf32> to vector<16xf32>
        %swap3A_458 = arith.index_cast %add3A_451 : i32 to index
        %swap3A_459 = arith.constant 0 : index
        %swap3A_460 = tpu.vector_load %arg9[%swap3A_458, %swap3A_459] {strides = array<i32>} : memref<128x64xf32, #tpu.memory_space<vmem>>, vector<1x16xf32>,
        %swap3A_461 = vector.shape_cast %swap3A_460 : vector<1x16xf32> to vector<16xf32>
        %swap3A_462 = vector.shape_cast %get3A_457 : vector<16xf32> to vector<1x16xf32>
        tpu.vector_store %arg9[%swap3A_458, %swap3A_459], %swap3A_462 {strides = array<i32>} : memref<128x64xf32, #tpu.memory_space<vmem>>, vector<1x16xf32>,
        %add3A_463 = arith.constant 128 : i32
        %add3A_464 = arith.addi %add3A_463, %add3A_451 : i32
        %get3A_465 = arith.index_cast %add3A_464 : i32 to index
        %get3A_466 = arith.constant 16 : index
        %get3A_467 = tpu.vector_load %arg6[%get3A_465, %get3A_466] {strides = array<i32>} : memref<256x128xf32, #tpu.memory_space<vmem>>, vector<1x16xf32>,
        %get3A_468 = vector.shape_cast %get3A_467 : vector<1x16xf32> to vector<16xf32>
        %swap3A_469 = arith.index_cast %add3A_451 : i32 to index
        %swap3A_470 = arith.constant 16 : index
        %swap3A_471 = tpu.vector_load %arg9[%swap3A_469, %swap3A_470] {strides = array<i32>} : memref<128x64xf32, #tpu.memory_space<vmem>>, vector<1x16xf32>,
        %swap3A_472 = vector.shape_cast %swap3A_471 : vector<1x16xf32> to vector<16xf32>
        %swap3A_473 = vector.shape_cast %get3A_468 : vector<16xf32> to vector<1x16xf32>
        tpu.vector_store %arg9[%swap3A_469, %swap3A_470], %swap3A_473 {strides = array<i32>} : memref<128x64xf32, #tpu.memory_space<vmem>>, vector<1x16xf32>,
        %add3A_474 = arith.constant 128 : i32
        %add3A_475 = arith.addi %add3A_474, %add3A_451 : i32
        %get3A_476 = arith.index_cast %add3A_475 : i32 to index
        %get3A_477 = arith.constant 32 : index
        %get3A_478 = tpu.vector_load %arg6[%get3A_476, %get3A_477] {strides = array<i32>} : memref<256x128xf32, #tpu.memory_space<vmem>>, vector<1x16xf32>,
        %get3A_479 = vector.shape_cast %get3A_478 : vector<1x16xf32> to vector<16xf32>
        %swap3A_480 = arith.index_cast %add3A_451 : i32 to index
        %swap3A_481 = arith.constant 32 : index
        %swap3A_482 = tpu.vector_load %arg9[%swap3A_480, %swap3A_481] {strides = array<i32>} : memref<128x64xf32, #tpu.memory_space<vmem>>, vector<1x16xf32>,
        %swap3A_483 = vector.shape_cast %swap3A_482 : vector<1x16xf32> to vector<16xf32>
        %swap3A_484 = vector.shape_cast %get3A_479 : vector<16xf32> to vector<1x16xf32>
        tpu.vector_store %arg9[%swap3A_480, %swap3A_481], %swap3A_484 {strides = array<i32>} : memref<128x64xf32, #tpu.memory_space<vmem>>, vector<1x16xf32>,
        %add3A_485 = arith.constant 128 : i32
        %add3A_486 = arith.addi %add3A_485, %add3A_451 : i32
        %get3A_487 = arith.index_cast %add3A_486 : i32 to index
        %get3A_488 = arith.constant 48 : index
        %get3A_489 = tpu.vector_load %arg6[%get3A_487, %get3A_488] {strides = array<i32>} : memref<256x128xf32, #tpu.memory_space<vmem>>, vector<1x16xf32>,
        %get3A_490 = vector.shape_cast %get3A_489 : vector<1x16xf32> to vector<16xf32>
        %swap3A_491 = arith.index_cast %add3A_451 : i32 to index
        %swap3A_492 = arith.constant 48 : index
        %swap3A_493 = tpu.vector_load %arg9[%swap3A_491, %swap3A_492] {strides = array<i32>} : memref<128x64xf32, #tpu.memory_space<vmem>>, vector<1x16xf32>,
        %swap3A_494 = vector.shape_cast %swap3A_493 : vector<1x16xf32> to vector<16xf32>
        %swap3A_495 = vector.shape_cast %get3A_490 : vector<16xf32> to vector<1x16xf32>
        tpu.vector_store %arg9[%swap3A_491, %swap3A_492], %swap3A_495 {strides = array<i32>} : memref<128x64xf32, #tpu.memory_space<vmem>>, vector<1x16xf32>,
        %add3A_496 = arith.constant 8 : i32
        %add3A_497 = arith.addi %mul3A_129, %add3A_496 : i32
        %add3A_498 = arith.constant 128 : i32
        %add3A_499 = arith.addi %add3A_498, %add3A_497 : i32
        %get3A_500 = arith.index_cast %add3A_499 : i32 to index
        %get3A_501 = arith.constant 0 : index
        %get3A_502 = tpu.vector_load %arg6[%get3A_500, %get3A_501] {strides = array<i32>} : memref<256x128xf32, #tpu.memory_space<vmem>>, vector<1x16xf32>,
        %get3A_503 = vector.shape_cast %get3A_502 : vector<1x16xf32> to vector<16xf32>
        %swap3A_504 = arith.index_cast %add3A_497 : i32 to index
        %swap3A_505 = arith.constant 0 : index
        %swap3A_506 = tpu.vector_load %arg9[%swap3A_504, %swap3A_505] {strides = array<i32>} : memref<128x64xf32, #tpu.memory_space<vmem>>, vector<1x16xf32>,
        %swap3A_507 = vector.shape_cast %swap3A_506 : vector<1x16xf32> to vector<16xf32>
        %swap3A_508 = vector.shape_cast %get3A_503 : vector<16xf32> to vector<1x16xf32>
        tpu.vector_store %arg9[%swap3A_504, %swap3A_505], %swap3A_508 {strides = array<i32>} : memref<128x64xf32, #tpu.memory_space<vmem>>, vector<1x16xf32>,
        %add3A_509 = arith.constant 128 : i32
        %add3A_510 = arith.addi %add3A_509, %add3A_497 : i32
        %get3A_511 = arith.index_cast %add3A_510 : i32 to index
        %get3A_512 = arith.constant 16 : index
        %get3A_513 = tpu.vector_load %arg6[%get3A_511, %get3A_512] {strides = array<i32>} : memref<256x128xf32, #tpu.memory_space<vmem>>, vector<1x16xf32>,
        %get3A_514 = vector.shape_cast %get3A_513 : vector<1x16xf32> to vector<16xf32>
        %swap3A_515 = arith.index_cast %add3A_497 : i32 to index
        %swap3A_516 = arith.constant 16 : index
        %swap3A_517 = tpu.vector_load %arg9[%swap3A_515, %swap3A_516] {strides = array<i32>} : memref<128x64xf32, #tpu.memory_space<vmem>>, vector<1x16xf32>,
        %swap3A_518 = vector.shape_cast %swap3A_517 : vector<1x16xf32> to vector<16xf32>
        %swap3A_519 = vector.shape_cast %get3A_514 : vector<16xf32> to vector<1x16xf32>
        tpu.vector_store %arg9[%swap3A_515, %swap3A_516], %swap3A_519 {strides = array<i32>} : memref<128x64xf32, #tpu.memory_space<vmem>>, vector<1x16xf32>,
        %add3A_520 = arith.constant 128 : i32
        %add3A_521 = arith.addi %add3A_520, %add3A_497 : i32
        %get3A_522 = arith.index_cast %add3A_521 : i32 to index
        %get3A_523 = arith.constant 32 : index
        %get3A_524 = tpu.vector_load %arg6[%get3A_522, %get3A_523] {strides = array<i32>} : memref<256x128xf32, #tpu.memory_space<vmem>>, vector<1x16xf32>,
        %get3A_525 = vector.shape_cast %get3A_524 : vector<1x16xf32> to vector<16xf32>
        %swap3A_526 = arith.index_cast %add3A_497 : i32 to index
        %swap3A_527 = arith.constant 32 : index
        %swap3A_528 = tpu.vector_load %arg9[%swap3A_526, %swap3A_527] {strides = array<i32>} : memref<128x64xf32, #tpu.memory_space<vmem>>, vector<1x16xf32>,
        %swap3A_529 = vector.shape_cast %swap3A_528 : vector<1x16xf32> to vector<16xf32>
        %swap3A_530 = vector.shape_cast %get3A_525 : vector<16xf32> to vector<1x16xf32>
        tpu.vector_store %arg9[%swap3A_526, %swap3A_527], %swap3A_530 {strides = array<i32>} : memref<128x64xf32, #tpu.memory_space<vmem>>, vector<1x16xf32>,
        %add3A_531 = arith.constant 128 : i32
        %add3A_532 = arith.addi %add3A_531, %add3A_497 : i32
        %get3A_533 = arith.index_cast %add3A_532 : i32 to index
        %get3A_534 = arith.constant 48 : index
        %get3A_535 = tpu.vector_load %arg6[%get3A_533, %get3A_534] {strides = array<i32>} : memref<256x128xf32, #tpu.memory_space<vmem>>, vector<1x16xf32>,
        %get3A_536 = vector.shape_cast %get3A_535 : vector<1x16xf32> to vector<16xf32>
        %swap3A_537 = arith.index_cast %add3A_497 : i32 to index
        %swap3A_538 = arith.constant 48 : index
        %swap3A_539 = tpu.vector_load %arg9[%swap3A_537, %swap3A_538] {strides = array<i32>} : memref<128x64xf32, #tpu.memory_space<vmem>>, vector<1x16xf32>,
        %swap3A_540 = vector.shape_cast %swap3A_539 : vector<1x16xf32> to vector<16xf32>
        %swap3A_541 = vector.shape_cast %get3A_536 : vector<16xf32> to vector<1x16xf32>
        tpu.vector_store %arg9[%swap3A_537, %swap3A_538], %swap3A_541 {strides = array<i32>} : memref<128x64xf32, #tpu.memory_space<vmem>>, vector<1x16xf32>,
        %add3A_542 = arith.constant 9 : i32
        %add3A_543 = arith.addi %mul3A_129, %add3A_542 : i32
        %add3A_544 = arith.constant 128 : i32
        %add3A_545 = arith.addi %add3A_544, %add3A_543 : i32
        %get3A_546 = arith.index_cast %add3A_545 : i32 to index
        %get3A_547 = arith.constant 0 : index
        %get3A_548 = tpu.vector_load %arg6[%get3A_546, %get3A_547] {strides = array<i32>} : memref<256x128xf32, #tpu.memory_space<vmem>>, vector<1x16xf32>,
        %get3A_549 = vector.shape_cast %get3A_548 : vector<1x16xf32> to vector<16xf32>
        %swap3A_550 = arith.index_cast %add3A_543 : i32 to index
        %swap3A_551 = arith.constant 0 : index
        %swap3A_552 = tpu.vector_load %arg9[%swap3A_550, %swap3A_551] {strides = array<i32>} : memref<128x64xf32, #tpu.memory_space<vmem>>, vector<1x16xf32>,
        %swap3A_553 = vector.shape_cast %swap3A_552 : vector<1x16xf32> to vector<16xf32>
        %swap3A_554 = vector.shape_cast %get3A_549 : vector<16xf32> to vector<1x16xf32>
        tpu.vector_store %arg9[%swap3A_550, %swap3A_551], %swap3A_554 {strides = array<i32>} : memref<128x64xf32, #tpu.memory_space<vmem>>, vector<1x16xf32>,
        %add3A_555 = arith.constant 128 : i32
        %add3A_556 = arith.addi %add3A_555, %add3A_543 : i32
        %get3A_557 = arith.index_cast %add3A_556 : i32 to index
        %get3A_558 = arith.constant 16 : index
        %get3A_559 = tpu.vector_load %arg6[%get3A_557, %get3A_558] {strides = array<i32>} : memref<256x128xf32, #tpu.memory_space<vmem>>, vector<1x16xf32>,
        %get3A_560 = vector.shape_cast %get3A_559 : vector<1x16xf32> to vector<16xf32>
        %swap3A_561 = arith.index_cast %add3A_543 : i32 to index
        %swap3A_562 = arith.constant 16 : index
        %swap3A_563 = tpu.vector_load %arg9[%swap3A_561, %swap3A_562] {strides = array<i32>} : memref<128x64xf32, #tpu.memory_space<vmem>>, vector<1x16xf32>,
        %swap3A_564 = vector.shape_cast %swap3A_563 : vector<1x16xf32> to vector<16xf32>
        %swap3A_565 = vector.shape_cast %get3A_560 : vector<16xf32> to vector<1x16xf32>
        tpu.vector_store %arg9[%swap3A_561, %swap3A_562], %swap3A_565 {strides = array<i32>} : memref<128x64xf32, #tpu.memory_space<vmem>>, vector<1x16xf32>,
        %add3A_566 = arith.constant 128 : i32
        %add3A_567 = arith.addi %add3A_566, %add3A_543 : i32
        %get3A_568 = arith.index_cast %add3A_567 : i32 to index
        %get3A_569 = arith.constant 32 : index
        %get3A_570 = tpu.vector_load %arg6[%get3A_568, %get3A_569] {strides = array<i32>} : memref<256x128xf32, #tpu.memory_space<vmem>>, vector<1x16xf32>,
        %get3A_571 = vector.shape_cast %get3A_570 : vector<1x16xf32> to vector<16xf32>
        %swap3A_572 = arith.index_cast %add3A_543 : i32 to index
        %swap3A_573 = arith.constant 32 : index
        %swap3A_574 = tpu.vector_load %arg9[%swap3A_572, %swap3A_573] {strides = array<i32>} : memref<128x64xf32, #tpu.memory_space<vmem>>, vector<1x16xf32>,
        %swap3A_575 = vector.shape_cast %swap3A_574 : vector<1x16xf32> to vector<16xf32>
        %swap3A_576 = vector.shape_cast %get3A_571 : vector<16xf32> to vector<1x16xf32>
        tpu.vector_store %arg9[%swap3A_572, %swap3A_573], %swap3A_576 {strides = array<i32>} : memref<128x64xf32, #tpu.memory_space<vmem>>, vector<1x16xf32>,
        %add3A_577 = arith.constant 128 : i32
        %add3A_578 = arith.addi %add3A_577, %add3A_543 : i32
        %get3A_579 = arith.index_cast %add3A_578 : i32 to index
        %get3A_580 = arith.constant 48 : index
        %get3A_581 = tpu.vector_load %arg6[%get3A_579, %get3A_580] {strides = array<i32>} : memref<256x128xf32, #tpu.memory_space<vmem>>, vector<1x16xf32>,
        %get3A_582 = vector.shape_cast %get3A_581 : vector<1x16xf32> to vector<16xf32>
        %swap3A_583 = arith.index_cast %add3A_543 : i32 to index
        %swap3A_584 = arith.constant 48 : index
        %swap3A_585 = tpu.vector_load %arg9[%swap3A_583, %swap3A_584] {strides = array<i32>} : memref<128x64xf32, #tpu.memory_space<vmem>>, vector<1x16xf32>,
        %swap3A_586 = vector.shape_cast %swap3A_585 : vector<1x16xf32> to vector<16xf32>
        %swap3A_587 = vector.shape_cast %get3A_582 : vector<16xf32> to vector<1x16xf32>
        tpu.vector_store %arg9[%swap3A_583, %swap3A_584], %swap3A_587 {strides = array<i32>} : memref<128x64xf32, #tpu.memory_space<vmem>>, vector<1x16xf32>,
        %add3A_588 = arith.constant 10 : i32
        %add3A_589 = arith.addi %mul3A_129, %add3A_588 : i32
        %add3A_590 = arith.constant 128 : i32
        %add3A_591 = arith.addi %add3A_590, %add3A_589 : i32
        %get3A_592 = arith.index_cast %add3A_591 : i32 to index
        %get3A_593 = arith.constant 0 : index
        %get3A_594 = tpu.vector_load %arg6[%get3A_592, %get3A_593] {strides = array<i32>} : memref<256x128xf32, #tpu.memory_space<vmem>>, vector<1x16xf32>,
        %get3A_595 = vector.shape_cast %get3A_594 : vector<1x16xf32> to vector<16xf32>
        %swap3A_596 = arith.index_cast %add3A_589 : i32 to index
        %swap3A_597 = arith.constant 0 : index
        %swap3A_598 = tpu.vector_load %arg9[%swap3A_596, %swap3A_597] {strides = array<i32>} : memref<128x64xf32, #tpu.memory_space<vmem>>, vector<1x16xf32>,
        %swap3A_599 = vector.shape_cast %swap3A_598 : vector<1x16xf32> to vector<16xf32>
        %swap3A_600 = vector.shape_cast %get3A_595 : vector<16xf32> to vector<1x16xf32>
        tpu.vector_store %arg9[%swap3A_596, %swap3A_597], %swap3A_600 {strides = array<i32>} : memref<128x64xf32, #tpu.memory_space<vmem>>, vector<1x16xf32>,
        %add3A_601 = arith.constant 128 : i32
        %add3A_602 = arith.addi %add3A_601, %add3A_589 : i32
        %get3A_603 = arith.index_cast %add3A_602 : i32 to index
        %get3A_604 = arith.constant 16 : index
        %get3A_605 = tpu.vector_load %arg6[%get3A_603, %get3A_604] {strides = array<i32>} : memref<256x128xf32, #tpu.memory_space<vmem>>, vector<1x16xf32>,
        %get3A_606 = vector.shape_cast %get3A_605 : vector<1x16xf32> to vector<16xf32>
        %swap3A_607 = arith.index_cast %add3A_589 : i32 to index
        %swap3A_608 = arith.constant 16 : index
        %swap3A_609 = tpu.vector_load %arg9[%swap3A_607, %swap3A_608] {strides = array<i32>} : memref<128x64xf32, #tpu.memory_space<vmem>>, vector<1x16xf32>,
        %swap3A_610 = vector.shape_cast %swap3A_609 : vector<1x16xf32> to vector<16xf32>
        %swap3A_611 = vector.shape_cast %get3A_606 : vector<16xf32> to vector<1x16xf32>
        tpu.vector_store %arg9[%swap3A_607, %swap3A_608], %swap3A_611 {strides = array<i32>} : memref<128x64xf32, #tpu.memory_space<vmem>>, vector<1x16xf32>,
        %add3A_612 = arith.constant 128 : i32
        %add3A_613 = arith.addi %add3A_612, %add3A_589 : i32
        %get3A_614 = arith.index_cast %add3A_613 : i32 to index
        %get3A_615 = arith.constant 32 : index
        %get3A_616 = tpu.vector_load %arg6[%get3A_614, %get3A_615] {strides = array<i32>} : memref<256x128xf32, #tpu.memory_space<vmem>>, vector<1x16xf32>,
        %get3A_617 = vector.shape_cast %get3A_616 : vector<1x16xf32> to vector<16xf32>
        %swap3A_618 = arith.index_cast %add3A_589 : i32 to index
        %swap3A_619 = arith.constant 32 : index
        %swap3A_620 = tpu.vector_load %arg9[%swap3A_618, %swap3A_619] {strides = array<i32>} : memref<128x64xf32, #tpu.memory_space<vmem>>, vector<1x16xf32>,
        %swap3A_621 = vector.shape_cast %swap3A_620 : vector<1x16xf32> to vector<16xf32>
        %swap3A_622 = vector.shape_cast %get3A_617 : vector<16xf32> to vector<1x16xf32>
        tpu.vector_store %arg9[%swap3A_618, %swap3A_619], %swap3A_622 {strides = array<i32>} : memref<128x64xf32, #tpu.memory_space<vmem>>, vector<1x16xf32>,
        %add3A_623 = arith.constant 128 : i32
        %add3A_624 = arith.addi %add3A_623, %add3A_589 : i32
        %get3A_625 = arith.index_cast %add3A_624 : i32 to index
        %get3A_626 = arith.constant 48 : index
        %get3A_627 = tpu.vector_load %arg6[%get3A_625, %get3A_626] {strides = array<i32>} : memref<256x128xf32, #tpu.memory_space<vmem>>, vector<1x16xf32>,
        %get3A_628 = vector.shape_cast %get3A_627 : vector<1x16xf32> to vector<16xf32>
        %swap3A_629 = arith.index_cast %add3A_589 : i32 to index
        %swap3A_630 = arith.constant 48 : index
        %swap3A_631 = tpu.vector_load %arg9[%swap3A_629, %swap3A_630] {strides = array<i32>} : memref<128x64xf32, #tpu.memory_space<vmem>>, vector<1x16xf32>,
        %swap3A_632 = vector.shape_cast %swap3A_631 : vector<1x16xf32> to vector<16xf32>
        %swap3A_633 = vector.shape_cast %get3A_628 : vector<16xf32> to vector<1x16xf32>
        tpu.vector_store %arg9[%swap3A_629, %swap3A_630], %swap3A_633 {strides = array<i32>} : memref<128x64xf32, #tpu.memory_space<vmem>>, vector<1x16xf32>,
        %add3A_634 = arith.constant 11 : i32
        %add3A_635 = arith.addi %mul3A_129, %add3A_634 : i32
        %add3A_636 = arith.constant 128 : i32
        %add3A_637 = arith.addi %add3A_636, %add3A_635 : i32
        %get3A_638 = arith.index_cast %add3A_637 : i32 to index
        %get3A_639 = arith.constant 0 : index
        %get3A_640 = tpu.vector_load %arg6[%get3A_638, %get3A_639] {strides = array<i32>} : memref<256x128xf32, #tpu.memory_space<vmem>>, vector<1x16xf32>,
        %get3A_641 = vector.shape_cast %get3A_640 : vector<1x16xf32> to vector<16xf32>
        %swap3A_642 = arith.index_cast %add3A_635 : i32 to index
        %swap3A_643 = arith.constant 0 : index
        %swap3A_644 = tpu.vector_load %arg9[%swap3A_642, %swap3A_643] {strides = array<i32>} : memref<128x64xf32, #tpu.memory_space<vmem>>, vector<1x16xf32>,
        %swap3A_645 = vector.shape_cast %swap3A_644 : vector<1x16xf32> to vector<16xf32>
        %swap3A_646 = vector.shape_cast %get3A_641 : vector<16xf32> to vector<1x16xf32>
        tpu.vector_store %arg9[%swap3A_642, %swap3A_643], %swap3A_646 {strides = array<i32>} : memref<128x64xf32, #tpu.memory_space<vmem>>, vector<1x16xf32>,
        %add3A_647 = arith.constant 128 : i32
        %add3A_648 = arith.addi %add3A_647, %add3A_635 : i32
        %get3A_649 = arith.index_cast %add3A_648 : i32 to index
        %get3A_650 = arith.constant 16 : index
        %get3A_651 = tpu.vector_load %arg6[%get3A_649, %get3A_650] {strides = array<i32>} : memref<256x128xf32, #tpu.memory_space<vmem>>, vector<1x16xf32>,
        %get3A_652 = vector.shape_cast %get3A_651 : vector<1x16xf32> to vector<16xf32>
        %swap3A_653 = arith.index_cast %add3A_635 : i32 to index
        %swap3A_654 = arith.constant 16 : index
        %swap3A_655 = tpu.vector_load %arg9[%swap3A_653, %swap3A_654] {strides = array<i32>} : memref<128x64xf32, #tpu.memory_space<vmem>>, vector<1x16xf32>,
        %swap3A_656 = vector.shape_cast %swap3A_655 : vector<1x16xf32> to vector<16xf32>
        %swap3A_657 = vector.shape_cast %get3A_652 : vector<16xf32> to vector<1x16xf32>
        tpu.vector_store %arg9[%swap3A_653, %swap3A_654], %swap3A_657 {strides = array<i32>} : memref<128x64xf32, #tpu.memory_space<vmem>>, vector<1x16xf32>,
        %add3A_658 = arith.constant 128 : i32
        %add3A_659 = arith.addi %add3A_658, %add3A_635 : i32
        %get3A_660 = arith.index_cast %add3A_659 : i32 to index
        %get3A_661 = arith.constant 32 : index
        %get3A_662 = tpu.vector_load %arg6[%get3A_660, %get3A_661] {strides = array<i32>} : memref<256x128xf32, #tpu.memory_space<vmem>>, vector<1x16xf32>,
        %get3A_663 = vector.shape_cast %get3A_662 : vector<1x16xf32> to vector<16xf32>
        %swap3A_664 = arith.index_cast %add3A_635 : i32 to index
        %swap3A_665 = arith.constant 32 : index
        %swap3A_666 = tpu.vector_load %arg9[%swap3A_664, %swap3A_665] {strides = array<i32>} : memref<128x64xf32, #tpu.memory_space<vmem>>, vector<1x16xf32>,
        %swap3A_667 = vector.shape_cast %swap3A_666 : vector<1x16xf32> to vector<16xf32>
        %swap3A_668 = vector.shape_cast %get3A_663 : vector<16xf32> to vector<1x16xf32>
        tpu.vector_store %arg9[%swap3A_664, %swap3A_665], %swap3A_668 {strides = array<i32>} : memref<128x64xf32, #tpu.memory_space<vmem>>, vector<1x16xf32>,
        %add3A_669 = arith.constant 128 : i32
        %add3A_670 = arith.addi %add3A_669, %add3A_635 : i32
        %get3A_671 = arith.index_cast %add3A_670 : i32 to index
        %get3A_672 = arith.constant 48 : index
        %get3A_673 = tpu.vector_load %arg6[%get3A_671, %get3A_672] {strides = array<i32>} : memref<256x128xf32, #tpu.memory_space<vmem>>, vector<1x16xf32>,
        %get3A_674 = vector.shape_cast %get3A_673 : vector<1x16xf32> to vector<16xf32>
        %swap3A_675 = arith.index_cast %add3A_635 : i32 to index
        %swap3A_676 = arith.constant 48 : index
        %swap3A_677 = tpu.vector_load %arg9[%swap3A_675, %swap3A_676] {strides = array<i32>} : memref<128x64xf32, #tpu.memory_space<vmem>>, vector<1x16xf32>,
        %swap3A_678 = vector.shape_cast %swap3A_677 : vector<1x16xf32> to vector<16xf32>
        %swap3A_679 = vector.shape_cast %get3A_674 : vector<16xf32> to vector<1x16xf32>
        tpu.vector_store %arg9[%swap3A_675, %swap3A_676], %swap3A_679 {strides = array<i32>} : memref<128x64xf32, #tpu.memory_space<vmem>>, vector<1x16xf32>,
        %add3A_680 = arith.constant 12 : i32
        %add3A_681 = arith.addi %mul3A_129, %add3A_680 : i32
        %add3A_682 = arith.constant 128 : i32
        %add3A_683 = arith.addi %add3A_682, %add3A_681 : i32
        %get3A_684 = arith.index_cast %add3A_683 : i32 to index
        %get3A_685 = arith.constant 0 : index
        %get3A_686 = tpu.vector_load %arg6[%get3A_684, %get3A_685] {strides = array<i32>} : memref<256x128xf32, #tpu.memory_space<vmem>>, vector<1x16xf32>,
        %get3A_687 = vector.shape_cast %get3A_686 : vector<1x16xf32> to vector<16xf32>
        %swap3A_688 = arith.index_cast %add3A_681 : i32 to index
        %swap3A_689 = arith.constant 0 : index
        %swap3A_690 = tpu.vector_load %arg9[%swap3A_688, %swap3A_689] {strides = array<i32>} : memref<128x64xf32, #tpu.memory_space<vmem>>, vector<1x16xf32>,
        %swap3A_691 = vector.shape_cast %swap3A_690 : vector<1x16xf32> to vector<16xf32>
        %swap3A_692 = vector.shape_cast %get3A_687 : vector<16xf32> to vector<1x16xf32>
        tpu.vector_store %arg9[%swap3A_688, %swap3A_689], %swap3A_692 {strides = array<i32>} : memref<128x64xf32, #tpu.memory_space<vmem>>, vector<1x16xf32>,
        %add3A_693 = arith.constant 128 : i32
        %add3A_694 = arith.addi %add3A_693, %add3A_681 : i32
        %get3A_695 = arith.index_cast %add3A_694 : i32 to index
        %get3A_696 = arith.constant 16 : index
        %get3A_697 = tpu.vector_load %arg6[%get3A_695, %get3A_696] {strides = array<i32>} : memref<256x128xf32, #tpu.memory_space<vmem>>, vector<1x16xf32>,
        %get3A_698 = vector.shape_cast %get3A_697 : vector<1x16xf32> to vector<16xf32>
        %swap3A_699 = arith.index_cast %add3A_681 : i32 to index
        %swap3A_700 = arith.constant 16 : index
        %swap3A_701 = tpu.vector_load %arg9[%swap3A_699, %swap3A_700] {strides = array<i32>} : memref<128x64xf32, #tpu.memory_space<vmem>>, vector<1x16xf32>,
        %swap3A_702 = vector.shape_cast %swap3A_701 : vector<1x16xf32> to vector<16xf32>
        %swap3A_703 = vector.shape_cast %get3A_698 : vector<16xf32> to vector<1x16xf32>
        tpu.vector_store %arg9[%swap3A_699, %swap3A_700], %swap3A_703 {strides = array<i32>} : memref<128x64xf32, #tpu.memory_space<vmem>>, vector<1x16xf32>,
        %add3A_704 = arith.constant 128 : i32
        %add3A_705 = arith.addi %add3A_704, %add3A_681 : i32
        %get3A_706 = arith.index_cast %add3A_705 : i32 to index
        %get3A_707 = arith.constant 32 : index
        %get3A_708 = tpu.vector_load %arg6[%get3A_706, %get3A_707] {strides = array<i32>} : memref<256x128xf32, #tpu.memory_space<vmem>>, vector<1x16xf32>,
        %get3A_709 = vector.shape_cast %get3A_708 : vector<1x16xf32> to vector<16xf32>
        %swap3A_710 = arith.index_cast %add3A_681 : i32 to index
        %swap3A_711 = arith.constant 32 : index
        %swap3A_712 = tpu.vector_load %arg9[%swap3A_710, %swap3A_711] {strides = array<i32>} : memref<128x64xf32, #tpu.memory_space<vmem>>, vector<1x16xf32>,
        %swap3A_713 = vector.shape_cast %swap3A_712 : vector<1x16xf32> to vector<16xf32>
        %swap3A_714 = vector.shape_cast %get3A_709 : vector<16xf32> to vector<1x16xf32>
        tpu.vector_store %arg9[%swap3A_710, %swap3A_711], %swap3A_714 {strides = array<i32>} : memref<128x64xf32, #tpu.memory_space<vmem>>, vector<1x16xf32>,
        %add3A_715 = arith.constant 128 : i32
        %add3A_716 = arith.addi %add3A_715, %add3A_681 : i32
        %get3A_717 = arith.index_cast %add3A_716 : i32 to index
        %get3A_718 = arith.constant 48 : index
        %get3A_719 = tpu.vector_load %arg6[%get3A_717, %get3A_718] {strides = array<i32>} : memref<256x128xf32, #tpu.memory_space<vmem>>, vector<1x16xf32>,
        %get3A_720 = vector.shape_cast %get3A_719 : vector<1x16xf32> to vector<16xf32>
        %swap3A_721 = arith.index_cast %add3A_681 : i32 to index
        %swap3A_722 = arith.constant 48 : index
        %swap3A_723 = tpu.vector_load %arg9[%swap3A_721, %swap3A_722] {strides = array<i32>} : memref<128x64xf32, #tpu.memory_space<vmem>>, vector<1x16xf32>,
        %swap3A_724 = vector.shape_cast %swap3A_723 : vector<1x16xf32> to vector<16xf32>
        %swap3A_725 = vector.shape_cast %get3A_720 : vector<16xf32> to vector<1x16xf32>
        tpu.vector_store %arg9[%swap3A_721, %swap3A_722], %swap3A_725 {strides = array<i32>} : memref<128x64xf32, #tpu.memory_space<vmem>>, vector<1x16xf32>,
        %add3A_726 = arith.constant 13 : i32
        %add3A_727 = arith.addi %mul3A_129, %add3A_726 : i32
        %add3A_728 = arith.constant 128 : i32
        %add3A_729 = arith.addi %add3A_728, %add3A_727 : i32
        %get3A_730 = arith.index_cast %add3A_729 : i32 to index
        %get3A_731 = arith.constant 0 : index
        %get3A_732 = tpu.vector_load %arg6[%get3A_730, %get3A_731] {strides = array<i32>} : memref<256x128xf32, #tpu.memory_space<vmem>>, vector<1x16xf32>,
        %get3A_733 = vector.shape_cast %get3A_732 : vector<1x16xf32> to vector<16xf32>
        %swap3A_734 = arith.index_cast %add3A_727 : i32 to index
        %swap3A_735 = arith.constant 0 : index
        %swap3A_736 = tpu.vector_load %arg9[%swap3A_734, %swap3A_735] {strides = array<i32>} : memref<128x64xf32, #tpu.memory_space<vmem>>, vector<1x16xf32>,
        %swap3A_737 = vector.shape_cast %swap3A_736 : vector<1x16xf32> to vector<16xf32>
        %swap3A_738 = vector.shape_cast %get3A_733 : vector<16xf32> to vector<1x16xf32>
        tpu.vector_store %arg9[%swap3A_734, %swap3A_735], %swap3A_738 {strides = array<i32>} : memref<128x64xf32, #tpu.memory_space<vmem>>, vector<1x16xf32>,
        %add3A_739 = arith.constant 128 : i32
        %add3A_740 = arith.addi %add3A_739, %add3A_727 : i32
        %get3A_741 = arith.index_cast %add3A_740 : i32 to index
        %get3A_742 = arith.constant 16 : index
        %get3A_743 = tpu.vector_load %arg6[%get3A_741, %get3A_742] {strides = array<i32>} : memref<256x128xf32, #tpu.memory_space<vmem>>, vector<1x16xf32>,
        %get3A_744 = vector.shape_cast %get3A_743 : vector<1x16xf32> to vector<16xf32>
        %swap3A_745 = arith.index_cast %add3A_727 : i32 to index
        %swap3A_746 = arith.constant 16 : index
        %swap3A_747 = tpu.vector_load %arg9[%swap3A_745, %swap3A_746] {strides = array<i32>} : memref<128x64xf32, #tpu.memory_space<vmem>>, vector<1x16xf32>,
        %swap3A_748 = vector.shape_cast %swap3A_747 : vector<1x16xf32> to vector<16xf32>
        %swap3A_749 = vector.shape_cast %get3A_744 : vector<16xf32> to vector<1x16xf32>
        tpu.vector_store %arg9[%swap3A_745, %swap3A_746], %swap3A_749 {strides = array<i32>} : memref<128x64xf32, #tpu.memory_space<vmem>>, vector<1x16xf32>,
        %add3A_750 = arith.constant 128 : i32
        %add3A_751 = arith.addi %add3A_750, %add3A_727 : i32
        %get3A_752 = arith.index_cast %add3A_751 : i32 to index
        %get3A_753 = arith.constant 32 : index
        %get3A_754 = tpu.vector_load %arg6[%get3A_752, %get3A_753] {strides = array<i32>} : memref<256x128xf32, #tpu.memory_space<vmem>>, vector<1x16xf32>,
        %get3A_755 = vector.shape_cast %get3A_754 : vector<1x16xf32> to vector<16xf32>
        %swap3A_756 = arith.index_cast %add3A_727 : i32 to index
        %swap3A_757 = arith.constant 32 : index
        %swap3A_758 = tpu.vector_load %arg9[%swap3A_756, %swap3A_757] {strides = array<i32>} : memref<128x64xf32, #tpu.memory_space<vmem>>, vector<1x16xf32>,
        %swap3A_759 = vector.shape_cast %swap3A_758 : vector<1x16xf32> to vector<16xf32>
        %swap3A_760 = vector.shape_cast %get3A_755 : vector<16xf32> to vector<1x16xf32>
        tpu.vector_store %arg9[%swap3A_756, %swap3A_757], %swap3A_760 {strides = array<i32>} : memref<128x64xf32, #tpu.memory_space<vmem>>, vector<1x16xf32>,
        %add3A_761 = arith.constant 128 : i32
        %add3A_762 = arith.addi %add3A_761, %add3A_727 : i32
        %get3A_763 = arith.index_cast %add3A_762 : i32 to index
        %get3A_764 = arith.constant 48 : index
        %get3A_765 = tpu.vector_load %arg6[%get3A_763, %get3A_764] {strides = array<i32>} : memref<256x128xf32, #tpu.memory_space<vmem>>, vector<1x16xf32>,
        %get3A_766 = vector.shape_cast %get3A_765 : vector<1x16xf32> to vector<16xf32>
        %swap3A_767 = arith.index_cast %add3A_727 : i32 to index
        %swap3A_768 = arith.constant 48 : index
        %swap3A_769 = tpu.vector_load %arg9[%swap3A_767, %swap3A_768] {strides = array<i32>} : memref<128x64xf32, #tpu.memory_space<vmem>>, vector<1x16xf32>,
        %swap3A_770 = vector.shape_cast %swap3A_769 : vector<1x16xf32> to vector<16xf32>
        %swap3A_771 = vector.shape_cast %get3A_766 : vector<16xf32> to vector<1x16xf32>
        tpu.vector_store %arg9[%swap3A_767, %swap3A_768], %swap3A_771 {strides = array<i32>} : memref<128x64xf32, #tpu.memory_space<vmem>>, vector<1x16xf32>,
        %add3A_772 = arith.constant 14 : i32
        %add3A_773 = arith.addi %mul3A_129, %add3A_772 : i32
        %add3A_774 = arith.constant 128 : i32
        %add3A_775 = arith.addi %add3A_774, %add3A_773 : i32
        %get3A_776 = arith.index_cast %add3A_775 : i32 to index
        %get3A_777 = arith.constant 0 : index
        %get3A_778 = tpu.vector_load %arg6[%get3A_776, %get3A_777] {strides = array<i32>} : memref<256x128xf32, #tpu.memory_space<vmem>>, vector<1x16xf32>,
        %get3A_779 = vector.shape_cast %get3A_778 : vector<1x16xf32> to vector<16xf32>
        %swap3A_780 = arith.index_cast %add3A_773 : i32 to index
        %swap3A_781 = arith.constant 0 : index
        %swap3A_782 = tpu.vector_load %arg9[%swap3A_780, %swap3A_781] {strides = array<i32>} : memref<128x64xf32, #tpu.memory_space<vmem>>, vector<1x16xf32>,
        %swap3A_783 = vector.shape_cast %swap3A_782 : vector<1x16xf32> to vector<16xf32>
        %swap3A_784 = vector.shape_cast %get3A_779 : vector<16xf32> to vector<1x16xf32>
        tpu.vector_store %arg9[%swap3A_780, %swap3A_781], %swap3A_784 {strides = array<i32>} : memref<128x64xf32, #tpu.memory_space<vmem>>, vector<1x16xf32>,
        %add3A_785 = arith.constant 128 : i32
        %add3A_786 = arith.addi %add3A_785, %add3A_773 : i32
        %get3A_787 = arith.index_cast %add3A_786 : i32 to index
        %get3A_788 = arith.constant 16 : index
        %get3A_789 = tpu.vector_load %arg6[%get3A_787, %get3A_788] {strides = array<i32>} : memref<256x128xf32, #tpu.memory_space<vmem>>, vector<1x16xf32>,
        %get3A_790 = vector.shape_cast %get3A_789 : vector<1x16xf32> to vector<16xf32>
        %swap3A_791 = arith.index_cast %add3A_773 : i32 to index
        %swap3A_792 = arith.constant 16 : index
        %swap3A_793 = tpu.vector_load %arg9[%swap3A_791, %swap3A_792] {strides = array<i32>} : memref<128x64xf32, #tpu.memory_space<vmem>>, vector<1x16xf32>,
        %swap3A_794 = vector.shape_cast %swap3A_793 : vector<1x16xf32> to vector<16xf32>
        %swap3A_795 = vector.shape_cast %get3A_790 : vector<16xf32> to vector<1x16xf32>
        tpu.vector_store %arg9[%swap3A_791, %swap3A_792], %swap3A_795 {strides = array<i32>} : memref<128x64xf32, #tpu.memory_space<vmem>>, vector<1x16xf32>,
        %add3A_796 = arith.constant 128 : i32
        %add3A_797 = arith.addi %add3A_796, %add3A_773 : i32
        %get3A_798 = arith.index_cast %add3A_797 : i32 to index
        %get3A_799 = arith.constant 32 : index
        %get3A_800 = tpu.vector_load %arg6[%get3A_798, %get3A_799] {strides = array<i32>} : memref<256x128xf32, #tpu.memory_space<vmem>>, vector<1x16xf32>,
        %get3A_801 = vector.shape_cast %get3A_800 : vector<1x16xf32> to vector<16xf32>
        %swap3A_802 = arith.index_cast %add3A_773 : i32 to index
        %swap3A_803 = arith.constant 32 : index
        %swap3A_804 = tpu.vector_load %arg9[%swap3A_802, %swap3A_803] {strides = array<i32>} : memref<128x64xf32, #tpu.memory_space<vmem>>, vector<1x16xf32>,
        %swap3A_805 = vector.shape_cast %swap3A_804 : vector<1x16xf32> to vector<16xf32>
        %swap3A_806 = vector.shape_cast %get3A_801 : vector<16xf32> to vector<1x16xf32>
        tpu.vector_store %arg9[%swap3A_802, %swap3A_803], %swap3A_806 {strides = array<i32>} : memref<128x64xf32, #tpu.memory_space<vmem>>, vector<1x16xf32>,
        %add3A_807 = arith.constant 128 : i32
        %add3A_808 = arith.addi %add3A_807, %add3A_773 : i32
        %get3A_809 = arith.index_cast %add3A_808 : i32 to index
        %get3A_810 = arith.constant 48 : index
        %get3A_811 = tpu.vector_load %arg6[%get3A_809, %get3A_810] {strides = array<i32>} : memref<256x128xf32, #tpu.memory_space<vmem>>, vector<1x16xf32>,
        %get3A_812 = vector.shape_cast %get3A_811 : vector<1x16xf32> to vector<16xf32>
        %swap3A_813 = arith.index_cast %add3A_773 : i32 to index
        %swap3A_814 = arith.constant 48 : index
        %swap3A_815 = tpu.vector_load %arg9[%swap3A_813, %swap3A_814] {strides = array<i32>} : memref<128x64xf32, #tpu.memory_space<vmem>>, vector<1x16xf32>,
        %swap3A_816 = vector.shape_cast %swap3A_815 : vector<1x16xf32> to vector<16xf32>
        %swap3A_817 = vector.shape_cast %get3A_812 : vector<16xf32> to vector<1x16xf32>
        tpu.vector_store %arg9[%swap3A_813, %swap3A_814], %swap3A_817 {strides = array<i32>} : memref<128x64xf32, #tpu.memory_space<vmem>>, vector<1x16xf32>,
        %add3A_818 = arith.constant 15 : i32
        %add3A_819 = arith.addi %mul3A_129, %add3A_818 : i32
        %add3A_820 = arith.constant 128 : i32
        %add3A_821 = arith.addi %add3A_820, %add3A_819 : i32
        %get3A_822 = arith.index_cast %add3A_821 : i32 to index
        %get3A_823 = arith.constant 0 : index
        %get3A_824 = tpu.vector_load %arg6[%get3A_822, %get3A_823] {strides = array<i32>} : memref<256x128xf32, #tpu.memory_space<vmem>>, vector<1x16xf32>,
        %get3A_825 = vector.shape_cast %get3A_824 : vector<1x16xf32> to vector<16xf32>
        %swap3A_826 = arith.index_cast %add3A_819 : i32 to index
        %swap3A_827 = arith.constant 0 : index
        %swap3A_828 = tpu.vector_load %arg9[%swap3A_826, %swap3A_827] {strides = array<i32>} : memref<128x64xf32, #tpu.memory_space<vmem>>, vector<1x16xf32>,
        %swap3A_829 = vector.shape_cast %swap3A_828 : vector<1x16xf32> to vector<16xf32>
        %swap3A_830 = vector.shape_cast %get3A_825 : vector<16xf32> to vector<1x16xf32>
        tpu.vector_store %arg9[%swap3A_826, %swap3A_827], %swap3A_830 {strides = array<i32>} : memref<128x64xf32, #tpu.memory_space<vmem>>, vector<1x16xf32>,
        %add3A_831 = arith.constant 128 : i32
        %add3A_832 = arith.addi %add3A_831, %add3A_819 : i32
        %get3A_833 = arith.index_cast %add3A_832 : i32 to index
        %get3A_834 = arith.constant 16 : index
        %get3A_835 = tpu.vector_load %arg6[%get3A_833, %get3A_834] {strides = array<i32>} : memref<256x128xf32, #tpu.memory_space<vmem>>, vector<1x16xf32>,
        %get3A_836 = vector.shape_cast %get3A_835 : vector<1x16xf32> to vector<16xf32>
        %swap3A_837 = arith.index_cast %add3A_819 : i32 to index
        %swap3A_838 = arith.constant 16 : index
        %swap3A_839 = tpu.vector_load %arg9[%swap3A_837, %swap3A_838] {strides = array<i32>} : memref<128x64xf32, #tpu.memory_space<vmem>>, vector<1x16xf32>,
        %swap3A_840 = vector.shape_cast %swap3A_839 : vector<1x16xf32> to vector<16xf32>
        %swap3A_841 = vector.shape_cast %get3A_836 : vector<16xf32> to vector<1x16xf32>
        tpu.vector_store %arg9[%swap3A_837, %swap3A_838], %swap3A_841 {strides = array<i32>} : memref<128x64xf32, #tpu.memory_space<vmem>>, vector<1x16xf32>,
        %add3A_842 = arith.constant 128 : i32
        %add3A_843 = arith.addi %add3A_842, %add3A_819 : i32
        %get3A_844 = arith.index_cast %add3A_843 : i32 to index
        %get3A_845 = arith.constant 32 : index
        %get3A_846 = tpu.vector_load %arg6[%get3A_844, %get3A_845] {strides = array<i32>} : memref<256x128xf32, #tpu.memory_space<vmem>>, vector<1x16xf32>,
        %get3A_847 = vector.shape_cast %get3A_846 : vector<1x16xf32> to vector<16xf32>
        %swap3A_848 = arith.index_cast %add3A_819 : i32 to index
        %swap3A_849 = arith.constant 32 : index
        %swap3A_850 = tpu.vector_load %arg9[%swap3A_848, %swap3A_849] {strides = array<i32>} : memref<128x64xf32, #tpu.memory_space<vmem>>, vector<1x16xf32>,
        %swap3A_851 = vector.shape_cast %swap3A_850 : vector<1x16xf32> to vector<16xf32>
        %swap3A_852 = vector.shape_cast %get3A_847 : vector<16xf32> to vector<1x16xf32>
        tpu.vector_store %arg9[%swap3A_848, %swap3A_849], %swap3A_852 {strides = array<i32>} : memref<128x64xf32, #tpu.memory_space<vmem>>, vector<1x16xf32>,
        %add3A_853 = arith.constant 128 : i32
        %add3A_854 = arith.addi %add3A_853, %add3A_819 : i32
        %get3A_855 = arith.index_cast %add3A_854 : i32 to index
        %get3A_856 = arith.constant 48 : index
        %get3A_857 = tpu.vector_load %arg6[%get3A_855, %get3A_856] {strides = array<i32>} : memref<256x128xf32, #tpu.memory_space<vmem>>, vector<1x16xf32>,
        %get3A_858 = vector.shape_cast %get3A_857 : vector<1x16xf32> to vector<16xf32>
        %swap3A_859 = arith.index_cast %add3A_819 : i32 to index
        %swap3A_860 = arith.constant 48 : index
        %swap3A_861 = tpu.vector_load %arg9[%swap3A_859, %swap3A_860] {strides = array<i32>} : memref<128x64xf32, #tpu.memory_space<vmem>>, vector<1x16xf32>,
        %swap3A_862 = vector.shape_cast %swap3A_861 : vector<1x16xf32> to vector<16xf32>
        %swap3A_863 = vector.shape_cast %get3A_858 : vector<16xf32> to vector<1x16xf32>
        tpu.vector_store %arg9[%swap3A_859, %swap3A_860], %swap3A_863 {strides = array<i32>} : memref<128x64xf32, #tpu.memory_space<vmem>>, vector<1x16xf32>,
      }
      %scan3A_61 = arith.constant 8 : i32
      %mul3A_62 = arith.constant 256 : i32
      %mul3A_63 = arith.muli %add3A_28, %mul3A_62 : i32
      %add3A_64 = arith.addi %mul3A_2, %mul3A_63 : i32
      %add3A_65 = arith.constant 128 : i32
      %add3A_66 = arith.addi %add3A_64, %add3A_65 : i32
      %dma_start3A_67 = arith.constant 0 : i32
      %dma_start3A_68 = tpu.memref_slice %arg4[%add3A_66, %dma_start3A_67] : memref<819200x64xf32, #tpu.memory_space<hbm>> -> memref<128x64xf32, #tpu.memory_space<hbm>>
      %dma_start3A_69 = arith.constant 0 : i32
      %dma_start3A_70 = tpu.memref_slice %arg4[%add3A_66, %dma_start3A_69] : memref<819200x64xf32, #tpu.memory_space<hbm>> -> memref<128x64xf32, #tpu.memory_space<hbm>>
      tpu.enqueue_dma source(%arg9 : memref<128x64xf32, #tpu.memory_space<vmem>>) target(%dma_start3A_70 : memref<128x64xf32, #tpu.memory_space<hbm>>) target_semaphore(%arg13 : memref<!tpu.dma_semaphore, #tpu.memory_space<semaphore_mem>>)
      %lt3A = arith.constant 49 : i32
      %lt3A_71 = arith.cmpi slt, %scan3A_24, %lt3A : i32
      %convert_element_type3A_72 = arith.extui %lt3A_71 : i1 to i32
      %cond3A_73 = arith.constant 0 : i32
      %cond3A_74 = arith.cmpi ne, %convert_element_type3A_72, %cond3A_73 : i32
      scf.if %cond3A_74 {
        %add3A_127 = arith.constant 2 : i32
        %add3A_128 = arith.addi %add3A_28, %add3A_127 : i32
        %mul3A_129 = arith.constant 256 : i32
        %mul3A_130 = arith.muli %add3A_128, %mul3A_129 : i32
        %dma_start3A_131 = tpu.memref_slice %arg5[%mul3A_130] : memref<25600xi32, #tpu.memory_space<vmem>> -> memref<256xi32, #tpu.memory_space<vmem>>
        %dma_start3A_132 = arith.constant 0 : i32
        %dma_start3A_133 = arith.constant 0 : i32
        %dma_start3A_134 = tpu.memref_slice %arg2[%dma_start3A_132, %dma_start3A_133] : memref<1000000x128xf32, #tpu.memory_space<hbm>> -> memref<1000000x128xf32, #tpu.memory_space<hbm>>
        tpu.enqueue_indirect_dma source(%dma_start3A_134 : memref<1000000x128xf32, #tpu.memory_space<hbm>>) target(%arg6 : memref<256x128xf32, #tpu.memory_space<vmem>>) offsets(%dma_start3A_131 : memref<256xi32, #tpu.memory_space<vmem>>) semaphore(%arg10 : memref<!tpu.dma_semaphore, #tpu.memory_space<semaphore_mem>>)
      } else {
      }
      %mul3A_75 = arith.constant 2 : i32
      %mul3A_76 = arith.muli %mul3A_75, %scan3A_24 : i32
      %add3A_77 = arith.constant 1 : i32
      %add3A_78 = arith.addi %mul3A_76, %add3A_77 : i32
      %dma_wait3A_79 = arith.constant 0 : i32
      %dma_wait3A_80 = tpu.memref_slice %arg5[%dma_wait3A_79] : memref<25600xi32, #tpu.memory_space<vmem>> -> memref<256xi32, #tpu.memory_space<vmem>>
      %dma_wait3A_81 = arith.constant 0 : i32
      %dma_wait3A_82 = arith.constant 0 : i32
      %dma_wait3A_83 = tpu.memref_slice %arg2[%dma_wait3A_81, %dma_wait3A_82] : memref<1000000x128xf32, #tpu.memory_space<hbm>> -> memref<1000000x128xf32, #tpu.memory_space<hbm>>
      tpu.wait_indirect_dma semaphore(%arg11 : memref<!tpu.dma_semaphore, #tpu.memory_space<semaphore_mem>>) src(%dma_wait3A_83 : memref<1000000x128xf32, #tpu.memory_space<hbm>>) dst(%arg7 : memref<256x128xf32, #tpu.memory_space<vmem>>)
      %dma_wait3A_84 = arith.constant 0 : i32
      %dma_wait3A_85 = tpu.memref_slice %arg4[%mul3A_2, %dma_wait3A_84] : memref<819200x64xf32, #tpu.memory_space<hbm>> -> memref<128x64xf32, #tpu.memory_space<hbm>>
      %dma_wait3A_86 = arith.constant 0 : i32
      %dma_wait3A_87 = tpu.memref_slice %arg4[%mul3A_2, %dma_wait3A_86] : memref<819200x64xf32, #tpu.memory_space<hbm>> -> memref<128x64xf32, #tpu.memory_space<hbm>>
      tpu.wait_dma2 semaphore(%arg12 : memref<!tpu.dma_semaphore, #tpu.memory_space<semaphore_mem>>) src(%arg8 : memref<128x64xf32, #tpu.memory_space<vmem>>) dst(%dma_wait3A_87 : memref<128x64xf32, #tpu.memory_space<hbm>>)
      %scan3A_88 = arith.constant 0 : i32
      %scan3A_89 = arith.constant 0 : i32
      %scan3A_90 = arith.constant 8 : i32
      %scan3A_91 = arith.addi %scan3A_89, %scan3A_90 : i32
      %scan3A_92 = arith.constant 1 : i32
      scf.for %scan3A_127 = %scan3A_89 to %scan3A_91 step %scan3A_92  : i32 {
        %mul3A_128 = arith.constant 16 : i32
        %mul3A_129 = arith.muli %scan3A_127, %mul3A_128 : i32
        %add3A_130 = arith.constant 0 : i32
        %add3A_131 = arith.addi %mul3A_129, %add3A_130 : i32
        %add3A_132 = arith.constant 0 : i32
        %add3A_133 = arith.addi %add3A_132, %add3A_131 : i32
        %get3A = arith.index_cast %add3A_133 : i32 to index
        %get3A_134 = arith.constant 0 : index
        %get3A_135 = tpu.vector_load %arg7[%get3A, %get3A_134] {strides = array<i32>} : memref<256x128xf32, #tpu.memory_space<vmem>>, vector<1x16xf32>,
        %get3A_136 = vector.shape_cast %get3A_135 : vector<1x16xf32> to vector<16xf32>
        %swap3A = arith.index_cast %add3A_131 : i32 to index
        %swap3A_137 = arith.constant 0 : index
        %swap3A_138 = tpu.vector_load %arg8[%swap3A, %swap3A_137] {strides = array<i32>} : memref<128x64xf32, #tpu.memory_space<vmem>>, vector<1x16xf32>,
        %swap3A_139 = vector.shape_cast %swap3A_138 : vector<1x16xf32> to vector<16xf32>
        %swap3A_140 = vector.shape_cast %get3A_136 : vector<16xf32> to vector<1x16xf32>
        tpu.vector_store %arg8[%swap3A, %swap3A_137], %swap3A_140 {strides = array<i32>} : memref<128x64xf32, #tpu.memory_space<vmem>>, vector<1x16xf32>,
        %add3A_141 = arith.constant 0 : i32
        %add3A_142 = arith.addi %add3A_141, %add3A_131 : i32
        %get3A_143 = arith.index_cast %add3A_142 : i32 to index
        %get3A_144 = arith.constant 16 : index
        %get3A_145 = tpu.vector_load %arg7[%get3A_143, %get3A_144] {strides = array<i32>} : memref<256x128xf32, #tpu.memory_space<vmem>>, vector<1x16xf32>,
        %get3A_146 = vector.shape_cast %get3A_145 : vector<1x16xf32> to vector<16xf32>
        %swap3A_147 = arith.index_cast %add3A_131 : i32 to index
        %swap3A_148 = arith.constant 16 : index
        %swap3A_149 = tpu.vector_load %arg8[%swap3A_147, %swap3A_148] {strides = array<i32>} : memref<128x64xf32, #tpu.memory_space<vmem>>, vector<1x16xf32>,
        %swap3A_150 = vector.shape_cast %swap3A_149 : vector<1x16xf32> to vector<16xf32>
        %swap3A_151 = vector.shape_cast %get3A_146 : vector<16xf32> to vector<1x16xf32>
        tpu.vector_store %arg8[%swap3A_147, %swap3A_148], %swap3A_151 {strides = array<i32>} : memref<128x64xf32, #tpu.memory_space<vmem>>, vector<1x16xf32>,
        %add3A_152 = arith.constant 0 : i32
        %add3A_153 = arith.addi %add3A_152, %add3A_131 : i32
        %get3A_154 = arith.index_cast %add3A_153 : i32 to index
        %get3A_155 = arith.constant 32 : index
        %get3A_156 = tpu.vector_load %arg7[%get3A_154, %get3A_155] {strides = array<i32>} : memref<256x128xf32, #tpu.memory_space<vmem>>, vector<1x16xf32>,
        %get3A_157 = vector.shape_cast %get3A_156 : vector<1x16xf32> to vector<16xf32>
        %swap3A_158 = arith.index_cast %add3A_131 : i32 to index
        %swap3A_159 = arith.constant 32 : index
        %swap3A_160 = tpu.vector_load %arg8[%swap3A_158, %swap3A_159] {strides = array<i32>} : memref<128x64xf32, #tpu.memory_space<vmem>>, vector<1x16xf32>,
        %swap3A_161 = vector.shape_cast %swap3A_160 : vector<1x16xf32> to vector<16xf32>
        %swap3A_162 = vector.shape_cast %get3A_157 : vector<16xf32> to vector<1x16xf32>
        tpu.vector_store %arg8[%swap3A_158, %swap3A_159], %swap3A_162 {strides = array<i32>} : memref<128x64xf32, #tpu.memory_space<vmem>>, vector<1x16xf32>,
        %add3A_163 = arith.constant 0 : i32
        %add3A_164 = arith.addi %add3A_163, %add3A_131 : i32
        %get3A_165 = arith.index_cast %add3A_164 : i32 to index
        %get3A_166 = arith.constant 48 : index
        %get3A_167 = tpu.vector_load %arg7[%get3A_165, %get3A_166] {strides = array<i32>} : memref<256x128xf32, #tpu.memory_space<vmem>>, vector<1x16xf32>,
        %get3A_168 = vector.shape_cast %get3A_167 : vector<1x16xf32> to vector<16xf32>
        %swap3A_169 = arith.index_cast %add3A_131 : i32 to index
        %swap3A_170 = arith.constant 48 : index
        %swap3A_171 = tpu.vector_load %arg8[%swap3A_169, %swap3A_170] {strides = array<i32>} : memref<128x64xf32, #tpu.memory_space<vmem>>, vector<1x16xf32>,
        %swap3A_172 = vector.shape_cast %swap3A_171 : vector<1x16xf32> to vector<16xf32>
        %swap3A_173 = vector.shape_cast %get3A_168 : vector<16xf32> to vector<1x16xf32>
        tpu.vector_store %arg8[%swap3A_169, %swap3A_170], %swap3A_173 {strides = array<i32>} : memref<128x64xf32, #tpu.memory_space<vmem>>, vector<1x16xf32>,
        %add3A_174 = arith.constant 1 : i32
        %add3A_175 = arith.addi %mul3A_129, %add3A_174 : i32
        %add3A_176 = arith.constant 0 : i32
        %add3A_177 = arith.addi %add3A_176, %add3A_175 : i32
        %get3A_178 = arith.index_cast %add3A_177 : i32 to index
        %get3A_179 = arith.constant 0 : index
        %get3A_180 = tpu.vector_load %arg7[%get3A_178, %get3A_179] {strides = array<i32>} : memref<256x128xf32, #tpu.memory_space<vmem>>, vector<1x16xf32>,
        %get3A_181 = vector.shape_cast %get3A_180 : vector<1x16xf32> to vector<16xf32>
        %swap3A_182 = arith.index_cast %add3A_175 : i32 to index
        %swap3A_183 = arith.constant 0 : index
        %swap3A_184 = tpu.vector_load %arg8[%swap3A_182, %swap3A_183] {strides = array<i32>} : memref<128x64xf32, #tpu.memory_space<vmem>>, vector<1x16xf32>,
        %swap3A_185 = vector.shape_cast %swap3A_184 : vector<1x16xf32> to vector<16xf32>
        %swap3A_186 = vector.shape_cast %get3A_181 : vector<16xf32> to vector<1x16xf32>
        tpu.vector_store %arg8[%swap3A_182, %swap3A_183], %swap3A_186 {strides = array<i32>} : memref<128x64xf32, #tpu.memory_space<vmem>>, vector<1x16xf32>,
        %add3A_187 = arith.constant 0 : i32
        %add3A_188 = arith.addi %add3A_187, %add3A_175 : i32
        %get3A_189 = arith.index_cast %add3A_188 : i32 to index
        %get3A_190 = arith.constant 16 : index
        %get3A_191 = tpu.vector_load %arg7[%get3A_189, %get3A_190] {strides = array<i32>} : memref<256x128xf32, #tpu.memory_space<vmem>>, vector<1x16xf32>,
        %get3A_192 = vector.shape_cast %get3A_191 : vector<1x16xf32> to vector<16xf32>
        %swap3A_193 = arith.index_cast %add3A_175 : i32 to index
        %swap3A_194 = arith.constant 16 : index
        %swap3A_195 = tpu.vector_load %arg8[%swap3A_193, %swap3A_194] {strides = array<i32>} : memref<128x64xf32, #tpu.memory_space<vmem>>, vector<1x16xf32>,
        %swap3A_196 = vector.shape_cast %swap3A_195 : vector<1x16xf32> to vector<16xf32>
        %swap3A_197 = vector.shape_cast %get3A_192 : vector<16xf32> to vector<1x16xf32>
        tpu.vector_store %arg8[%swap3A_193, %swap3A_194], %swap3A_197 {strides = array<i32>} : memref<128x64xf32, #tpu.memory_space<vmem>>, vector<1x16xf32>,
        %add3A_198 = arith.constant 0 : i32
        %add3A_199 = arith.addi %add3A_198, %add3A_175 : i32
        %get3A_200 = arith.index_cast %add3A_199 : i32 to index
        %get3A_201 = arith.constant 32 : index
        %get3A_202 = tpu.vector_load %arg7[%get3A_200, %get3A_201] {strides = array<i32>} : memref<256x128xf32, #tpu.memory_space<vmem>>, vector<1x16xf32>,
        %get3A_203 = vector.shape_cast %get3A_202 : vector<1x16xf32> to vector<16xf32>
        %swap3A_204 = arith.index_cast %add3A_175 : i32 to index
        %swap3A_205 = arith.constant 32 : index
        %swap3A_206 = tpu.vector_load %arg8[%swap3A_204, %swap3A_205] {strides = array<i32>} : memref<128x64xf32, #tpu.memory_space<vmem>>, vector<1x16xf32>,
        %swap3A_207 = vector.shape_cast %swap3A_206 : vector<1x16xf32> to vector<16xf32>
        %swap3A_208 = vector.shape_cast %get3A_203 : vector<16xf32> to vector<1x16xf32>
        tpu.vector_store %arg8[%swap3A_204, %swap3A_205], %swap3A_208 {strides = array<i32>} : memref<128x64xf32, #tpu.memory_space<vmem>>, vector<1x16xf32>,
        %add3A_209 = arith.constant 0 : i32
        %add3A_210 = arith.addi %add3A_209, %add3A_175 : i32
        %get3A_211 = arith.index_cast %add3A_210 : i32 to index
        %get3A_212 = arith.constant 48 : index
        %get3A_213 = tpu.vector_load %arg7[%get3A_211, %get3A_212] {strides = array<i32>} : memref<256x128xf32, #tpu.memory_space<vmem>>, vector<1x16xf32>,
        %get3A_214 = vector.shape_cast %get3A_213 : vector<1x16xf32> to vector<16xf32>
        %swap3A_215 = arith.index_cast %add3A_175 : i32 to index
        %swap3A_216 = arith.constant 48 : index
        %swap3A_217 = tpu.vector_load %arg8[%swap3A_215, %swap3A_216] {strides = array<i32>} : memref<128x64xf32, #tpu.memory_space<vmem>>, vector<1x16xf32>,
        %swap3A_218 = vector.shape_cast %swap3A_217 : vector<1x16xf32> to vector<16xf32>
        %swap3A_219 = vector.shape_cast %get3A_214 : vector<16xf32> to vector<1x16xf32>
        tpu.vector_store %arg8[%swap3A_215, %swap3A_216], %swap3A_219 {strides = array<i32>} : memref<128x64xf32, #tpu.memory_space<vmem>>, vector<1x16xf32>,
        %add3A_220 = arith.constant 2 : i32
        %add3A_221 = arith.addi %mul3A_129, %add3A_220 : i32
        %add3A_222 = arith.constant 0 : i32
        %add3A_223 = arith.addi %add3A_222, %add3A_221 : i32
        %get3A_224 = arith.index_cast %add3A_223 : i32 to index
        %get3A_225 = arith.constant 0 : index
        %get3A_226 = tpu.vector_load %arg7[%get3A_224, %get3A_225] {strides = array<i32>} : memref<256x128xf32, #tpu.memory_space<vmem>>, vector<1x16xf32>,
        %get3A_227 = vector.shape_cast %get3A_226 : vector<1x16xf32> to vector<16xf32>
        %swap3A_228 = arith.index_cast %add3A_221 : i32 to index
        %swap3A_229 = arith.constant 0 : index
        %swap3A_230 = tpu.vector_load %arg8[%swap3A_228, %swap3A_229] {strides = array<i32>} : memref<128x64xf32, #tpu.memory_space<vmem>>, vector<1x16xf32>,
        %swap3A_231 = vector.shape_cast %swap3A_230 : vector<1x16xf32> to vector<16xf32>
        %swap3A_232 = vector.shape_cast %get3A_227 : vector<16xf32> to vector<1x16xf32>
        tpu.vector_store %arg8[%swap3A_228, %swap3A_229], %swap3A_232 {strides = array<i32>} : memref<128x64xf32, #tpu.memory_space<vmem>>, vector<1x16xf32>,
        %add3A_233 = arith.constant 0 : i32
        %add3A_234 = arith.addi %add3A_233, %add3A_221 : i32
        %get3A_235 = arith.index_cast %add3A_234 : i32 to index
        %get3A_236 = arith.constant 16 : index
        %get3A_237 = tpu.vector_load %arg7[%get3A_235, %get3A_236] {strides = array<i32>} : memref<256x128xf32, #tpu.memory_space<vmem>>, vector<1x16xf32>,
        %get3A_238 = vector.shape_cast %get3A_237 : vector<1x16xf32> to vector<16xf32>
        %swap3A_239 = arith.index_cast %add3A_221 : i32 to index
        %swap3A_240 = arith.constant 16 : index
        %swap3A_241 = tpu.vector_load %arg8[%swap3A_239, %swap3A_240] {strides = array<i32>} : memref<128x64xf32, #tpu.memory_space<vmem>>, vector<1x16xf32>,
        %swap3A_242 = vector.shape_cast %swap3A_241 : vector<1x16xf32> to vector<16xf32>
        %swap3A_243 = vector.shape_cast %get3A_238 : vector<16xf32> to vector<1x16xf32>
        tpu.vector_store %arg8[%swap3A_239, %swap3A_240], %swap3A_243 {strides = array<i32>} : memref<128x64xf32, #tpu.memory_space<vmem>>, vector<1x16xf32>,
        %add3A_244 = arith.constant 0 : i32
        %add3A_245 = arith.addi %add3A_244, %add3A_221 : i32
        %get3A_246 = arith.index_cast %add3A_245 : i32 to index
        %get3A_247 = arith.constant 32 : index
        %get3A_248 = tpu.vector_load %arg7[%get3A_246, %get3A_247] {strides = array<i32>} : memref<256x128xf32, #tpu.memory_space<vmem>>, vector<1x16xf32>,
        %get3A_249 = vector.shape_cast %get3A_248 : vector<1x16xf32> to vector<16xf32>
        %swap3A_250 = arith.index_cast %add3A_221 : i32 to index
        %swap3A_251 = arith.constant 32 : index
        %swap3A_252 = tpu.vector_load %arg8[%swap3A_250, %swap3A_251] {strides = array<i32>} : memref<128x64xf32, #tpu.memory_space<vmem>>, vector<1x16xf32>,
        %swap3A_253 = vector.shape_cast %swap3A_252 : vector<1x16xf32> to vector<16xf32>
        %swap3A_254 = vector.shape_cast %get3A_249 : vector<16xf32> to vector<1x16xf32>
        tpu.vector_store %arg8[%swap3A_250, %swap3A_251], %swap3A_254 {strides = array<i32>} : memref<128x64xf32, #tpu.memory_space<vmem>>, vector<1x16xf32>,
        %add3A_255 = arith.constant 0 : i32
        %add3A_256 = arith.addi %add3A_255, %add3A_221 : i32
        %get3A_257 = arith.index_cast %add3A_256 : i32 to index
        %get3A_258 = arith.constant 48 : index
        %get3A_259 = tpu.vector_load %arg7[%get3A_257, %get3A_258] {strides = array<i32>} : memref<256x128xf32, #tpu.memory_space<vmem>>, vector<1x16xf32>,
        %get3A_260 = vector.shape_cast %get3A_259 : vector<1x16xf32> to vector<16xf32>
        %swap3A_261 = arith.index_cast %add3A_221 : i32 to index
        %swap3A_262 = arith.constant 48 : index
        %swap3A_263 = tpu.vector_load %arg8[%swap3A_261, %swap3A_262] {strides = array<i32>} : memref<128x64xf32, #tpu.memory_space<vmem>>, vector<1x16xf32>,
        %swap3A_264 = vector.shape_cast %swap3A_263 : vector<1x16xf32> to vector<16xf32>
        %swap3A_265 = vector.shape_cast %get3A_260 : vector<16xf32> to vector<1x16xf32>
        tpu.vector_store %arg8[%swap3A_261, %swap3A_262], %swap3A_265 {strides = array<i32>} : memref<128x64xf32, #tpu.memory_space<vmem>>, vector<1x16xf32>,
        %add3A_266 = arith.constant 3 : i32
        %add3A_267 = arith.addi %mul3A_129, %add3A_266 : i32
        %add3A_268 = arith.constant 0 : i32
        %add3A_269 = arith.addi %add3A_268, %add3A_267 : i32
        %get3A_270 = arith.index_cast %add3A_269 : i32 to index
        %get3A_271 = arith.constant 0 : index
        %get3A_272 = tpu.vector_load %arg7[%get3A_270, %get3A_271] {strides = array<i32>} : memref<256x128xf32, #tpu.memory_space<vmem>>, vector<1x16xf32>,
        %get3A_273 = vector.shape_cast %get3A_272 : vector<1x16xf32> to vector<16xf32>
        %swap3A_274 = arith.index_cast %add3A_267 : i32 to index
        %swap3A_275 = arith.constant 0 : index
        %swap3A_276 = tpu.vector_load %arg8[%swap3A_274, %swap3A_275] {strides = array<i32>} : memref<128x64xf32, #tpu.memory_space<vmem>>, vector<1x16xf32>,
        %swap3A_277 = vector.shape_cast %swap3A_276 : vector<1x16xf32> to vector<16xf32>
        %swap3A_278 = vector.shape_cast %get3A_273 : vector<16xf32> to vector<1x16xf32>
        tpu.vector_store %arg8[%swap3A_274, %swap3A_275], %swap3A_278 {strides = array<i32>} : memref<128x64xf32, #tpu.memory_space<vmem>>, vector<1x16xf32>,
        %add3A_279 = arith.constant 0 : i32
        %add3A_280 = arith.addi %add3A_279, %add3A_267 : i32
        %get3A_281 = arith.index_cast %add3A_280 : i32 to index
        %get3A_282 = arith.constant 16 : index
        %get3A_283 = tpu.vector_load %arg7[%get3A_281, %get3A_282] {strides = array<i32>} : memref<256x128xf32, #tpu.memory_space<vmem>>, vector<1x16xf32>,
        %get3A_284 = vector.shape_cast %get3A_283 : vector<1x16xf32> to vector<16xf32>
        %swap3A_285 = arith.index_cast %add3A_267 : i32 to index
        %swap3A_286 = arith.constant 16 : index
        %swap3A_287 = tpu.vector_load %arg8[%swap3A_285, %swap3A_286] {strides = array<i32>} : memref<128x64xf32, #tpu.memory_space<vmem>>, vector<1x16xf32>,
        %swap3A_288 = vector.shape_cast %swap3A_287 : vector<1x16xf32> to vector<16xf32>
        %swap3A_289 = vector.shape_cast %get3A_284 : vector<16xf32> to vector<1x16xf32>
        tpu.vector_store %arg8[%swap3A_285, %swap3A_286], %swap3A_289 {strides = array<i32>} : memref<128x64xf32, #tpu.memory_space<vmem>>, vector<1x16xf32>,
        %add3A_290 = arith.constant 0 : i32
        %add3A_291 = arith.addi %add3A_290, %add3A_267 : i32
        %get3A_292 = arith.index_cast %add3A_291 : i32 to index
        %get3A_293 = arith.constant 32 : index
        %get3A_294 = tpu.vector_load %arg7[%get3A_292, %get3A_293] {strides = array<i32>} : memref<256x128xf32, #tpu.memory_space<vmem>>, vector<1x16xf32>,
        %get3A_295 = vector.shape_cast %get3A_294 : vector<1x16xf32> to vector<16xf32>
        %swap3A_296 = arith.index_cast %add3A_267 : i32 to index
        %swap3A_297 = arith.constant 32 : index
        %swap3A_298 = tpu.vector_load %arg8[%swap3A_296, %swap3A_297] {strides = array<i32>} : memref<128x64xf32, #tpu.memory_space<vmem>>, vector<1x16xf32>,
        %swap3A_299 = vector.shape_cast %swap3A_298 : vector<1x16xf32> to vector<16xf32>
        %swap3A_300 = vector.shape_cast %get3A_295 : vector<16xf32> to vector<1x16xf32>
        tpu.vector_store %arg8[%swap3A_296, %swap3A_297], %swap3A_300 {strides = array<i32>} : memref<128x64xf32, #tpu.memory_space<vmem>>, vector<1x16xf32>,
        %add3A_301 = arith.constant 0 : i32
        %add3A_302 = arith.addi %add3A_301, %add3A_267 : i32
        %get3A_303 = arith.index_cast %add3A_302 : i32 to index
        %get3A_304 = arith.constant 48 : index
        %get3A_305 = tpu.vector_load %arg7[%get3A_303, %get3A_304] {strides = array<i32>} : memref<256x128xf32, #tpu.memory_space<vmem>>, vector<1x16xf32>,
        %get3A_306 = vector.shape_cast %get3A_305 : vector<1x16xf32> to vector<16xf32>
        %swap3A_307 = arith.index_cast %add3A_267 : i32 to index
        %swap3A_308 = arith.constant 48 : index
        %swap3A_309 = tpu.vector_load %arg8[%swap3A_307, %swap3A_308] {strides = array<i32>} : memref<128x64xf32, #tpu.memory_space<vmem>>, vector<1x16xf32>,
        %swap3A_310 = vector.shape_cast %swap3A_309 : vector<1x16xf32> to vector<16xf32>
        %swap3A_311 = vector.shape_cast %get3A_306 : vector<16xf32> to vector<1x16xf32>
        tpu.vector_store %arg8[%swap3A_307, %swap3A_308], %swap3A_311 {strides = array<i32>} : memref<128x64xf32, #tpu.memory_space<vmem>>, vector<1x16xf32>,
        %add3A_312 = arith.constant 4 : i32
        %add3A_313 = arith.addi %mul3A_129, %add3A_312 : i32
        %add3A_314 = arith.constant 0 : i32
        %add3A_315 = arith.addi %add3A_314, %add3A_313 : i32
        %get3A_316 = arith.index_cast %add3A_315 : i32 to index
        %get3A_317 = arith.constant 0 : index
        %get3A_318 = tpu.vector_load %arg7[%get3A_316, %get3A_317] {strides = array<i32>} : memref<256x128xf32, #tpu.memory_space<vmem>>, vector<1x16xf32>,
        %get3A_319 = vector.shape_cast %get3A_318 : vector<1x16xf32> to vector<16xf32>
        %swap3A_320 = arith.index_cast %add3A_313 : i32 to index
        %swap3A_321 = arith.constant 0 : index
        %swap3A_322 = tpu.vector_load %arg8[%swap3A_320, %swap3A_321] {strides = array<i32>} : memref<128x64xf32, #tpu.memory_space<vmem>>, vector<1x16xf32>,
        %swap3A_323 = vector.shape_cast %swap3A_322 : vector<1x16xf32> to vector<16xf32>
        %swap3A_324 = vector.shape_cast %get3A_319 : vector<16xf32> to vector<1x16xf32>
        tpu.vector_store %arg8[%swap3A_320, %swap3A_321], %swap3A_324 {strides = array<i32>} : memref<128x64xf32, #tpu.memory_space<vmem>>, vector<1x16xf32>,
        %add3A_325 = arith.constant 0 : i32
        %add3A_326 = arith.addi %add3A_325, %add3A_313 : i32
        %get3A_327 = arith.index_cast %add3A_326 : i32 to index
        %get3A_328 = arith.constant 16 : index
        %get3A_329 = tpu.vector_load %arg7[%get3A_327, %get3A_328] {strides = array<i32>} : memref<256x128xf32, #tpu.memory_space<vmem>>, vector<1x16xf32>,
        %get3A_330 = vector.shape_cast %get3A_329 : vector<1x16xf32> to vector<16xf32>
        %swap3A_331 = arith.index_cast %add3A_313 : i32 to index
        %swap3A_332 = arith.constant 16 : index
        %swap3A_333 = tpu.vector_load %arg8[%swap3A_331, %swap3A_332] {strides = array<i32>} : memref<128x64xf32, #tpu.memory_space<vmem>>, vector<1x16xf32>,
        %swap3A_334 = vector.shape_cast %swap3A_333 : vector<1x16xf32> to vector<16xf32>
        %swap3A_335 = vector.shape_cast %get3A_330 : vector<16xf32> to vector<1x16xf32>
        tpu.vector_store %arg8[%swap3A_331, %swap3A_332], %swap3A_335 {strides = array<i32>} : memref<128x64xf32, #tpu.memory_space<vmem>>, vector<1x16xf32>,
        %add3A_336 = arith.constant 0 : i32
        %add3A_337 = arith.addi %add3A_336, %add3A_313 : i32
        %get3A_338 = arith.index_cast %add3A_337 : i32 to index
        %get3A_339 = arith.constant 32 : index
        %get3A_340 = tpu.vector_load %arg7[%get3A_338, %get3A_339] {strides = array<i32>} : memref<256x128xf32, #tpu.memory_space<vmem>>, vector<1x16xf32>,
        %get3A_341 = vector.shape_cast %get3A_340 : vector<1x16xf32> to vector<16xf32>
        %swap3A_342 = arith.index_cast %add3A_313 : i32 to index
        %swap3A_343 = arith.constant 32 : index
        %swap3A_344 = tpu.vector_load %arg8[%swap3A_342, %swap3A_343] {strides = array<i32>} : memref<128x64xf32, #tpu.memory_space<vmem>>, vector<1x16xf32>,
        %swap3A_345 = vector.shape_cast %swap3A_344 : vector<1x16xf32> to vector<16xf32>
        %swap3A_346 = vector.shape_cast %get3A_341 : vector<16xf32> to vector<1x16xf32>
        tpu.vector_store %arg8[%swap3A_342, %swap3A_343], %swap3A_346 {strides = array<i32>} : memref<128x64xf32, #tpu.memory_space<vmem>>, vector<1x16xf32>,
        %add3A_347 = arith.constant 0 : i32
        %add3A_348 = arith.addi %add3A_347, %add3A_313 : i32
        %get3A_349 = arith.index_cast %add3A_348 : i32 to index
        %get3A_350 = arith.constant 48 : index
        %get3A_351 = tpu.vector_load %arg7[%get3A_349, %get3A_350] {strides = array<i32>} : memref<256x128xf32, #tpu.memory_space<vmem>>, vector<1x16xf32>,
        %get3A_352 = vector.shape_cast %get3A_351 : vector<1x16xf32> to vector<16xf32>
        %swap3A_353 = arith.index_cast %add3A_313 : i32 to index
        %swap3A_354 = arith.constant 48 : index
        %swap3A_355 = tpu.vector_load %arg8[%swap3A_353, %swap3A_354] {strides = array<i32>} : memref<128x64xf32, #tpu.memory_space<vmem>>, vector<1x16xf32>,
        %swap3A_356 = vector.shape_cast %swap3A_355 : vector<1x16xf32> to vector<16xf32>
        %swap3A_357 = vector.shape_cast %get3A_352 : vector<16xf32> to vector<1x16xf32>
        tpu.vector_store %arg8[%swap3A_353, %swap3A_354], %swap3A_357 {strides = array<i32>} : memref<128x64xf32, #tpu.memory_space<vmem>>, vector<1x16xf32>,
        %add3A_358 = arith.constant 5 : i32
        %add3A_359 = arith.addi %mul3A_129, %add3A_358 : i32
        %add3A_360 = arith.constant 0 : i32
        %add3A_361 = arith.addi %add3A_360, %add3A_359 : i32
        %get3A_362 = arith.index_cast %add3A_361 : i32 to index
        %get3A_363 = arith.constant 0 : index
        %get3A_364 = tpu.vector_load %arg7[%get3A_362, %get3A_363] {strides = array<i32>} : memref<256x128xf32, #tpu.memory_space<vmem>>, vector<1x16xf32>,
        %get3A_365 = vector.shape_cast %get3A_364 : vector<1x16xf32> to vector<16xf32>
        %swap3A_366 = arith.index_cast %add3A_359 : i32 to index
        %swap3A_367 = arith.constant 0 : index
        %swap3A_368 = tpu.vector_load %arg8[%swap3A_366, %swap3A_367] {strides = array<i32>} : memref<128x64xf32, #tpu.memory_space<vmem>>, vector<1x16xf32>,
        %swap3A_369 = vector.shape_cast %swap3A_368 : vector<1x16xf32> to vector<16xf32>
        %swap3A_370 = vector.shape_cast %get3A_365 : vector<16xf32> to vector<1x16xf32>
        tpu.vector_store %arg8[%swap3A_366, %swap3A_367], %swap3A_370 {strides = array<i32>} : memref<128x64xf32, #tpu.memory_space<vmem>>, vector<1x16xf32>,
        %add3A_371 = arith.constant 0 : i32
        %add3A_372 = arith.addi %add3A_371, %add3A_359 : i32
        %get3A_373 = arith.index_cast %add3A_372 : i32 to index
        %get3A_374 = arith.constant 16 : index
        %get3A_375 = tpu.vector_load %arg7[%get3A_373, %get3A_374] {strides = array<i32>} : memref<256x128xf32, #tpu.memory_space<vmem>>, vector<1x16xf32>,
        %get3A_376 = vector.shape_cast %get3A_375 : vector<1x16xf32> to vector<16xf32>
        %swap3A_377 = arith.index_cast %add3A_359 : i32 to index
        %swap3A_378 = arith.constant 16 : index
        %swap3A_379 = tpu.vector_load %arg8[%swap3A_377, %swap3A_378] {strides = array<i32>} : memref<128x64xf32, #tpu.memory_space<vmem>>, vector<1x16xf32>,
        %swap3A_380 = vector.shape_cast %swap3A_379 : vector<1x16xf32> to vector<16xf32>
        %swap3A_381 = vector.shape_cast %get3A_376 : vector<16xf32> to vector<1x16xf32>
        tpu.vector_store %arg8[%swap3A_377, %swap3A_378], %swap3A_381 {strides = array<i32>} : memref<128x64xf32, #tpu.memory_space<vmem>>, vector<1x16xf32>,
        %add3A_382 = arith.constant 0 : i32
        %add3A_383 = arith.addi %add3A_382, %add3A_359 : i32
        %get3A_384 = arith.index_cast %add3A_383 : i32 to index
        %get3A_385 = arith.constant 32 : index
        %get3A_386 = tpu.vector_load %arg7[%get3A_384, %get3A_385] {strides = array<i32>} : memref<256x128xf32, #tpu.memory_space<vmem>>, vector<1x16xf32>,
        %get3A_387 = vector.shape_cast %get3A_386 : vector<1x16xf32> to vector<16xf32>
        %swap3A_388 = arith.index_cast %add3A_359 : i32 to index
        %swap3A_389 = arith.constant 32 : index
        %swap3A_390 = tpu.vector_load %arg8[%swap3A_388, %swap3A_389] {strides = array<i32>} : memref<128x64xf32, #tpu.memory_space<vmem>>, vector<1x16xf32>,
        %swap3A_391 = vector.shape_cast %swap3A_390 : vector<1x16xf32> to vector<16xf32>
        %swap3A_392 = vector.shape_cast %get3A_387 : vector<16xf32> to vector<1x16xf32>
        tpu.vector_store %arg8[%swap3A_388, %swap3A_389], %swap3A_392 {strides = array<i32>} : memref<128x64xf32, #tpu.memory_space<vmem>>, vector<1x16xf32>,
        %add3A_393 = arith.constant 0 : i32
        %add3A_394 = arith.addi %add3A_393, %add3A_359 : i32
        %get3A_395 = arith.index_cast %add3A_394 : i32 to index
        %get3A_396 = arith.constant 48 : index
        %get3A_397 = tpu.vector_load %arg7[%get3A_395, %get3A_396] {strides = array<i32>} : memref<256x128xf32, #tpu.memory_space<vmem>>, vector<1x16xf32>,
        %get3A_398 = vector.shape_cast %get3A_397 : vector<1x16xf32> to vector<16xf32>
        %swap3A_399 = arith.index_cast %add3A_359 : i32 to index
        %swap3A_400 = arith.constant 48 : index
        %swap3A_401 = tpu.vector_load %arg8[%swap3A_399, %swap3A_400] {strides = array<i32>} : memref<128x64xf32, #tpu.memory_space<vmem>>, vector<1x16xf32>,
        %swap3A_402 = vector.shape_cast %swap3A_401 : vector<1x16xf32> to vector<16xf32>
        %swap3A_403 = vector.shape_cast %get3A_398 : vector<16xf32> to vector<1x16xf32>
        tpu.vector_store %arg8[%swap3A_399, %swap3A_400], %swap3A_403 {strides = array<i32>} : memref<128x64xf32, #tpu.memory_space<vmem>>, vector<1x16xf32>,
        %add3A_404 = arith.constant 6 : i32
        %add3A_405 = arith.addi %mul3A_129, %add3A_404 : i32
        %add3A_406 = arith.constant 0 : i32
        %add3A_407 = arith.addi %add3A_406, %add3A_405 : i32
        %get3A_408 = arith.index_cast %add3A_407 : i32 to index
        %get3A_409 = arith.constant 0 : index
        %get3A_410 = tpu.vector_load %arg7[%get3A_408, %get3A_409] {strides = array<i32>} : memref<256x128xf32, #tpu.memory_space<vmem>>, vector<1x16xf32>,
        %get3A_411 = vector.shape_cast %get3A_410 : vector<1x16xf32> to vector<16xf32>
        %swap3A_412 = arith.index_cast %add3A_405 : i32 to index
        %swap3A_413 = arith.constant 0 : index
        %swap3A_414 = tpu.vector_load %arg8[%swap3A_412, %swap3A_413] {strides = array<i32>} : memref<128x64xf32, #tpu.memory_space<vmem>>, vector<1x16xf32>,
        %swap3A_415 = vector.shape_cast %swap3A_414 : vector<1x16xf32> to vector<16xf32>
        %swap3A_416 = vector.shape_cast %get3A_411 : vector<16xf32> to vector<1x16xf32>
        tpu.vector_store %arg8[%swap3A_412, %swap3A_413], %swap3A_416 {strides = array<i32>} : memref<128x64xf32, #tpu.memory_space<vmem>>, vector<1x16xf32>,
        %add3A_417 = arith.constant 0 : i32
        %add3A_418 = arith.addi %add3A_417, %add3A_405 : i32
        %get3A_419 = arith.index_cast %add3A_418 : i32 to index
        %get3A_420 = arith.constant 16 : index
        %get3A_421 = tpu.vector_load %arg7[%get3A_419, %get3A_420] {strides = array<i32>} : memref<256x128xf32, #tpu.memory_space<vmem>>, vector<1x16xf32>,
        %get3A_422 = vector.shape_cast %get3A_421 : vector<1x16xf32> to vector<16xf32>
        %swap3A_423 = arith.index_cast %add3A_405 : i32 to index
        %swap3A_424 = arith.constant 16 : index
        %swap3A_425 = tpu.vector_load %arg8[%swap3A_423, %swap3A_424] {strides = array<i32>} : memref<128x64xf32, #tpu.memory_space<vmem>>, vector<1x16xf32>,
        %swap3A_426 = vector.shape_cast %swap3A_425 : vector<1x16xf32> to vector<16xf32>
        %swap3A_427 = vector.shape_cast %get3A_422 : vector<16xf32> to vector<1x16xf32>
        tpu.vector_store %arg8[%swap3A_423, %swap3A_424], %swap3A_427 {strides = array<i32>} : memref<128x64xf32, #tpu.memory_space<vmem>>, vector<1x16xf32>,
        %add3A_428 = arith.constant 0 : i32
        %add3A_429 = arith.addi %add3A_428, %add3A_405 : i32
        %get3A_430 = arith.index_cast %add3A_429 : i32 to index
        %get3A_431 = arith.constant 32 : index
        %get3A_432 = tpu.vector_load %arg7[%get3A_430, %get3A_431] {strides = array<i32>} : memref<256x128xf32, #tpu.memory_space<vmem>>, vector<1x16xf32>,
        %get3A_433 = vector.shape_cast %get3A_432 : vector<1x16xf32> to vector<16xf32>
        %swap3A_434 = arith.index_cast %add3A_405 : i32 to index
        %swap3A_435 = arith.constant 32 : index
        %swap3A_436 = tpu.vector_load %arg8[%swap3A_434, %swap3A_435] {strides = array<i32>} : memref<128x64xf32, #tpu.memory_space<vmem>>, vector<1x16xf32>,
        %swap3A_437 = vector.shape_cast %swap3A_436 : vector<1x16xf32> to vector<16xf32>
        %swap3A_438 = vector.shape_cast %get3A_433 : vector<16xf32> to vector<1x16xf32>
        tpu.vector_store %arg8[%swap3A_434, %swap3A_435], %swap3A_438 {strides = array<i32>} : memref<128x64xf32, #tpu.memory_space<vmem>>, vector<1x16xf32>,
        %add3A_439 = arith.constant 0 : i32
        %add3A_440 = arith.addi %add3A_439, %add3A_405 : i32
        %get3A_441 = arith.index_cast %add3A_440 : i32 to index
        %get3A_442 = arith.constant 48 : index
        %get3A_443 = tpu.vector_load %arg7[%get3A_441, %get3A_442] {strides = array<i32>} : memref<256x128xf32, #tpu.memory_space<vmem>>, vector<1x16xf32>,
        %get3A_444 = vector.shape_cast %get3A_443 : vector<1x16xf32> to vector<16xf32>
        %swap3A_445 = arith.index_cast %add3A_405 : i32 to index
        %swap3A_446 = arith.constant 48 : index
        %swap3A_447 = tpu.vector_load %arg8[%swap3A_445, %swap3A_446] {strides = array<i32>} : memref<128x64xf32, #tpu.memory_space<vmem>>, vector<1x16xf32>,
        %swap3A_448 = vector.shape_cast %swap3A_447 : vector<1x16xf32> to vector<16xf32>
        %swap3A_449 = vector.shape_cast %get3A_444 : vector<16xf32> to vector<1x16xf32>
        tpu.vector_store %arg8[%swap3A_445, %swap3A_446], %swap3A_449 {strides = array<i32>} : memref<128x64xf32, #tpu.memory_space<vmem>>, vector<1x16xf32>,
        %add3A_450 = arith.constant 7 : i32
        %add3A_451 = arith.addi %mul3A_129, %add3A_450 : i32
        %add3A_452 = arith.constant 0 : i32
        %add3A_453 = arith.addi %add3A_452, %add3A_451 : i32
        %get3A_454 = arith.index_cast %add3A_453 : i32 to index
        %get3A_455 = arith.constant 0 : index
        %get3A_456 = tpu.vector_load %arg7[%get3A_454, %get3A_455] {strides = array<i32>} : memref<256x128xf32, #tpu.memory_space<vmem>>, vector<1x16xf32>,
        %get3A_457 = vector.shape_cast %get3A_456 : vector<1x16xf32> to vector<16xf32>
        %swap3A_458 = arith.index_cast %add3A_451 : i32 to index
        %swap3A_459 = arith.constant 0 : index
        %swap3A_460 = tpu.vector_load %arg8[%swap3A_458, %swap3A_459] {strides = array<i32>} : memref<128x64xf32, #tpu.memory_space<vmem>>, vector<1x16xf32>,
        %swap3A_461 = vector.shape_cast %swap3A_460 : vector<1x16xf32> to vector<16xf32>
        %swap3A_462 = vector.shape_cast %get3A_457 : vector<16xf32> to vector<1x16xf32>
        tpu.vector_store %arg8[%swap3A_458, %swap3A_459], %swap3A_462 {strides = array<i32>} : memref<128x64xf32, #tpu.memory_space<vmem>>, vector<1x16xf32>,
        %add3A_463 = arith.constant 0 : i32
        %add3A_464 = arith.addi %add3A_463, %add3A_451 : i32
        %get3A_465 = arith.index_cast %add3A_464 : i32 to index
        %get3A_466 = arith.constant 16 : index
        %get3A_467 = tpu.vector_load %arg7[%get3A_465, %get3A_466] {strides = array<i32>} : memref<256x128xf32, #tpu.memory_space<vmem>>, vector<1x16xf32>,
        %get3A_468 = vector.shape_cast %get3A_467 : vector<1x16xf32> to vector<16xf32>
        %swap3A_469 = arith.index_cast %add3A_451 : i32 to index
        %swap3A_470 = arith.constant 16 : index
        %swap3A_471 = tpu.vector_load %arg8[%swap3A_469, %swap3A_470] {strides = array<i32>} : memref<128x64xf32, #tpu.memory_space<vmem>>, vector<1x16xf32>,
        %swap3A_472 = vector.shape_cast %swap3A_471 : vector<1x16xf32> to vector<16xf32>
        %swap3A_473 = vector.shape_cast %get3A_468 : vector<16xf32> to vector<1x16xf32>
        tpu.vector_store %arg8[%swap3A_469, %swap3A_470], %swap3A_473 {strides = array<i32>} : memref<128x64xf32, #tpu.memory_space<vmem>>, vector<1x16xf32>,
        %add3A_474 = arith.constant 0 : i32
        %add3A_475 = arith.addi %add3A_474, %add3A_451 : i32
        %get3A_476 = arith.index_cast %add3A_475 : i32 to index
        %get3A_477 = arith.constant 32 : index
        %get3A_478 = tpu.vector_load %arg7[%get3A_476, %get3A_477] {strides = array<i32>} : memref<256x128xf32, #tpu.memory_space<vmem>>, vector<1x16xf32>,
        %get3A_479 = vector.shape_cast %get3A_478 : vector<1x16xf32> to vector<16xf32>
        %swap3A_480 = arith.index_cast %add3A_451 : i32 to index
        %swap3A_481 = arith.constant 32 : index
        %swap3A_482 = tpu.vector_load %arg8[%swap3A_480, %swap3A_481] {strides = array<i32>} : memref<128x64xf32, #tpu.memory_space<vmem>>, vector<1x16xf32>,
        %swap3A_483 = vector.shape_cast %swap3A_482 : vector<1x16xf32> to vector<16xf32>
        %swap3A_484 = vector.shape_cast %get3A_479 : vector<16xf32> to vector<1x16xf32>
        tpu.vector_store %arg8[%swap3A_480, %swap3A_481], %swap3A_484 {strides = array<i32>} : memref<128x64xf32, #tpu.memory_space<vmem>>, vector<1x16xf32>,
        %add3A_485 = arith.constant 0 : i32
        %add3A_486 = arith.addi %add3A_485, %add3A_451 : i32
        %get3A_487 = arith.index_cast %add3A_486 : i32 to index
        %get3A_488 = arith.constant 48 : index
        %get3A_489 = tpu.vector_load %arg7[%get3A_487, %get3A_488] {strides = array<i32>} : memref<256x128xf32, #tpu.memory_space<vmem>>, vector<1x16xf32>,
        %get3A_490 = vector.shape_cast %get3A_489 : vector<1x16xf32> to vector<16xf32>
        %swap3A_491 = arith.index_cast %add3A_451 : i32 to index
        %swap3A_492 = arith.constant 48 : index
        %swap3A_493 = tpu.vector_load %arg8[%swap3A_491, %swap3A_492] {strides = array<i32>} : memref<128x64xf32, #tpu.memory_space<vmem>>, vector<1x16xf32>,
        %swap3A_494 = vector.shape_cast %swap3A_493 : vector<1x16xf32> to vector<16xf32>
        %swap3A_495 = vector.shape_cast %get3A_490 : vector<16xf32> to vector<1x16xf32>
        tpu.vector_store %arg8[%swap3A_491, %swap3A_492], %swap3A_495 {strides = array<i32>} : memref<128x64xf32, #tpu.memory_space<vmem>>, vector<1x16xf32>,
        %add3A_496 = arith.constant 8 : i32
        %add3A_497 = arith.addi %mul3A_129, %add3A_496 : i32
        %add3A_498 = arith.constant 0 : i32
        %add3A_499 = arith.addi %add3A_498, %add3A_497 : i32
        %get3A_500 = arith.index_cast %add3A_499 : i32 to index
        %get3A_501 = arith.constant 0 : index
        %get3A_502 = tpu.vector_load %arg7[%get3A_500, %get3A_501] {strides = array<i32>} : memref<256x128xf32, #tpu.memory_space<vmem>>, vector<1x16xf32>,
        %get3A_503 = vector.shape_cast %get3A_502 : vector<1x16xf32> to vector<16xf32>
        %swap3A_504 = arith.index_cast %add3A_497 : i32 to index
        %swap3A_505 = arith.constant 0 : index
        %swap3A_506 = tpu.vector_load %arg8[%swap3A_504, %swap3A_505] {strides = array<i32>} : memref<128x64xf32, #tpu.memory_space<vmem>>, vector<1x16xf32>,
        %swap3A_507 = vector.shape_cast %swap3A_506 : vector<1x16xf32> to vector<16xf32>
        %swap3A_508 = vector.shape_cast %get3A_503 : vector<16xf32> to vector<1x16xf32>
        tpu.vector_store %arg8[%swap3A_504, %swap3A_505], %swap3A_508 {strides = array<i32>} : memref<128x64xf32, #tpu.memory_space<vmem>>, vector<1x16xf32>,
        %add3A_509 = arith.constant 0 : i32
        %add3A_510 = arith.addi %add3A_509, %add3A_497 : i32
        %get3A_511 = arith.index_cast %add3A_510 : i32 to index
        %get3A_512 = arith.constant 16 : index
        %get3A_513 = tpu.vector_load %arg7[%get3A_511, %get3A_512] {strides = array<i32>} : memref<256x128xf32, #tpu.memory_space<vmem>>, vector<1x16xf32>,
        %get3A_514 = vector.shape_cast %get3A_513 : vector<1x16xf32> to vector<16xf32>
        %swap3A_515 = arith.index_cast %add3A_497 : i32 to index
        %swap3A_516 = arith.constant 16 : index
        %swap3A_517 = tpu.vector_load %arg8[%swap3A_515, %swap3A_516] {strides = array<i32>} : memref<128x64xf32, #tpu.memory_space<vmem>>, vector<1x16xf32>,
        %swap3A_518 = vector.shape_cast %swap3A_517 : vector<1x16xf32> to vector<16xf32>
        %swap3A_519 = vector.shape_cast %get3A_514 : vector<16xf32> to vector<1x16xf32>
        tpu.vector_store %arg8[%swap3A_515, %swap3A_516], %swap3A_519 {strides = array<i32>} : memref<128x64xf32, #tpu.memory_space<vmem>>, vector<1x16xf32>,
        %add3A_520 = arith.constant 0 : i32
        %add3A_521 = arith.addi %add3A_520, %add3A_497 : i32
        %get3A_522 = arith.index_cast %add3A_521 : i32 to index
        %get3A_523 = arith.constant 32 : index
        %get3A_524 = tpu.vector_load %arg7[%get3A_522, %get3A_523] {strides = array<i32>} : memref<256x128xf32, #tpu.memory_space<vmem>>, vector<1x16xf32>,
        %get3A_525 = vector.shape_cast %get3A_524 : vector<1x16xf32> to vector<16xf32>
        %swap3A_526 = arith.index_cast %add3A_497 : i32 to index
        %swap3A_527 = arith.constant 32 : index
        %swap3A_528 = tpu.vector_load %arg8[%swap3A_526, %swap3A_527] {strides = array<i32>} : memref<128x64xf32, #tpu.memory_space<vmem>>, vector<1x16xf32>,
        %swap3A_529 = vector.shape_cast %swap3A_528 : vector<1x16xf32> to vector<16xf32>
        %swap3A_530 = vector.shape_cast %get3A_525 : vector<16xf32> to vector<1x16xf32>
        tpu.vector_store %arg8[%swap3A_526, %swap3A_527], %swap3A_530 {strides = array<i32>} : memref<128x64xf32, #tpu.memory_space<vmem>>, vector<1x16xf32>,
        %add3A_531 = arith.constant 0 : i32
        %add3A_532 = arith.addi %add3A_531, %add3A_497 : i32
        %get3A_533 = arith.index_cast %add3A_532 : i32 to index
        %get3A_534 = arith.constant 48 : index
        %get3A_535 = tpu.vector_load %arg7[%get3A_533, %get3A_534] {strides = array<i32>} : memref<256x128xf32, #tpu.memory_space<vmem>>, vector<1x16xf32>,
        %get3A_536 = vector.shape_cast %get3A_535 : vector<1x16xf32> to vector<16xf32>
        %swap3A_537 = arith.index_cast %add3A_497 : i32 to index
        %swap3A_538 = arith.constant 48 : index
        %swap3A_539 = tpu.vector_load %arg8[%swap3A_537, %swap3A_538] {strides = array<i32>} : memref<128x64xf32, #tpu.memory_space<vmem>>, vector<1x16xf32>,
        %swap3A_540 = vector.shape_cast %swap3A_539 : vector<1x16xf32> to vector<16xf32>
        %swap3A_541 = vector.shape_cast %get3A_536 : vector<16xf32> to vector<1x16xf32>
        tpu.vector_store %arg8[%swap3A_537, %swap3A_538], %swap3A_541 {strides = array<i32>} : memref<128x64xf32, #tpu.memory_space<vmem>>, vector<1x16xf32>,
        %add3A_542 = arith.constant 9 : i32
        %add3A_543 = arith.addi %mul3A_129, %add3A_542 : i32
        %add3A_544 = arith.constant 0 : i32
        %add3A_545 = arith.addi %add3A_544, %add3A_543 : i32
        %get3A_546 = arith.index_cast %add3A_545 : i32 to index
        %get3A_547 = arith.constant 0 : index
        %get3A_548 = tpu.vector_load %arg7[%get3A_546, %get3A_547] {strides = array<i32>} : memref<256x128xf32, #tpu.memory_space<vmem>>, vector<1x16xf32>,
        %get3A_549 = vector.shape_cast %get3A_548 : vector<1x16xf32> to vector<16xf32>
        %swap3A_550 = arith.index_cast %add3A_543 : i32 to index
        %swap3A_551 = arith.constant 0 : index
        %swap3A_552 = tpu.vector_load %arg8[%swap3A_550, %swap3A_551] {strides = array<i32>} : memref<128x64xf32, #tpu.memory_space<vmem>>, vector<1x16xf32>,
        %swap3A_553 = vector.shape_cast %swap3A_552 : vector<1x16xf32> to vector<16xf32>
        %swap3A_554 = vector.shape_cast %get3A_549 : vector<16xf32> to vector<1x16xf32>
        tpu.vector_store %arg8[%swap3A_550, %swap3A_551], %swap3A_554 {strides = array<i32>} : memref<128x64xf32, #tpu.memory_space<vmem>>, vector<1x16xf32>,
        %add3A_555 = arith.constant 0 : i32
        %add3A_556 = arith.addi %add3A_555, %add3A_543 : i32
        %get3A_557 = arith.index_cast %add3A_556 : i32 to index
        %get3A_558 = arith.constant 16 : index
        %get3A_559 = tpu.vector_load %arg7[%get3A_557, %get3A_558] {strides = array<i32>} : memref<256x128xf32, #tpu.memory_space<vmem>>, vector<1x16xf32>,
        %get3A_560 = vector.shape_cast %get3A_559 : vector<1x16xf32> to vector<16xf32>
        %swap3A_561 = arith.index_cast %add3A_543 : i32 to index
        %swap3A_562 = arith.constant 16 : index
        %swap3A_563 = tpu.vector_load %arg8[%swap3A_561, %swap3A_562] {strides = array<i32>} : memref<128x64xf32, #tpu.memory_space<vmem>>, vector<1x16xf32>,
        %swap3A_564 = vector.shape_cast %swap3A_563 : vector<1x16xf32> to vector<16xf32>
        %swap3A_565 = vector.shape_cast %get3A_560 : vector<16xf32> to vector<1x16xf32>
        tpu.vector_store %arg8[%swap3A_561, %swap3A_562], %swap3A_565 {strides = array<i32>} : memref<128x64xf32, #tpu.memory_space<vmem>>, vector<1x16xf32>,
        %add3A_566 = arith.constant 0 : i32
        %add3A_567 = arith.addi %add3A_566, %add3A_543 : i32
        %get3A_568 = arith.index_cast %add3A_567 : i32 to index
        %get3A_569 = arith.constant 32 : index
        %get3A_570 = tpu.vector_load %arg7[%get3A_568, %get3A_569] {strides = array<i32>} : memref<256x128xf32, #tpu.memory_space<vmem>>, vector<1x16xf32>,
        %get3A_571 = vector.shape_cast %get3A_570 : vector<1x16xf32> to vector<16xf32>
        %swap3A_572 = arith.index_cast %add3A_543 : i32 to index
        %swap3A_573 = arith.constant 32 : index
        %swap3A_574 = tpu.vector_load %arg8[%swap3A_572, %swap3A_573] {strides = array<i32>} : memref<128x64xf32, #tpu.memory_space<vmem>>, vector<1x16xf32>,
        %swap3A_575 = vector.shape_cast %swap3A_574 : vector<1x16xf32> to vector<16xf32>
        %swap3A_576 = vector.shape_cast %get3A_571 : vector<16xf32> to vector<1x16xf32>
        tpu.vector_store %arg8[%swap3A_572, %swap3A_573], %swap3A_576 {strides = array<i32>} : memref<128x64xf32, #tpu.memory_space<vmem>>, vector<1x16xf32>,
        %add3A_577 = arith.constant 0 : i32
        %add3A_578 = arith.addi %add3A_577, %add3A_543 : i32
        %get3A_579 = arith.index_cast %add3A_578 : i32 to index
        %get3A_580 = arith.constant 48 : index
        %get3A_581 = tpu.vector_load %arg7[%get3A_579, %get3A_580] {strides = array<i32>} : memref<256x128xf32, #tpu.memory_space<vmem>>, vector<1x16xf32>,
        %get3A_582 = vector.shape_cast %get3A_581 : vector<1x16xf32> to vector<16xf32>
        %swap3A_583 = arith.index_cast %add3A_543 : i32 to index
        %swap3A_584 = arith.constant 48 : index
        %swap3A_585 = tpu.vector_load %arg8[%swap3A_583, %swap3A_584] {strides = array<i32>} : memref<128x64xf32, #tpu.memory_space<vmem>>, vector<1x16xf32>,
        %swap3A_586 = vector.shape_cast %swap3A_585 : vector<1x16xf32> to vector<16xf32>
        %swap3A_587 = vector.shape_cast %get3A_582 : vector<16xf32> to vector<1x16xf32>
        tpu.vector_store %arg8[%swap3A_583, %swap3A_584], %swap3A_587 {strides = array<i32>} : memref<128x64xf32, #tpu.memory_space<vmem>>, vector<1x16xf32>,
        %add3A_588 = arith.constant 10 : i32
        %add3A_589 = arith.addi %mul3A_129, %add3A_588 : i32
        %add3A_590 = arith.constant 0 : i32
        %add3A_591 = arith.addi %add3A_590, %add3A_589 : i32
        %get3A_592 = arith.index_cast %add3A_591 : i32 to index
        %get3A_593 = arith.constant 0 : index
        %get3A_594 = tpu.vector_load %arg7[%get3A_592, %get3A_593] {strides = array<i32>} : memref<256x128xf32, #tpu.memory_space<vmem>>, vector<1x16xf32>,
        %get3A_595 = vector.shape_cast %get3A_594 : vector<1x16xf32> to vector<16xf32>
        %swap3A_596 = arith.index_cast %add3A_589 : i32 to index
        %swap3A_597 = arith.constant 0 : index
        %swap3A_598 = tpu.vector_load %arg8[%swap3A_596, %swap3A_597] {strides = array<i32>} : memref<128x64xf32, #tpu.memory_space<vmem>>, vector<1x16xf32>,
        %swap3A_599 = vector.shape_cast %swap3A_598 : vector<1x16xf32> to vector<16xf32>
        %swap3A_600 = vector.shape_cast %get3A_595 : vector<16xf32> to vector<1x16xf32>
        tpu.vector_store %arg8[%swap3A_596, %swap3A_597], %swap3A_600 {strides = array<i32>} : memref<128x64xf32, #tpu.memory_space<vmem>>, vector<1x16xf32>,
        %add3A_601 = arith.constant 0 : i32
        %add3A_602 = arith.addi %add3A_601, %add3A_589 : i32
        %get3A_603 = arith.index_cast %add3A_602 : i32 to index
        %get3A_604 = arith.constant 16 : index
        %get3A_605 = tpu.vector_load %arg7[%get3A_603, %get3A_604] {strides = array<i32>} : memref<256x128xf32, #tpu.memory_space<vmem>>, vector<1x16xf32>,
        %get3A_606 = vector.shape_cast %get3A_605 : vector<1x16xf32> to vector<16xf32>
        %swap3A_607 = arith.index_cast %add3A_589 : i32 to index
        %swap3A_608 = arith.constant 16 : index
        %swap3A_609 = tpu.vector_load %arg8[%swap3A_607, %swap3A_608] {strides = array<i32>} : memref<128x64xf32, #tpu.memory_space<vmem>>, vector<1x16xf32>,
        %swap3A_610 = vector.shape_cast %swap3A_609 : vector<1x16xf32> to vector<16xf32>
        %swap3A_611 = vector.shape_cast %get3A_606 : vector<16xf32> to vector<1x16xf32>
        tpu.vector_store %arg8[%swap3A_607, %swap3A_608], %swap3A_611 {strides = array<i32>} : memref<128x64xf32, #tpu.memory_space<vmem>>, vector<1x16xf32>,
        %add3A_612 = arith.constant 0 : i32
        %add3A_613 = arith.addi %add3A_612, %add3A_589 : i32
        %get3A_614 = arith.index_cast %add3A_613 : i32 to index
        %get3A_615 = arith.constant 32 : index
        %get3A_616 = tpu.vector_load %arg7[%get3A_614, %get3A_615] {strides = array<i32>} : memref<256x128xf32, #tpu.memory_space<vmem>>, vector<1x16xf32>,
        %get3A_617 = vector.shape_cast %get3A_616 : vector<1x16xf32> to vector<16xf32>
        %swap3A_618 = arith.index_cast %add3A_589 : i32 to index
        %swap3A_619 = arith.constant 32 : index
        %swap3A_620 = tpu.vector_load %arg8[%swap3A_618, %swap3A_619] {strides = array<i32>} : memref<128x64xf32, #tpu.memory_space<vmem>>, vector<1x16xf32>,
        %swap3A_621 = vector.shape_cast %swap3A_620 : vector<1x16xf32> to vector<16xf32>
        %swap3A_622 = vector.shape_cast %get3A_617 : vector<16xf32> to vector<1x16xf32>
        tpu.vector_store %arg8[%swap3A_618, %swap3A_619], %swap3A_622 {strides = array<i32>} : memref<128x64xf32, #tpu.memory_space<vmem>>, vector<1x16xf32>,
        %add3A_623 = arith.constant 0 : i32
        %add3A_624 = arith.addi %add3A_623, %add3A_589 : i32
        %get3A_625 = arith.index_cast %add3A_624 : i32 to index
        %get3A_626 = arith.constant 48 : index
        %get3A_627 = tpu.vector_load %arg7[%get3A_625, %get3A_626] {strides = array<i32>} : memref<256x128xf32, #tpu.memory_space<vmem>>, vector<1x16xf32>,
        %get3A_628 = vector.shape_cast %get3A_627 : vector<1x16xf32> to vector<16xf32>
        %swap3A_629 = arith.index_cast %add3A_589 : i32 to index
        %swap3A_630 = arith.constant 48 : index
        %swap3A_631 = tpu.vector_load %arg8[%swap3A_629, %swap3A_630] {strides = array<i32>} : memref<128x64xf32, #tpu.memory_space<vmem>>, vector<1x16xf32>,
        %swap3A_632 = vector.shape_cast %swap3A_631 : vector<1x16xf32> to vector<16xf32>
        %swap3A_633 = vector.shape_cast %get3A_628 : vector<16xf32> to vector<1x16xf32>
        tpu.vector_store %arg8[%swap3A_629, %swap3A_630], %swap3A_633 {strides = array<i32>} : memref<128x64xf32, #tpu.memory_space<vmem>>, vector<1x16xf32>,
        %add3A_634 = arith.constant 11 : i32
        %add3A_635 = arith.addi %mul3A_129, %add3A_634 : i32
        %add3A_636 = arith.constant 0 : i32
        %add3A_637 = arith.addi %add3A_636, %add3A_635 : i32
        %get3A_638 = arith.index_cast %add3A_637 : i32 to index
        %get3A_639 = arith.constant 0 : index
        %get3A_640 = tpu.vector_load %arg7[%get3A_638, %get3A_639] {strides = array<i32>} : memref<256x128xf32, #tpu.memory_space<vmem>>, vector<1x16xf32>,
        %get3A_641 = vector.shape_cast %get3A_640 : vector<1x16xf32> to vector<16xf32>
        %swap3A_642 = arith.index_cast %add3A_635 : i32 to index
        %swap3A_643 = arith.constant 0 : index
        %swap3A_644 = tpu.vector_load %arg8[%swap3A_642, %swap3A_643] {strides = array<i32>} : memref<128x64xf32, #tpu.memory_space<vmem>>, vector<1x16xf32>,
        %swap3A_645 = vector.shape_cast %swap3A_644 : vector<1x16xf32> to vector<16xf32>
        %swap3A_646 = vector.shape_cast %get3A_641 : vector<16xf32> to vector<1x16xf32>
        tpu.vector_store %arg8[%swap3A_642, %swap3A_643], %swap3A_646 {strides = array<i32>} : memref<128x64xf32, #tpu.memory_space<vmem>>, vector<1x16xf32>,
        %add3A_647 = arith.constant 0 : i32
        %add3A_648 = arith.addi %add3A_647, %add3A_635 : i32
        %get3A_649 = arith.index_cast %add3A_648 : i32 to index
        %get3A_650 = arith.constant 16 : index
        %get3A_651 = tpu.vector_load %arg7[%get3A_649, %get3A_650] {strides = array<i32>} : memref<256x128xf32, #tpu.memory_space<vmem>>, vector<1x16xf32>,
        %get3A_652 = vector.shape_cast %get3A_651 : vector<1x16xf32> to vector<16xf32>
        %swap3A_653 = arith.index_cast %add3A_635 : i32 to index
        %swap3A_654 = arith.constant 16 : index
        %swap3A_655 = tpu.vector_load %arg8[%swap3A_653, %swap3A_654] {strides = array<i32>} : memref<128x64xf32, #tpu.memory_space<vmem>>, vector<1x16xf32>,
        %swap3A_656 = vector.shape_cast %swap3A_655 : vector<1x16xf32> to vector<16xf32>
        %swap3A_657 = vector.shape_cast %get3A_652 : vector<16xf32> to vector<1x16xf32>
        tpu.vector_store %arg8[%swap3A_653, %swap3A_654], %swap3A_657 {strides = array<i32>} : memref<128x64xf32, #tpu.memory_space<vmem>>, vector<1x16xf32>,
        %add3A_658 = arith.constant 0 : i32
        %add3A_659 = arith.addi %add3A_658, %add3A_635 : i32
        %get3A_660 = arith.index_cast %add3A_659 : i32 to index
        %get3A_661 = arith.constant 32 : index
        %get3A_662 = tpu.vector_load %arg7[%get3A_660, %get3A_661] {strides = array<i32>} : memref<256x128xf32, #tpu.memory_space<vmem>>, vector<1x16xf32>,
        %get3A_663 = vector.shape_cast %get3A_662 : vector<1x16xf32> to vector<16xf32>
        %swap3A_664 = arith.index_cast %add3A_635 : i32 to index
        %swap3A_665 = arith.constant 32 : index
        %swap3A_666 = tpu.vector_load %arg8[%swap3A_664, %swap3A_665] {strides = array<i32>} : memref<128x64xf32, #tpu.memory_space<vmem>>, vector<1x16xf32>,
        %swap3A_667 = vector.shape_cast %swap3A_666 : vector<1x16xf32> to vector<16xf32>
        %swap3A_668 = vector.shape_cast %get3A_663 : vector<16xf32> to vector<1x16xf32>
        tpu.vector_store %arg8[%swap3A_664, %swap3A_665], %swap3A_668 {strides = array<i32>} : memref<128x64xf32, #tpu.memory_space<vmem>>, vector<1x16xf32>,
        %add3A_669 = arith.constant 0 : i32
        %add3A_670 = arith.addi %add3A_669, %add3A_635 : i32
        %get3A_671 = arith.index_cast %add3A_670 : i32 to index
        %get3A_672 = arith.constant 48 : index
        %get3A_673 = tpu.vector_load %arg7[%get3A_671, %get3A_672] {strides = array<i32>} : memref<256x128xf32, #tpu.memory_space<vmem>>, vector<1x16xf32>,
        %get3A_674 = vector.shape_cast %get3A_673 : vector<1x16xf32> to vector<16xf32>
        %swap3A_675 = arith.index_cast %add3A_635 : i32 to index
        %swap3A_676 = arith.constant 48 : index
        %swap3A_677 = tpu.vector_load %arg8[%swap3A_675, %swap3A_676] {strides = array<i32>} : memref<128x64xf32, #tpu.memory_space<vmem>>, vector<1x16xf32>,
        %swap3A_678 = vector.shape_cast %swap3A_677 : vector<1x16xf32> to vector<16xf32>
        %swap3A_679 = vector.shape_cast %get3A_674 : vector<16xf32> to vector<1x16xf32>
        tpu.vector_store %arg8[%swap3A_675, %swap3A_676], %swap3A_679 {strides = array<i32>} : memref<128x64xf32, #tpu.memory_space<vmem>>, vector<1x16xf32>,
        %add3A_680 = arith.constant 12 : i32
        %add3A_681 = arith.addi %mul3A_129, %add3A_680 : i32
        %add3A_682 = arith.constant 0 : i32
        %add3A_683 = arith.addi %add3A_682, %add3A_681 : i32
        %get3A_684 = arith.index_cast %add3A_683 : i32 to index
        %get3A_685 = arith.constant 0 : index
        %get3A_686 = tpu.vector_load %arg7[%get3A_684, %get3A_685] {strides = array<i32>} : memref<256x128xf32, #tpu.memory_space<vmem>>, vector<1x16xf32>,
        %get3A_687 = vector.shape_cast %get3A_686 : vector<1x16xf32> to vector<16xf32>
        %swap3A_688 = arith.index_cast %add3A_681 : i32 to index
        %swap3A_689 = arith.constant 0 : index
        %swap3A_690 = tpu.vector_load %arg8[%swap3A_688, %swap3A_689] {strides = array<i32>} : memref<128x64xf32, #tpu.memory_space<vmem>>, vector<1x16xf32>,
        %swap3A_691 = vector.shape_cast %swap3A_690 : vector<1x16xf32> to vector<16xf32>
        %swap3A_692 = vector.shape_cast %get3A_687 : vector<16xf32> to vector<1x16xf32>
        tpu.vector_store %arg8[%swap3A_688, %swap3A_689], %swap3A_692 {strides = array<i32>} : memref<128x64xf32, #tpu.memory_space<vmem>>, vector<1x16xf32>,
        %add3A_693 = arith.constant 0 : i32
        %add3A_694 = arith.addi %add3A_693, %add3A_681 : i32
        %get3A_695 = arith.index_cast %add3A_694 : i32 to index
        %get3A_696 = arith.constant 16 : index
        %get3A_697 = tpu.vector_load %arg7[%get3A_695, %get3A_696] {strides = array<i32>} : memref<256x128xf32, #tpu.memory_space<vmem>>, vector<1x16xf32>,
        %get3A_698 = vector.shape_cast %get3A_697 : vector<1x16xf32> to vector<16xf32>
        %swap3A_699 = arith.index_cast %add3A_681 : i32 to index
        %swap3A_700 = arith.constant 16 : index
        %swap3A_701 = tpu.vector_load %arg8[%swap3A_699, %swap3A_700] {strides = array<i32>} : memref<128x64xf32, #tpu.memory_space<vmem>>, vector<1x16xf32>,
        %swap3A_702 = vector.shape_cast %swap3A_701 : vector<1x16xf32> to vector<16xf32>
        %swap3A_703 = vector.shape_cast %get3A_698 : vector<16xf32> to vector<1x16xf32>
        tpu.vector_store %arg8[%swap3A_699, %swap3A_700], %swap3A_703 {strides = array<i32>} : memref<128x64xf32, #tpu.memory_space<vmem>>, vector<1x16xf32>,
        %add3A_704 = arith.constant 0 : i32
        %add3A_705 = arith.addi %add3A_704, %add3A_681 : i32
        %get3A_706 = arith.index_cast %add3A_705 : i32 to index
        %get3A_707 = arith.constant 32 : index
        %get3A_708 = tpu.vector_load %arg7[%get3A_706, %get3A_707] {strides = array<i32>} : memref<256x128xf32, #tpu.memory_space<vmem>>, vector<1x16xf32>,
        %get3A_709 = vector.shape_cast %get3A_708 : vector<1x16xf32> to vector<16xf32>
        %swap3A_710 = arith.index_cast %add3A_681 : i32 to index
        %swap3A_711 = arith.constant 32 : index
        %swap3A_712 = tpu.vector_load %arg8[%swap3A_710, %swap3A_711] {strides = array<i32>} : memref<128x64xf32, #tpu.memory_space<vmem>>, vector<1x16xf32>,
        %swap3A_713 = vector.shape_cast %swap3A_712 : vector<1x16xf32> to vector<16xf32>
        %swap3A_714 = vector.shape_cast %get3A_709 : vector<16xf32> to vector<1x16xf32>
        tpu.vector_store %arg8[%swap3A_710, %swap3A_711], %swap3A_714 {strides = array<i32>} : memref<128x64xf32, #tpu.memory_space<vmem>>, vector<1x16xf32>,
        %add3A_715 = arith.constant 0 : i32
        %add3A_716 = arith.addi %add3A_715, %add3A_681 : i32
        %get3A_717 = arith.index_cast %add3A_716 : i32 to index
        %get3A_718 = arith.constant 48 : index
        %get3A_719 = tpu.vector_load %arg7[%get3A_717, %get3A_718] {strides = array<i32>} : memref<256x128xf32, #tpu.memory_space<vmem>>, vector<1x16xf32>,
        %get3A_720 = vector.shape_cast %get3A_719 : vector<1x16xf32> to vector<16xf32>
        %swap3A_721 = arith.index_cast %add3A_681 : i32 to index
        %swap3A_722 = arith.constant 48 : index
        %swap3A_723 = tpu.vector_load %arg8[%swap3A_721, %swap3A_722] {strides = array<i32>} : memref<128x64xf32, #tpu.memory_space<vmem>>, vector<1x16xf32>,
        %swap3A_724 = vector.shape_cast %swap3A_723 : vector<1x16xf32> to vector<16xf32>
        %swap3A_725 = vector.shape_cast %get3A_720 : vector<16xf32> to vector<1x16xf32>
        tpu.vector_store %arg8[%swap3A_721, %swap3A_722], %swap3A_725 {strides = array<i32>} : memref<128x64xf32, #tpu.memory_space<vmem>>, vector<1x16xf32>,
        %add3A_726 = arith.constant 13 : i32
        %add3A_727 = arith.addi %mul3A_129, %add3A_726 : i32
        %add3A_728 = arith.constant 0 : i32
        %add3A_729 = arith.addi %add3A_728, %add3A_727 : i32
        %get3A_730 = arith.index_cast %add3A_729 : i32 to index
        %get3A_731 = arith.constant 0 : index
        %get3A_732 = tpu.vector_load %arg7[%get3A_730, %get3A_731] {strides = array<i32>} : memref<256x128xf32, #tpu.memory_space<vmem>>, vector<1x16xf32>,
        %get3A_733 = vector.shape_cast %get3A_732 : vector<1x16xf32> to vector<16xf32>
        %swap3A_734 = arith.index_cast %add3A_727 : i32 to index
        %swap3A_735 = arith.constant 0 : index
        %swap3A_736 = tpu.vector_load %arg8[%swap3A_734, %swap3A_735] {strides = array<i32>} : memref<128x64xf32, #tpu.memory_space<vmem>>, vector<1x16xf32>,
        %swap3A_737 = vector.shape_cast %swap3A_736 : vector<1x16xf32> to vector<16xf32>
        %swap3A_738 = vector.shape_cast %get3A_733 : vector<16xf32> to vector<1x16xf32>
        tpu.vector_store %arg8[%swap3A_734, %swap3A_735], %swap3A_738 {strides = array<i32>} : memref<128x64xf32, #tpu.memory_space<vmem>>, vector<1x16xf32>,
        %add3A_739 = arith.constant 0 : i32
        %add3A_740 = arith.addi %add3A_739, %add3A_727 : i32
        %get3A_741 = arith.index_cast %add3A_740 : i32 to index
        %get3A_742 = arith.constant 16 : index
        %get3A_743 = tpu.vector_load %arg7[%get3A_741, %get3A_742] {strides = array<i32>} : memref<256x128xf32, #tpu.memory_space<vmem>>, vector<1x16xf32>,
        %get3A_744 = vector.shape_cast %get3A_743 : vector<1x16xf32> to vector<16xf32>
        %swap3A_745 = arith.index_cast %add3A_727 : i32 to index
        %swap3A_746 = arith.constant 16 : index
        %swap3A_747 = tpu.vector_load %arg8[%swap3A_745, %swap3A_746] {strides = array<i32>} : memref<128x64xf32, #tpu.memory_space<vmem>>, vector<1x16xf32>,
        %swap3A_748 = vector.shape_cast %swap3A_747 : vector<1x16xf32> to vector<16xf32>
        %swap3A_749 = vector.shape_cast %get3A_744 : vector<16xf32> to vector<1x16xf32>
        tpu.vector_store %arg8[%swap3A_745, %swap3A_746], %swap3A_749 {strides = array<i32>} : memref<128x64xf32, #tpu.memory_space<vmem>>, vector<1x16xf32>,
        %add3A_750 = arith.constant 0 : i32
        %add3A_751 = arith.addi %add3A_750, %add3A_727 : i32
        %get3A_752 = arith.index_cast %add3A_751 : i32 to index
        %get3A_753 = arith.constant 32 : index
        %get3A_754 = tpu.vector_load %arg7[%get3A_752, %get3A_753] {strides = array<i32>} : memref<256x128xf32, #tpu.memory_space<vmem>>, vector<1x16xf32>,
        %get3A_755 = vector.shape_cast %get3A_754 : vector<1x16xf32> to vector<16xf32>
        %swap3A_756 = arith.index_cast %add3A_727 : i32 to index
        %swap3A_757 = arith.constant 32 : index
        %swap3A_758 = tpu.vector_load %arg8[%swap3A_756, %swap3A_757] {strides = array<i32>} : memref<128x64xf32, #tpu.memory_space<vmem>>, vector<1x16xf32>,
        %swap3A_759 = vector.shape_cast %swap3A_758 : vector<1x16xf32> to vector<16xf32>
        %swap3A_760 = vector.shape_cast %get3A_755 : vector<16xf32> to vector<1x16xf32>
        tpu.vector_store %arg8[%swap3A_756, %swap3A_757], %swap3A_760 {strides = array<i32>} : memref<128x64xf32, #tpu.memory_space<vmem>>, vector<1x16xf32>,
        %add3A_761 = arith.constant 0 : i32
        %add3A_762 = arith.addi %add3A_761, %add3A_727 : i32
        %get3A_763 = arith.index_cast %add3A_762 : i32 to index
        %get3A_764 = arith.constant 48 : index
        %get3A_765 = tpu.vector_load %arg7[%get3A_763, %get3A_764] {strides = array<i32>} : memref<256x128xf32, #tpu.memory_space<vmem>>, vector<1x16xf32>,
        %get3A_766 = vector.shape_cast %get3A_765 : vector<1x16xf32> to vector<16xf32>
        %swap3A_767 = arith.index_cast %add3A_727 : i32 to index
        %swap3A_768 = arith.constant 48 : index
        %swap3A_769 = tpu.vector_load %arg8[%swap3A_767, %swap3A_768] {strides = array<i32>} : memref<128x64xf32, #tpu.memory_space<vmem>>, vector<1x16xf32>,
        %swap3A_770 = vector.shape_cast %swap3A_769 : vector<1x16xf32> to vector<16xf32>
        %swap3A_771 = vector.shape_cast %get3A_766 : vector<16xf32> to vector<1x16xf32>
        tpu.vector_store %arg8[%swap3A_767, %swap3A_768], %swap3A_771 {strides = array<i32>} : memref<128x64xf32, #tpu.memory_space<vmem>>, vector<1x16xf32>,
        %add3A_772 = arith.constant 14 : i32
        %add3A_773 = arith.addi %mul3A_129, %add3A_772 : i32
        %add3A_774 = arith.constant 0 : i32
        %add3A_775 = arith.addi %add3A_774, %add3A_773 : i32
        %get3A_776 = arith.index_cast %add3A_775 : i32 to index
        %get3A_777 = arith.constant 0 : index
        %get3A_778 = tpu.vector_load %arg7[%get3A_776, %get3A_777] {strides = array<i32>} : memref<256x128xf32, #tpu.memory_space<vmem>>, vector<1x16xf32>,
        %get3A_779 = vector.shape_cast %get3A_778 : vector<1x16xf32> to vector<16xf32>
        %swap3A_780 = arith.index_cast %add3A_773 : i32 to index
        %swap3A_781 = arith.constant 0 : index
        %swap3A_782 = tpu.vector_load %arg8[%swap3A_780, %swap3A_781] {strides = array<i32>} : memref<128x64xf32, #tpu.memory_space<vmem>>, vector<1x16xf32>,
        %swap3A_783 = vector.shape_cast %swap3A_782 : vector<1x16xf32> to vector<16xf32>
        %swap3A_784 = vector.shape_cast %get3A_779 : vector<16xf32> to vector<1x16xf32>
        tpu.vector_store %arg8[%swap3A_780, %swap3A_781], %swap3A_784 {strides = array<i32>} : memref<128x64xf32, #tpu.memory_space<vmem>>, vector<1x16xf32>,
        %add3A_785 = arith.constant 0 : i32
        %add3A_786 = arith.addi %add3A_785, %add3A_773 : i32
        %get3A_787 = arith.index_cast %add3A_786 : i32 to index
        %get3A_788 = arith.constant 16 : index
        %get3A_789 = tpu.vector_load %arg7[%get3A_787, %get3A_788] {strides = array<i32>} : memref<256x128xf32, #tpu.memory_space<vmem>>, vector<1x16xf32>,
        %get3A_790 = vector.shape_cast %get3A_789 : vector<1x16xf32> to vector<16xf32>
        %swap3A_791 = arith.index_cast %add3A_773 : i32 to index
        %swap3A_792 = arith.constant 16 : index
        %swap3A_793 = tpu.vector_load %arg8[%swap3A_791, %swap3A_792] {strides = array<i32>} : memref<128x64xf32, #tpu.memory_space<vmem>>, vector<1x16xf32>,
        %swap3A_794 = vector.shape_cast %swap3A_793 : vector<1x16xf32> to vector<16xf32>
        %swap3A_795 = vector.shape_cast %get3A_790 : vector<16xf32> to vector<1x16xf32>
        tpu.vector_store %arg8[%swap3A_791, %swap3A_792], %swap3A_795 {strides = array<i32>} : memref<128x64xf32, #tpu.memory_space<vmem>>, vector<1x16xf32>,
        %add3A_796 = arith.constant 0 : i32
        %add3A_797 = arith.addi %add3A_796, %add3A_773 : i32
        %get3A_798 = arith.index_cast %add3A_797 : i32 to index
        %get3A_799 = arith.constant 32 : index
        %get3A_800 = tpu.vector_load %arg7[%get3A_798, %get3A_799] {strides = array<i32>} : memref<256x128xf32, #tpu.memory_space<vmem>>, vector<1x16xf32>,
        %get3A_801 = vector.shape_cast %get3A_800 : vector<1x16xf32> to vector<16xf32>
        %swap3A_802 = arith.index_cast %add3A_773 : i32 to index
        %swap3A_803 = arith.constant 32 : index
        %swap3A_804 = tpu.vector_load %arg8[%swap3A_802, %swap3A_803] {strides = array<i32>} : memref<128x64xf32, #tpu.memory_space<vmem>>, vector<1x16xf32>,
        %swap3A_805 = vector.shape_cast %swap3A_804 : vector<1x16xf32> to vector<16xf32>
        %swap3A_806 = vector.shape_cast %get3A_801 : vector<16xf32> to vector<1x16xf32>
        tpu.vector_store %arg8[%swap3A_802, %swap3A_803], %swap3A_806 {strides = array<i32>} : memref<128x64xf32, #tpu.memory_space<vmem>>, vector<1x16xf32>,
        %add3A_807 = arith.constant 0 : i32
        %add3A_808 = arith.addi %add3A_807, %add3A_773 : i32
        %get3A_809 = arith.index_cast %add3A_808 : i32 to index
        %get3A_810 = arith.constant 48 : index
        %get3A_811 = tpu.vector_load %arg7[%get3A_809, %get3A_810] {strides = array<i32>} : memref<256x128xf32, #tpu.memory_space<vmem>>, vector<1x16xf32>,
        %get3A_812 = vector.shape_cast %get3A_811 : vector<1x16xf32> to vector<16xf32>
        %swap3A_813 = arith.index_cast %add3A_773 : i32 to index
        %swap3A_814 = arith.constant 48 : index
        %swap3A_815 = tpu.vector_load %arg8[%swap3A_813, %swap3A_814] {strides = array<i32>} : memref<128x64xf32, #tpu.memory_space<vmem>>, vector<1x16xf32>,
        %swap3A_816 = vector.shape_cast %swap3A_815 : vector<1x16xf32> to vector<16xf32>
        %swap3A_817 = vector.shape_cast %get3A_812 : vector<16xf32> to vector<1x16xf32>
        tpu.vector_store %arg8[%swap3A_813, %swap3A_814], %swap3A_817 {strides = array<i32>} : memref<128x64xf32, #tpu.memory_space<vmem>>, vector<1x16xf32>,
        %add3A_818 = arith.constant 15 : i32
        %add3A_819 = arith.addi %mul3A_129, %add3A_818 : i32
        %add3A_820 = arith.constant 0 : i32
        %add3A_821 = arith.addi %add3A_820, %add3A_819 : i32
        %get3A_822 = arith.index_cast %add3A_821 : i32 to index
        %get3A_823 = arith.constant 0 : index
        %get3A_824 = tpu.vector_load %arg7[%get3A_822, %get3A_823] {strides = array<i32>} : memref<256x128xf32, #tpu.memory_space<vmem>>, vector<1x16xf32>,
        %get3A_825 = vector.shape_cast %get3A_824 : vector<1x16xf32> to vector<16xf32>
        %swap3A_826 = arith.index_cast %add3A_819 : i32 to index
        %swap3A_827 = arith.constant 0 : index
        %swap3A_828 = tpu.vector_load %arg8[%swap3A_826, %swap3A_827] {strides = array<i32>} : memref<128x64xf32, #tpu.memory_space<vmem>>, vector<1x16xf32>,
        %swap3A_829 = vector.shape_cast %swap3A_828 : vector<1x16xf32> to vector<16xf32>
        %swap3A_830 = vector.shape_cast %get3A_825 : vector<16xf32> to vector<1x16xf32>
        tpu.vector_store %arg8[%swap3A_826, %swap3A_827], %swap3A_830 {strides = array<i32>} : memref<128x64xf32, #tpu.memory_space<vmem>>, vector<1x16xf32>,
        %add3A_831 = arith.constant 0 : i32
        %add3A_832 = arith.addi %add3A_831, %add3A_819 : i32
        %get3A_833 = arith.index_cast %add3A_832 : i32 to index
        %get3A_834 = arith.constant 16 : index
        %get3A_835 = tpu.vector_load %arg7[%get3A_833, %get3A_834] {strides = array<i32>} : memref<256x128xf32, #tpu.memory_space<vmem>>, vector<1x16xf32>,
        %get3A_836 = vector.shape_cast %get3A_835 : vector<1x16xf32> to vector<16xf32>
        %swap3A_837 = arith.index_cast %add3A_819 : i32 to index
        %swap3A_838 = arith.constant 16 : index
        %swap3A_839 = tpu.vector_load %arg8[%swap3A_837, %swap3A_838] {strides = array<i32>} : memref<128x64xf32, #tpu.memory_space<vmem>>, vector<1x16xf32>,
        %swap3A_840 = vector.shape_cast %swap3A_839 : vector<1x16xf32> to vector<16xf32>
        %swap3A_841 = vector.shape_cast %get3A_836 : vector<16xf32> to vector<1x16xf32>
        tpu.vector_store %arg8[%swap3A_837, %swap3A_838], %swap3A_841 {strides = array<i32>} : memref<128x64xf32, #tpu.memory_space<vmem>>, vector<1x16xf32>,
        %add3A_842 = arith.constant 0 : i32
        %add3A_843 = arith.addi %add3A_842, %add3A_819 : i32
        %get3A_844 = arith.index_cast %add3A_843 : i32 to index
        %get3A_845 = arith.constant 32 : index
        %get3A_846 = tpu.vector_load %arg7[%get3A_844, %get3A_845] {strides = array<i32>} : memref<256x128xf32, #tpu.memory_space<vmem>>, vector<1x16xf32>,
        %get3A_847 = vector.shape_cast %get3A_846 : vector<1x16xf32> to vector<16xf32>
        %swap3A_848 = arith.index_cast %add3A_819 : i32 to index
        %swap3A_849 = arith.constant 32 : index
        %swap3A_850 = tpu.vector_load %arg8[%swap3A_848, %swap3A_849] {strides = array<i32>} : memref<128x64xf32, #tpu.memory_space<vmem>>, vector<1x16xf32>,
        %swap3A_851 = vector.shape_cast %swap3A_850 : vector<1x16xf32> to vector<16xf32>
        %swap3A_852 = vector.shape_cast %get3A_847 : vector<16xf32> to vector<1x16xf32>
        tpu.vector_store %arg8[%swap3A_848, %swap3A_849], %swap3A_852 {strides = array<i32>} : memref<128x64xf32, #tpu.memory_space<vmem>>, vector<1x16xf32>,
        %add3A_853 = arith.constant 0 : i32
        %add3A_854 = arith.addi %add3A_853, %add3A_819 : i32
        %get3A_855 = arith.index_cast %add3A_854 : i32 to index
        %get3A_856 = arith.constant 48 : index
        %get3A_857 = tpu.vector_load %arg7[%get3A_855, %get3A_856] {strides = array<i32>} : memref<256x128xf32, #tpu.memory_space<vmem>>, vector<1x16xf32>,
        %get3A_858 = vector.shape_cast %get3A_857 : vector<1x16xf32> to vector<16xf32>
        %swap3A_859 = arith.index_cast %add3A_819 : i32 to index
        %swap3A_860 = arith.constant 48 : index
        %swap3A_861 = tpu.vector_load %arg8[%swap3A_859, %swap3A_860] {strides = array<i32>} : memref<128x64xf32, #tpu.memory_space<vmem>>, vector<1x16xf32>,
        %swap3A_862 = vector.shape_cast %swap3A_861 : vector<1x16xf32> to vector<16xf32>
        %swap3A_863 = vector.shape_cast %get3A_858 : vector<16xf32> to vector<1x16xf32>
        tpu.vector_store %arg8[%swap3A_859, %swap3A_860], %swap3A_863 {strides = array<i32>} : memref<128x64xf32, #tpu.memory_space<vmem>>, vector<1x16xf32>,
      }
      %scan3A_93 = arith.constant 8 : i32
      %mul3A_94 = arith.constant 256 : i32
      %mul3A_95 = arith.muli %add3A_78, %mul3A_94 : i32
      %add3A_96 = arith.addi %mul3A_2, %mul3A_95 : i32
      %add3A_97 = arith.constant 0 : i32
      %add3A_98 = arith.addi %add3A_96, %add3A_97 : i32
      %dma_start3A_99 = arith.constant 0 : i32
      %dma_start3A_100 = tpu.memref_slice %arg4[%add3A_98, %dma_start3A_99] : memref<819200x64xf32, #tpu.memory_space<hbm>> -> memref<128x64xf32, #tpu.memory_space<hbm>>
      %dma_start3A_101 = arith.constant 0 : i32
      %dma_start3A_102 = tpu.memref_slice %arg4[%add3A_98, %dma_start3A_101] : memref<819200x64xf32, #tpu.memory_space<hbm>> -> memref<128x64xf32, #tpu.memory_space<hbm>>
      tpu.enqueue_dma source(%arg8 : memref<128x64xf32, #tpu.memory_space<vmem>>) target(%dma_start3A_102 : memref<128x64xf32, #tpu.memory_space<hbm>>) target_semaphore(%arg12 : memref<!tpu.dma_semaphore, #tpu.memory_space<semaphore_mem>>)
      %dma_wait3A_103 = arith.constant 0 : i32
      %dma_wait3A_104 = tpu.memref_slice %arg4[%mul3A_2, %dma_wait3A_103] : memref<819200x64xf32, #tpu.memory_space<hbm>> -> memref<128x64xf32, #tpu.memory_space<hbm>>
      %dma_wait3A_105 = arith.constant 0 : i32
      %dma_wait3A_106 = tpu.memref_slice %arg4[%mul3A_2, %dma_wait3A_105] : memref<819200x64xf32, #tpu.memory_space<hbm>> -> memref<128x64xf32, #tpu.memory_space<hbm>>
      tpu.wait_dma2 semaphore(%arg13 : memref<!tpu.dma_semaphore, #tpu.memory_space<semaphore_mem>>) src(%arg9 : memref<128x64xf32, #tpu.memory_space<vmem>>) dst(%dma_wait3A_106 : memref<128x64xf32, #tpu.memory_space<hbm>>)
      %scan3A_107 = arith.constant 0 : i32
      %scan3A_108 = arith.constant 0 : i32
      %scan3A_109 = arith.constant 8 : i32
      %scan3A_110 = arith.addi %scan3A_108, %scan3A_109 : i32
      %scan3A_111 = arith.constant 1 : i32
      scf.for %scan3A_127 = %scan3A_108 to %scan3A_110 step %scan3A_111  : i32 {
        %mul3A_128 = arith.constant 16 : i32
        %mul3A_129 = arith.muli %scan3A_127, %mul3A_128 : i32
        %add3A_130 = arith.constant 0 : i32
        %add3A_131 = arith.addi %mul3A_129, %add3A_130 : i32
        %add3A_132 = arith.constant 128 : i32
        %add3A_133 = arith.addi %add3A_132, %add3A_131 : i32
        %get3A = arith.index_cast %add3A_133 : i32 to index
        %get3A_134 = arith.constant 0 : index
        %get3A_135 = tpu.vector_load %arg7[%get3A, %get3A_134] {strides = array<i32>} : memref<256x128xf32, #tpu.memory_space<vmem>>, vector<1x16xf32>,
        %get3A_136 = vector.shape_cast %get3A_135 : vector<1x16xf32> to vector<16xf32>
        %swap3A = arith.index_cast %add3A_131 : i32 to index
        %swap3A_137 = arith.constant 0 : index
        %swap3A_138 = tpu.vector_load %arg9[%swap3A, %swap3A_137] {strides = array<i32>} : memref<128x64xf32, #tpu.memory_space<vmem>>, vector<1x16xf32>,
        %swap3A_139 = vector.shape_cast %swap3A_138 : vector<1x16xf32> to vector<16xf32>
        %swap3A_140 = vector.shape_cast %get3A_136 : vector<16xf32> to vector<1x16xf32>
        tpu.vector_store %arg9[%swap3A, %swap3A_137], %swap3A_140 {strides = array<i32>} : memref<128x64xf32, #tpu.memory_space<vmem>>, vector<1x16xf32>,
        %add3A_141 = arith.constant 128 : i32
        %add3A_142 = arith.addi %add3A_141, %add3A_131 : i32
        %get3A_143 = arith.index_cast %add3A_142 : i32 to index
        %get3A_144 = arith.constant 16 : index
        %get3A_145 = tpu.vector_load %arg7[%get3A_143, %get3A_144] {strides = array<i32>} : memref<256x128xf32, #tpu.memory_space<vmem>>, vector<1x16xf32>,
        %get3A_146 = vector.shape_cast %get3A_145 : vector<1x16xf32> to vector<16xf32>
        %swap3A_147 = arith.index_cast %add3A_131 : i32 to index
        %swap3A_148 = arith.constant 16 : index
        %swap3A_149 = tpu.vector_load %arg9[%swap3A_147, %swap3A_148] {strides = array<i32>} : memref<128x64xf32, #tpu.memory_space<vmem>>, vector<1x16xf32>,
        %swap3A_150 = vector.shape_cast %swap3A_149 : vector<1x16xf32> to vector<16xf32>
        %swap3A_151 = vector.shape_cast %get3A_146 : vector<16xf32> to vector<1x16xf32>
        tpu.vector_store %arg9[%swap3A_147, %swap3A_148], %swap3A_151 {strides = array<i32>} : memref<128x64xf32, #tpu.memory_space<vmem>>, vector<1x16xf32>,
        %add3A_152 = arith.constant 128 : i32
        %add3A_153 = arith.addi %add3A_152, %add3A_131 : i32
        %get3A_154 = arith.index_cast %add3A_153 : i32 to index
        %get3A_155 = arith.constant 32 : index
        %get3A_156 = tpu.vector_load %arg7[%get3A_154, %get3A_155] {strides = array<i32>} : memref<256x128xf32, #tpu.memory_space<vmem>>, vector<1x16xf32>,
        %get3A_157 = vector.shape_cast %get3A_156 : vector<1x16xf32> to vector<16xf32>
        %swap3A_158 = arith.index_cast %add3A_131 : i32 to index
        %swap3A_159 = arith.constant 32 : index
        %swap3A_160 = tpu.vector_load %arg9[%swap3A_158, %swap3A_159] {strides = array<i32>} : memref<128x64xf32, #tpu.memory_space<vmem>>, vector<1x16xf32>,
        %swap3A_161 = vector.shape_cast %swap3A_160 : vector<1x16xf32> to vector<16xf32>
        %swap3A_162 = vector.shape_cast %get3A_157 : vector<16xf32> to vector<1x16xf32>
        tpu.vector_store %arg9[%swap3A_158, %swap3A_159], %swap3A_162 {strides = array<i32>} : memref<128x64xf32, #tpu.memory_space<vmem>>, vector<1x16xf32>,
        %add3A_163 = arith.constant 128 : i32
        %add3A_164 = arith.addi %add3A_163, %add3A_131 : i32
        %get3A_165 = arith.index_cast %add3A_164 : i32 to index
        %get3A_166 = arith.constant 48 : index
        %get3A_167 = tpu.vector_load %arg7[%get3A_165, %get3A_166] {strides = array<i32>} : memref<256x128xf32, #tpu.memory_space<vmem>>, vector<1x16xf32>,
        %get3A_168 = vector.shape_cast %get3A_167 : vector<1x16xf32> to vector<16xf32>
        %swap3A_169 = arith.index_cast %add3A_131 : i32 to index
        %swap3A_170 = arith.constant 48 : index
        %swap3A_171 = tpu.vector_load %arg9[%swap3A_169, %swap3A_170] {strides = array<i32>} : memref<128x64xf32, #tpu.memory_space<vmem>>, vector<1x16xf32>,
        %swap3A_172 = vector.shape_cast %swap3A_171 : vector<1x16xf32> to vector<16xf32>
        %swap3A_173 = vector.shape_cast %get3A_168 : vector<16xf32> to vector<1x16xf32>
        tpu.vector_store %arg9[%swap3A_169, %swap3A_170], %swap3A_173 {strides = array<i32>} : memref<128x64xf32, #tpu.memory_space<vmem>>, vector<1x16xf32>,
        %add3A_174 = arith.constant 1 : i32
        %add3A_175 = arith.addi %mul3A_129, %add3A_174 : i32
        %add3A_176 = arith.constant 128 : i32
        %add3A_177 = arith.addi %add3A_176, %add3A_175 : i32
        %get3A_178 = arith.index_cast %add3A_177 : i32 to index
        %get3A_179 = arith.constant 0 : index
        %get3A_180 = tpu.vector_load %arg7[%get3A_178, %get3A_179] {strides = array<i32>} : memref<256x128xf32, #tpu.memory_space<vmem>>, vector<1x16xf32>,
        %get3A_181 = vector.shape_cast %get3A_180 : vector<1x16xf32> to vector<16xf32>
        %swap3A_182 = arith.index_cast %add3A_175 : i32 to index
        %swap3A_183 = arith.constant 0 : index
        %swap3A_184 = tpu.vector_load %arg9[%swap3A_182, %swap3A_183] {strides = array<i32>} : memref<128x64xf32, #tpu.memory_space<vmem>>, vector<1x16xf32>,
        %swap3A_185 = vector.shape_cast %swap3A_184 : vector<1x16xf32> to vector<16xf32>
        %swap3A_186 = vector.shape_cast %get3A_181 : vector<16xf32> to vector<1x16xf32>
        tpu.vector_store %arg9[%swap3A_182, %swap3A_183], %swap3A_186 {strides = array<i32>} : memref<128x64xf32, #tpu.memory_space<vmem>>, vector<1x16xf32>,
        %add3A_187 = arith.constant 128 : i32
        %add3A_188 = arith.addi %add3A_187, %add3A_175 : i32
        %get3A_189 = arith.index_cast %add3A_188 : i32 to index
        %get3A_190 = arith.constant 16 : index
        %get3A_191 = tpu.vector_load %arg7[%get3A_189, %get3A_190] {strides = array<i32>} : memref<256x128xf32, #tpu.memory_space<vmem>>, vector<1x16xf32>,
        %get3A_192 = vector.shape_cast %get3A_191 : vector<1x16xf32> to vector<16xf32>
        %swap3A_193 = arith.index_cast %add3A_175 : i32 to index
        %swap3A_194 = arith.constant 16 : index
        %swap3A_195 = tpu.vector_load %arg9[%swap3A_193, %swap3A_194] {strides = array<i32>} : memref<128x64xf32, #tpu.memory_space<vmem>>, vector<1x16xf32>,
        %swap3A_196 = vector.shape_cast %swap3A_195 : vector<1x16xf32> to vector<16xf32>
        %swap3A_197 = vector.shape_cast %get3A_192 : vector<16xf32> to vector<1x16xf32>
        tpu.vector_store %arg9[%swap3A_193, %swap3A_194], %swap3A_197 {strides = array<i32>} : memref<128x64xf32, #tpu.memory_space<vmem>>, vector<1x16xf32>,
        %add3A_198 = arith.constant 128 : i32
        %add3A_199 = arith.addi %add3A_198, %add3A_175 : i32
        %get3A_200 = arith.index_cast %add3A_199 : i32 to index
        %get3A_201 = arith.constant 32 : index
        %get3A_202 = tpu.vector_load %arg7[%get3A_200, %get3A_201] {strides = array<i32>} : memref<256x128xf32, #tpu.memory_space<vmem>>, vector<1x16xf32>,
        %get3A_203 = vector.shape_cast %get3A_202 : vector<1x16xf32> to vector<16xf32>
        %swap3A_204 = arith.index_cast %add3A_175 : i32 to index
        %swap3A_205 = arith.constant 32 : index
        %swap3A_206 = tpu.vector_load %arg9[%swap3A_204, %swap3A_205] {strides = array<i32>} : memref<128x64xf32, #tpu.memory_space<vmem>>, vector<1x16xf32>,
        %swap3A_207 = vector.shape_cast %swap3A_206 : vector<1x16xf32> to vector<16xf32>
        %swap3A_208 = vector.shape_cast %get3A_203 : vector<16xf32> to vector<1x16xf32>
        tpu.vector_store %arg9[%swap3A_204, %swap3A_205], %swap3A_208 {strides = array<i32>} : memref<128x64xf32, #tpu.memory_space<vmem>>, vector<1x16xf32>,
        %add3A_209 = arith.constant 128 : i32
        %add3A_210 = arith.addi %add3A_209, %add3A_175 : i32
        %get3A_211 = arith.index_cast %add3A_210 : i32 to index
        %get3A_212 = arith.constant 48 : index
        %get3A_213 = tpu.vector_load %arg7[%get3A_211, %get3A_212] {strides = array<i32>} : memref<256x128xf32, #tpu.memory_space<vmem>>, vector<1x16xf32>,
        %get3A_214 = vector.shape_cast %get3A_213 : vector<1x16xf32> to vector<16xf32>
        %swap3A_215 = arith.index_cast %add3A_175 : i32 to index
        %swap3A_216 = arith.constant 48 : index
        %swap3A_217 = tpu.vector_load %arg9[%swap3A_215, %swap3A_216] {strides = array<i32>} : memref<128x64xf32, #tpu.memory_space<vmem>>, vector<1x16xf32>,
        %swap3A_218 = vector.shape_cast %swap3A_217 : vector<1x16xf32> to vector<16xf32>
        %swap3A_219 = vector.shape_cast %get3A_214 : vector<16xf32> to vector<1x16xf32>
        tpu.vector_store %arg9[%swap3A_215, %swap3A_216], %swap3A_219 {strides = array<i32>} : memref<128x64xf32, #tpu.memory_space<vmem>>, vector<1x16xf32>,
        %add3A_220 = arith.constant 2 : i32
        %add3A_221 = arith.addi %mul3A_129, %add3A_220 : i32
        %add3A_222 = arith.constant 128 : i32
        %add3A_223 = arith.addi %add3A_222, %add3A_221 : i32
        %get3A_224 = arith.index_cast %add3A_223 : i32 to index
        %get3A_225 = arith.constant 0 : index
        %get3A_226 = tpu.vector_load %arg7[%get3A_224, %get3A_225] {strides = array<i32>} : memref<256x128xf32, #tpu.memory_space<vmem>>, vector<1x16xf32>,
        %get3A_227 = vector.shape_cast %get3A_226 : vector<1x16xf32> to vector<16xf32>
        %swap3A_228 = arith.index_cast %add3A_221 : i32 to index
        %swap3A_229 = arith.constant 0 : index
        %swap3A_230 = tpu.vector_load %arg9[%swap3A_228, %swap3A_229] {strides = array<i32>} : memref<128x64xf32, #tpu.memory_space<vmem>>, vector<1x16xf32>,
        %swap3A_231 = vector.shape_cast %swap3A_230 : vector<1x16xf32> to vector<16xf32>
        %swap3A_232 = vector.shape_cast %get3A_227 : vector<16xf32> to vector<1x16xf32>
        tpu.vector_store %arg9[%swap3A_228, %swap3A_229], %swap3A_232 {strides = array<i32>} : memref<128x64xf32, #tpu.memory_space<vmem>>, vector<1x16xf32>,
        %add3A_233 = arith.constant 128 : i32
        %add3A_234 = arith.addi %add3A_233, %add3A_221 : i32
        %get3A_235 = arith.index_cast %add3A_234 : i32 to index
        %get3A_236 = arith.constant 16 : index
        %get3A_237 = tpu.vector_load %arg7[%get3A_235, %get3A_236] {strides = array<i32>} : memref<256x128xf32, #tpu.memory_space<vmem>>, vector<1x16xf32>,
        %get3A_238 = vector.shape_cast %get3A_237 : vector<1x16xf32> to vector<16xf32>
        %swap3A_239 = arith.index_cast %add3A_221 : i32 to index
        %swap3A_240 = arith.constant 16 : index
        %swap3A_241 = tpu.vector_load %arg9[%swap3A_239, %swap3A_240] {strides = array<i32>} : memref<128x64xf32, #tpu.memory_space<vmem>>, vector<1x16xf32>,
        %swap3A_242 = vector.shape_cast %swap3A_241 : vector<1x16xf32> to vector<16xf32>
        %swap3A_243 = vector.shape_cast %get3A_238 : vector<16xf32> to vector<1x16xf32>
        tpu.vector_store %arg9[%swap3A_239, %swap3A_240], %swap3A_243 {strides = array<i32>} : memref<128x64xf32, #tpu.memory_space<vmem>>, vector<1x16xf32>,
        %add3A_244 = arith.constant 128 : i32
        %add3A_245 = arith.addi %add3A_244, %add3A_221 : i32
        %get3A_246 = arith.index_cast %add3A_245 : i32 to index
        %get3A_247 = arith.constant 32 : index
        %get3A_248 = tpu.vector_load %arg7[%get3A_246, %get3A_247] {strides = array<i32>} : memref<256x128xf32, #tpu.memory_space<vmem>>, vector<1x16xf32>,
        %get3A_249 = vector.shape_cast %get3A_248 : vector<1x16xf32> to vector<16xf32>
        %swap3A_250 = arith.index_cast %add3A_221 : i32 to index
        %swap3A_251 = arith.constant 32 : index
        %swap3A_252 = tpu.vector_load %arg9[%swap3A_250, %swap3A_251] {strides = array<i32>} : memref<128x64xf32, #tpu.memory_space<vmem>>, vector<1x16xf32>,
        %swap3A_253 = vector.shape_cast %swap3A_252 : vector<1x16xf32> to vector<16xf32>
        %swap3A_254 = vector.shape_cast %get3A_249 : vector<16xf32> to vector<1x16xf32>
        tpu.vector_store %arg9[%swap3A_250, %swap3A_251], %swap3A_254 {strides = array<i32>} : memref<128x64xf32, #tpu.memory_space<vmem>>, vector<1x16xf32>,
        %add3A_255 = arith.constant 128 : i32
        %add3A_256 = arith.addi %add3A_255, %add3A_221 : i32
        %get3A_257 = arith.index_cast %add3A_256 : i32 to index
        %get3A_258 = arith.constant 48 : index
        %get3A_259 = tpu.vector_load %arg7[%get3A_257, %get3A_258] {strides = array<i32>} : memref<256x128xf32, #tpu.memory_space<vmem>>, vector<1x16xf32>,
        %get3A_260 = vector.shape_cast %get3A_259 : vector<1x16xf32> to vector<16xf32>
        %swap3A_261 = arith.index_cast %add3A_221 : i32 to index
        %swap3A_262 = arith.constant 48 : index
        %swap3A_263 = tpu.vector_load %arg9[%swap3A_261, %swap3A_262] {strides = array<i32>} : memref<128x64xf32, #tpu.memory_space<vmem>>, vector<1x16xf32>,
        %swap3A_264 = vector.shape_cast %swap3A_263 : vector<1x16xf32> to vector<16xf32>
        %swap3A_265 = vector.shape_cast %get3A_260 : vector<16xf32> to vector<1x16xf32>
        tpu.vector_store %arg9[%swap3A_261, %swap3A_262], %swap3A_265 {strides = array<i32>} : memref<128x64xf32, #tpu.memory_space<vmem>>, vector<1x16xf32>,
        %add3A_266 = arith.constant 3 : i32
        %add3A_267 = arith.addi %mul3A_129, %add3A_266 : i32
        %add3A_268 = arith.constant 128 : i32
        %add3A_269 = arith.addi %add3A_268, %add3A_267 : i32
        %get3A_270 = arith.index_cast %add3A_269 : i32 to index
        %get3A_271 = arith.constant 0 : index
        %get3A_272 = tpu.vector_load %arg7[%get3A_270, %get3A_271] {strides = array<i32>} : memref<256x128xf32, #tpu.memory_space<vmem>>, vector<1x16xf32>,
        %get3A_273 = vector.shape_cast %get3A_272 : vector<1x16xf32> to vector<16xf32>
        %swap3A_274 = arith.index_cast %add3A_267 : i32 to index
        %swap3A_275 = arith.constant 0 : index
        %swap3A_276 = tpu.vector_load %arg9[%swap3A_274, %swap3A_275] {strides = array<i32>} : memref<128x64xf32, #tpu.memory_space<vmem>>, vector<1x16xf32>,
        %swap3A_277 = vector.shape_cast %swap3A_276 : vector<1x16xf32> to vector<16xf32>
        %swap3A_278 = vector.shape_cast %get3A_273 : vector<16xf32> to vector<1x16xf32>
        tpu.vector_store %arg9[%swap3A_274, %swap3A_275], %swap3A_278 {strides = array<i32>} : memref<128x64xf32, #tpu.memory_space<vmem>>, vector<1x16xf32>,
        %add3A_279 = arith.constant 128 : i32
        %add3A_280 = arith.addi %add3A_279, %add3A_267 : i32
        %get3A_281 = arith.index_cast %add3A_280 : i32 to index
        %get3A_282 = arith.constant 16 : index
        %get3A_283 = tpu.vector_load %arg7[%get3A_281, %get3A_282] {strides = array<i32>} : memref<256x128xf32, #tpu.memory_space<vmem>>, vector<1x16xf32>,
        %get3A_284 = vector.shape_cast %get3A_283 : vector<1x16xf32> to vector<16xf32>
        %swap3A_285 = arith.index_cast %add3A_267 : i32 to index
        %swap3A_286 = arith.constant 16 : index
        %swap3A_287 = tpu.vector_load %arg9[%swap3A_285, %swap3A_286] {strides = array<i32>} : memref<128x64xf32, #tpu.memory_space<vmem>>, vector<1x16xf32>,
        %swap3A_288 = vector.shape_cast %swap3A_287 : vector<1x16xf32> to vector<16xf32>
        %swap3A_289 = vector.shape_cast %get3A_284 : vector<16xf32> to vector<1x16xf32>
        tpu.vector_store %arg9[%swap3A_285, %swap3A_286], %swap3A_289 {strides = array<i32>} : memref<128x64xf32, #tpu.memory_space<vmem>>, vector<1x16xf32>,
        %add3A_290 = arith.constant 128 : i32
        %add3A_291 = arith.addi %add3A_290, %add3A_267 : i32
        %get3A_292 = arith.index_cast %add3A_291 : i32 to index
        %get3A_293 = arith.constant 32 : index
        %get3A_294 = tpu.vector_load %arg7[%get3A_292, %get3A_293] {strides = array<i32>} : memref<256x128xf32, #tpu.memory_space<vmem>>, vector<1x16xf32>,
        %get3A_295 = vector.shape_cast %get3A_294 : vector<1x16xf32> to vector<16xf32>
        %swap3A_296 = arith.index_cast %add3A_267 : i32 to index
        %swap3A_297 = arith.constant 32 : index
        %swap3A_298 = tpu.vector_load %arg9[%swap3A_296, %swap3A_297] {strides = array<i32>} : memref<128x64xf32, #tpu.memory_space<vmem>>, vector<1x16xf32>,
        %swap3A_299 = vector.shape_cast %swap3A_298 : vector<1x16xf32> to vector<16xf32>
        %swap3A_300 = vector.shape_cast %get3A_295 : vector<16xf32> to vector<1x16xf32>
        tpu.vector_store %arg9[%swap3A_296, %swap3A_297], %swap3A_300 {strides = array<i32>} : memref<128x64xf32, #tpu.memory_space<vmem>>, vector<1x16xf32>,
        %add3A_301 = arith.constant 128 : i32
        %add3A_302 = arith.addi %add3A_301, %add3A_267 : i32
        %get3A_303 = arith.index_cast %add3A_302 : i32 to index
        %get3A_304 = arith.constant 48 : index
        %get3A_305 = tpu.vector_load %arg7[%get3A_303, %get3A_304] {strides = array<i32>} : memref<256x128xf32, #tpu.memory_space<vmem>>, vector<1x16xf32>,
        %get3A_306 = vector.shape_cast %get3A_305 : vector<1x16xf32> to vector<16xf32>
        %swap3A_307 = arith.index_cast %add3A_267 : i32 to index
        %swap3A_308 = arith.constant 48 : index
        %swap3A_309 = tpu.vector_load %arg9[%swap3A_307, %swap3A_308] {strides = array<i32>} : memref<128x64xf32, #tpu.memory_space<vmem>>, vector<1x16xf32>,
        %swap3A_310 = vector.shape_cast %swap3A_309 : vector<1x16xf32> to vector<16xf32>
        %swap3A_311 = vector.shape_cast %get3A_306 : vector<16xf32> to vector<1x16xf32>
        tpu.vector_store %arg9[%swap3A_307, %swap3A_308], %swap3A_311 {strides = array<i32>} : memref<128x64xf32, #tpu.memory_space<vmem>>, vector<1x16xf32>,
        %add3A_312 = arith.constant 4 : i32
        %add3A_313 = arith.addi %mul3A_129, %add3A_312 : i32
        %add3A_314 = arith.constant 128 : i32
        %add3A_315 = arith.addi %add3A_314, %add3A_313 : i32
        %get3A_316 = arith.index_cast %add3A_315 : i32 to index
        %get3A_317 = arith.constant 0 : index
        %get3A_318 = tpu.vector_load %arg7[%get3A_316, %get3A_317] {strides = array<i32>} : memref<256x128xf32, #tpu.memory_space<vmem>>, vector<1x16xf32>,
        %get3A_319 = vector.shape_cast %get3A_318 : vector<1x16xf32> to vector<16xf32>
        %swap3A_320 = arith.index_cast %add3A_313 : i32 to index
        %swap3A_321 = arith.constant 0 : index
        %swap3A_322 = tpu.vector_load %arg9[%swap3A_320, %swap3A_321] {strides = array<i32>} : memref<128x64xf32, #tpu.memory_space<vmem>>, vector<1x16xf32>,
        %swap3A_323 = vector.shape_cast %swap3A_322 : vector<1x16xf32> to vector<16xf32>
        %swap3A_324 = vector.shape_cast %get3A_319 : vector<16xf32> to vector<1x16xf32>
        tpu.vector_store %arg9[%swap3A_320, %swap3A_321], %swap3A_324 {strides = array<i32>} : memref<128x64xf32, #tpu.memory_space<vmem>>, vector<1x16xf32>,
        %add3A_325 = arith.constant 128 : i32
        %add3A_326 = arith.addi %add3A_325, %add3A_313 : i32
        %get3A_327 = arith.index_cast %add3A_326 : i32 to index
        %get3A_328 = arith.constant 16 : index
        %get3A_329 = tpu.vector_load %arg7[%get3A_327, %get3A_328] {strides = array<i32>} : memref<256x128xf32, #tpu.memory_space<vmem>>, vector<1x16xf32>,
        %get3A_330 = vector.shape_cast %get3A_329 : vector<1x16xf32> to vector<16xf32>
        %swap3A_331 = arith.index_cast %add3A_313 : i32 to index
        %swap3A_332 = arith.constant 16 : index
        %swap3A_333 = tpu.vector_load %arg9[%swap3A_331, %swap3A_332] {strides = array<i32>} : memref<128x64xf32, #tpu.memory_space<vmem>>, vector<1x16xf32>,
        %swap3A_334 = vector.shape_cast %swap3A_333 : vector<1x16xf32> to vector<16xf32>
        %swap3A_335 = vector.shape_cast %get3A_330 : vector<16xf32> to vector<1x16xf32>
        tpu.vector_store %arg9[%swap3A_331, %swap3A_332], %swap3A_335 {strides = array<i32>} : memref<128x64xf32, #tpu.memory_space<vmem>>, vector<1x16xf32>,
        %add3A_336 = arith.constant 128 : i32
        %add3A_337 = arith.addi %add3A_336, %add3A_313 : i32
        %get3A_338 = arith.index_cast %add3A_337 : i32 to index
        %get3A_339 = arith.constant 32 : index
        %get3A_340 = tpu.vector_load %arg7[%get3A_338, %get3A_339] {strides = array<i32>} : memref<256x128xf32, #tpu.memory_space<vmem>>, vector<1x16xf32>,
        %get3A_341 = vector.shape_cast %get3A_340 : vector<1x16xf32> to vector<16xf32>
        %swap3A_342 = arith.index_cast %add3A_313 : i32 to index
        %swap3A_343 = arith.constant 32 : index
        %swap3A_344 = tpu.vector_load %arg9[%swap3A_342, %swap3A_343] {strides = array<i32>} : memref<128x64xf32, #tpu.memory_space<vmem>>, vector<1x16xf32>,
        %swap3A_345 = vector.shape_cast %swap3A_344 : vector<1x16xf32> to vector<16xf32>
        %swap3A_346 = vector.shape_cast %get3A_341 : vector<16xf32> to vector<1x16xf32>
        tpu.vector_store %arg9[%swap3A_342, %swap3A_343], %swap3A_346 {strides = array<i32>} : memref<128x64xf32, #tpu.memory_space<vmem>>, vector<1x16xf32>,
        %add3A_347 = arith.constant 128 : i32
        %add3A_348 = arith.addi %add3A_347, %add3A_313 : i32
        %get3A_349 = arith.index_cast %add3A_348 : i32 to index
        %get3A_350 = arith.constant 48 : index
        %get3A_351 = tpu.vector_load %arg7[%get3A_349, %get3A_350] {strides = array<i32>} : memref<256x128xf32, #tpu.memory_space<vmem>>, vector<1x16xf32>,
        %get3A_352 = vector.shape_cast %get3A_351 : vector<1x16xf32> to vector<16xf32>
        %swap3A_353 = arith.index_cast %add3A_313 : i32 to index
        %swap3A_354 = arith.constant 48 : index
        %swap3A_355 = tpu.vector_load %arg9[%swap3A_353, %swap3A_354] {strides = array<i32>} : memref<128x64xf32, #tpu.memory_space<vmem>>, vector<1x16xf32>,
        %swap3A_356 = vector.shape_cast %swap3A_355 : vector<1x16xf32> to vector<16xf32>
        %swap3A_357 = vector.shape_cast %get3A_352 : vector<16xf32> to vector<1x16xf32>
        tpu.vector_store %arg9[%swap3A_353, %swap3A_354], %swap3A_357 {strides = array<i32>} : memref<128x64xf32, #tpu.memory_space<vmem>>, vector<1x16xf32>,
        %add3A_358 = arith.constant 5 : i32
        %add3A_359 = arith.addi %mul3A_129, %add3A_358 : i32
        %add3A_360 = arith.constant 128 : i32
        %add3A_361 = arith.addi %add3A_360, %add3A_359 : i32
        %get3A_362 = arith.index_cast %add3A_361 : i32 to index
        %get3A_363 = arith.constant 0 : index
        %get3A_364 = tpu.vector_load %arg7[%get3A_362, %get3A_363] {strides = array<i32>} : memref<256x128xf32, #tpu.memory_space<vmem>>, vector<1x16xf32>,
        %get3A_365 = vector.shape_cast %get3A_364 : vector<1x16xf32> to vector<16xf32>
        %swap3A_366 = arith.index_cast %add3A_359 : i32 to index
        %swap3A_367 = arith.constant 0 : index
        %swap3A_368 = tpu.vector_load %arg9[%swap3A_366, %swap3A_367] {strides = array<i32>} : memref<128x64xf32, #tpu.memory_space<vmem>>, vector<1x16xf32>,
        %swap3A_369 = vector.shape_cast %swap3A_368 : vector<1x16xf32> to vector<16xf32>
        %swap3A_370 = vector.shape_cast %get3A_365 : vector<16xf32> to vector<1x16xf32>
        tpu.vector_store %arg9[%swap3A_366, %swap3A_367], %swap3A_370 {strides = array<i32>} : memref<128x64xf32, #tpu.memory_space<vmem>>, vector<1x16xf32>,
        %add3A_371 = arith.constant 128 : i32
        %add3A_372 = arith.addi %add3A_371, %add3A_359 : i32
        %get3A_373 = arith.index_cast %add3A_372 : i32 to index
        %get3A_374 = arith.constant 16 : index
        %get3A_375 = tpu.vector_load %arg7[%get3A_373, %get3A_374] {strides = array<i32>} : memref<256x128xf32, #tpu.memory_space<vmem>>, vector<1x16xf32>,
        %get3A_376 = vector.shape_cast %get3A_375 : vector<1x16xf32> to vector<16xf32>
        %swap3A_377 = arith.index_cast %add3A_359 : i32 to index
        %swap3A_378 = arith.constant 16 : index
        %swap3A_379 = tpu.vector_load %arg9[%swap3A_377, %swap3A_378] {strides = array<i32>} : memref<128x64xf32, #tpu.memory_space<vmem>>, vector<1x16xf32>,
        %swap3A_380 = vector.shape_cast %swap3A_379 : vector<1x16xf32> to vector<16xf32>
        %swap3A_381 = vector.shape_cast %get3A_376 : vector<16xf32> to vector<1x16xf32>
        tpu.vector_store %arg9[%swap3A_377, %swap3A_378], %swap3A_381 {strides = array<i32>} : memref<128x64xf32, #tpu.memory_space<vmem>>, vector<1x16xf32>,
        %add3A_382 = arith.constant 128 : i32
        %add3A_383 = arith.addi %add3A_382, %add3A_359 : i32
        %get3A_384 = arith.index_cast %add3A_383 : i32 to index
        %get3A_385 = arith.constant 32 : index
        %get3A_386 = tpu.vector_load %arg7[%get3A_384, %get3A_385] {strides = array<i32>} : memref<256x128xf32, #tpu.memory_space<vmem>>, vector<1x16xf32>,
        %get3A_387 = vector.shape_cast %get3A_386 : vector<1x16xf32> to vector<16xf32>
        %swap3A_388 = arith.index_cast %add3A_359 : i32 to index
        %swap3A_389 = arith.constant 32 : index
        %swap3A_390 = tpu.vector_load %arg9[%swap3A_388, %swap3A_389] {strides = array<i32>} : memref<128x64xf32, #tpu.memory_space<vmem>>, vector<1x16xf32>,
        %swap3A_391 = vector.shape_cast %swap3A_390 : vector<1x16xf32> to vector<16xf32>
        %swap3A_392 = vector.shape_cast %get3A_387 : vector<16xf32> to vector<1x16xf32>
        tpu.vector_store %arg9[%swap3A_388, %swap3A_389], %swap3A_392 {strides = array<i32>} : memref<128x64xf32, #tpu.memory_space<vmem>>, vector<1x16xf32>,
        %add3A_393 = arith.constant 128 : i32
        %add3A_394 = arith.addi %add3A_393, %add3A_359 : i32
        %get3A_395 = arith.index_cast %add3A_394 : i32 to index
        %get3A_396 = arith.constant 48 : index
        %get3A_397 = tpu.vector_load %arg7[%get3A_395, %get3A_396] {strides = array<i32>} : memref<256x128xf32, #tpu.memory_space<vmem>>, vector<1x16xf32>,
        %get3A_398 = vector.shape_cast %get3A_397 : vector<1x16xf32> to vector<16xf32>
        %swap3A_399 = arith.index_cast %add3A_359 : i32 to index
        %swap3A_400 = arith.constant 48 : index
        %swap3A_401 = tpu.vector_load %arg9[%swap3A_399, %swap3A_400] {strides = array<i32>} : memref<128x64xf32, #tpu.memory_space<vmem>>, vector<1x16xf32>,
        %swap3A_402 = vector.shape_cast %swap3A_401 : vector<1x16xf32> to vector<16xf32>
        %swap3A_403 = vector.shape_cast %get3A_398 : vector<16xf32> to vector<1x16xf32>
        tpu.vector_store %arg9[%swap3A_399, %swap3A_400], %swap3A_403 {strides = array<i32>} : memref<128x64xf32, #tpu.memory_space<vmem>>, vector<1x16xf32>,
        %add3A_404 = arith.constant 6 : i32
        %add3A_405 = arith.addi %mul3A_129, %add3A_404 : i32
        %add3A_406 = arith.constant 128 : i32
        %add3A_407 = arith.addi %add3A_406, %add3A_405 : i32
        %get3A_408 = arith.index_cast %add3A_407 : i32 to index
        %get3A_409 = arith.constant 0 : index
        %get3A_410 = tpu.vector_load %arg7[%get3A_408, %get3A_409] {strides = array<i32>} : memref<256x128xf32, #tpu.memory_space<vmem>>, vector<1x16xf32>,
        %get3A_411 = vector.shape_cast %get3A_410 : vector<1x16xf32> to vector<16xf32>
        %swap3A_412 = arith.index_cast %add3A_405 : i32 to index
        %swap3A_413 = arith.constant 0 : index
        %swap3A_414 = tpu.vector_load %arg9[%swap3A_412, %swap3A_413] {strides = array<i32>} : memref<128x64xf32, #tpu.memory_space<vmem>>, vector<1x16xf32>,
        %swap3A_415 = vector.shape_cast %swap3A_414 : vector<1x16xf32> to vector<16xf32>
        %swap3A_416 = vector.shape_cast %get3A_411 : vector<16xf32> to vector<1x16xf32>
        tpu.vector_store %arg9[%swap3A_412, %swap3A_413], %swap3A_416 {strides = array<i32>} : memref<128x64xf32, #tpu.memory_space<vmem>>, vector<1x16xf32>,
        %add3A_417 = arith.constant 128 : i32
        %add3A_418 = arith.addi %add3A_417, %add3A_405 : i32
        %get3A_419 = arith.index_cast %add3A_418 : i32 to index
        %get3A_420 = arith.constant 16 : index
        %get3A_421 = tpu.vector_load %arg7[%get3A_419, %get3A_420] {strides = array<i32>} : memref<256x128xf32, #tpu.memory_space<vmem>>, vector<1x16xf32>,
        %get3A_422 = vector.shape_cast %get3A_421 : vector<1x16xf32> to vector<16xf32>
        %swap3A_423 = arith.index_cast %add3A_405 : i32 to index
        %swap3A_424 = arith.constant 16 : index
        %swap3A_425 = tpu.vector_load %arg9[%swap3A_423, %swap3A_424] {strides = array<i32>} : memref<128x64xf32, #tpu.memory_space<vmem>>, vector<1x16xf32>,
        %swap3A_426 = vector.shape_cast %swap3A_425 : vector<1x16xf32> to vector<16xf32>
        %swap3A_427 = vector.shape_cast %get3A_422 : vector<16xf32> to vector<1x16xf32>
        tpu.vector_store %arg9[%swap3A_423, %swap3A_424], %swap3A_427 {strides = array<i32>} : memref<128x64xf32, #tpu.memory_space<vmem>>, vector<1x16xf32>,
        %add3A_428 = arith.constant 128 : i32
        %add3A_429 = arith.addi %add3A_428, %add3A_405 : i32
        %get3A_430 = arith.index_cast %add3A_429 : i32 to index
        %get3A_431 = arith.constant 32 : index
        %get3A_432 = tpu.vector_load %arg7[%get3A_430, %get3A_431] {strides = array<i32>} : memref<256x128xf32, #tpu.memory_space<vmem>>, vector<1x16xf32>,
        %get3A_433 = vector.shape_cast %get3A_432 : vector<1x16xf32> to vector<16xf32>
        %swap3A_434 = arith.index_cast %add3A_405 : i32 to index
        %swap3A_435 = arith.constant 32 : index
        %swap3A_436 = tpu.vector_load %arg9[%swap3A_434, %swap3A_435] {strides = array<i32>} : memref<128x64xf32, #tpu.memory_space<vmem>>, vector<1x16xf32>,
        %swap3A_437 = vector.shape_cast %swap3A_436 : vector<1x16xf32> to vector<16xf32>
        %swap3A_438 = vector.shape_cast %get3A_433 : vector<16xf32> to vector<1x16xf32>
        tpu.vector_store %arg9[%swap3A_434, %swap3A_435], %swap3A_438 {strides = array<i32>} : memref<128x64xf32, #tpu.memory_space<vmem>>, vector<1x16xf32>,
        %add3A_439 = arith.constant 128 : i32
        %add3A_440 = arith.addi %add3A_439, %add3A_405 : i32
        %get3A_441 = arith.index_cast %add3A_440 : i32 to index
        %get3A_442 = arith.constant 48 : index
        %get3A_443 = tpu.vector_load %arg7[%get3A_441, %get3A_442] {strides = array<i32>} : memref<256x128xf32, #tpu.memory_space<vmem>>, vector<1x16xf32>,
        %get3A_444 = vector.shape_cast %get3A_443 : vector<1x16xf32> to vector<16xf32>
        %swap3A_445 = arith.index_cast %add3A_405 : i32 to index
        %swap3A_446 = arith.constant 48 : index
        %swap3A_447 = tpu.vector_load %arg9[%swap3A_445, %swap3A_446] {strides = array<i32>} : memref<128x64xf32, #tpu.memory_space<vmem>>, vector<1x16xf32>,
        %swap3A_448 = vector.shape_cast %swap3A_447 : vector<1x16xf32> to vector<16xf32>
        %swap3A_449 = vector.shape_cast %get3A_444 : vector<16xf32> to vector<1x16xf32>
        tpu.vector_store %arg9[%swap3A_445, %swap3A_446], %swap3A_449 {strides = array<i32>} : memref<128x64xf32, #tpu.memory_space<vmem>>, vector<1x16xf32>,
        %add3A_450 = arith.constant 7 : i32
        %add3A_451 = arith.addi %mul3A_129, %add3A_450 : i32
        %add3A_452 = arith.constant 128 : i32
        %add3A_453 = arith.addi %add3A_452, %add3A_451 : i32
        %get3A_454 = arith.index_cast %add3A_453 : i32 to index
        %get3A_455 = arith.constant 0 : index
        %get3A_456 = tpu.vector_load %arg7[%get3A_454, %get3A_455] {strides = array<i32>} : memref<256x128xf32, #tpu.memory_space<vmem>>, vector<1x16xf32>,
        %get3A_457 = vector.shape_cast %get3A_456 : vector<1x16xf32> to vector<16xf32>
        %swap3A_458 = arith.index_cast %add3A_451 : i32 to index
        %swap3A_459 = arith.constant 0 : index
        %swap3A_460 = tpu.vector_load %arg9[%swap3A_458, %swap3A_459] {strides = array<i32>} : memref<128x64xf32, #tpu.memory_space<vmem>>, vector<1x16xf32>,
        %swap3A_461 = vector.shape_cast %swap3A_460 : vector<1x16xf32> to vector<16xf32>
        %swap3A_462 = vector.shape_cast %get3A_457 : vector<16xf32> to vector<1x16xf32>
        tpu.vector_store %arg9[%swap3A_458, %swap3A_459], %swap3A_462 {strides = array<i32>} : memref<128x64xf32, #tpu.memory_space<vmem>>, vector<1x16xf32>,
        %add3A_463 = arith.constant 128 : i32
        %add3A_464 = arith.addi %add3A_463, %add3A_451 : i32
        %get3A_465 = arith.index_cast %add3A_464 : i32 to index
        %get3A_466 = arith.constant 16 : index
        %get3A_467 = tpu.vector_load %arg7[%get3A_465, %get3A_466] {strides = array<i32>} : memref<256x128xf32, #tpu.memory_space<vmem>>, vector<1x16xf32>,
        %get3A_468 = vector.shape_cast %get3A_467 : vector<1x16xf32> to vector<16xf32>
        %swap3A_469 = arith.index_cast %add3A_451 : i32 to index
        %swap3A_470 = arith.constant 16 : index
        %swap3A_471 = tpu.vector_load %arg9[%swap3A_469, %swap3A_470] {strides = array<i32>} : memref<128x64xf32, #tpu.memory_space<vmem>>, vector<1x16xf32>,
        %swap3A_472 = vector.shape_cast %swap3A_471 : vector<1x16xf32> to vector<16xf32>
        %swap3A_473 = vector.shape_cast %get3A_468 : vector<16xf32> to vector<1x16xf32>
        tpu.vector_store %arg9[%swap3A_469, %swap3A_470], %swap3A_473 {strides = array<i32>} : memref<128x64xf32, #tpu.memory_space<vmem>>, vector<1x16xf32>,
        %add3A_474 = arith.constant 128 : i32
        %add3A_475 = arith.addi %add3A_474, %add3A_451 : i32
        %get3A_476 = arith.index_cast %add3A_475 : i32 to index
        %get3A_477 = arith.constant 32 : index
        %get3A_478 = tpu.vector_load %arg7[%get3A_476, %get3A_477] {strides = array<i32>} : memref<256x128xf32, #tpu.memory_space<vmem>>, vector<1x16xf32>,
        %get3A_479 = vector.shape_cast %get3A_478 : vector<1x16xf32> to vector<16xf32>
        %swap3A_480 = arith.index_cast %add3A_451 : i32 to index
        %swap3A_481 = arith.constant 32 : index
        %swap3A_482 = tpu.vector_load %arg9[%swap3A_480, %swap3A_481] {strides = array<i32>} : memref<128x64xf32, #tpu.memory_space<vmem>>, vector<1x16xf32>,
        %swap3A_483 = vector.shape_cast %swap3A_482 : vector<1x16xf32> to vector<16xf32>
        %swap3A_484 = vector.shape_cast %get3A_479 : vector<16xf32> to vector<1x16xf32>
        tpu.vector_store %arg9[%swap3A_480, %swap3A_481], %swap3A_484 {strides = array<i32>} : memref<128x64xf32, #tpu.memory_space<vmem>>, vector<1x16xf32>,
        %add3A_485 = arith.constant 128 : i32
        %add3A_486 = arith.addi %add3A_485, %add3A_451 : i32
        %get3A_487 = arith.index_cast %add3A_486 : i32 to index
        %get3A_488 = arith.constant 48 : index
        %get3A_489 = tpu.vector_load %arg7[%get3A_487, %get3A_488] {strides = array<i32>} : memref<256x128xf32, #tpu.memory_space<vmem>>, vector<1x16xf32>,
        %get3A_490 = vector.shape_cast %get3A_489 : vector<1x16xf32> to vector<16xf32>
        %swap3A_491 = arith.index_cast %add3A_451 : i32 to index
        %swap3A_492 = arith.constant 48 : index
        %swap3A_493 = tpu.vector_load %arg9[%swap3A_491, %swap3A_492] {strides = array<i32>} : memref<128x64xf32, #tpu.memory_space<vmem>>, vector<1x16xf32>,
        %swap3A_494 = vector.shape_cast %swap3A_493 : vector<1x16xf32> to vector<16xf32>
        %swap3A_495 = vector.shape_cast %get3A_490 : vector<16xf32> to vector<1x16xf32>
        tpu.vector_store %arg9[%swap3A_491, %swap3A_492], %swap3A_495 {strides = array<i32>} : memref<128x64xf32, #tpu.memory_space<vmem>>, vector<1x16xf32>,
        %add3A_496 = arith.constant 8 : i32
        %add3A_497 = arith.addi %mul3A_129, %add3A_496 : i32
        %add3A_498 = arith.constant 128 : i32
        %add3A_499 = arith.addi %add3A_498, %add3A_497 : i32
        %get3A_500 = arith.index_cast %add3A_499 : i32 to index
        %get3A_501 = arith.constant 0 : index
        %get3A_502 = tpu.vector_load %arg7[%get3A_500, %get3A_501] {strides = array<i32>} : memref<256x128xf32, #tpu.memory_space<vmem>>, vector<1x16xf32>,
        %get3A_503 = vector.shape_cast %get3A_502 : vector<1x16xf32> to vector<16xf32>
        %swap3A_504 = arith.index_cast %add3A_497 : i32 to index
        %swap3A_505 = arith.constant 0 : index
        %swap3A_506 = tpu.vector_load %arg9[%swap3A_504, %swap3A_505] {strides = array<i32>} : memref<128x64xf32, #tpu.memory_space<vmem>>, vector<1x16xf32>,
        %swap3A_507 = vector.shape_cast %swap3A_506 : vector<1x16xf32> to vector<16xf32>
        %swap3A_508 = vector.shape_cast %get3A_503 : vector<16xf32> to vector<1x16xf32>
        tpu.vector_store %arg9[%swap3A_504, %swap3A_505], %swap3A_508 {strides = array<i32>} : memref<128x64xf32, #tpu.memory_space<vmem>>, vector<1x16xf32>,
        %add3A_509 = arith.constant 128 : i32
        %add3A_510 = arith.addi %add3A_509, %add3A_497 : i32
        %get3A_511 = arith.index_cast %add3A_510 : i32 to index
        %get3A_512 = arith.constant 16 : index
        %get3A_513 = tpu.vector_load %arg7[%get3A_511, %get3A_512] {strides = array<i32>} : memref<256x128xf32, #tpu.memory_space<vmem>>, vector<1x16xf32>,
        %get3A_514 = vector.shape_cast %get3A_513 : vector<1x16xf32> to vector<16xf32>
        %swap3A_515 = arith.index_cast %add3A_497 : i32 to index
        %swap3A_516 = arith.constant 16 : index
        %swap3A_517 = tpu.vector_load %arg9[%swap3A_515, %swap3A_516] {strides = array<i32>} : memref<128x64xf32, #tpu.memory_space<vmem>>, vector<1x16xf32>,
        %swap3A_518 = vector.shape_cast %swap3A_517 : vector<1x16xf32> to vector<16xf32>
        %swap3A_519 = vector.shape_cast %get3A_514 : vector<16xf32> to vector<1x16xf32>
        tpu.vector_store %arg9[%swap3A_515, %swap3A_516], %swap3A_519 {strides = array<i32>} : memref<128x64xf32, #tpu.memory_space<vmem>>, vector<1x16xf32>,
        %add3A_520 = arith.constant 128 : i32
        %add3A_521 = arith.addi %add3A_520, %add3A_497 : i32
        %get3A_522 = arith.index_cast %add3A_521 : i32 to index
        %get3A_523 = arith.constant 32 : index
        %get3A_524 = tpu.vector_load %arg7[%get3A_522, %get3A_523] {strides = array<i32>} : memref<256x128xf32, #tpu.memory_space<vmem>>, vector<1x16xf32>,
        %get3A_525 = vector.shape_cast %get3A_524 : vector<1x16xf32> to vector<16xf32>
        %swap3A_526 = arith.index_cast %add3A_497 : i32 to index
        %swap3A_527 = arith.constant 32 : index
        %swap3A_528 = tpu.vector_load %arg9[%swap3A_526, %swap3A_527] {strides = array<i32>} : memref<128x64xf32, #tpu.memory_space<vmem>>, vector<1x16xf32>,
        %swap3A_529 = vector.shape_cast %swap3A_528 : vector<1x16xf32> to vector<16xf32>
        %swap3A_530 = vector.shape_cast %get3A_525 : vector<16xf32> to vector<1x16xf32>
        tpu.vector_store %arg9[%swap3A_526, %swap3A_527], %swap3A_530 {strides = array<i32>} : memref<128x64xf32, #tpu.memory_space<vmem>>, vector<1x16xf32>,
        %add3A_531 = arith.constant 128 : i32
        %add3A_532 = arith.addi %add3A_531, %add3A_497 : i32
        %get3A_533 = arith.index_cast %add3A_532 : i32 to index
        %get3A_534 = arith.constant 48 : index
        %get3A_535 = tpu.vector_load %arg7[%get3A_533, %get3A_534] {strides = array<i32>} : memref<256x128xf32, #tpu.memory_space<vmem>>, vector<1x16xf32>,
        %get3A_536 = vector.shape_cast %get3A_535 : vector<1x16xf32> to vector<16xf32>
        %swap3A_537 = arith.index_cast %add3A_497 : i32 to index
        %swap3A_538 = arith.constant 48 : index
        %swap3A_539 = tpu.vector_load %arg9[%swap3A_537, %swap3A_538] {strides = array<i32>} : memref<128x64xf32, #tpu.memory_space<vmem>>, vector<1x16xf32>,
        %swap3A_540 = vector.shape_cast %swap3A_539 : vector<1x16xf32> to vector<16xf32>
        %swap3A_541 = vector.shape_cast %get3A_536 : vector<16xf32> to vector<1x16xf32>
        tpu.vector_store %arg9[%swap3A_537, %swap3A_538], %swap3A_541 {strides = array<i32>} : memref<128x64xf32, #tpu.memory_space<vmem>>, vector<1x16xf32>,
        %add3A_542 = arith.constant 9 : i32
        %add3A_543 = arith.addi %mul3A_129, %add3A_542 : i32
        %add3A_544 = arith.constant 128 : i32
        %add3A_545 = arith.addi %add3A_544, %add3A_543 : i32
        %get3A_546 = arith.index_cast %add3A_545 : i32 to index
        %get3A_547 = arith.constant 0 : index
        %get3A_548 = tpu.vector_load %arg7[%get3A_546, %get3A_547] {strides = array<i32>} : memref<256x128xf32, #tpu.memory_space<vmem>>, vector<1x16xf32>,
        %get3A_549 = vector.shape_cast %get3A_548 : vector<1x16xf32> to vector<16xf32>
        %swap3A_550 = arith.index_cast %add3A_543 : i32 to index
        %swap3A_551 = arith.constant 0 : index
        %swap3A_552 = tpu.vector_load %arg9[%swap3A_550, %swap3A_551] {strides = array<i32>} : memref<128x64xf32, #tpu.memory_space<vmem>>, vector<1x16xf32>,
        %swap3A_553 = vector.shape_cast %swap3A_552 : vector<1x16xf32> to vector<16xf32>
        %swap3A_554 = vector.shape_cast %get3A_549 : vector<16xf32> to vector<1x16xf32>
        tpu.vector_store %arg9[%swap3A_550, %swap3A_551], %swap3A_554 {strides = array<i32>} : memref<128x64xf32, #tpu.memory_space<vmem>>, vector<1x16xf32>,
        %add3A_555 = arith.constant 128 : i32
        %add3A_556 = arith.addi %add3A_555, %add3A_543 : i32
        %get3A_557 = arith.index_cast %add3A_556 : i32 to index
        %get3A_558 = arith.constant 16 : index
        %get3A_559 = tpu.vector_load %arg7[%get3A_557, %get3A_558] {strides = array<i32>} : memref<256x128xf32, #tpu.memory_space<vmem>>, vector<1x16xf32>,
        %get3A_560 = vector.shape_cast %get3A_559 : vector<1x16xf32> to vector<16xf32>
        %swap3A_561 = arith.index_cast %add3A_543 : i32 to index
        %swap3A_562 = arith.constant 16 : index
        %swap3A_563 = tpu.vector_load %arg9[%swap3A_561, %swap3A_562] {strides = array<i32>} : memref<128x64xf32, #tpu.memory_space<vmem>>, vector<1x16xf32>,
        %swap3A_564 = vector.shape_cast %swap3A_563 : vector<1x16xf32> to vector<16xf32>
        %swap3A_565 = vector.shape_cast %get3A_560 : vector<16xf32> to vector<1x16xf32>
        tpu.vector_store %arg9[%swap3A_561, %swap3A_562], %swap3A_565 {strides = array<i32>} : memref<128x64xf32, #tpu.memory_space<vmem>>, vector<1x16xf32>,
        %add3A_566 = arith.constant 128 : i32
        %add3A_567 = arith.addi %add3A_566, %add3A_543 : i32
        %get3A_568 = arith.index_cast %add3A_567 : i32 to index
        %get3A_569 = arith.constant 32 : index
        %get3A_570 = tpu.vector_load %arg7[%get3A_568, %get3A_569] {strides = array<i32>} : memref<256x128xf32, #tpu.memory_space<vmem>>, vector<1x16xf32>,
        %get3A_571 = vector.shape_cast %get3A_570 : vector<1x16xf32> to vector<16xf32>
        %swap3A_572 = arith.index_cast %add3A_543 : i32 to index
        %swap3A_573 = arith.constant 32 : index
        %swap3A_574 = tpu.vector_load %arg9[%swap3A_572, %swap3A_573] {strides = array<i32>} : memref<128x64xf32, #tpu.memory_space<vmem>>, vector<1x16xf32>,
        %swap3A_575 = vector.shape_cast %swap3A_574 : vector<1x16xf32> to vector<16xf32>
        %swap3A_576 = vector.shape_cast %get3A_571 : vector<16xf32> to vector<1x16xf32>
        tpu.vector_store %arg9[%swap3A_572, %swap3A_573], %swap3A_576 {strides = array<i32>} : memref<128x64xf32, #tpu.memory_space<vmem>>, vector<1x16xf32>,
        %add3A_577 = arith.constant 128 : i32
        %add3A_578 = arith.addi %add3A_577, %add3A_543 : i32
        %get3A_579 = arith.index_cast %add3A_578 : i32 to index
        %get3A_580 = arith.constant 48 : index
        %get3A_581 = tpu.vector_load %arg7[%get3A_579, %get3A_580] {strides = array<i32>} : memref<256x128xf32, #tpu.memory_space<vmem>>, vector<1x16xf32>,
        %get3A_582 = vector.shape_cast %get3A_581 : vector<1x16xf32> to vector<16xf32>
        %swap3A_583 = arith.index_cast %add3A_543 : i32 to index
        %swap3A_584 = arith.constant 48 : index
        %swap3A_585 = tpu.vector_load %arg9[%swap3A_583, %swap3A_584] {strides = array<i32>} : memref<128x64xf32, #tpu.memory_space<vmem>>, vector<1x16xf32>,
        %swap3A_586 = vector.shape_cast %swap3A_585 : vector<1x16xf32> to vector<16xf32>
        %swap3A_587 = vector.shape_cast %get3A_582 : vector<16xf32> to vector<1x16xf32>
        tpu.vector_store %arg9[%swap3A_583, %swap3A_584], %swap3A_587 {strides = array<i32>} : memref<128x64xf32, #tpu.memory_space<vmem>>, vector<1x16xf32>,
        %add3A_588 = arith.constant 10 : i32
        %add3A_589 = arith.addi %mul3A_129, %add3A_588 : i32
        %add3A_590 = arith.constant 128 : i32
        %add3A_591 = arith.addi %add3A_590, %add3A_589 : i32
        %get3A_592 = arith.index_cast %add3A_591 : i32 to index
        %get3A_593 = arith.constant 0 : index
        %get3A_594 = tpu.vector_load %arg7[%get3A_592, %get3A_593] {strides = array<i32>} : memref<256x128xf32, #tpu.memory_space<vmem>>, vector<1x16xf32>,
        %get3A_595 = vector.shape_cast %get3A_594 : vector<1x16xf32> to vector<16xf32>
        %swap3A_596 = arith.index_cast %add3A_589 : i32 to index
        %swap3A_597 = arith.constant 0 : index
        %swap3A_598 = tpu.vector_load %arg9[%swap3A_596, %swap3A_597] {strides = array<i32>} : memref<128x64xf32, #tpu.memory_space<vmem>>, vector<1x16xf32>,
        %swap3A_599 = vector.shape_cast %swap3A_598 : vector<1x16xf32> to vector<16xf32>
        %swap3A_600 = vector.shape_cast %get3A_595 : vector<16xf32> to vector<1x16xf32>
        tpu.vector_store %arg9[%swap3A_596, %swap3A_597], %swap3A_600 {strides = array<i32>} : memref<128x64xf32, #tpu.memory_space<vmem>>, vector<1x16xf32>,
        %add3A_601 = arith.constant 128 : i32
        %add3A_602 = arith.addi %add3A_601, %add3A_589 : i32
        %get3A_603 = arith.index_cast %add3A_602 : i32 to index
        %get3A_604 = arith.constant 16 : index
        %get3A_605 = tpu.vector_load %arg7[%get3A_603, %get3A_604] {strides = array<i32>} : memref<256x128xf32, #tpu.memory_space<vmem>>, vector<1x16xf32>,
        %get3A_606 = vector.shape_cast %get3A_605 : vector<1x16xf32> to vector<16xf32>
        %swap3A_607 = arith.index_cast %add3A_589 : i32 to index
        %swap3A_608 = arith.constant 16 : index
        %swap3A_609 = tpu.vector_load %arg9[%swap3A_607, %swap3A_608] {strides = array<i32>} : memref<128x64xf32, #tpu.memory_space<vmem>>, vector<1x16xf32>,
        %swap3A_610 = vector.shape_cast %swap3A_609 : vector<1x16xf32> to vector<16xf32>
        %swap3A_611 = vector.shape_cast %get3A_606 : vector<16xf32> to vector<1x16xf32>
        tpu.vector_store %arg9[%swap3A_607, %swap3A_608], %swap3A_611 {strides = array<i32>} : memref<128x64xf32, #tpu.memory_space<vmem>>, vector<1x16xf32>,
        %add3A_612 = arith.constant 128 : i32
        %add3A_613 = arith.addi %add3A_612, %add3A_589 : i32
        %get3A_614 = arith.index_cast %add3A_613 : i32 to index
        %get3A_615 = arith.constant 32 : index
        %get3A_616 = tpu.vector_load %arg7[%get3A_614, %get3A_615] {strides = array<i32>} : memref<256x128xf32, #tpu.memory_space<vmem>>, vector<1x16xf32>,
        %get3A_617 = vector.shape_cast %get3A_616 : vector<1x16xf32> to vector<16xf32>
        %swap3A_618 = arith.index_cast %add3A_589 : i32 to index
        %swap3A_619 = arith.constant 32 : index
        %swap3A_620 = tpu.vector_load %arg9[%swap3A_618, %swap3A_619] {strides = array<i32>} : memref<128x64xf32, #tpu.memory_space<vmem>>, vector<1x16xf32>,
        %swap3A_621 = vector.shape_cast %swap3A_620 : vector<1x16xf32> to vector<16xf32>
        %swap3A_622 = vector.shape_cast %get3A_617 : vector<16xf32> to vector<1x16xf32>
        tpu.vector_store %arg9[%swap3A_618, %swap3A_619], %swap3A_622 {strides = array<i32>} : memref<128x64xf32, #tpu.memory_space<vmem>>, vector<1x16xf32>,
        %add3A_623 = arith.constant 128 : i32
        %add3A_624 = arith.addi %add3A_623, %add3A_589 : i32
        %get3A_625 = arith.index_cast %add3A_624 : i32 to index
        %get3A_626 = arith.constant 48 : index
        %get3A_627 = tpu.vector_load %arg7[%get3A_625, %get3A_626] {strides = array<i32>} : memref<256x128xf32, #tpu.memory_space<vmem>>, vector<1x16xf32>,
        %get3A_628 = vector.shape_cast %get3A_627 : vector<1x16xf32> to vector<16xf32>
        %swap3A_629 = arith.index_cast %add3A_589 : i32 to index
        %swap3A_630 = arith.constant 48 : index
        %swap3A_631 = tpu.vector_load %arg9[%swap3A_629, %swap3A_630] {strides = array<i32>} : memref<128x64xf32, #tpu.memory_space<vmem>>, vector<1x16xf32>,
        %swap3A_632 = vector.shape_cast %swap3A_631 : vector<1x16xf32> to vector<16xf32>
        %swap3A_633 = vector.shape_cast %get3A_628 : vector<16xf32> to vector<1x16xf32>
        tpu.vector_store %arg9[%swap3A_629, %swap3A_630], %swap3A_633 {strides = array<i32>} : memref<128x64xf32, #tpu.memory_space<vmem>>, vector<1x16xf32>,
        %add3A_634 = arith.constant 11 : i32
        %add3A_635 = arith.addi %mul3A_129, %add3A_634 : i32
        %add3A_636 = arith.constant 128 : i32
        %add3A_637 = arith.addi %add3A_636, %add3A_635 : i32
        %get3A_638 = arith.index_cast %add3A_637 : i32 to index
        %get3A_639 = arith.constant 0 : index
        %get3A_640 = tpu.vector_load %arg7[%get3A_638, %get3A_639] {strides = array<i32>} : memref<256x128xf32, #tpu.memory_space<vmem>>, vector<1x16xf32>,
        %get3A_641 = vector.shape_cast %get3A_640 : vector<1x16xf32> to vector<16xf32>
        %swap3A_642 = arith.index_cast %add3A_635 : i32 to index
        %swap3A_643 = arith.constant 0 : index
        %swap3A_644 = tpu.vector_load %arg9[%swap3A_642, %swap3A_643] {strides = array<i32>} : memref<128x64xf32, #tpu.memory_space<vmem>>, vector<1x16xf32>,
        %swap3A_645 = vector.shape_cast %swap3A_644 : vector<1x16xf32> to vector<16xf32>
        %swap3A_646 = vector.shape_cast %get3A_641 : vector<16xf32> to vector<1x16xf32>
        tpu.vector_store %arg9[%swap3A_642, %swap3A_643], %swap3A_646 {strides = array<i32>} : memref<128x64xf32, #tpu.memory_space<vmem>>, vector<1x16xf32>,
        %add3A_647 = arith.constant 128 : i32
        %add3A_648 = arith.addi %add3A_647, %add3A_635 : i32
        %get3A_649 = arith.index_cast %add3A_648 : i32 to index
        %get3A_650 = arith.constant 16 : index
        %get3A_651 = tpu.vector_load %arg7[%get3A_649, %get3A_650] {strides = array<i32>} : memref<256x128xf32, #tpu.memory_space<vmem>>, vector<1x16xf32>,
        %get3A_652 = vector.shape_cast %get3A_651 : vector<1x16xf32> to vector<16xf32>
        %swap3A_653 = arith.index_cast %add3A_635 : i32 to index
        %swap3A_654 = arith.constant 16 : index
        %swap3A_655 = tpu.vector_load %arg9[%swap3A_653, %swap3A_654] {strides = array<i32>} : memref<128x64xf32, #tpu.memory_space<vmem>>, vector<1x16xf32>,
        %swap3A_656 = vector.shape_cast %swap3A_655 : vector<1x16xf32> to vector<16xf32>
        %swap3A_657 = vector.shape_cast %get3A_652 : vector<16xf32> to vector<1x16xf32>
        tpu.vector_store %arg9[%swap3A_653, %swap3A_654], %swap3A_657 {strides = array<i32>} : memref<128x64xf32, #tpu.memory_space<vmem>>, vector<1x16xf32>,
        %add3A_658 = arith.constant 128 : i32
        %add3A_659 = arith.addi %add3A_658, %add3A_635 : i32
        %get3A_660 = arith.index_cast %add3A_659 : i32 to index
        %get3A_661 = arith.constant 32 : index
        %get3A_662 = tpu.vector_load %arg7[%get3A_660, %get3A_661] {strides = array<i32>} : memref<256x128xf32, #tpu.memory_space<vmem>>, vector<1x16xf32>,
        %get3A_663 = vector.shape_cast %get3A_662 : vector<1x16xf32> to vector<16xf32>
        %swap3A_664 = arith.index_cast %add3A_635 : i32 to index
        %swap3A_665 = arith.constant 32 : index
        %swap3A_666 = tpu.vector_load %arg9[%swap3A_664, %swap3A_665] {strides = array<i32>} : memref<128x64xf32, #tpu.memory_space<vmem>>, vector<1x16xf32>,
        %swap3A_667 = vector.shape_cast %swap3A_666 : vector<1x16xf32> to vector<16xf32>
        %swap3A_668 = vector.shape_cast %get3A_663 : vector<16xf32> to vector<1x16xf32>
        tpu.vector_store %arg9[%swap3A_664, %swap3A_665], %swap3A_668 {strides = array<i32>} : memref<128x64xf32, #tpu.memory_space<vmem>>, vector<1x16xf32>,
        %add3A_669 = arith.constant 128 : i32
        %add3A_670 = arith.addi %add3A_669, %add3A_635 : i32
        %get3A_671 = arith.index_cast %add3A_670 : i32 to index
        %get3A_672 = arith.constant 48 : index
        %get3A_673 = tpu.vector_load %arg7[%get3A_671, %get3A_672] {strides = array<i32>} : memref<256x128xf32, #tpu.memory_space<vmem>>, vector<1x16xf32>,
        %get3A_674 = vector.shape_cast %get3A_673 : vector<1x16xf32> to vector<16xf32>
        %swap3A_675 = arith.index_cast %add3A_635 : i32 to index
        %swap3A_676 = arith.constant 48 : index
        %swap3A_677 = tpu.vector_load %arg9[%swap3A_675, %swap3A_676] {strides = array<i32>} : memref<128x64xf32, #tpu.memory_space<vmem>>, vector<1x16xf32>,
        %swap3A_678 = vector.shape_cast %swap3A_677 : vector<1x16xf32> to vector<16xf32>
        %swap3A_679 = vector.shape_cast %get3A_674 : vector<16xf32> to vector<1x16xf32>
        tpu.vector_store %arg9[%swap3A_675, %swap3A_676], %swap3A_679 {strides = array<i32>} : memref<128x64xf32, #tpu.memory_space<vmem>>, vector<1x16xf32>,
        %add3A_680 = arith.constant 12 : i32
        %add3A_681 = arith.addi %mul3A_129, %add3A_680 : i32
        %add3A_682 = arith.constant 128 : i32
        %add3A_683 = arith.addi %add3A_682, %add3A_681 : i32
        %get3A_684 = arith.index_cast %add3A_683 : i32 to index
        %get3A_685 = arith.constant 0 : index
        %get3A_686 = tpu.vector_load %arg7[%get3A_684, %get3A_685] {strides = array<i32>} : memref<256x128xf32, #tpu.memory_space<vmem>>, vector<1x16xf32>,
        %get3A_687 = vector.shape_cast %get3A_686 : vector<1x16xf32> to vector<16xf32>
        %swap3A_688 = arith.index_cast %add3A_681 : i32 to index
        %swap3A_689 = arith.constant 0 : index
        %swap3A_690 = tpu.vector_load %arg9[%swap3A_688, %swap3A_689] {strides = array<i32>} : memref<128x64xf32, #tpu.memory_space<vmem>>, vector<1x16xf32>,
        %swap3A_691 = vector.shape_cast %swap3A_690 : vector<1x16xf32> to vector<16xf32>
        %swap3A_692 = vector.shape_cast %get3A_687 : vector<16xf32> to vector<1x16xf32>
        tpu.vector_store %arg9[%swap3A_688, %swap3A_689], %swap3A_692 {strides = array<i32>} : memref<128x64xf32, #tpu.memory_space<vmem>>, vector<1x16xf32>,
        %add3A_693 = arith.constant 128 : i32
        %add3A_694 = arith.addi %add3A_693, %add3A_681 : i32
        %get3A_695 = arith.index_cast %add3A_694 : i32 to index
        %get3A_696 = arith.constant 16 : index
        %get3A_697 = tpu.vector_load %arg7[%get3A_695, %get3A_696] {strides = array<i32>} : memref<256x128xf32, #tpu.memory_space<vmem>>, vector<1x16xf32>,
        %get3A_698 = vector.shape_cast %get3A_697 : vector<1x16xf32> to vector<16xf32>
        %swap3A_699 = arith.index_cast %add3A_681 : i32 to index
        %swap3A_700 = arith.constant 16 : index
        %swap3A_701 = tpu.vector_load %arg9[%swap3A_699, %swap3A_700] {strides = array<i32>} : memref<128x64xf32, #tpu.memory_space<vmem>>, vector<1x16xf32>,
        %swap3A_702 = vector.shape_cast %swap3A_701 : vector<1x16xf32> to vector<16xf32>
        %swap3A_703 = vector.shape_cast %get3A_698 : vector<16xf32> to vector<1x16xf32>
        tpu.vector_store %arg9[%swap3A_699, %swap3A_700], %swap3A_703 {strides = array<i32>} : memref<128x64xf32, #tpu.memory_space<vmem>>, vector<1x16xf32>,
        %add3A_704 = arith.constant 128 : i32
        %add3A_705 = arith.addi %add3A_704, %add3A_681 : i32
        %get3A_706 = arith.index_cast %add3A_705 : i32 to index
        %get3A_707 = arith.constant 32 : index
        %get3A_708 = tpu.vector_load %arg7[%get3A_706, %get3A_707] {strides = array<i32>} : memref<256x128xf32, #tpu.memory_space<vmem>>, vector<1x16xf32>,
        %get3A_709 = vector.shape_cast %get3A_708 : vector<1x16xf32> to vector<16xf32>
        %swap3A_710 = arith.index_cast %add3A_681 : i32 to index
        %swap3A_711 = arith.constant 32 : index
        %swap3A_712 = tpu.vector_load %arg9[%swap3A_710, %swap3A_711] {strides = array<i32>} : memref<128x64xf32, #tpu.memory_space<vmem>>, vector<1x16xf32>,
        %swap3A_713 = vector.shape_cast %swap3A_712 : vector<1x16xf32> to vector<16xf32>
        %swap3A_714 = vector.shape_cast %get3A_709 : vector<16xf32> to vector<1x16xf32>
        tpu.vector_store %arg9[%swap3A_710, %swap3A_711], %swap3A_714 {strides = array<i32>} : memref<128x64xf32, #tpu.memory_space<vmem>>, vector<1x16xf32>,
        %add3A_715 = arith.constant 128 : i32
        %add3A_716 = arith.addi %add3A_715, %add3A_681 : i32
        %get3A_717 = arith.index_cast %add3A_716 : i32 to index
        %get3A_718 = arith.constant 48 : index
        %get3A_719 = tpu.vector_load %arg7[%get3A_717, %get3A_718] {strides = array<i32>} : memref<256x128xf32, #tpu.memory_space<vmem>>, vector<1x16xf32>,
        %get3A_720 = vector.shape_cast %get3A_719 : vector<1x16xf32> to vector<16xf32>
        %swap3A_721 = arith.index_cast %add3A_681 : i32 to index
        %swap3A_722 = arith.constant 48 : index
        %swap3A_723 = tpu.vector_load %arg9[%swap3A_721, %swap3A_722] {strides = array<i32>} : memref<128x64xf32, #tpu.memory_space<vmem>>, vector<1x16xf32>,
        %swap3A_724 = vector.shape_cast %swap3A_723 : vector<1x16xf32> to vector<16xf32>
        %swap3A_725 = vector.shape_cast %get3A_720 : vector<16xf32> to vector<1x16xf32>
        tpu.vector_store %arg9[%swap3A_721, %swap3A_722], %swap3A_725 {strides = array<i32>} : memref<128x64xf32, #tpu.memory_space<vmem>>, vector<1x16xf32>,
        %add3A_726 = arith.constant 13 : i32
        %add3A_727 = arith.addi %mul3A_129, %add3A_726 : i32
        %add3A_728 = arith.constant 128 : i32
        %add3A_729 = arith.addi %add3A_728, %add3A_727 : i32
        %get3A_730 = arith.index_cast %add3A_729 : i32 to index
        %get3A_731 = arith.constant 0 : index
        %get3A_732 = tpu.vector_load %arg7[%get3A_730, %get3A_731] {strides = array<i32>} : memref<256x128xf32, #tpu.memory_space<vmem>>, vector<1x16xf32>,
        %get3A_733 = vector.shape_cast %get3A_732 : vector<1x16xf32> to vector<16xf32>
        %swap3A_734 = arith.index_cast %add3A_727 : i32 to index
        %swap3A_735 = arith.constant 0 : index
        %swap3A_736 = tpu.vector_load %arg9[%swap3A_734, %swap3A_735] {strides = array<i32>} : memref<128x64xf32, #tpu.memory_space<vmem>>, vector<1x16xf32>,
        %swap3A_737 = vector.shape_cast %swap3A_736 : vector<1x16xf32> to vector<16xf32>
        %swap3A_738 = vector.shape_cast %get3A_733 : vector<16xf32> to vector<1x16xf32>
        tpu.vector_store %arg9[%swap3A_734, %swap3A_735], %swap3A_738 {strides = array<i32>} : memref<128x64xf32, #tpu.memory_space<vmem>>, vector<1x16xf32>,
        %add3A_739 = arith.constant 128 : i32
        %add3A_740 = arith.addi %add3A_739, %add3A_727 : i32
        %get3A_741 = arith.index_cast %add3A_740 : i32 to index
        %get3A_742 = arith.constant 16 : index
        %get3A_743 = tpu.vector_load %arg7[%get3A_741, %get3A_742] {strides = array<i32>} : memref<256x128xf32, #tpu.memory_space<vmem>>, vector<1x16xf32>,
        %get3A_744 = vector.shape_cast %get3A_743 : vector<1x16xf32> to vector<16xf32>
        %swap3A_745 = arith.index_cast %add3A_727 : i32 to index
        %swap3A_746 = arith.constant 16 : index
        %swap3A_747 = tpu.vector_load %arg9[%swap3A_745, %swap3A_746] {strides = array<i32>} : memref<128x64xf32, #tpu.memory_space<vmem>>, vector<1x16xf32>,
        %swap3A_748 = vector.shape_cast %swap3A_747 : vector<1x16xf32> to vector<16xf32>
        %swap3A_749 = vector.shape_cast %get3A_744 : vector<16xf32> to vector<1x16xf32>
        tpu.vector_store %arg9[%swap3A_745, %swap3A_746], %swap3A_749 {strides = array<i32>} : memref<128x64xf32, #tpu.memory_space<vmem>>, vector<1x16xf32>,
        %add3A_750 = arith.constant 128 : i32
        %add3A_751 = arith.addi %add3A_750, %add3A_727 : i32
        %get3A_752 = arith.index_cast %add3A_751 : i32 to index
        %get3A_753 = arith.constant 32 : index
        %get3A_754 = tpu.vector_load %arg7[%get3A_752, %get3A_753] {strides = array<i32>} : memref<256x128xf32, #tpu.memory_space<vmem>>, vector<1x16xf32>,
        %get3A_755 = vector.shape_cast %get3A_754 : vector<1x16xf32> to vector<16xf32>
        %swap3A_756 = arith.index_cast %add3A_727 : i32 to index
        %swap3A_757 = arith.constant 32 : index
        %swap3A_758 = tpu.vector_load %arg9[%swap3A_756, %swap3A_757] {strides = array<i32>} : memref<128x64xf32, #tpu.memory_space<vmem>>, vector<1x16xf32>,
        %swap3A_759 = vector.shape_cast %swap3A_758 : vector<1x16xf32> to vector<16xf32>
        %swap3A_760 = vector.shape_cast %get3A_755 : vector<16xf32> to vector<1x16xf32>
        tpu.vector_store %arg9[%swap3A_756, %swap3A_757], %swap3A_760 {strides = array<i32>} : memref<128x64xf32, #tpu.memory_space<vmem>>, vector<1x16xf32>,
        %add3A_761 = arith.constant 128 : i32
        %add3A_762 = arith.addi %add3A_761, %add3A_727 : i32
        %get3A_763 = arith.index_cast %add3A_762 : i32 to index
        %get3A_764 = arith.constant 48 : index
        %get3A_765 = tpu.vector_load %arg7[%get3A_763, %get3A_764] {strides = array<i32>} : memref<256x128xf32, #tpu.memory_space<vmem>>, vector<1x16xf32>,
        %get3A_766 = vector.shape_cast %get3A_765 : vector<1x16xf32> to vector<16xf32>
        %swap3A_767 = arith.index_cast %add3A_727 : i32 to index
        %swap3A_768 = arith.constant 48 : index
        %swap3A_769 = tpu.vector_load %arg9[%swap3A_767, %swap3A_768] {strides = array<i32>} : memref<128x64xf32, #tpu.memory_space<vmem>>, vector<1x16xf32>,
        %swap3A_770 = vector.shape_cast %swap3A_769 : vector<1x16xf32> to vector<16xf32>
        %swap3A_771 = vector.shape_cast %get3A_766 : vector<16xf32> to vector<1x16xf32>
        tpu.vector_store %arg9[%swap3A_767, %swap3A_768], %swap3A_771 {strides = array<i32>} : memref<128x64xf32, #tpu.memory_space<vmem>>, vector<1x16xf32>,
        %add3A_772 = arith.constant 14 : i32
        %add3A_773 = arith.addi %mul3A_129, %add3A_772 : i32
        %add3A_774 = arith.constant 128 : i32
        %add3A_775 = arith.addi %add3A_774, %add3A_773 : i32
        %get3A_776 = arith.index_cast %add3A_775 : i32 to index
        %get3A_777 = arith.constant 0 : index
        %get3A_778 = tpu.vector_load %arg7[%get3A_776, %get3A_777] {strides = array<i32>} : memref<256x128xf32, #tpu.memory_space<vmem>>, vector<1x16xf32>,
        %get3A_779 = vector.shape_cast %get3A_778 : vector<1x16xf32> to vector<16xf32>
        %swap3A_780 = arith.index_cast %add3A_773 : i32 to index
        %swap3A_781 = arith.constant 0 : index
        %swap3A_782 = tpu.vector_load %arg9[%swap3A_780, %swap3A_781] {strides = array<i32>} : memref<128x64xf32, #tpu.memory_space<vmem>>, vector<1x16xf32>,
        %swap3A_783 = vector.shape_cast %swap3A_782 : vector<1x16xf32> to vector<16xf32>
        %swap3A_784 = vector.shape_cast %get3A_779 : vector<16xf32> to vector<1x16xf32>
        tpu.vector_store %arg9[%swap3A_780, %swap3A_781], %swap3A_784 {strides = array<i32>} : memref<128x64xf32, #tpu.memory_space<vmem>>, vector<1x16xf32>,
        %add3A_785 = arith.constant 128 : i32
        %add3A_786 = arith.addi %add3A_785, %add3A_773 : i32
        %get3A_787 = arith.index_cast %add3A_786 : i32 to index
        %get3A_788 = arith.constant 16 : index
        %get3A_789 = tpu.vector_load %arg7[%get3A_787, %get3A_788] {strides = array<i32>} : memref<256x128xf32, #tpu.memory_space<vmem>>, vector<1x16xf32>,
        %get3A_790 = vector.shape_cast %get3A_789 : vector<1x16xf32> to vector<16xf32>
        %swap3A_791 = arith.index_cast %add3A_773 : i32 to index
        %swap3A_792 = arith.constant 16 : index
        %swap3A_793 = tpu.vector_load %arg9[%swap3A_791, %swap3A_792] {strides = array<i32>} : memref<128x64xf32, #tpu.memory_space<vmem>>, vector<1x16xf32>,
        %swap3A_794 = vector.shape_cast %swap3A_793 : vector<1x16xf32> to vector<16xf32>
        %swap3A_795 = vector.shape_cast %get3A_790 : vector<16xf32> to vector<1x16xf32>
        tpu.vector_store %arg9[%swap3A_791, %swap3A_792], %swap3A_795 {strides = array<i32>} : memref<128x64xf32, #tpu.memory_space<vmem>>, vector<1x16xf32>,
        %add3A_796 = arith.constant 128 : i32
        %add3A_797 = arith.addi %add3A_796, %add3A_773 : i32
        %get3A_798 = arith.index_cast %add3A_797 : i32 to index
        %get3A_799 = arith.constant 32 : index
        %get3A_800 = tpu.vector_load %arg7[%get3A_798, %get3A_799] {strides = array<i32>} : memref<256x128xf32, #tpu.memory_space<vmem>>, vector<1x16xf32>,
        %get3A_801 = vector.shape_cast %get3A_800 : vector<1x16xf32> to vector<16xf32>
        %swap3A_802 = arith.index_cast %add3A_773 : i32 to index
        %swap3A_803 = arith.constant 32 : index
        %swap3A_804 = tpu.vector_load %arg9[%swap3A_802, %swap3A_803] {strides = array<i32>} : memref<128x64xf32, #tpu.memory_space<vmem>>, vector<1x16xf32>,
        %swap3A_805 = vector.shape_cast %swap3A_804 : vector<1x16xf32> to vector<16xf32>
        %swap3A_806 = vector.shape_cast %get3A_801 : vector<16xf32> to vector<1x16xf32>
        tpu.vector_store %arg9[%swap3A_802, %swap3A_803], %swap3A_806 {strides = array<i32>} : memref<128x64xf32, #tpu.memory_space<vmem>>, vector<1x16xf32>,
        %add3A_807 = arith.constant 128 : i32
        %add3A_808 = arith.addi %add3A_807, %add3A_773 : i32
        %get3A_809 = arith.index_cast %add3A_808 : i32 to index
        %get3A_810 = arith.constant 48 : index
        %get3A_811 = tpu.vector_load %arg7[%get3A_809, %get3A_810] {strides = array<i32>} : memref<256x128xf32, #tpu.memory_space<vmem>>, vector<1x16xf32>,
        %get3A_812 = vector.shape_cast %get3A_811 : vector<1x16xf32> to vector<16xf32>
        %swap3A_813 = arith.index_cast %add3A_773 : i32 to index
        %swap3A_814 = arith.constant 48 : index
        %swap3A_815 = tpu.vector_load %arg9[%swap3A_813, %swap3A_814] {strides = array<i32>} : memref<128x64xf32, #tpu.memory_space<vmem>>, vector<1x16xf32>,
        %swap3A_816 = vector.shape_cast %swap3A_815 : vector<1x16xf32> to vector<16xf32>
        %swap3A_817 = vector.shape_cast %get3A_812 : vector<16xf32> to vector<1x16xf32>
        tpu.vector_store %arg9[%swap3A_813, %swap3A_814], %swap3A_817 {strides = array<i32>} : memref<128x64xf32, #tpu.memory_space<vmem>>, vector<1x16xf32>,
        %add3A_818 = arith.constant 15 : i32
        %add3A_819 = arith.addi %mul3A_129, %add3A_818 : i32
        %add3A_820 = arith.constant 128 : i32
        %add3A_821 = arith.addi %add3A_820, %add3A_819 : i32
        %get3A_822 = arith.index_cast %add3A_821 : i32 to index
        %get3A_823 = arith.constant 0 : index
        %get3A_824 = tpu.vector_load %arg7[%get3A_822, %get3A_823] {strides = array<i32>} : memref<256x128xf32, #tpu.memory_space<vmem>>, vector<1x16xf32>,
        %get3A_825 = vector.shape_cast %get3A_824 : vector<1x16xf32> to vector<16xf32>
        %swap3A_826 = arith.index_cast %add3A_819 : i32 to index
        %swap3A_827 = arith.constant 0 : index
        %swap3A_828 = tpu.vector_load %arg9[%swap3A_826, %swap3A_827] {strides = array<i32>} : memref<128x64xf32, #tpu.memory_space<vmem>>, vector<1x16xf32>,
        %swap3A_829 = vector.shape_cast %swap3A_828 : vector<1x16xf32> to vector<16xf32>
        %swap3A_830 = vector.shape_cast %get3A_825 : vector<16xf32> to vector<1x16xf32>
        tpu.vector_store %arg9[%swap3A_826, %swap3A_827], %swap3A_830 {strides = array<i32>} : memref<128x64xf32, #tpu.memory_space<vmem>>, vector<1x16xf32>,
        %add3A_831 = arith.constant 128 : i32
        %add3A_832 = arith.addi %add3A_831, %add3A_819 : i32
        %get3A_833 = arith.index_cast %add3A_832 : i32 to index
        %get3A_834 = arith.constant 16 : index
        %get3A_835 = tpu.vector_load %arg7[%get3A_833, %get3A_834] {strides = array<i32>} : memref<256x128xf32, #tpu.memory_space<vmem>>, vector<1x16xf32>,
        %get3A_836 = vector.shape_cast %get3A_835 : vector<1x16xf32> to vector<16xf32>
        %swap3A_837 = arith.index_cast %add3A_819 : i32 to index
        %swap3A_838 = arith.constant 16 : index
        %swap3A_839 = tpu.vector_load %arg9[%swap3A_837, %swap3A_838] {strides = array<i32>} : memref<128x64xf32, #tpu.memory_space<vmem>>, vector<1x16xf32>,
        %swap3A_840 = vector.shape_cast %swap3A_839 : vector<1x16xf32> to vector<16xf32>
        %swap3A_841 = vector.shape_cast %get3A_836 : vector<16xf32> to vector<1x16xf32>
        tpu.vector_store %arg9[%swap3A_837, %swap3A_838], %swap3A_841 {strides = array<i32>} : memref<128x64xf32, #tpu.memory_space<vmem>>, vector<1x16xf32>,
        %add3A_842 = arith.constant 128 : i32
        %add3A_843 = arith.addi %add3A_842, %add3A_819 : i32
        %get3A_844 = arith.index_cast %add3A_843 : i32 to index
        %get3A_845 = arith.constant 32 : index
        %get3A_846 = tpu.vector_load %arg7[%get3A_844, %get3A_845] {strides = array<i32>} : memref<256x128xf32, #tpu.memory_space<vmem>>, vector<1x16xf32>,
        %get3A_847 = vector.shape_cast %get3A_846 : vector<1x16xf32> to vector<16xf32>
        %swap3A_848 = arith.index_cast %add3A_819 : i32 to index
        %swap3A_849 = arith.constant 32 : index
        %swap3A_850 = tpu.vector_load %arg9[%swap3A_848, %swap3A_849] {strides = array<i32>} : memref<128x64xf32, #tpu.memory_space<vmem>>, vector<1x16xf32>,
        %swap3A_851 = vector.shape_cast %swap3A_850 : vector<1x16xf32> to vector<16xf32>
        %swap3A_852 = vector.shape_cast %get3A_847 : vector<16xf32> to vector<1x16xf32>
        tpu.vector_store %arg9[%swap3A_848, %swap3A_849], %swap3A_852 {strides = array<i32>} : memref<128x64xf32, #tpu.memory_space<vmem>>, vector<1x16xf32>,
        %add3A_853 = arith.constant 128 : i32
        %add3A_854 = arith.addi %add3A_853, %add3A_819 : i32
        %get3A_855 = arith.index_cast %add3A_854 : i32 to index
        %get3A_856 = arith.constant 48 : index
        %get3A_857 = tpu.vector_load %arg7[%get3A_855, %get3A_856] {strides = array<i32>} : memref<256x128xf32, #tpu.memory_space<vmem>>, vector<1x16xf32>,
        %get3A_858 = vector.shape_cast %get3A_857 : vector<1x16xf32> to vector<16xf32>
        %swap3A_859 = arith.index_cast %add3A_819 : i32 to index
        %swap3A_860 = arith.constant 48 : index
        %swap3A_861 = tpu.vector_load %arg9[%swap3A_859, %swap3A_860] {strides = array<i32>} : memref<128x64xf32, #tpu.memory_space<vmem>>, vector<1x16xf32>,
        %swap3A_862 = vector.shape_cast %swap3A_861 : vector<1x16xf32> to vector<16xf32>
        %swap3A_863 = vector.shape_cast %get3A_858 : vector<16xf32> to vector<1x16xf32>
        tpu.vector_store %arg9[%swap3A_859, %swap3A_860], %swap3A_863 {strides = array<i32>} : memref<128x64xf32, #tpu.memory_space<vmem>>, vector<1x16xf32>,
      }
      %scan3A_112 = arith.constant 8 : i32
      %mul3A_113 = arith.constant 256 : i32
      %mul3A_114 = arith.muli %add3A_78, %mul3A_113 : i32
      %add3A_115 = arith.addi %mul3A_2, %mul3A_114 : i32
      %add3A_116 = arith.constant 128 : i32
      %add3A_117 = arith.addi %add3A_115, %add3A_116 : i32
      %dma_start3A_118 = arith.constant 0 : i32
      %dma_start3A_119 = tpu.memref_slice %arg4[%add3A_117, %dma_start3A_118] : memref<819200x64xf32, #tpu.memory_space<hbm>> -> memref<128x64xf32, #tpu.memory_space<hbm>>
      %dma_start3A_120 = arith.constant 0 : i32
      %dma_start3A_121 = tpu.memref_slice %arg4[%add3A_117, %dma_start3A_120] : memref<819200x64xf32, #tpu.memory_space<hbm>> -> memref<128x64xf32, #tpu.memory_space<hbm>>
      tpu.enqueue_dma source(%arg9 : memref<128x64xf32, #tpu.memory_space<vmem>>) target(%dma_start3A_121 : memref<128x64xf32, #tpu.memory_space<hbm>>) target_semaphore(%arg13 : memref<!tpu.dma_semaphore, #tpu.memory_space<semaphore_mem>>)
      %lt3A_122 = arith.constant 49 : i32
      %lt3A_123 = arith.cmpi slt, %scan3A_24, %lt3A_122 : i32
      %convert_element_type3A_124 = arith.extui %lt3A_123 : i1 to i32
      %cond3A_125 = arith.constant 0 : i32
      %cond3A_126 = arith.cmpi ne, %convert_element_type3A_124, %cond3A_125 : i32
      scf.if %cond3A_126 {
        %add3A_127 = arith.constant 2 : i32
        %add3A_128 = arith.addi %add3A_78, %add3A_127 : i32
        %mul3A_129 = arith.constant 256 : i32
        %mul3A_130 = arith.muli %add3A_128, %mul3A_129 : i32
        %dma_start3A_131 = tpu.memref_slice %arg5[%mul3A_130] : memref<25600xi32, #tpu.memory_space<vmem>> -> memref<256xi32, #tpu.memory_space<vmem>>
        %dma_start3A_132 = arith.constant 0 : i32
        %dma_start3A_133 = arith.constant 0 : i32
        %dma_start3A_134 = tpu.memref_slice %arg2[%dma_start3A_132, %dma_start3A_133] : memref<1000000x128xf32, #tpu.memory_space<hbm>> -> memref<1000000x128xf32, #tpu.memory_space<hbm>>
        tpu.enqueue_indirect_dma source(%dma_start3A_134 : memref<1000000x128xf32, #tpu.memory_space<hbm>>) target(%arg7 : memref<256x128xf32, #tpu.memory_space<vmem>>) offsets(%dma_start3A_131 : memref<256xi32, #tpu.memory_space<vmem>>) semaphore(%arg11 : memref<!tpu.dma_semaphore, #tpu.memory_space<semaphore_mem>>)
      } else {
      }
    }
    %scan3A_16 = arith.constant 50 : i32
    %dma_wait3A = arith.constant 0 : i32
    %dma_wait3A_17 = tpu.memref_slice %arg4[%mul3A_2, %dma_wait3A] : memref<819200x64xf32, #tpu.memory_space<hbm>> -> memref<128x64xf32, #tpu.memory_space<hbm>>
    %dma_wait3A_18 = arith.constant 0 : i32
    %dma_wait3A_19 = tpu.memref_slice %arg4[%mul3A_2, %dma_wait3A_18] : memref<819200x64xf32, #tpu.memory_space<hbm>> -> memref<128x64xf32, #tpu.memory_space<hbm>>
    tpu.wait_dma2 semaphore(%arg12 : memref<!tpu.dma_semaphore, #tpu.memory_space<semaphore_mem>>) src(%arg8 : memref<128x64xf32, #tpu.memory_space<vmem>>) dst(%dma_wait3A_19 : memref<128x64xf32, #tpu.memory_space<hbm>>)
    %dma_wait3A_20 = arith.constant 0 : i32
    %dma_wait3A_21 = tpu.memref_slice %arg4[%mul3A_2, %dma_wait3A_20] : memref<819200x64xf32, #tpu.memory_space<hbm>> -> memref<128x64xf32, #tpu.memory_space<hbm>>
    %dma_wait3A_22 = arith.constant 0 : i32
    %dma_wait3A_23 = tpu.memref_slice %arg4[%mul3A_2, %dma_wait3A_22] : memref<819200x64xf32, #tpu.memory_space<hbm>> -> memref<128x64xf32, #tpu.memory_space<hbm>>
    tpu.wait_dma2 semaphore(%arg13 : memref<!tpu.dma_semaphore, #tpu.memory_space<semaphore_mem>>) src(%arg9 : memref<128x64xf32, #tpu.memory_space<vmem>>) dst(%dma_wait3A_23 : memref<128x64xf32, #tpu.memory_space<hbm>>)
    return
  }
}

</mosaic_0001>

<sc_bundles>
// kernel: kernel.3.cloned.1.call-start
scs
__scs_entry_jumppad:
0x0: {  	(pc) =	sbr.rel $0x88, $3  }
0x1: {  	(tag) =	ssettag $0x0;
	lr =	simm.s32 $0x1  }
0x2: {  	[smem:$0x3F9F] =	sst lr;
	_ =	strace $0xD0000000  }
0x3: {  	_ = 	snop  }
0x4: {  	_ = 	snop  }
0x5: {  	_ = 	snop  }
0x6: {  	_ = 	snop  }
0x7: {  	_ = 	snop  }
__scs_overlays_trampoline_lowered:
0x8: {  	[smem:$0x3FAE] =	sst s0  }
0x9: {  	[smem:$0x3FAF] =	sst s1  }
0xa: {  	[smem:$0x3FB0] =	sst s2  }
0xb: {  	[smem:$0x3FB1] =	sst s3  }
0xc: {  	[smem:$0x3FB2] =	sst s4  }
0xd: {  	[smem:$0x3FB3] =	sst s5  }
0xe: {  	[smem:$0x3FB4] =	sst s6  }
0xf: {  	[smem:$0x3FB5] =	sst s7  }
0x10: {  	[smem:$0x3FB6] =	sst s8  }
0x11: {  	[smem:$0x3FB7] =	sst s9;
	s0 =	simm.s32 @!p0 $0x0  }
0x12: {  	s1 =	sld [smem:$0x3F9D];
	s0 =	simm.s32 @p0 $0x1  }
0x13: {  	[smem:$0x3FB8] =	sst s0;
	s0 =	simm.s32 @!p1 $0x0  }
0x14: {  	s2 =	sld [smem:$0x3F9C];
	s0 =	simm.s32 @p1 $0x1  }
0x15: {  	[smem:$0x3FB9] =	sst s0;
	s0 =	simm.s32 @!p2 $0x0  }
0x16: {  	s3 =	sld [smem:$0x3FDB];
	s0 =	simm.s32 @p2 $0x1  }
0x17: {  	s4 =	simm.s32 $0x1BF5;
	[smem:$0x3FBB] =	sst s0  }
0x18: {  	s0 =	sld [smem:$0x3F9E];
	_ =	swait.ge [sflag:s4], $0x0  }
0x19: {  	s7 =	sld [smem:$0x3F9F]  }
0x1a: {  	s8 =	sadd.s32 $0xFFFFE003, lr  }
0x1b: {  	s9 =	sadd.s32 $0xFFFFFEF7, lr;
	s5 =	simm.s32 $0xFFFFFFFF;
	p2 =	slt.u32 s8, $0xFFFFF086  }
0x1c: {  	p1 =	slt.u32 s9, $0xF7A;
	s5 =	simm.s32 @!p2 $0x0  }
0x1d: {  	s5 =	simm.s32 @p1 $0x1;
	p0 =	seq.s32 s7, s2  }
0x1e: {  	s7 =	smul.u32 @!p0 $0xF7A, s2;
	p2 =	seq.s32 @!p0 s5, $0x0  }
0x1f: {  	s9 =	smul.u32 $0xF7A, s1;
	s8 =	simm.s32 @!p0 $0x1BF5;
	p2 =	por !p2, p0  }
0x20: {  	[sflag:s8] =	ssyncset.s32 @!p0 $0xFFFFF086;
	s6 =	sadd.s32 @!p0 s3, s7;
	s7 =	simm.s32 @!p0 $0x108  }
0x21: {  	s3 =	sadd.s32 s3, s9;
	s6 =	sadd.s32 @!p0 $0x88, s6;
	s7 =	simm.s32 @p2 $0x1082  }
0x22: {  	[simem:s7], [sflag:s8] =	dma.local @!p0 [hbm:s6], $0xF7A  }
0x23: {  	s9 =	sor.u32 $0xD0000000, s2;
	s6 =	simm.s32 $0x108;
	_ =	swait.ge @!p0 [sflag:s8], $0x0  }
0x24: {  	s3 =	sadd.s32 $0x88, s3;
	s6 =	simm.s32 @!p1 $0x1082;
	[sflag:s4] =	ssyncset.s32 $0xFFFFF086  }
0x25: {  	[simem:s6], [sflag:s4] =	dma.local [hbm:s3], $0xF7A  }
0x26: {  	[smem:$0x3F9F] =	sst s1;
	(tag) =	ssettag s2;
	_ =	strace s9  }
0x27: {  	s1 =	sld [smem:$0x3FAF]  }
0x28: {  	s2 =	sld [smem:$0x3FB0]  }
0x29: {  	s4 =	sld [smem:$0x3FB2]  }
0x2a: {  	p0 =	seq.s32 s5, $0x0;
	s5 =	sld [smem:$0x3FB3]  }
0x2b: {  	s6 =	sld [smem:$0x3FB4]  }
0x2c: {  	s7 =	sld [smem:$0x3FB5]  }
0x2d: {  	s3 =	simm.s32 $0x108;
	s8 =	sld [smem:$0x3FB6]  }
0x2e: {  	s3 =	simm.s32 @!p0 $0x1082;
	s9 =	sld [smem:$0x3FB7]  }
0x2f: {  	lr =	sadd.s32 s0, s3;
	s0 =	sld [smem:$0x3FAE]  }
0x30: {  	s3 =	sld [smem:$0x3FB1]  }
0x31: {  	[smem:$0x3FBA] =	sst s10  }
0x32: {  	s10 =	sld [smem:$0x3FB8];
	_ =	sdelay $0x3  }
0x33: {  	p0 =	seq.s32 s10, $0x1;
	s10 =	sld [smem:$0x3FBA];
	_ =	sdelay $0x3  }
0x34: {  	[smem:$0x3FBA] =	sst s10  }
0x35: {  	s10 =	sld [smem:$0x3FB9];
	_ =	sdelay $0x3  }
0x36: {  	p1 =	seq.s32 s10, $0x1;
	s10 =	sld [smem:$0x3FBA];
	_ =	sdelay $0x3  }
0x37: {  	[smem:$0x3FBA] =	sst s10  }
0x38: {  	s10 =	sld [smem:$0x3FBB]  }
0x39: {  	_ = 	snop;
	(pc) =	sbr.ind lr, $3  }
0x3a: {  	_ = 	snop  }
0x3b: {  	_ = 	snop  }
0x3c: {  	p2 =	seq.s32 s10, $0x1;
	s10 =	sld [smem:$0x3FBA]  }
0x3d: {  	_ =	shalt  }
0x3e: {  	_ =	shalt  }
0x3f: {  	_ =	shalt  }
0x40: {  	_ =	shalt  }
0x41: {  	_ =	shalt  }
0x42: {  	_ =	shalt  }
0x43: {  	_ =	shalt  }
0x44: {  	_ =	shalt  }
0x45: {  	_ =	shalt  }
0x46: {  	_ =	shalt  }
0x47: {  	_ =	shalt  }
0x48: {  	_ =	shalt  }
0x49: {  	_ =	shalt  }
0x4a: {  	_ =	shalt  }
0x4b: {  	_ =	shalt  }
0x4c: {  	_ =	shalt  }
0x4d: {  	_ =	shalt  }
0x4e: {  	_ =	shalt  }
0x4f: {  	_ =	shalt  }
0x50: {  	_ =	shalt  }
0x51: {  	_ =	shalt  }
0x52: {  	_ =	shalt  }
0x53: {  	_ =	shalt  }
0x54: {  	_ =	shalt  }
0x55: {  	_ =	shalt  }
0x56: {  	_ =	shalt  }
0x57: {  	_ =	shalt  }
0x58: {  	_ =	shalt  }
0x59: {  	_ =	shalt  }
0x5a: {  	_ =	shalt  }
0x5b: {  	_ =	shalt  }
0x5c: {  	_ =	shalt  }
0x5d: {  	_ =	shalt  }
0x5e: {  	_ =	shalt  }
0x5f: {  	_ =	shalt  }
0x60: {  	_ =	shalt  }
0x61: {  	_ =	shalt  }
0x62: {  	_ =	shalt  }
0x63: {  	_ =	shalt  }
0x64: {  	_ =	shalt  }
0x65: {  	_ =	shalt  }
0x66: {  	_ =	shalt  }
0x67: {  	_ =	shalt  }
0x68: {  	_ =	shalt  }
0x69: {  	_ =	shalt  }
0x6a: {  	_ =	shalt  }
0x6b: {  	_ =	shalt  }
0x6c: {  	_ =	shalt  }
0x6d: {  	_ =	shalt  }
0x6e: {  	_ =	shalt  }
0x6f: {  	_ =	shalt  }
0x70: {  	_ =	shalt  }
0x71: {  	_ =	shalt  }
0x72: {  	_ =	shalt  }
0x73: {  	_ =	shalt  }
0x74: {  	_ =	shalt  }
0x75: {  	_ =	shalt  }
0x76: {  	_ =	shalt  }
0x77: {  	_ =	shalt  }
0x78: {  	_ =	shalt  }
0x79: {  	_ =	shalt  }
0x7a: {  	_ =	shalt  }
0x7b: {  	_ =	shalt  }
0x7c: {  	_ =	shalt  }
0x7d: {  	_ =	shalt  }
0x7e: {  	_ =	shalt  }
0x7f: {  	_ =	shalt  }
0x80: {  	_ =	shalt  }
0x81: {  	_ =	shalt  }
0x82: {  	_ =	shalt  }
0x83: {  	_ =	shalt  }
0x84: {  	_ =	shalt  }
0x85: {  	_ =	shalt  }
0x86: {  	_ =	shalt  }
0x87: {  	_ =	shalt  }
.Lfunc_end0:
.L_simem_size_0:
called_computation.1_lowered:
.L_overlay_start_0:
0x88: {  	s2 =	sld [smem:$0x3FD9]  }
0x89: {  	s3 =	sld [smem:$0x3FFE];
	_ =	sdelay $0x1  }
0x8a: {  	s1 =	srdreg.scid  }
0x8b: {  	s0 =	sand.u32 $0x1, s1  }
0x8c: {  	s17 =	sshll.u32 s0, $0xA;
	s2 =	sadd.s32 s3, s2  }
0x8d: {  	s2 =	sadd.s32 s2, s17  }
0x8e: {  	[smem:$0x3FC6] =	sst s2  }
0x8f: {  	_ = 	snop  }
0x90: {  	s2 =	sld [smem:$0x3FD0];
	(tm) =	ssettm $0x1  }
0x91: {  	s18 =	sld [smem:$0x3FFB];
	_ =	sdelay $0x3  }
0x92: {  	_ =	strace s18  }
0x93: {  	s3 =	sld [smem:$0x3FFC];
	_ =	sdelay $0x3  }
0x94: {  	_ =	strace s3  }
0x95: {  	s3 =	sld [smem:$0x3FFD];
	_ =	sdelay $0x3  }
0x96: {  	_ =	strace s3  }
0x97: {  	_ =	strace $0x8FFFFFFF  }
0x98: {  	s19 =	sld [smem:$0x3FDB];
	_ =	sdelay $0x1  }
0x99: {  	s4 =	simm.s32 $_scs_section_size  }
0x9a: {  	s5 =	simm.s32 $_size__tile_overlayer_lowered;
	s6 =	simm.s32 $_tile_overlayer_lowered  }
0x9b: {  	s22 =	simm.s32 $0x1BFF;
	s21 =	sshll.u32 s6, $0x1;
	s3 =	sadd.s32 s4, s19  }
0x9c: {  	s7 =	simm.s32 $0x0;
	s20 =	sshll.u32 s5, $0x1;
	s5 =	sadd.s32 s21, s3  }
0x9d: {  	[timem:s7], [sflag:s22] =	dma.local [hbm:s5], s20  }
0x9e: {  	_ =	swait.ge [sflag:s22], s20  }
0x9f: {  	s4 =	ssub.s32 $0x0, s20;
	[sflag:s22] =	ssyncset.done $0x0  }
0xa0: {  	[sflag:s22] =	ssyncadd.s32 s4;
	_ =	sdelay $0x1  }
0xa1: {  	s23 =	simm.s32 $0x1B8B  }
0xa2: {  	_ =	swait.ge [sflag:s23], $0x1  }
0xa3: {  	[sflag:s23] =	ssyncset.done $0x0  }
0xa4: {  	s25 =	simm.s32 $0x1B8E;
	s24 =	sld [smem:$0x3FFE];
	[sflag:s23] =	ssyncadd.s32 $0xFFFFFFFF  }
0xa5: {  	s26 =	simm.s32 $execute0_lowered;
	[smem:$0x3FD2] =	sst s25  }
0xa6: {  	s5 =	sshll.u32 s26, $0x1;
	_ =	strace $0x80000046;
	[dreg:$0x1] =	wrdreg $0xFFFFFFFF  }
0xa7: {  	s28 =	simm.s32 $_size_execute0_lowered;
	s3 =	sadd.s32 s3, s5;
	[dreg:$0x0] =	wrdreg $0x0  }
0xa8: {  	s5 =	sshll.u32 s28, $0x1;
	[dreg:$0x2] =	wrdreg s3  }
0xa9: {  	[dreg:$0x3] =	wrdreg s5  }
0xaa: {  	[dreg:$0x4] =	wrdreg $0xC0  }
0xab: {  	_ =	task [dreg:s7], $0x5FFFF  }
0xac: {  	[dreg:$0x1] =	wrdreg $0xFFFFFFFF  }
0xad: {  	[dreg:$0x0] =	wrdreg $0x60  }
0xae: {  	[dreg:$0x2] =	wrdreg s24  }
0xaf: {  	[dreg:$0x3] =	wrdreg s2  }
0xb0: {  	[dreg:$0x4] =	wrdreg $0x9  }
0xb1: {  	_ =	task.clear_ibuf [dreg:s7], $0x5FFFF;
	_ =	strace $0x90000046  }
0xb2: {  	s29 =	simm.s32 $0x9;
	_ =	strace $0x80000048  }
0xb3: {  	_ =	swait.ge [sflag:s29], $0x1  }
0xb4: {  	[sflag:s29] =	ssyncadd.s32 $0xFFFFFFFF  }
0xb5: {  	_ =	strace $0x90000048  }
0xb6: {  	_ =	sfence  }
0xb7: {  	s30 =	sld [smem:$0x0];
	_ =	sdelay $0x2  }
0xb8: {  	s31 =	sshll.u32 s1, $0xD;
	s1 =	sshrl.u32 s1, $0x2  }
0xb9: {  	s3 =	sand.u32 $0x4000, s31;
	s1 =	sadd.s32 s1, s30  }
0xba: {  	s0 =	sor.u32 s3, s0;
	s1 =	sshll.u32 s1, $0x11  }
0xbb: {  	s0 =	sor.u32 s1, s0  }
0xbc: {  	s0 =	sadd.s32 $0x8F2B, s0  }
0xbd: {  	[sflag:s0] =	ssyncadd.remote.s32 $0x1  }
0xbe: {  	_ =	sfence.sel $0xFFFF  }
0xbf: {  	[dreg:$0x0] =	wrdreg $0xFFFFFFFF;
	(pc) =	sbr.abs _section_cstart, $3  }
0xc0: {  	[dreg:$0x1] =	wrdreg $0xFFFFFFFF  }
0xc1: {  	_ =	task.clear_ibuf [dreg:s7], $0x2FFFF;
	_ =	strace $0x9FFFFFFF  }
0xc2: {  	(tm) =	ssettm $0x7FFFFFFF  }
0xc3: {  	_ =	shalt  }
tec
execute0_lowered:
.L_overlay_start_1:
0x0: {  	(tag) =	ssettag $0x1  }
0x1: {  	s7 =	rddreg [dreg:$0x0]  }
0x2: {  	s6 =	rddreg [dreg:$0x1]  }
0x3: {  	s0 =	rddreg [dreg:$0x2]  }
0x4: {  	s3 =	srdreg.scid;
	s1 =	stileid.u32  }
0x5: {  	s2 =	simm.s32 $0x0;
	s12 =	simm.s32 $0x5;
	s13 =	simm.s32 $0x100  }
0x6: {  	s14 =	simm.s32 $0x6400;
	s15 =	simm.s32 $0xE400;
	s16 =	simm.s32 $0x1  }
0x7: {  	s17 =	simm.s32 $0x16400;
	s18 =	simm.s32 $0x1A400;
	s19 =	simm.s32 $0x2  }
0x8: {  	s20 =	simm.s32 $0x3;
	s21 =	simm.s32 $0x4;
	s22 =	simm.s32 $0x0  }
0x9: {  	s5 =	sand.u32 $0x1, s3;
	s26 =	sshll.u32 s1, $0x1;
	[smem:$0x7FF] =	sst s2  }
0xa: {  	s28 =	sshrl.u32 s1, $0x2;
	s3 =	sadd.s32 $0xF42E00, s7;
	s8 =	sor.u32 s5, s26  }
0xb: {  	_ =	strace $0x80000047;
	s9 =	smul.u32 $0x32000, s28;
	s11 =	ssub.s32 $0x2, s5  }
.Ltmp0:
0xc: {  	s4 =	sshll.u32 s8, $0x7;
	s29 =	sshrl.u32 s11, $0x1;
	(pc) =	sbr.rel .LBB2_1-.Ltmp0, $4  }
0xd: {  	s5 =	smul.u32 $0x6400, s8;
	s10 =	sand.u32 $0x380, s4;
	s4 =	sadd.s32 $0xA00, s7  }
0xe: {  	s31 =	ssub.s32 s11, s29;
	s7 =	sadd.s32 $0x1200, s7;
	s9 =	sor.u32 s9, s10  }
0xf: {  	s11 =	simm.s32 $0x400;
	s8 =	sor.u32 $0x100, s5;
	s30 =	sshrl.u32 s9, $0x3  }
0x10: {  	s10 =	simm.s32 $0x80;
	s9 =	smax.u32 s31, $0x1;
	s6 =	sadd.s32 s6, s30  }
.LBB2_12:
0x11: {  	s22 =	sadd.s32 $0x1, s22  }
0x12: {  	_ =	swait.ge [sflag:s20], $0x4000;
	p0 =	sne.s32 s22, s9  }
.Ltmp1:
0x13: {  	[sflag:s20] =	ssyncset.done $0x0;
	(pc) =	sbr.rel @!p0 .LBB2_13-.Ltmp1, $4  }
0x14: {  	[sflag:s20] =	ssyncadd.s32 $0xFFFFC000  }
0x15: {  	_ =	swait.ge [sflag:s21], $0x4000  }
0x16: {  	[sflag:s21] =	ssyncset.done $0x0  }
0x17: {  	[sflag:s21] =	ssyncadd.s32 $0xFFFFC000  }
.LBB2_1:
0x18: {  	[tilespmem:s2], [sflag:$0x5] =	stream.strided.gather [hbm4b:s6+s10], $0x6400, s11, s10, $0x38;
	[tilespmem:$0x1E400] =	vst v63  }
0x19: {  	_ =	swait.ge [sflag:s12], $0x6400  }
0x1a: {  	[sflag:s12] =	ssyncset.done $0x0  }
0x1b: {  	[sflag:s12] =	ssyncadd.s32 $0xFFFF9C00  }
0x1c: {  	[tilespmem:s14], [sflag:$0x1] =	stream.indirect.gather [hbm4b:s3+s13], $0x80, s2, s13, $0xb8;
	[tilespmem:$0x1E400] =	vst v63  }
0x1d: {  	s23 =	simm.s32 $0x0  }
0x1e: {  	[tilespmem:s15], [sflag:$0x2] =	stream.indirect.gather [hbm4b:s3+s13], $0x80, s13, s13, $0xb8;
	[tilespmem:$0x1E400] =	vst v63  }
.LBB2_2:
0x1f: {  	_ =	swait.ge [sflag:s16], $0x8000  }
0x20: {  	p0 =	seq.s32 s23, $0x0;
	[sflag:s16] =	ssyncset.done $0x0  }
0x21: {  	s24 =	simm.s32 @!p0 $0x3;
	[sflag:s16] =	ssyncadd.s32 $0xFFFF8000  }
0x22: {  	_ =	swait.ge @!p0 [sflag:s24], $0x4000  }
0x23: {  	[sflag:s24] =	ssyncset.done @!p0 $0x0  }
0x24: {  	[sflag:s24] =	ssyncadd.s32 @!p0 $0xFFFFC000;
	s24 =	simm.s32 $0x0  }
0x25: {  	v0 =	vld [tilespmem:s24+$0x6BB0]  }
0x26: {  	v1 =	vld [tilespmem:s24+$0x6400]  }
0x27: {  	v2 =	vld [tilespmem:s24+$0x6410]  }
0x28: {  	v3 =	vld [tilespmem:s24+$0x6420]  }
0x29: {  	v4 =	vld [tilespmem:s24+$0x6430]  }
0x2a: {  	v5 =	vld [tilespmem:s24+$0x6480];
	[tilespmem:s24+$0x16BB0] =	vst v0  }
0x2b: {  	v6 =	vld [tilespmem:s24+$0x6B00];
	[tilespmem:s24+$0x16400] =	vst v1  }
0x2c: {  	v7 =	vld [tilespmem:s24+$0x6B10];
	[tilespmem:s24+$0x16410] =	vst v2  }
0x2d: {  	v0 =	vld [tilespmem:s24+$0x6490];
	[tilespmem:s24+$0x16420] =	vst v3  }
0x2e: {  	v1 =	vld [tilespmem:s24+$0x64A0];
	[tilespmem:s24+$0x16430] =	vst v4  }
0x2f: {  	v2 =	vld [tilespmem:s24+$0x64B0];
	[tilespmem:s24+$0x16480] =	vst v5  }
0x30: {  	v3 =	vld [tilespmem:s24+$0x6500];
	[tilespmem:s24+$0x16B00] =	vst v6  }
0x31: {  	v4 =	vld [tilespmem:s24+$0x6510];
	[tilespmem:s24+$0x16B10] =	vst v7  }
0x32: {  	v5 =	vld [tilespmem:s24+$0x6AB0];
	[tilespmem:s24+$0x16490] =	vst v0  }
0x33: {  	v0 =	vld [tilespmem:s24+$0x6520];
	[tilespmem:s24+$0x164A0] =	vst v1  }
0x34: {  	v1 =	vld [tilespmem:s24+$0x6530];
	[tilespmem:s24+$0x164B0] =	vst v2  }
0x35: {  	v2 =	vld [tilespmem:s24+$0x6580];
	[tilespmem:s24+$0x16500] =	vst v3  }
0x36: {  	v3 =	vld [tilespmem:s24+$0x6590];
	[tilespmem:s24+$0x16510] =	vst v4  }
0x37: {  	v4 =	vld [tilespmem:s24+$0x65A0];
	[tilespmem:s24+$0x16AB0] =	vst v5  }
0x38: {  	[tilespmem:s24+$0x16520] =	vst v0;
	v0 =	vld [tilespmem:s24+$0x65B0]  }
0x39: {  	[tilespmem:s24+$0x16530] =	vst v1;
	v1 =	vld [tilespmem:s24+$0x6600]  }
0x3a: {  	[tilespmem:s24+$0x16580] =	vst v2;
	v2 =	vld [tilespmem:s24+$0x6610]  }
0x3b: {  	[tilespmem:s24+$0x16590] =	vst v3;
	v3 =	vld [tilespmem:s24+$0x6620]  }
0x3c: {  	[tilespmem:s24+$0x165A0] =	vst v4;
	v4 =	vld [tilespmem:s24+$0x6630]  }
0x3d: {  	[tilespmem:s24+$0x165B0] =	vst v0;
	v0 =	vld [tilespmem:s24+$0x6680]  }
0x3e: {  	[tilespmem:s24+$0x16600] =	vst v1;
	v1 =	vld [tilespmem:s24+$0x6690]  }
0x3f: {  	[tilespmem:s24+$0x16610] =	vst v2;
	v2 =	vld [tilespmem:s24+$0x66A0]  }
0x40: {  	[tilespmem:s24+$0x16620] =	vst v3;
	v3 =	vld [tilespmem:s24+$0x66B0]  }
0x41: {  	[tilespmem:s24+$0x16630] =	vst v4;
	v4 =	vld [tilespmem:s24+$0x6700]  }
0x42: {  	[tilespmem:s24+$0x16680] =	vst v0;
	v0 =	vld [tilespmem:s24+$0x6710]  }
0x43: {  	[tilespmem:s24+$0x16690] =	vst v1;
	v1 =	vld [tilespmem:s24+$0x6720]  }
0x44: {  	[tilespmem:s24+$0x166A0] =	vst v2;
	v2 =	vld [tilespmem:s24+$0x6730]  }
0x45: {  	[tilespmem:s24+$0x166B0] =	vst v3;
	v3 =	vld [tilespmem:s24+$0x6780]  }
0x46: {  	[tilespmem:s24+$0x16700] =	vst v4;
	v4 =	vld [tilespmem:s24+$0x6790]  }
0x47: {  	[tilespmem:s24+$0x16710] =	vst v0;
	v0 =	vld [tilespmem:s24+$0x67A0]  }
0x48: {  	[tilespmem:s24+$0x16720] =	vst v1;
	v1 =	vld [tilespmem:s24+$0x67B0]  }
0x49: {  	[tilespmem:s24+$0x16730] =	vst v2;
	v2 =	vld [tilespmem:s24+$0x6800]  }
0x4a: {  	[tilespmem:s24+$0x16780] =	vst v3;
	v3 =	vld [tilespmem:s24+$0x6810]  }
0x4b: {  	[tilespmem:s24+$0x16790] =	vst v4;
	v4 =	vld [tilespmem:s24+$0x6820]  }
0x4c: {  	[tilespmem:s24+$0x167A0] =	vst v0;
	v0 =	vld [tilespmem:s24+$0x6830]  }
0x4d: {  	[tilespmem:s24+$0x167B0] =	vst v1;
	v1 =	vld [tilespmem:s24+$0x6880]  }
0x4e: {  	[tilespmem:s24+$0x16800] =	vst v2;
	v2 =	vld [tilespmem:s24+$0x6890]  }
0x4f: {  	[tilespmem:s24+$0x16810] =	vst v3;
	v3 =	vld [tilespmem:s24+$0x68A0]  }
0x50: {  	[tilespmem:s24+$0x16820] =	vst v4;
	v4 =	vld [tilespmem:s24+$0x68B0]  }
0x51: {  	[tilespmem:s24+$0x16830] =	vst v0;
	v0 =	vld [tilespmem:s24+$0x6900]  }
0x52: {  	[tilespmem:s24+$0x16880] =	vst v1;
	v1 =	vld [tilespmem:s24+$0x6910]  }
0x53: {  	[tilespmem:s24+$0x16890] =	vst v2;
	v2 =	vld [tilespmem:s24+$0x6920]  }
0x54: {  	[tilespmem:s24+$0x168A0] =	vst v3;
	v3 =	vld [tilespmem:s24+$0x6930]  }
0x55: {  	[tilespmem:s24+$0x168B0] =	vst v4;
	v4 =	vld [tilespmem:s24+$0x6980]  }
0x56: {  	[tilespmem:s24+$0x16900] =	vst v0;
	v0 =	vld [tilespmem:s24+$0x6990]  }
0x57: {  	[tilespmem:s24+$0x16910] =	vst v1;
	v1 =	vld [tilespmem:s24+$0x69A0]  }
0x58: {  	[tilespmem:s24+$0x16920] =	vst v2;
	v2 =	vld [tilespmem:s24+$0x69B0]  }
0x59: {  	[tilespmem:s24+$0x16930] =	vst v3;
	v3 =	vld [tilespmem:s24+$0x6A00]  }
0x5a: {  	[tilespmem:s24+$0x16980] =	vst v4;
	v4 =	vld [tilespmem:s24+$0x6A10]  }
0x5b: {  	[tilespmem:s24+$0x16990] =	vst v0;
	v0 =	vld [tilespmem:s24+$0x6A20]  }
0x5c: {  	[tilespmem:s24+$0x169A0] =	vst v1;
	v1 =	vld [tilespmem:s24+$0x6A30]  }
0x5d: {  	[tilespmem:s24+$0x169B0] =	vst v2;
	v2 =	vld [tilespmem:s24+$0x6A80]  }
0x5e: {  	[tilespmem:s24+$0x16A00] =	vst v3;
	v3 =	vld [tilespmem:s24+$0x6A90]  }
0x5f: {  	[tilespmem:s24+$0x16A10] =	vst v4;
	v4 =	vld [tilespmem:s24+$0x6AA0]  }
0x60: {  	[tilespmem:s24+$0x16A20] =	vst v0;
	v0 =	vld [tilespmem:s24+$0x6B20]  }
0x61: {  	[tilespmem:s24+$0x16A30] =	vst v1;
	v1 =	vld [tilespmem:s24+$0x6B30]  }
0x62: {  	[tilespmem:s24+$0x16A80] =	vst v2;
	v2 =	vld [tilespmem:s24+$0x6B80]  }
0x63: {  	[tilespmem:s24+$0x16A90] =	vst v3;
	v3 =	vld [tilespmem:s24+$0x6B90]  }
0x64: {  	s26 =	simm.s32 $0x800;
	s25 =	simm.s32 $0x4000;
	[tilespmem:s24+$0x16AA0] =	vst v4;
	v4 =	vld [tilespmem:s24+$0x6BA0]  }
.LBB2_3:
0x65: {  	p1 =	sne.s32 s25, $0xE000;
	v5 =	vld [tilespmem:s26+$0x6BB0];
	[tilespmem:s24+$0x16B20] =	vst v0  }
0x66: {  	v0 =	vld [tilespmem:s26+$0x6400];
	[tilespmem:s24+$0x16B30] =	vst v1  }
0x67: {  	v1 =	vld [tilespmem:s26+$0x6410];
	[tilespmem:s24+$0x16B80] =	vst v2  }
0x68: {  	v2 =	vld [tilespmem:s26+$0x6420];
	[tilespmem:s24+$0x16B90] =	vst v3  }
0x69: {  	v3 =	vld [tilespmem:s26+$0x6430];
	[tilespmem:s24+$0x16BA0] =	vst v4;
	s24 =	smov.u32 s26  }
0x6a: {  	v4 =	vld [tilespmem:s24+$0x6480];
	[tilespmem:s24+$0x16BB0] =	vst v5  }
0x6b: {  	[tilespmem:s24+$0x16400] =	vst v0;
	v0 =	vld [tilespmem:s24+$0x6490]  }
0x6c: {  	[tilespmem:s24+$0x16410] =	vst v1;
	v1 =	vld [tilespmem:s24+$0x64A0]  }
0x6d: {  	[tilespmem:s24+$0x16420] =	vst v2;
	v2 =	vld [tilespmem:s24+$0x64B0]  }
0x6e: {  	[tilespmem:s24+$0x16430] =	vst v3;
	v3 =	vld [tilespmem:s24+$0x6500]  }
0x6f: {  	[tilespmem:s24+$0x16480] =	vst v4;
	v4 =	vld [tilespmem:s24+$0x6510]  }
0x70: {  	[tilespmem:s24+$0x16490] =	vst v0;
	v0 =	vld [tilespmem:s24+$0x6520]  }
0x71: {  	[tilespmem:s24+$0x164A0] =	vst v1;
	v1 =	vld [tilespmem:s24+$0x6530]  }
0x72: {  	[tilespmem:s24+$0x164B0] =	vst v2;
	v2 =	vld [tilespmem:s24+$0x6580]  }
0x73: {  	[tilespmem:s24+$0x16500] =	vst v3;
	v3 =	vld [tilespmem:s24+$0x6590]  }
0x74: {  	[tilespmem:s24+$0x16510] =	vst v4;
	v4 =	vld [tilespmem:s24+$0x65A0]  }
0x75: {  	[tilespmem:s24+$0x16520] =	vst v0;
	v0 =	vld [tilespmem:s24+$0x65B0]  }
0x76: {  	[tilespmem:s24+$0x16530] =	vst v1;
	v1 =	vld [tilespmem:s24+$0x6600]  }
0x77: {  	[tilespmem:s24+$0x16580] =	vst v2;
	v2 =	vld [tilespmem:s24+$0x6610]  }
0x78: {  	[tilespmem:s24+$0x16590] =	vst v3;
	v3 =	vld [tilespmem:s24+$0x6620]  }
0x79: {  	[tilespmem:s24+$0x165A0] =	vst v4;
	v4 =	vld [tilespmem:s24+$0x6630]  }
0x7a: {  	[tilespmem:s24+$0x165B0] =	vst v0;
	v0 =	vld [tilespmem:s24+$0x6680]  }
0x7b: {  	[tilespmem:s24+$0x16600] =	vst v1;
	v1 =	vld [tilespmem:s24+$0x6690]  }
0x7c: {  	[tilespmem:s24+$0x16610] =	vst v2;
	v2 =	vld [tilespmem:s24+$0x66A0]  }
0x7d: {  	[tilespmem:s24+$0x16620] =	vst v3;
	v3 =	vld [tilespmem:s24+$0x66B0]  }
0x7e: {  	[tilespmem:s24+$0x16630] =	vst v4;
	v4 =	vld [tilespmem:s24+$0x6700]  }
0x7f: {  	[tilespmem:s24+$0x16680] =	vst v0;
	v0 =	vld [tilespmem:s24+$0x6710]  }
0x80: {  	[tilespmem:s24+$0x16690] =	vst v1;
	v1 =	vld [tilespmem:s24+$0x6720]  }
0x81: {  	[tilespmem:s24+$0x166A0] =	vst v2;
	v2 =	vld [tilespmem:s24+$0x6730]  }
0x82: {  	[tilespmem:s24+$0x166B0] =	vst v3;
	v3 =	vld [tilespmem:s24+$0x6780]  }
0x83: {  	[tilespmem:s24+$0x16700] =	vst v4;
	v4 =	vld [tilespmem:s24+$0x6790]  }
0x84: {  	[tilespmem:s24+$0x16710] =	vst v0;
	v0 =	vld [tilespmem:s24+$0x67A0]  }
0x85: {  	[tilespmem:s24+$0x16720] =	vst v1;
	v1 =	vld [tilespmem:s24+$0x67B0]  }
0x86: {  	[tilespmem:s24+$0x16730] =	vst v2;
	v2 =	vld [tilespmem:s24+$0x6800]  }
0x87: {  	[tilespmem:s24+$0x16780] =	vst v3;
	v3 =	vld [tilespmem:s24+$0x6810]  }
0x88: {  	[tilespmem:s24+$0x16790] =	vst v4;
	v4 =	vld [tilespmem:s24+$0x6820]  }
0x89: {  	[tilespmem:s24+$0x167A0] =	vst v0;
	v0 =	vld [tilespmem:s24+$0x6830]  }
0x8a: {  	[tilespmem:s24+$0x167B0] =	vst v1;
	v1 =	vld [tilespmem:s24+$0x6880]  }
0x8b: {  	[tilespmem:s24+$0x16800] =	vst v2;
	v2 =	vld [tilespmem:s24+$0x6890]  }
0x8c: {  	[tilespmem:s24+$0x16810] =	vst v3;
	v3 =	vld [tilespmem:s24+$0x68A0]  }
0x8d: {  	[tilespmem:s24+$0x16820] =	vst v4;
	v4 =	vld [tilespmem:s24+$0x68B0]  }
0x8e: {  	[tilespmem:s24+$0x16830] =	vst v0;
	v0 =	vld [tilespmem:s24+$0x6900]  }
0x8f: {  	[tilespmem:s24+$0x16880] =	vst v1;
	v1 =	vld [tilespmem:s24+$0x6910]  }
0x90: {  	[tilespmem:s24+$0x16890] =	vst v2;
	v2 =	vld [tilespmem:s24+$0x6920]  }
0x91: {  	[tilespmem:s24+$0x168A0] =	vst v3;
	v3 =	vld [tilespmem:s24+$0x6930]  }
0x92: {  	[tilespmem:s24+$0x168B0] =	vst v4;
	v4 =	vld [tilespmem:s24+$0x6980]  }
0x93: {  	[tilespmem:s24+$0x16900] =	vst v0;
	v0 =	vld [tilespmem:s24+$0x6990]  }
0x94: {  	[tilespmem:s24+$0x16910] =	vst v1;
	v1 =	vld [tilespmem:s24+$0x69A0]  }
0x95: {  	[tilespmem:s24+$0x16920] =	vst v2;
	v2 =	vld [tilespmem:s24+$0x69B0]  }
0x96: {  	[tilespmem:s24+$0x16930] =	vst v3;
	v3 =	vld [tilespmem:s24+$0x6A00]  }
0x97: {  	[tilespmem:s24+$0x16980] =	vst v4;
	v4 =	vld [tilespmem:s24+$0x6A10]  }
0x98: {  	[tilespmem:s24+$0x16990] =	vst v0;
	v0 =	vld [tilespmem:s24+$0x6A20]  }
0x99: {  	[tilespmem:s24+$0x169A0] =	vst v1;
	v1 =	vld [tilespmem:s24+$0x6A30]  }
0x9a: {  	[tilespmem:s24+$0x169B0] =	vst v2;
	v2 =	vld [tilespmem:s24+$0x6A80]  }
0x9b: {  	[tilespmem:s24+$0x16A00] =	vst v3;
	v3 =	vld [tilespmem:s24+$0x6A90]  }
0x9c: {  	[tilespmem:s24+$0x16A10] =	vst v4;
	v4 =	vld [tilespmem:s24+$0x6AA0]  }
0x9d: {  	[tilespmem:s24+$0x16A20] =	vst v0;
	v5 =	vld [tilespmem:s24+$0x6AB0]  }
0x9e: {  	[tilespmem:s24+$0x16A30] =	vst v1;
	v6 =	vld [tilespmem:s24+$0x6B00]  }
0x9f: {  	[tilespmem:s24+$0x16A80] =	vst v2;
	v7 =	vld [tilespmem:s24+$0x6B10]  }
.Ltmp2:
0xa0: {  	[tilespmem:s24+$0x16A90] =	vst v3;
	v0 =	vld [tilespmem:s24+$0x6B20];
	(pc) =	sbr.rel @p1 .LBB2_3-.Ltmp2, $4  }
0xa1: {  	[tilespmem:s24+$0x16AA0] =	vst v4;
	v1 =	vld [tilespmem:s24+$0x6B30]  }
0xa2: {  	[tilespmem:s24+$0x16AB0] =	vst v5;
	v2 =	vld [tilespmem:s24+$0x6B80]  }
0xa3: {  	[tilespmem:s24+$0x16B00] =	vst v6;
	v3 =	vld [tilespmem:s24+$0x6B90]  }
0xa4: {  	s26 =	sshra.s32 s25, $0x2;
	s25 =	sadd.s32 $0x2000, s25;
	[tilespmem:s24+$0x16B10] =	vst v7;
	v4 =	vld [tilespmem:s24+$0x6BA0]  }
0xa5: {  	v5 =	vld [tilespmem:s26+$0x6BB0];
	[tilespmem:s24+$0x16B20] =	vst v0  }
0xa6: {  	v0 =	vld [tilespmem:s26+$0x6400];
	[tilespmem:s24+$0x16B30] =	vst v1  }
0xa7: {  	v1 =	vld [tilespmem:s26+$0x6410];
	[tilespmem:s24+$0x16B80] =	vst v2  }
0xa8: {  	v2 =	vld [tilespmem:s26+$0x6420];
	[tilespmem:s24+$0x16B90] =	vst v3  }
0xa9: {  	v3 =	vld [tilespmem:s26+$0x6430];
	[tilespmem:s24+$0x16BA0] =	vst v4  }
0xaa: {  	v4 =	vld [tilespmem:s26+$0x6480];
	[tilespmem:s26+$0x16BB0] =	vst v5  }
0xab: {  	[tilespmem:s26+$0x16400] =	vst v0;
	v0 =	vld [tilespmem:s26+$0x6490]  }
0xac: {  	[tilespmem:s26+$0x16410] =	vst v1;
	v1 =	vld [tilespmem:s26+$0x64A0]  }
0xad: {  	[tilespmem:s26+$0x16420] =	vst v2;
	v2 =	vld [tilespmem:s26+$0x64B0]  }
0xae: {  	[tilespmem:s26+$0x16430] =	vst v3;
	v3 =	vld [tilespmem:s26+$0x6500]  }
0xaf: {  	[tilespmem:s26+$0x16480] =	vst v4;
	v4 =	vld [tilespmem:s26+$0x6510]  }
0xb0: {  	[tilespmem:s26+$0x16490] =	vst v0;
	v0 =	vld [tilespmem:s26+$0x6520]  }
0xb1: {  	[tilespmem:s26+$0x164A0] =	vst v1;
	v1 =	vld [tilespmem:s26+$0x6530]  }
0xb2: {  	[tilespmem:s26+$0x164B0] =	vst v2;
	v2 =	vld [tilespmem:s26+$0x6580]  }
0xb3: {  	[tilespmem:s26+$0x16500] =	vst v3;
	v3 =	vld [tilespmem:s26+$0x6590]  }
0xb4: {  	[tilespmem:s26+$0x16510] =	vst v4;
	v4 =	vld [tilespmem:s26+$0x65A0]  }
0xb5: {  	[tilespmem:s26+$0x16520] =	vst v0;
	v0 =	vld [tilespmem:s26+$0x65B0]  }
0xb6: {  	[tilespmem:s26+$0x16530] =	vst v1;
	v1 =	vld [tilespmem:s26+$0x6600]  }
0xb7: {  	[tilespmem:s26+$0x16580] =	vst v2;
	v2 =	vld [tilespmem:s26+$0x6610]  }
0xb8: {  	[tilespmem:s26+$0x16590] =	vst v3;
	v3 =	vld [tilespmem:s26+$0x6620]  }
0xb9: {  	[tilespmem:s26+$0x165A0] =	vst v4;
	v4 =	vld [tilespmem:s26+$0x6630]  }
0xba: {  	[tilespmem:s26+$0x165B0] =	vst v0;
	v0 =	vld [tilespmem:s26+$0x6680]  }
0xbb: {  	[tilespmem:s26+$0x16600] =	vst v1;
	v1 =	vld [tilespmem:s26+$0x6690]  }
0xbc: {  	[tilespmem:s26+$0x16610] =	vst v2;
	v2 =	vld [tilespmem:s26+$0x66A0]  }
0xbd: {  	[tilespmem:s26+$0x16620] =	vst v3;
	v3 =	vld [tilespmem:s26+$0x66B0]  }
0xbe: {  	[tilespmem:s26+$0x16630] =	vst v4;
	v4 =	vld [tilespmem:s26+$0x6700]  }
0xbf: {  	[tilespmem:s26+$0x16680] =	vst v0;
	v0 =	vld [tilespmem:s26+$0x6710]  }
0xc0: {  	[tilespmem:s26+$0x16690] =	vst v1;
	v1 =	vld [tilespmem:s26+$0x6720]  }
0xc1: {  	[tilespmem:s26+$0x166A0] =	vst v2;
	v2 =	vld [tilespmem:s26+$0x6730]  }
0xc2: {  	[tilespmem:s26+$0x166B0] =	vst v3;
	v3 =	vld [tilespmem:s26+$0x6780]  }
0xc3: {  	[tilespmem:s26+$0x16700] =	vst v4;
	v4 =	vld [tilespmem:s26+$0x6790]  }
0xc4: {  	[tilespmem:s26+$0x16710] =	vst v0;
	v0 =	vld [tilespmem:s26+$0x67A0]  }
0xc5: {  	[tilespmem:s26+$0x16720] =	vst v1;
	v1 =	vld [tilespmem:s26+$0x67B0]  }
0xc6: {  	[tilespmem:s26+$0x16730] =	vst v2;
	v2 =	vld [tilespmem:s26+$0x6800]  }
0xc7: {  	[tilespmem:s26+$0x16780] =	vst v3;
	v3 =	vld [tilespmem:s26+$0x6810]  }
0xc8: {  	[tilespmem:s26+$0x16790] =	vst v4;
	v4 =	vld [tilespmem:s26+$0x6820]  }
0xc9: {  	[tilespmem:s26+$0x167A0] =	vst v0;
	v0 =	vld [tilespmem:s26+$0x6830]  }
0xca: {  	[tilespmem:s26+$0x167B0] =	vst v1;
	v1 =	vld [tilespmem:s26+$0x6880]  }
0xcb: {  	[tilespmem:s26+$0x16800] =	vst v2;
	v2 =	vld [tilespmem:s26+$0x6890]  }
0xcc: {  	[tilespmem:s26+$0x16810] =	vst v3;
	v3 =	vld [tilespmem:s26+$0x68A0]  }
0xcd: {  	[tilespmem:s26+$0x16820] =	vst v4;
	v4 =	vld [tilespmem:s26+$0x68B0]  }
0xce: {  	[tilespmem:s26+$0x16830] =	vst v0;
	v0 =	vld [tilespmem:s26+$0x6900]  }
0xcf: {  	[tilespmem:s26+$0x16880] =	vst v1;
	v1 =	vld [tilespmem:s26+$0x6910]  }
0xd0: {  	[tilespmem:s26+$0x16890] =	vst v2;
	v2 =	vld [tilespmem:s26+$0x6920]  }
0xd1: {  	[tilespmem:s26+$0x168A0] =	vst v3;
	v3 =	vld [tilespmem:s26+$0x6930]  }
0xd2: {  	[tilespmem:s26+$0x168B0] =	vst v4;
	v4 =	vld [tilespmem:s26+$0x6980]  }
0xd3: {  	[tilespmem:s26+$0x16900] =	vst v0;
	v0 =	vld [tilespmem:s26+$0x6990]  }
0xd4: {  	[tilespmem:s26+$0x16910] =	vst v1;
	v1 =	vld [tilespmem:s26+$0x69A0]  }
0xd5: {  	[tilespmem:s26+$0x16920] =	vst v2;
	v2 =	vld [tilespmem:s26+$0x69B0]  }
0xd6: {  	[tilespmem:s26+$0x16930] =	vst v3;
	v3 =	vld [tilespmem:s26+$0x6A00]  }
0xd7: {  	[tilespmem:s26+$0x16980] =	vst v4;
	v4 =	vld [tilespmem:s26+$0x6A10]  }
0xd8: {  	[tilespmem:s26+$0x16990] =	vst v0;
	v0 =	vld [tilespmem:s26+$0x6A20]  }
0xd9: {  	[tilespmem:s26+$0x169A0] =	vst v1;
	v1 =	vld [tilespmem:s26+$0x6A30]  }
0xda: {  	[tilespmem:s26+$0x169B0] =	vst v2;
	v2 =	vld [tilespmem:s26+$0x6A80]  }
0xdb: {  	[tilespmem:s26+$0x16A00] =	vst v3;
	v3 =	vld [tilespmem:s26+$0x6A90]  }
0xdc: {  	[tilespmem:s26+$0x16A10] =	vst v4;
	v4 =	vld [tilespmem:s26+$0x6AA0]  }
0xdd: {  	[tilespmem:s26+$0x16A20] =	vst v0;
	v0 =	vld [tilespmem:s26+$0x6AB0]  }
0xde: {  	[tilespmem:s26+$0x16A30] =	vst v1;
	v1 =	vld [tilespmem:s26+$0x6B00]  }
0xdf: {  	[tilespmem:s26+$0x16A80] =	vst v2;
	v2 =	vld [tilespmem:s26+$0x6B10]  }
0xe0: {  	[tilespmem:s26+$0x16A90] =	vst v3;
	v3 =	vld [tilespmem:s26+$0x6B20]  }
0xe1: {  	[tilespmem:s26+$0x16AA0] =	vst v4;
	v4 =	vld [tilespmem:s26+$0x6B30]  }
0xe2: {  	[tilespmem:s26+$0x16AB0] =	vst v0;
	v0 =	vld [tilespmem:s26+$0x6B80]  }
0xe3: {  	[tilespmem:s26+$0x16B00] =	vst v1;
	v1 =	vld [tilespmem:s26+$0x6B90]  }
0xe4: {  	[tilespmem:s26+$0x16B10] =	vst v2;
	v2 =	vld [tilespmem:s26+$0x6BA0]  }
0xe5: {  	[tilespmem:s26+$0x16B20] =	vst v3  }
0xe6: {  	s24 =	sshll.u32 s23, $0x9;
	[tilespmem:s26+$0x16B30] =	vst v4  }
0xe7: {  	s25 =	sadd.s32 s5, s24;
	[tilespmem:s26+$0x16B80] =	vst v0  }
0xe8: {  	s25 =	sshll.u32 s25, $0x4;
	[tilespmem:s26+$0x16B90] =	vst v1  }
0xe9: {  	s31 =	sadd.s32 s4, s25;
	[tilespmem:s26+$0x16BA0] =	vst v2;
	s26 =	simm.s32 @!p0 $0x4  }
0xea: {  	[hbm4b:s31+s2] =	stream.linear.scatter [tilespmem:s17], [sflag:$0x3], $0x4000, $0x38;
	[tilespmem:$0x1E400] =	vst v63  }
0xeb: {  	_ =	swait.ge @!p0 [sflag:s26], $0x4000  }
0xec: {  	[sflag:s26] =	ssyncset.done @!p0 $0x0  }
0xed: {  	[sflag:s26] =	ssyncadd.s32 @!p0 $0xFFFFC000;
	s26 =	simm.s32 $0x0  }
0xee: {  	v0 =	vld [tilespmem:s26+$0xABB0]  }
0xef: {  	v1 =	vld [tilespmem:s26+$0xA400]  }
0xf0: {  	v2 =	vld [tilespmem:s26+$0xA410]  }
0xf1: {  	v3 =	vld [tilespmem:s26+$0xA420]  }
0xf2: {  	v4 =	vld [tilespmem:s26+$0xA430]  }
0xf3: {  	v5 =	vld [tilespmem:s26+$0xA480];
	[tilespmem:s26+$0x1ABB0] =	vst v0  }
0xf4: {  	v6 =	vld [tilespmem:s26+$0xAB00];
	[tilespmem:s26+$0x1A400] =	vst v1  }
0xf5: {  	v7 =	vld [tilespmem:s26+$0xAB10];
	[tilespmem:s26+$0x1A410] =	vst v2  }
0xf6: {  	v0 =	vld [tilespmem:s26+$0xA490];
	[tilespmem:s26+$0x1A420] =	vst v3  }
0xf7: {  	v1 =	vld [tilespmem:s26+$0xA4A0];
	[tilespmem:s26+$0x1A430] =	vst v4  }
0xf8: {  	v2 =	vld [tilespmem:s26+$0xA4B0];
	[tilespmem:s26+$0x1A480] =	vst v5  }
0xf9: {  	v3 =	vld [tilespmem:s26+$0xA500];
	[tilespmem:s26+$0x1AB00] =	vst v6  }
0xfa: {  	v4 =	vld [tilespmem:s26+$0xA510];
	[tilespmem:s26+$0x1AB10] =	vst v7  }
0xfb: {  	v5 =	vld [tilespmem:s26+$0xAAB0];
	[tilespmem:s26+$0x1A490] =	vst v0  }
0xfc: {  	v0 =	vld [tilespmem:s26+$0xA520];
	[tilespmem:s26+$0x1A4A0] =	vst v1  }
0xfd: {  	v1 =	vld [tilespmem:s26+$0xA530];
	[tilespmem:s26+$0x1A4B0] =	vst v2  }
0xfe: {  	v2 =	vld [tilespmem:s26+$0xA580];
	[tilespmem:s26+$0x1A500] =	vst v3  }
0xff: {  	v3 =	vld [tilespmem:s26+$0xA590];
	[tilespmem:s26+$0x1A510] =	vst v4  }
0x100: {  	v4 =	vld [tilespmem:s26+$0xA5A0];
	[tilespmem:s26+$0x1AAB0] =	vst v5  }
0x101: {  	[tilespmem:s26+$0x1A520] =	vst v0;
	v0 =	vld [tilespmem:s26+$0xA5B0]  }
0x102: {  	[tilespmem:s26+$0x1A530] =	vst v1;
	v1 =	vld [tilespmem:s26+$0xA600]  }
0x103: {  	[tilespmem:s26+$0x1A580] =	vst v2;
	v2 =	vld [tilespmem:s26+$0xA610]  }
0x104: {  	[tilespmem:s26+$0x1A590] =	vst v3;
	v3 =	vld [tilespmem:s26+$0xA620]  }
0x105: {  	[tilespmem:s26+$0x1A5A0] =	vst v4;
	v4 =	vld [tilespmem:s26+$0xA630]  }
0x106: {  	[tilespmem:s26+$0x1A5B0] =	vst v0;
	v0 =	vld [tilespmem:s26+$0xA680]  }
0x107: {  	[tilespmem:s26+$0x1A600] =	vst v1;
	v1 =	vld [tilespmem:s26+$0xA690]  }
0x108: {  	[tilespmem:s26+$0x1A610] =	vst v2;
	v2 =	vld [tilespmem:s26+$0xA6A0]  }
0x109: {  	[tilespmem:s26+$0x1A620] =	vst v3;
	v3 =	vld [tilespmem:s26+$0xA6B0]  }
0x10a: {  	[tilespmem:s26+$0x1A630] =	vst v4;
	v4 =	vld [tilespmem:s26+$0xA700]  }
0x10b: {  	[tilespmem:s26+$0x1A680] =	vst v0;
	v0 =	vld [tilespmem:s26+$0xA710]  }
0x10c: {  	[tilespmem:s26+$0x1A690] =	vst v1;
	v1 =	vld [tilespmem:s26+$0xA720]  }
0x10d: {  	[tilespmem:s26+$0x1A6A0] =	vst v2;
	v2 =	vld [tilespmem:s26+$0xA730]  }
0x10e: {  	[tilespmem:s26+$0x1A6B0] =	vst v3;
	v3 =	vld [tilespmem:s26+$0xA780]  }
0x10f: {  	[tilespmem:s26+$0x1A700] =	vst v4;
	v4 =	vld [tilespmem:s26+$0xA790]  }
0x110: {  	[tilespmem:s26+$0x1A710] =	vst v0;
	v0 =	vld [tilespmem:s26+$0xA7A0]  }
0x111: {  	[tilespmem:s26+$0x1A720] =	vst v1;
	v1 =	vld [tilespmem:s26+$0xA7B0]  }
0x112: {  	[tilespmem:s26+$0x1A730] =	vst v2;
	v2 =	vld [tilespmem:s26+$0xA800]  }
0x113: {  	[tilespmem:s26+$0x1A780] =	vst v3;
	v3 =	vld [tilespmem:s26+$0xA810]  }
0x114: {  	[tilespmem:s26+$0x1A790] =	vst v4;
	v4 =	vld [tilespmem:s26+$0xA820]  }
0x115: {  	[tilespmem:s26+$0x1A7A0] =	vst v0;
	v0 =	vld [tilespmem:s26+$0xA830]  }
0x116: {  	[tilespmem:s26+$0x1A7B0] =	vst v1;
	v1 =	vld [tilespmem:s26+$0xA880]  }
0x117: {  	[tilespmem:s26+$0x1A800] =	vst v2;
	v2 =	vld [tilespmem:s26+$0xA890]  }
0x118: {  	[tilespmem:s26+$0x1A810] =	vst v3;
	v3 =	vld [tilespmem:s26+$0xA8A0]  }
0x119: {  	[tilespmem:s26+$0x1A820] =	vst v4;
	v4 =	vld [tilespmem:s26+$0xA8B0]  }
0x11a: {  	[tilespmem:s26+$0x1A830] =	vst v0;
	v0 =	vld [tilespmem:s26+$0xA900]  }
0x11b: {  	[tilespmem:s26+$0x1A880] =	vst v1;
	v1 =	vld [tilespmem:s26+$0xA910]  }
0x11c: {  	[tilespmem:s26+$0x1A890] =	vst v2;
	v2 =	vld [tilespmem:s26+$0xA920]  }
0x11d: {  	[tilespmem:s26+$0x1A8A0] =	vst v3;
	v3 =	vld [tilespmem:s26+$0xA930]  }
0x11e: {  	[tilespmem:s26+$0x1A8B0] =	vst v4;
	v4 =	vld [tilespmem:s26+$0xA980]  }
0x11f: {  	[tilespmem:s26+$0x1A900] =	vst v0;
	v0 =	vld [tilespmem:s26+$0xA990]  }
0x120: {  	[tilespmem:s26+$0x1A910] =	vst v1;
	v1 =	vld [tilespmem:s26+$0xA9A0]  }
0x121: {  	[tilespmem:s26+$0x1A920] =	vst v2;
	v2 =	vld [tilespmem:s26+$0xA9B0]  }
0x122: {  	[tilespmem:s26+$0x1A930] =	vst v3;
	v3 =	vld [tilespmem:s26+$0xAA00]  }
0x123: {  	[tilespmem:s26+$0x1A980] =	vst v4;
	v4 =	vld [tilespmem:s26+$0xAA10]  }
0x124: {  	[tilespmem:s26+$0x1A990] =	vst v0;
	v0 =	vld [tilespmem:s26+$0xAA20]  }
0x125: {  	[tilespmem:s26+$0x1A9A0] =	vst v1;
	v1 =	vld [tilespmem:s26+$0xAA30]  }
0x126: {  	[tilespmem:s26+$0x1A9B0] =	vst v2;
	v2 =	vld [tilespmem:s26+$0xAA80]  }
0x127: {  	[tilespmem:s26+$0x1AA00] =	vst v3;
	v3 =	vld [tilespmem:s26+$0xAA90]  }
0x128: {  	[tilespmem:s26+$0x1AA10] =	vst v4;
	v4 =	vld [tilespmem:s26+$0xAAA0]  }
0x129: {  	[tilespmem:s26+$0x1AA20] =	vst v0;
	v0 =	vld [tilespmem:s26+$0xAB20]  }
0x12a: {  	[tilespmem:s26+$0x1AA30] =	vst v1;
	v1 =	vld [tilespmem:s26+$0xAB30]  }
0x12b: {  	[tilespmem:s26+$0x1AA80] =	vst v2;
	v2 =	vld [tilespmem:s26+$0xAB80]  }
0x12c: {  	[tilespmem:s26+$0x1AA90] =	vst v3;
	v3 =	vld [tilespmem:s26+$0xAB90]  }
0x12d: {  	s29 =	simm.s32 $0x800;
	s28 =	simm.s32 $0x4000;
	[tilespmem:s26+$0x1AAA0] =	vst v4;
	v4 =	vld [tilespmem:s26+$0xABA0]  }
.LBB2_5:
0x12e: {  	p0 =	sne.s32 s28, $0xE000;
	v5 =	vld [tilespmem:s29+$0xABB0];
	[tilespmem:s26+$0x1AB20] =	vst v0  }
0x12f: {  	v0 =	vld [tilespmem:s29+$0xA400];
	[tilespmem:s26+$0x1AB30] =	vst v1  }
0x130: {  	v1 =	vld [tilespmem:s29+$0xA410];
	[tilespmem:s26+$0x1AB80] =	vst v2  }
0x131: {  	v2 =	vld [tilespmem:s29+$0xA420];
	[tilespmem:s26+$0x1AB90] =	vst v3  }
0x132: {  	v3 =	vld [tilespmem:s29+$0xA430];
	[tilespmem:s26+$0x1ABA0] =	vst v4;
	s26 =	smov.u32 s29  }
0x133: {  	v4 =	vld [tilespmem:s26+$0xA480];
	[tilespmem:s26+$0x1ABB0] =	vst v5  }
0x134: {  	[tilespmem:s26+$0x1A400] =	vst v0;
	v0 =	vld [tilespmem:s26+$0xA490]  }
0x135: {  	[tilespmem:s26+$0x1A410] =	vst v1;
	v1 =	vld [tilespmem:s26+$0xA4A0]  }
0x136: {  	[tilespmem:s26+$0x1A420] =	vst v2;
	v2 =	vld [tilespmem:s26+$0xA4B0]  }
0x137: {  	[tilespmem:s26+$0x1A430] =	vst v3;
	v3 =	vld [tilespmem:s26+$0xA500]  }
0x138: {  	[tilespmem:s26+$0x1A480] =	vst v4;
	v4 =	vld [tilespmem:s26+$0xA510]  }
0x139: {  	[tilespmem:s26+$0x1A490] =	vst v0;
	v0 =	vld [tilespmem:s26+$0xA520]  }
0x13a: {  	[tilespmem:s26+$0x1A4A0] =	vst v1;
	v1 =	vld [tilespmem:s26+$0xA530]  }
0x13b: {  	[tilespmem:s26+$0x1A4B0] =	vst v2;
	v2 =	vld [tilespmem:s26+$0xA580]  }
0x13c: {  	[tilespmem:s26+$0x1A500] =	vst v3;
	v3 =	vld [tilespmem:s26+$0xA590]  }
0x13d: {  	[tilespmem:s26+$0x1A510] =	vst v4;
	v4 =	vld [tilespmem:s26+$0xA5A0]  }
0x13e: {  	[tilespmem:s26+$0x1A520] =	vst v0;
	v0 =	vld [tilespmem:s26+$0xA5B0]  }
0x13f: {  	[tilespmem:s26+$0x1A530] =	vst v1;
	v1 =	vld [tilespmem:s26+$0xA600]  }
0x140: {  	[tilespmem:s26+$0x1A580] =	vst v2;
	v2 =	vld [tilespmem:s26+$0xA610]  }
0x141: {  	[tilespmem:s26+$0x1A590] =	vst v3;
	v3 =	vld [tilespmem:s26+$0xA620]  }
0x142: {  	[tilespmem:s26+$0x1A5A0] =	vst v4;
	v4 =	vld [tilespmem:s26+$0xA630]  }
0x143: {  	[tilespmem:s26+$0x1A5B0] =	vst v0;
	v0 =	vld [tilespmem:s26+$0xA680]  }
0x144: {  	[tilespmem:s26+$0x1A600] =	vst v1;
	v1 =	vld [tilespmem:s26+$0xA690]  }
0x145: {  	[tilespmem:s26+$0x1A610] =	vst v2;
	v2 =	vld [tilespmem:s26+$0xA6A0]  }
0x146: {  	[tilespmem:s26+$0x1A620] =	vst v3;
	v3 =	vld [tilespmem:s26+$0xA6B0]  }
0x147: {  	[tilespmem:s26+$0x1A630] =	vst v4;
	v4 =	vld [tilespmem:s26+$0xA700]  }
0x148: {  	[tilespmem:s26+$0x1A680] =	vst v0;
	v0 =	vld [tilespmem:s26+$0xA710]  }
0x149: {  	[tilespmem:s26+$0x1A690] =	vst v1;
	v1 =	vld [tilespmem:s26+$0xA720]  }
0x14a: {  	[tilespmem:s26+$0x1A6A0] =	vst v2;
	v2 =	vld [tilespmem:s26+$0xA730]  }
0x14b: {  	[tilespmem:s26+$0x1A6B0] =	vst v3;
	v3 =	vld [tilespmem:s26+$0xA780]  }
0x14c: {  	[tilespmem:s26+$0x1A700] =	vst v4;
	v4 =	vld [tilespmem:s26+$0xA790]  }
0x14d: {  	[tilespmem:s26+$0x1A710] =	vst v0;
	v0 =	vld [tilespmem:s26+$0xA7A0]  }
0x14e: {  	[tilespmem:s26+$0x1A720] =	vst v1;
	v1 =	vld [tilespmem:s26+$0xA7B0]  }
0x14f: {  	[tilespmem:s26+$0x1A730] =	vst v2;
	v2 =	vld [tilespmem:s26+$0xA800]  }
0x150: {  	[tilespmem:s26+$0x1A780] =	vst v3;
	v3 =	vld [tilespmem:s26+$0xA810]  }
0x151: {  	[tilespmem:s26+$0x1A790] =	vst v4;
	v4 =	vld [tilespmem:s26+$0xA820]  }
0x152: {  	[tilespmem:s26+$0x1A7A0] =	vst v0;
	v0 =	vld [tilespmem:s26+$0xA830]  }
0x153: {  	[tilespmem:s26+$0x1A7B0] =	vst v1;
	v1 =	vld [tilespmem:s26+$0xA880]  }
0x154: {  	[tilespmem:s26+$0x1A800] =	vst v2;
	v2 =	vld [tilespmem:s26+$0xA890]  }
0x155: {  	[tilespmem:s26+$0x1A810] =	vst v3;
	v3 =	vld [tilespmem:s26+$0xA8A0]  }
0x156: {  	[tilespmem:s26+$0x1A820] =	vst v4;
	v4 =	vld [tilespmem:s26+$0xA8B0]  }
0x157: {  	[tilespmem:s26+$0x1A830] =	vst v0;
	v0 =	vld [tilespmem:s26+$0xA900]  }
0x158: {  	[tilespmem:s26+$0x1A880] =	vst v1;
	v1 =	vld [tilespmem:s26+$0xA910]  }
0x159: {  	[tilespmem:s26+$0x1A890] =	vst v2;
	v2 =	vld [tilespmem:s26+$0xA920]  }
0x15a: {  	[tilespmem:s26+$0x1A8A0] =	vst v3;
	v3 =	vld [tilespmem:s26+$0xA930]  }
0x15b: {  	[tilespmem:s26+$0x1A8B0] =	vst v4;
	v4 =	vld [tilespmem:s26+$0xA980]  }
0x15c: {  	[tilespmem:s26+$0x1A900] =	vst v0;
	v0 =	vld [tilespmem:s26+$0xA990]  }
0x15d: {  	[tilespmem:s26+$0x1A910] =	vst v1;
	v1 =	vld [tilespmem:s26+$0xA9A0]  }
0x15e: {  	[tilespmem:s26+$0x1A920] =	vst v2;
	v2 =	vld [tilespmem:s26+$0xA9B0]  }
0x15f: {  	[tilespmem:s26+$0x1A930] =	vst v3;
	v3 =	vld [tilespmem:s26+$0xAA00]  }
0x160: {  	[tilespmem:s26+$0x1A980] =	vst v4;
	v4 =	vld [tilespmem:s26+$0xAA10]  }
0x161: {  	[tilespmem:s26+$0x1A990] =	vst v0;
	v0 =	vld [tilespmem:s26+$0xAA20]  }
0x162: {  	[tilespmem:s26+$0x1A9A0] =	vst v1;
	v1 =	vld [tilespmem:s26+$0xAA30]  }
0x163: {  	[tilespmem:s26+$0x1A9B0] =	vst v2;
	v2 =	vld [tilespmem:s26+$0xAA80]  }
0x164: {  	[tilespmem:s26+$0x1AA00] =	vst v3;
	v3 =	vld [tilespmem:s26+$0xAA90]  }
0x165: {  	[tilespmem:s26+$0x1AA10] =	vst v4;
	v4 =	vld [tilespmem:s26+$0xAAA0]  }
0x166: {  	[tilespmem:s26+$0x1AA20] =	vst v0;
	v5 =	vld [tilespmem:s26+$0xAAB0]  }
0x167: {  	[tilespmem:s26+$0x1AA30] =	vst v1;
	v6 =	vld [tilespmem:s26+$0xAB00]  }
0x168: {  	[tilespmem:s26+$0x1AA80] =	vst v2;
	v7 =	vld [tilespmem:s26+$0xAB10]  }
.Ltmp3:
0x169: {  	[tilespmem:s26+$0x1AA90] =	vst v3;
	v0 =	vld [tilespmem:s26+$0xAB20];
	(pc) =	sbr.rel @p0 .LBB2_5-.Ltmp3, $4  }
0x16a: {  	[tilespmem:s26+$0x1AAA0] =	vst v4;
	v1 =	vld [tilespmem:s26+$0xAB30]  }
0x16b: {  	[tilespmem:s26+$0x1AAB0] =	vst v5;
	v2 =	vld [tilespmem:s26+$0xAB80]  }
0x16c: {  	[tilespmem:s26+$0x1AB00] =	vst v6;
	v3 =	vld [tilespmem:s26+$0xAB90]  }
0x16d: {  	s29 =	sshra.s32 s28, $0x2;
	s28 =	sadd.s32 $0x2000, s28;
	[tilespmem:s26+$0x1AB10] =	vst v7;
	v4 =	vld [tilespmem:s26+$0xABA0]  }
0x16e: {  	v5 =	vld [tilespmem:s29+$0xABB0];
	[tilespmem:s26+$0x1AB20] =	vst v0  }
0x16f: {  	v0 =	vld [tilespmem:s29+$0xA400];
	[tilespmem:s26+$0x1AB30] =	vst v1  }
0x170: {  	v1 =	vld [tilespmem:s29+$0xA410];
	[tilespmem:s26+$0x1AB80] =	vst v2  }
0x171: {  	v2 =	vld [tilespmem:s29+$0xA420];
	[tilespmem:s26+$0x1AB90] =	vst v3  }
0x172: {  	v3 =	vld [tilespmem:s29+$0xA430];
	[tilespmem:s26+$0x1ABA0] =	vst v4  }
0x173: {  	v4 =	vld [tilespmem:s29+$0xA480];
	[tilespmem:s29+$0x1ABB0] =	vst v5  }
0x174: {  	[tilespmem:s29+$0x1A400] =	vst v0;
	v0 =	vld [tilespmem:s29+$0xA490]  }
0x175: {  	[tilespmem:s29+$0x1A410] =	vst v1;
	v1 =	vld [tilespmem:s29+$0xA4A0]  }
0x176: {  	[tilespmem:s29+$0x1A420] =	vst v2;
	v2 =	vld [tilespmem:s29+$0xA4B0]  }
0x177: {  	[tilespmem:s29+$0x1A430] =	vst v3;
	v3 =	vld [tilespmem:s29+$0xA500]  }
0x178: {  	[tilespmem:s29+$0x1A480] =	vst v4;
	v4 =	vld [tilespmem:s29+$0xA510]  }
0x179: {  	[tilespmem:s29+$0x1A490] =	vst v0;
	v0 =	vld [tilespmem:s29+$0xA520]  }
0x17a: {  	[tilespmem:s29+$0x1A4A0] =	vst v1;
	v1 =	vld [tilespmem:s29+$0xA530]  }
0x17b: {  	[tilespmem:s29+$0x1A4B0] =	vst v2;
	v2 =	vld [tilespmem:s29+$0xA580]  }
0x17c: {  	[tilespmem:s29+$0x1A500] =	vst v3;
	v3 =	vld [tilespmem:s29+$0xA590]  }
0x17d: {  	[tilespmem:s29+$0x1A510] =	vst v4;
	v4 =	vld [tilespmem:s29+$0xA5A0]  }
0x17e: {  	[tilespmem:s29+$0x1A520] =	vst v0;
	v0 =	vld [tilespmem:s29+$0xA5B0]  }
0x17f: {  	[tilespmem:s29+$0x1A530] =	vst v1;
	v1 =	vld [tilespmem:s29+$0xA600]  }
0x180: {  	[tilespmem:s29+$0x1A580] =	vst v2;
	v2 =	vld [tilespmem:s29+$0xA610]  }
0x181: {  	[tilespmem:s29+$0x1A590] =	vst v3;
	v3 =	vld [tilespmem:s29+$0xA620]  }
0x182: {  	[tilespmem:s29+$0x1A5A0] =	vst v4;
	v4 =	vld [tilespmem:s29+$0xA630]  }
0x183: {  	[tilespmem:s29+$0x1A5B0] =	vst v0;
	v0 =	vld [tilespmem:s29+$0xA680]  }
0x184: {  	[tilespmem:s29+$0x1A600] =	vst v1;
	v1 =	vld [tilespmem:s29+$0xA690]  }
0x185: {  	[tilespmem:s29+$0x1A610] =	vst v2;
	v2 =	vld [tilespmem:s29+$0xA6A0]  }
0x186: {  	[tilespmem:s29+$0x1A620] =	vst v3;
	v3 =	vld [tilespmem:s29+$0xA6B0]  }
0x187: {  	[tilespmem:s29+$0x1A630] =	vst v4;
	v4 =	vld [tilespmem:s29+$0xA700]  }
0x188: {  	[tilespmem:s29+$0x1A680] =	vst v0;
	v0 =	vld [tilespmem:s29+$0xA710]  }
0x189: {  	[tilespmem:s29+$0x1A690] =	vst v1;
	v1 =	vld [tilespmem:s29+$0xA720]  }
0x18a: {  	[tilespmem:s29+$0x1A6A0] =	vst v2;
	v2 =	vld [tilespmem:s29+$0xA730]  }
0x18b: {  	[tilespmem:s29+$0x1A6B0] =	vst v3;
	v3 =	vld [tilespmem:s29+$0xA780]  }
0x18c: {  	[tilespmem:s29+$0x1A700] =	vst v4;
	v4 =	vld [tilespmem:s29+$0xA790]  }
0x18d: {  	[tilespmem:s29+$0x1A710] =	vst v0;
	v0 =	vld [tilespmem:s29+$0xA7A0]  }
0x18e: {  	[tilespmem:s29+$0x1A720] =	vst v1;
	v1 =	vld [tilespmem:s29+$0xA7B0]  }
0x18f: {  	[tilespmem:s29+$0x1A730] =	vst v2;
	v2 =	vld [tilespmem:s29+$0xA800]  }
0x190: {  	[tilespmem:s29+$0x1A780] =	vst v3;
	v3 =	vld [tilespmem:s29+$0xA810]  }
0x191: {  	[tilespmem:s29+$0x1A790] =	vst v4;
	v4 =	vld [tilespmem:s29+$0xA820]  }
0x192: {  	[tilespmem:s29+$0x1A7A0] =	vst v0;
	v0 =	vld [tilespmem:s29+$0xA830]  }
0x193: {  	[tilespmem:s29+$0x1A7B0] =	vst v1;
	v1 =	vld [tilespmem:s29+$0xA880]  }
0x194: {  	[tilespmem:s29+$0x1A800] =	vst v2;
	v2 =	vld [tilespmem:s29+$0xA890]  }
0x195: {  	[tilespmem:s29+$0x1A810] =	vst v3;
	v3 =	vld [tilespmem:s29+$0xA8A0]  }
0x196: {  	[tilespmem:s29+$0x1A820] =	vst v4;
	v4 =	vld [tilespmem:s29+$0xA8B0]  }
0x197: {  	[tilespmem:s29+$0x1A830] =	vst v0;
	v0 =	vld [tilespmem:s29+$0xA900]  }
0x198: {  	[tilespmem:s29+$0x1A880] =	vst v1;
	v1 =	vld [tilespmem:s29+$0xA910]  }
0x199: {  	[tilespmem:s29+$0x1A890] =	vst v2;
	v2 =	vld [tilespmem:s29+$0xA920]  }
0x19a: {  	[tilespmem:s29+$0x1A8A0] =	vst v3;
	v3 =	vld [tilespmem:s29+$0xA930]  }
0x19b: {  	[tilespmem:s29+$0x1A8B0] =	vst v4;
	v4 =	vld [tilespmem:s29+$0xA980]  }
0x19c: {  	[tilespmem:s29+$0x1A900] =	vst v0;
	v0 =	vld [tilespmem:s29+$0xA990]  }
0x19d: {  	[tilespmem:s29+$0x1A910] =	vst v1;
	v1 =	vld [tilespmem:s29+$0xA9A0]  }
0x19e: {  	[tilespmem:s29+$0x1A920] =	vst v2;
	v2 =	vld [tilespmem:s29+$0xA9B0]  }
0x19f: {  	[tilespmem:s29+$0x1A930] =	vst v3;
	v3 =	vld [tilespmem:s29+$0xAA00]  }
0x1a0: {  	[tilespmem:s29+$0x1A980] =	vst v4;
	v4 =	vld [tilespmem:s29+$0xAA10]  }
0x1a1: {  	[tilespmem:s29+$0x1A990] =	vst v0;
	v0 =	vld [tilespmem:s29+$0xAA20]  }
0x1a2: {  	[tilespmem:s29+$0x1A9A0] =	vst v1;
	v1 =	vld [tilespmem:s29+$0xAA30]  }
0x1a3: {  	[tilespmem:s29+$0x1A9B0] =	vst v2;
	v2 =	vld [tilespmem:s29+$0xAA80]  }
0x1a4: {  	[tilespmem:s29+$0x1AA00] =	vst v3;
	v3 =	vld [tilespmem:s29+$0xAA90]  }
0x1a5: {  	[tilespmem:s29+$0x1AA10] =	vst v4;
	v4 =	vld [tilespmem:s29+$0xAAA0]  }
0x1a6: {  	[tilespmem:s29+$0x1AA20] =	vst v0;
	v0 =	vld [tilespmem:s29+$0xAAB0]  }
0x1a7: {  	[tilespmem:s29+$0x1AA30] =	vst v1;
	v1 =	vld [tilespmem:s29+$0xAB00]  }
0x1a8: {  	[tilespmem:s29+$0x1AA80] =	vst v2;
	v2 =	vld [tilespmem:s29+$0xAB10]  }
0x1a9: {  	[tilespmem:s29+$0x1AA90] =	vst v3;
	v3 =	vld [tilespmem:s29+$0xAB20]  }
0x1aa: {  	[tilespmem:s29+$0x1AAA0] =	vst v4;
	v4 =	vld [tilespmem:s29+$0xAB30]  }
0x1ab: {  	[tilespmem:s29+$0x1AAB0] =	vst v0;
	v0 =	vld [tilespmem:s29+$0xAB80]  }
0x1ac: {  	[tilespmem:s29+$0x1AB00] =	vst v1;
	v1 =	vld [tilespmem:s29+$0xAB90]  }
0x1ad: {  	[tilespmem:s29+$0x1AB10] =	vst v2;
	v2 =	vld [tilespmem:s29+$0xABA0]  }
0x1ae: {  	[tilespmem:s29+$0x1AB20] =	vst v3  }
0x1af: {  	[tilespmem:s29+$0x1AB30] =	vst v4  }
0x1b0: {  	[tilespmem:s29+$0x1AB80] =	vst v0  }
0x1b1: {  	[tilespmem:s29+$0x1AB90] =	vst v1  }
0x1b2: {  	s25 =	sadd.s32 s25, s7;
	p0 =	seq.s32 s23, $0x31;
	[tilespmem:s29+$0x1ABA0] =	vst v2  }
0x1b3: {  	[hbm4b:s25+s2] =	stream.linear.scatter [tilespmem:s18], [sflag:$0x4], $0x4000, $0x38;
	[tilespmem:$0x1E400] =	vst v63  }
0x1b4: {  	s25 =	sshll.u32 @!p0 s23, $0x9  }
0x1b5: {  	s25 =	sand.u32 @!p0 $0x3FFFFE00, s25  }
0x1b6: {  	s28 =	simm.s32 @!p0 $0x6400;
	s26 =	simm.s32 @!p0 $0x100;
	s25 =	sadd.s32 @!p0 $0x200, s25  }
0x1b7: {  	[tilespmem:s28], [sflag:$0x1] =	stream.indirect.gather @!p0 [hbm4b:s3+s26], $0x80, s25, s26, $0xb8;
	[tilespmem:$0x1E400] =	vst v63  }
0x1b8: {  	_ =	swait.ge [sflag:s19], $0x8000  }
0x1b9: {  	[sflag:s19] =	ssyncset.done $0x0  }
0x1ba: {  	[sflag:s19] =	ssyncadd.s32 $0xFFFF8000  }
0x1bb: {  	_ =	swait.ge [sflag:s20], $0x4000  }
0x1bc: {  	[sflag:s20] =	ssyncset.done $0x0  }
0x1bd: {  	s25 =	simm.s32 $0x0;
	[sflag:s20] =	ssyncadd.s32 $0xFFFFC000  }
0x1be: {  	v0 =	vld [tilespmem:s25+$0xEBB0]  }
0x1bf: {  	v1 =	vld [tilespmem:s25+$0xE400]  }
0x1c0: {  	v2 =	vld [tilespmem:s25+$0xE410]  }
0x1c1: {  	v3 =	vld [tilespmem:s25+$0xE420]  }
0x1c2: {  	v4 =	vld [tilespmem:s25+$0xE430]  }
0x1c3: {  	v5 =	vld [tilespmem:s25+$0xE480];
	[tilespmem:s25+$0x16BB0] =	vst v0  }
0x1c4: {  	v6 =	vld [tilespmem:s25+$0xEB00];
	[tilespmem:s25+$0x16400] =	vst v1  }
0x1c5: {  	v7 =	vld [tilespmem:s25+$0xEB10];
	[tilespmem:s25+$0x16410] =	vst v2  }
0x1c6: {  	v0 =	vld [tilespmem:s25+$0xE490];
	[tilespmem:s25+$0x16420] =	vst v3  }
0x1c7: {  	v1 =	vld [tilespmem:s25+$0xE4A0];
	[tilespmem:s25+$0x16430] =	vst v4  }
0x1c8: {  	v2 =	vld [tilespmem:s25+$0xE4B0];
	[tilespmem:s25+$0x16480] =	vst v5  }
0x1c9: {  	v3 =	vld [tilespmem:s25+$0xE500];
	[tilespmem:s25+$0x16B00] =	vst v6  }
0x1ca: {  	v4 =	vld [tilespmem:s25+$0xE510];
	[tilespmem:s25+$0x16B10] =	vst v7  }
0x1cb: {  	v5 =	vld [tilespmem:s25+$0xEAB0];
	[tilespmem:s25+$0x16490] =	vst v0  }
0x1cc: {  	v0 =	vld [tilespmem:s25+$0xE520];
	[tilespmem:s25+$0x164A0] =	vst v1  }
0x1cd: {  	v1 =	vld [tilespmem:s25+$0xE530];
	[tilespmem:s25+$0x164B0] =	vst v2  }
0x1ce: {  	v2 =	vld [tilespmem:s25+$0xE580];
	[tilespmem:s25+$0x16500] =	vst v3  }
0x1cf: {  	v3 =	vld [tilespmem:s25+$0xE590];
	[tilespmem:s25+$0x16510] =	vst v4  }
0x1d0: {  	v4 =	vld [tilespmem:s25+$0xE5A0];
	[tilespmem:s25+$0x16AB0] =	vst v5  }
0x1d1: {  	[tilespmem:s25+$0x16520] =	vst v0;
	v0 =	vld [tilespmem:s25+$0xE5B0]  }
0x1d2: {  	[tilespmem:s25+$0x16530] =	vst v1;
	v1 =	vld [tilespmem:s25+$0xE600]  }
0x1d3: {  	[tilespmem:s25+$0x16580] =	vst v2;
	v2 =	vld [tilespmem:s25+$0xE610]  }
0x1d4: {  	[tilespmem:s25+$0x16590] =	vst v3;
	v3 =	vld [tilespmem:s25+$0xE620]  }
0x1d5: {  	[tilespmem:s25+$0x165A0] =	vst v4;
	v4 =	vld [tilespmem:s25+$0xE630]  }
0x1d6: {  	[tilespmem:s25+$0x165B0] =	vst v0;
	v0 =	vld [tilespmem:s25+$0xE680]  }
0x1d7: {  	[tilespmem:s25+$0x16600] =	vst v1;
	v1 =	vld [tilespmem:s25+$0xE690]  }
0x1d8: {  	[tilespmem:s25+$0x16610] =	vst v2;
	v2 =	vld [tilespmem:s25+$0xE6A0]  }
0x1d9: {  	[tilespmem:s25+$0x16620] =	vst v3;
	v3 =	vld [tilespmem:s25+$0xE6B0]  }
0x1da: {  	[tilespmem:s25+$0x16630] =	vst v4;
	v4 =	vld [tilespmem:s25+$0xE700]  }
0x1db: {  	[tilespmem:s25+$0x16680] =	vst v0;
	v0 =	vld [tilespmem:s25+$0xE710]  }
0x1dc: {  	[tilespmem:s25+$0x16690] =	vst v1;
	v1 =	vld [tilespmem:s25+$0xE720]  }
0x1dd: {  	[tilespmem:s25+$0x166A0] =	vst v2;
	v2 =	vld [tilespmem:s25+$0xE730]  }
0x1de: {  	[tilespmem:s25+$0x166B0] =	vst v3;
	v3 =	vld [tilespmem:s25+$0xE780]  }
0x1df: {  	[tilespmem:s25+$0x16700] =	vst v4;
	v4 =	vld [tilespmem:s25+$0xE790]  }
0x1e0: {  	[tilespmem:s25+$0x16710] =	vst v0;
	v0 =	vld [tilespmem:s25+$0xE7A0]  }
0x1e1: {  	[tilespmem:s25+$0x16720] =	vst v1;
	v1 =	vld [tilespmem:s25+$0xE7B0]  }
0x1e2: {  	[tilespmem:s25+$0x16730] =	vst v2;
	v2 =	vld [tilespmem:s25+$0xE800]  }
0x1e3: {  	[tilespmem:s25+$0x16780] =	vst v3;
	v3 =	vld [tilespmem:s25+$0xE810]  }
0x1e4: {  	[tilespmem:s25+$0x16790] =	vst v4;
	v4 =	vld [tilespmem:s25+$0xE820]  }
0x1e5: {  	[tilespmem:s25+$0x167A0] =	vst v0;
	v0 =	vld [tilespmem:s25+$0xE830]  }
0x1e6: {  	[tilespmem:s25+$0x167B0] =	vst v1;
	v1 =	vld [tilespmem:s25+$0xE880]  }
0x1e7: {  	[tilespmem:s25+$0x16800] =	vst v2;
	v2 =	vld [tilespmem:s25+$0xE890]  }
0x1e8: {  	[tilespmem:s25+$0x16810] =	vst v3;
	v3 =	vld [tilespmem:s25+$0xE8A0]  }
0x1e9: {  	[tilespmem:s25+$0x16820] =	vst v4;
	v4 =	vld [tilespmem:s25+$0xE8B0]  }
0x1ea: {  	[tilespmem:s25+$0x16830] =	vst v0;
	v0 =	vld [tilespmem:s25+$0xE900]  }
0x1eb: {  	[tilespmem:s25+$0x16880] =	vst v1;
	v1 =	vld [tilespmem:s25+$0xE910]  }
0x1ec: {  	[tilespmem:s25+$0x16890] =	vst v2;
	v2 =	vld [tilespmem:s25+$0xE920]  }
0x1ed: {  	[tilespmem:s25+$0x168A0] =	vst v3;
	v3 =	vld [tilespmem:s25+$0xE930]  }
0x1ee: {  	[tilespmem:s25+$0x168B0] =	vst v4;
	v4 =	vld [tilespmem:s25+$0xE980]  }
0x1ef: {  	[tilespmem:s25+$0x16900] =	vst v0;
	v0 =	vld [tilespmem:s25+$0xE990]  }
0x1f0: {  	[tilespmem:s25+$0x16910] =	vst v1;
	v1 =	vld [tilespmem:s25+$0xE9A0]  }
0x1f1: {  	[tilespmem:s25+$0x16920] =	vst v2;
	v2 =	vld [tilespmem:s25+$0xE9B0]  }
0x1f2: {  	[tilespmem:s25+$0x16930] =	vst v3;
	v3 =	vld [tilespmem:s25+$0xEA00]  }
0x1f3: {  	[tilespmem:s25+$0x16980] =	vst v4;
	v4 =	vld [tilespmem:s25+$0xEA10]  }
0x1f4: {  	[tilespmem:s25+$0x16990] =	vst v0;
	v0 =	vld [tilespmem:s25+$0xEA20]  }
0x1f5: {  	[tilespmem:s25+$0x169A0] =	vst v1;
	v1 =	vld [tilespmem:s25+$0xEA30]  }
0x1f6: {  	[tilespmem:s25+$0x169B0] =	vst v2;
	v2 =	vld [tilespmem:s25+$0xEA80]  }
0x1f7: {  	[tilespmem:s25+$0x16A00] =	vst v3;
	v3 =	vld [tilespmem:s25+$0xEA90]  }
0x1f8: {  	[tilespmem:s25+$0x16A10] =	vst v4;
	v4 =	vld [tilespmem:s25+$0xEAA0]  }
0x1f9: {  	[tilespmem:s25+$0x16A20] =	vst v0;
	v0 =	vld [tilespmem:s25+$0xEB20]  }
0x1fa: {  	[tilespmem:s25+$0x16A30] =	vst v1;
	v1 =	vld [tilespmem:s25+$0xEB30]  }
0x1fb: {  	[tilespmem:s25+$0x16A80] =	vst v2;
	v2 =	vld [tilespmem:s25+$0xEB80]  }
0x1fc: {  	[tilespmem:s25+$0x16A90] =	vst v3;
	v3 =	vld [tilespmem:s25+$0xEB90]  }
0x1fd: {  	s28 =	simm.s32 $0x800;
	s26 =	simm.s32 $0x4000;
	[tilespmem:s25+$0x16AA0] =	vst v4;
	v4 =	vld [tilespmem:s25+$0xEBA0]  }
.LBB2_7:
0x1fe: {  	p1 =	sne.s32 s26, $0xE000;
	v5 =	vld [tilespmem:s28+$0xEBB0];
	[tilespmem:s25+$0x16B20] =	vst v0  }
0x1ff: {  	v0 =	vld [tilespmem:s28+$0xE400];
	[tilespmem:s25+$0x16B30] =	vst v1  }
0x200: {  	v1 =	vld [tilespmem:s28+$0xE410];
	[tilespmem:s25+$0x16B80] =	vst v2  }
0x201: {  	v2 =	vld [tilespmem:s28+$0xE420];
	[tilespmem:s25+$0x16B90] =	vst v3  }
0x202: {  	v3 =	vld [tilespmem:s28+$0xE430];
	[tilespmem:s25+$0x16BA0] =	vst v4;
	s25 =	smov.u32 s28  }
0x203: {  	v4 =	vld [tilespmem:s25+$0xE480];
	[tilespmem:s25+$0x16BB0] =	vst v5  }
0x204: {  	[tilespmem:s25+$0x16400] =	vst v0;
	v0 =	vld [tilespmem:s25+$0xE490]  }
0x205: {  	[tilespmem:s25+$0x16410] =	vst v1;
	v1 =	vld [tilespmem:s25+$0xE4A0]  }
0x206: {  	[tilespmem:s25+$0x16420] =	vst v2;
	v2 =	vld [tilespmem:s25+$0xE4B0]  }
0x207: {  	[tilespmem:s25+$0x16430] =	vst v3;
	v3 =	vld [tilespmem:s25+$0xE500]  }
0x208: {  	[tilespmem:s25+$0x16480] =	vst v4;
	v4 =	vld [tilespmem:s25+$0xE510]  }
0x209: {  	[tilespmem:s25+$0x16490] =	vst v0;
	v0 =	vld [tilespmem:s25+$0xE520]  }
0x20a: {  	[tilespmem:s25+$0x164A0] =	vst v1;
	v1 =	vld [tilespmem:s25+$0xE530]  }
0x20b: {  	[tilespmem:s25+$0x164B0] =	vst v2;
	v2 =	vld [tilespmem:s25+$0xE580]  }
0x20c: {  	[tilespmem:s25+$0x16500] =	vst v3;
	v3 =	vld [tilespmem:s25+$0xE590]  }
0x20d: {  	[tilespmem:s25+$0x16510] =	vst v4;
	v4 =	vld [tilespmem:s25+$0xE5A0]  }
0x20e: {  	[tilespmem:s25+$0x16520] =	vst v0;
	v0 =	vld [tilespmem:s25+$0xE5B0]  }
0x20f: {  	[tilespmem:s25+$0x16530] =	vst v1;
	v1 =	vld [tilespmem:s25+$0xE600]  }
0x210: {  	[tilespmem:s25+$0x16580] =	vst v2;
	v2 =	vld [tilespmem:s25+$0xE610]  }
0x211: {  	[tilespmem:s25+$0x16590] =	vst v3;
	v3 =	vld [tilespmem:s25+$0xE620]  }
0x212: {  	[tilespmem:s25+$0x165A0] =	vst v4;
	v4 =	vld [tilespmem:s25+$0xE630]  }
0x213: {  	[tilespmem:s25+$0x165B0] =	vst v0;
	v0 =	vld [tilespmem:s25+$0xE680]  }
0x214: {  	[tilespmem:s25+$0x16600] =	vst v1;
	v1 =	vld [tilespmem:s25+$0xE690]  }
0x215: {  	[tilespmem:s25+$0x16610] =	vst v2;
	v2 =	vld [tilespmem:s25+$0xE6A0]  }
0x216: {  	[tilespmem:s25+$0x16620] =	vst v3;
	v3 =	vld [tilespmem:s25+$0xE6B0]  }
0x217: {  	[tilespmem:s25+$0x16630] =	vst v4;
	v4 =	vld [tilespmem:s25+$0xE700]  }
0x218: {  	[tilespmem:s25+$0x16680] =	vst v0;
	v0 =	vld [tilespmem:s25+$0xE710]  }
0x219: {  	[tilespmem:s25+$0x16690] =	vst v1;
	v1 =	vld [tilespmem:s25+$0xE720]  }
0x21a: {  	[tilespmem:s25+$0x166A0] =	vst v2;
	v2 =	vld [tilespmem:s25+$0xE730]  }
0x21b: {  	[tilespmem:s25+$0x166B0] =	vst v3;
	v3 =	vld [tilespmem:s25+$0xE780]  }
0x21c: {  	[tilespmem:s25+$0x16700] =	vst v4;
	v4 =	vld [tilespmem:s25+$0xE790]  }
0x21d: {  	[tilespmem:s25+$0x16710] =	vst v0;
	v0 =	vld [tilespmem:s25+$0xE7A0]  }
0x21e: {  	[tilespmem:s25+$0x16720] =	vst v1;
	v1 =	vld [tilespmem:s25+$0xE7B0]  }
0x21f: {  	[tilespmem:s25+$0x16730] =	vst v2;
	v2 =	vld [tilespmem:s25+$0xE800]  }
0x220: {  	[tilespmem:s25+$0x16780] =	vst v3;
	v3 =	vld [tilespmem:s25+$0xE810]  }
0x221: {  	[tilespmem:s25+$0x16790] =	vst v4;
	v4 =	vld [tilespmem:s25+$0xE820]  }
0x222: {  	[tilespmem:s25+$0x167A0] =	vst v0;
	v0 =	vld [tilespmem:s25+$0xE830]  }
0x223: {  	[tilespmem:s25+$0x167B0] =	vst v1;
	v1 =	vld [tilespmem:s25+$0xE880]  }
0x224: {  	[tilespmem:s25+$0x16800] =	vst v2;
	v2 =	vld [tilespmem:s25+$0xE890]  }
0x225: {  	[tilespmem:s25+$0x16810] =	vst v3;
	v3 =	vld [tilespmem:s25+$0xE8A0]  }
0x226: {  	[tilespmem:s25+$0x16820] =	vst v4;
	v4 =	vld [tilespmem:s25+$0xE8B0]  }
0x227: {  	[tilespmem:s25+$0x16830] =	vst v0;
	v0 =	vld [tilespmem:s25+$0xE900]  }
0x228: {  	[tilespmem:s25+$0x16880] =	vst v1;
	v1 =	vld [tilespmem:s25+$0xE910]  }
0x229: {  	[tilespmem:s25+$0x16890] =	vst v2;
	v2 =	vld [tilespmem:s25+$0xE920]  }
0x22a: {  	[tilespmem:s25+$0x168A0] =	vst v3;
	v3 =	vld [tilespmem:s25+$0xE930]  }
0x22b: {  	[tilespmem:s25+$0x168B0] =	vst v4;
	v4 =	vld [tilespmem:s25+$0xE980]  }
0x22c: {  	[tilespmem:s25+$0x16900] =	vst v0;
	v0 =	vld [tilespmem:s25+$0xE990]  }
0x22d: {  	[tilespmem:s25+$0x16910] =	vst v1;
	v1 =	vld [tilespmem:s25+$0xE9A0]  }
0x22e: {  	[tilespmem:s25+$0x16920] =	vst v2;
	v2 =	vld [tilespmem:s25+$0xE9B0]  }
0x22f: {  	[tilespmem:s25+$0x16930] =	vst v3;
	v3 =	vld [tilespmem:s25+$0xEA00]  }
0x230: {  	[tilespmem:s25+$0x16980] =	vst v4;
	v4 =	vld [tilespmem:s25+$0xEA10]  }
0x231: {  	[tilespmem:s25+$0x16990] =	vst v0;
	v0 =	vld [tilespmem:s25+$0xEA20]  }
0x232: {  	[tilespmem:s25+$0x169A0] =	vst v1;
	v1 =	vld [tilespmem:s25+$0xEA30]  }
0x233: {  	[tilespmem:s25+$0x169B0] =	vst v2;
	v2 =	vld [tilespmem:s25+$0xEA80]  }
0x234: {  	[tilespmem:s25+$0x16A00] =	vst v3;
	v3 =	vld [tilespmem:s25+$0xEA90]  }
0x235: {  	[tilespmem:s25+$0x16A10] =	vst v4;
	v4 =	vld [tilespmem:s25+$0xEAA0]  }
0x236: {  	[tilespmem:s25+$0x16A20] =	vst v0;
	v5 =	vld [tilespmem:s25+$0xEAB0]  }
0x237: {  	[tilespmem:s25+$0x16A30] =	vst v1;
	v6 =	vld [tilespmem:s25+$0xEB00]  }
0x238: {  	[tilespmem:s25+$0x16A80] =	vst v2;
	v7 =	vld [tilespmem:s25+$0xEB10]  }
.Ltmp4:
0x239: {  	[tilespmem:s25+$0x16A90] =	vst v3;
	v0 =	vld [tilespmem:s25+$0xEB20];
	(pc) =	sbr.rel @p1 .LBB2_7-.Ltmp4, $4  }
0x23a: {  	[tilespmem:s25+$0x16AA0] =	vst v4;
	v1 =	vld [tilespmem:s25+$0xEB30]  }
0x23b: {  	[tilespmem:s25+$0x16AB0] =	vst v5;
	v2 =	vld [tilespmem:s25+$0xEB80]  }
0x23c: {  	[tilespmem:s25+$0x16B00] =	vst v6;
	v3 =	vld [tilespmem:s25+$0xEB90]  }
0x23d: {  	s28 =	sshra.s32 s26, $0x2;
	s26 =	sadd.s32 $0x2000, s26;
	[tilespmem:s25+$0x16B10] =	vst v7;
	v4 =	vld [tilespmem:s25+$0xEBA0]  }
0x23e: {  	v5 =	vld [tilespmem:s28+$0xEBB0];
	[tilespmem:s25+$0x16B20] =	vst v0  }
0x23f: {  	v0 =	vld [tilespmem:s28+$0xE400];
	[tilespmem:s25+$0x16B30] =	vst v1  }
0x240: {  	v1 =	vld [tilespmem:s28+$0xE410];
	[tilespmem:s25+$0x16B80] =	vst v2  }
0x241: {  	v2 =	vld [tilespmem:s28+$0xE420];
	[tilespmem:s25+$0x16B90] =	vst v3  }
0x242: {  	v3 =	vld [tilespmem:s28+$0xE430];
	[tilespmem:s25+$0x16BA0] =	vst v4  }
0x243: {  	v4 =	vld [tilespmem:s28+$0xE480];
	[tilespmem:s28+$0x16BB0] =	vst v5  }
0x244: {  	[tilespmem:s28+$0x16400] =	vst v0;
	v0 =	vld [tilespmem:s28+$0xE490]  }
0x245: {  	[tilespmem:s28+$0x16410] =	vst v1;
	v1 =	vld [tilespmem:s28+$0xE4A0]  }
0x246: {  	[tilespmem:s28+$0x16420] =	vst v2;
	v2 =	vld [tilespmem:s28+$0xE4B0]  }
0x247: {  	[tilespmem:s28+$0x16430] =	vst v3;
	v3 =	vld [tilespmem:s28+$0xE500]  }
0x248: {  	[tilespmem:s28+$0x16480] =	vst v4;
	v4 =	vld [tilespmem:s28+$0xE510]  }
0x249: {  	[tilespmem:s28+$0x16490] =	vst v0;
	v0 =	vld [tilespmem:s28+$0xE520]  }
0x24a: {  	[tilespmem:s28+$0x164A0] =	vst v1;
	v1 =	vld [tilespmem:s28+$0xE530]  }
0x24b: {  	[tilespmem:s28+$0x164B0] =	vst v2;
	v2 =	vld [tilespmem:s28+$0xE580]  }
0x24c: {  	[tilespmem:s28+$0x16500] =	vst v3;
	v3 =	vld [tilespmem:s28+$0xE590]  }
0x24d: {  	[tilespmem:s28+$0x16510] =	vst v4;
	v4 =	vld [tilespmem:s28+$0xE5A0]  }
0x24e: {  	[tilespmem:s28+$0x16520] =	vst v0;
	v0 =	vld [tilespmem:s28+$0xE5B0]  }
0x24f: {  	[tilespmem:s28+$0x16530] =	vst v1;
	v1 =	vld [tilespmem:s28+$0xE600]  }
0x250: {  	[tilespmem:s28+$0x16580] =	vst v2;
	v2 =	vld [tilespmem:s28+$0xE610]  }
0x251: {  	[tilespmem:s28+$0x16590] =	vst v3;
	v3 =	vld [tilespmem:s28+$0xE620]  }
0x252: {  	[tilespmem:s28+$0x165A0] =	vst v4;
	v4 =	vld [tilespmem:s28+$0xE630]  }
0x253: {  	[tilespmem:s28+$0x165B0] =	vst v0;
	v0 =	vld [tilespmem:s28+$0xE680]  }
0x254: {  	[tilespmem:s28+$0x16600] =	vst v1;
	v1 =	vld [tilespmem:s28+$0xE690]  }
0x255: {  	[tilespmem:s28+$0x16610] =	vst v2;
	v2 =	vld [tilespmem:s28+$0xE6A0]  }
0x256: {  	[tilespmem:s28+$0x16620] =	vst v3;
	v3 =	vld [tilespmem:s28+$0xE6B0]  }
0x257: {  	[tilespmem:s28+$0x16630] =	vst v4;
	v4 =	vld [tilespmem:s28+$0xE700]  }
0x258: {  	[tilespmem:s28+$0x16680] =	vst v0;
	v0 =	vld [tilespmem:s28+$0xE710]  }
0x259: {  	[tilespmem:s28+$0x16690] =	vst v1;
	v1 =	vld [tilespmem:s28+$0xE720]  }
0x25a: {  	[tilespmem:s28+$0x166A0] =	vst v2;
	v2 =	vld [tilespmem:s28+$0xE730]  }
0x25b: {  	[tilespmem:s28+$0x166B0] =	vst v3;
	v3 =	vld [tilespmem:s28+$0xE780]  }
0x25c: {  	[tilespmem:s28+$0x16700] =	vst v4;
	v4 =	vld [tilespmem:s28+$0xE790]  }
0x25d: {  	[tilespmem:s28+$0x16710] =	vst v0;
	v0 =	vld [tilespmem:s28+$0xE7A0]  }
0x25e: {  	[tilespmem:s28+$0x16720] =	vst v1;
	v1 =	vld [tilespmem:s28+$0xE7B0]  }
0x25f: {  	[tilespmem:s28+$0x16730] =	vst v2;
	v2 =	vld [tilespmem:s28+$0xE800]  }
0x260: {  	[tilespmem:s28+$0x16780] =	vst v3;
	v3 =	vld [tilespmem:s28+$0xE810]  }
0x261: {  	[tilespmem:s28+$0x16790] =	vst v4;
	v4 =	vld [tilespmem:s28+$0xE820]  }
0x262: {  	[tilespmem:s28+$0x167A0] =	vst v0;
	v0 =	vld [tilespmem:s28+$0xE830]  }
0x263: {  	[tilespmem:s28+$0x167B0] =	vst v1;
	v1 =	vld [tilespmem:s28+$0xE880]  }
0x264: {  	[tilespmem:s28+$0x16800] =	vst v2;
	v2 =	vld [tilespmem:s28+$0xE890]  }
0x265: {  	[tilespmem:s28+$0x16810] =	vst v3;
	v3 =	vld [tilespmem:s28+$0xE8A0]  }
0x266: {  	[tilespmem:s28+$0x16820] =	vst v4;
	v4 =	vld [tilespmem:s28+$0xE8B0]  }
0x267: {  	[tilespmem:s28+$0x16830] =	vst v0;
	v0 =	vld [tilespmem:s28+$0xE900]  }
0x268: {  	[tilespmem:s28+$0x16880] =	vst v1;
	v1 =	vld [tilespmem:s28+$0xE910]  }
0x269: {  	[tilespmem:s28+$0x16890] =	vst v2;
	v2 =	vld [tilespmem:s28+$0xE920]  }
0x26a: {  	[tilespmem:s28+$0x168A0] =	vst v3;
	v3 =	vld [tilespmem:s28+$0xE930]  }
0x26b: {  	[tilespmem:s28+$0x168B0] =	vst v4;
	v4 =	vld [tilespmem:s28+$0xE980]  }
0x26c: {  	[tilespmem:s28+$0x16900] =	vst v0;
	v0 =	vld [tilespmem:s28+$0xE990]  }
0x26d: {  	[tilespmem:s28+$0x16910] =	vst v1;
	v1 =	vld [tilespmem:s28+$0xE9A0]  }
0x26e: {  	[tilespmem:s28+$0x16920] =	vst v2;
	v2 =	vld [tilespmem:s28+$0xE9B0]  }
0x26f: {  	[tilespmem:s28+$0x16930] =	vst v3;
	v3 =	vld [tilespmem:s28+$0xEA00]  }
0x270: {  	[tilespmem:s28+$0x16980] =	vst v4;
	v4 =	vld [tilespmem:s28+$0xEA10]  }
0x271: {  	[tilespmem:s28+$0x16990] =	vst v0;
	v0 =	vld [tilespmem:s28+$0xEA20]  }
0x272: {  	[tilespmem:s28+$0x169A0] =	vst v1;
	v1 =	vld [tilespmem:s28+$0xEA30]  }
0x273: {  	[tilespmem:s28+$0x169B0] =	vst v2;
	v2 =	vld [tilespmem:s28+$0xEA80]  }
0x274: {  	[tilespmem:s28+$0x16A00] =	vst v3;
	v3 =	vld [tilespmem:s28+$0xEA90]  }
0x275: {  	[tilespmem:s28+$0x16A10] =	vst v4;
	v4 =	vld [tilespmem:s28+$0xEAA0]  }
0x276: {  	[tilespmem:s28+$0x16A20] =	vst v0;
	v0 =	vld [tilespmem:s28+$0xEAB0]  }
0x277: {  	[tilespmem:s28+$0x16A30] =	vst v1;
	v1 =	vld [tilespmem:s28+$0xEB00]  }
0x278: {  	[tilespmem:s28+$0x16A80] =	vst v2;
	v2 =	vld [tilespmem:s28+$0xEB10]  }
0x279: {  	[tilespmem:s28+$0x16A90] =	vst v3;
	v3 =	vld [tilespmem:s28+$0xEB20]  }
0x27a: {  	[tilespmem:s28+$0x16AA0] =	vst v4;
	v4 =	vld [tilespmem:s28+$0xEB30]  }
0x27b: {  	[tilespmem:s28+$0x16AB0] =	vst v0;
	v0 =	vld [tilespmem:s28+$0xEB80]  }
0x27c: {  	[tilespmem:s28+$0x16B00] =	vst v1;
	v1 =	vld [tilespmem:s28+$0xEB90]  }
0x27d: {  	[tilespmem:s28+$0x16B10] =	vst v2;
	v2 =	vld [tilespmem:s28+$0xEBA0]  }
0x27e: {  	[tilespmem:s28+$0x16B20] =	vst v3  }
0x27f: {  	[tilespmem:s28+$0x16B30] =	vst v4  }
0x280: {  	s31 =	sadd.s32 s24, s8;
	[tilespmem:s28+$0x16B80] =	vst v0  }
0x281: {  	s25 =	sshll.u32 s31, $0x4;
	[tilespmem:s28+$0x16B90] =	vst v1  }
0x282: {  	s26 =	sadd.s32 s4, s25;
	[tilespmem:s28+$0x16BA0] =	vst v2;
	s28 =	simm.s32 $0x0  }
0x283: {  	[hbm4b:s26+s28] =	stream.linear.scatter [tilespmem:s17], [sflag:$0x3], $0x4000, $0x38;
	[tilespmem:$0x1E400] =	vst v63  }
0x284: {  	_ =	swait.ge [sflag:s21], $0x4000  }
0x285: {  	[sflag:s21] =	ssyncset.done $0x0  }
0x286: {  	s26 =	simm.s32 $0x0;
	[sflag:s21] =	ssyncadd.s32 $0xFFFFC000  }
0x287: {  	v0 =	vld [tilespmem:s26+$0x12BB0]  }
0x288: {  	v1 =	vld [tilespmem:s26+$0x12400]  }
0x289: {  	v2 =	vld [tilespmem:s26+$0x12410]  }
0x28a: {  	v3 =	vld [tilespmem:s26+$0x12420]  }
0x28b: {  	v4 =	vld [tilespmem:s26+$0x12430]  }
0x28c: {  	v5 =	vld [tilespmem:s26+$0x12480];
	[tilespmem:s26+$0x1ABB0] =	vst v0  }
0x28d: {  	v6 =	vld [tilespmem:s26+$0x12B00];
	[tilespmem:s26+$0x1A400] =	vst v1  }
0x28e: {  	v7 =	vld [tilespmem:s26+$0x12B10];
	[tilespmem:s26+$0x1A410] =	vst v2  }
0x28f: {  	v0 =	vld [tilespmem:s26+$0x12490];
	[tilespmem:s26+$0x1A420] =	vst v3  }
0x290: {  	v1 =	vld [tilespmem:s26+$0x124A0];
	[tilespmem:s26+$0x1A430] =	vst v4  }
0x291: {  	v2 =	vld [tilespmem:s26+$0x124B0];
	[tilespmem:s26+$0x1A480] =	vst v5  }
0x292: {  	v3 =	vld [tilespmem:s26+$0x12500];
	[tilespmem:s26+$0x1AB00] =	vst v6  }
0x293: {  	v4 =	vld [tilespmem:s26+$0x12510];
	[tilespmem:s26+$0x1AB10] =	vst v7  }
0x294: {  	v5 =	vld [tilespmem:s26+$0x12AB0];
	[tilespmem:s26+$0x1A490] =	vst v0  }
0x295: {  	v0 =	vld [tilespmem:s26+$0x12520];
	[tilespmem:s26+$0x1A4A0] =	vst v1  }
0x296: {  	v1 =	vld [tilespmem:s26+$0x12530];
	[tilespmem:s26+$0x1A4B0] =	vst v2  }
0x297: {  	v2 =	vld [tilespmem:s26+$0x12580];
	[tilespmem:s26+$0x1A500] =	vst v3  }
0x298: {  	v3 =	vld [tilespmem:s26+$0x12590];
	[tilespmem:s26+$0x1A510] =	vst v4  }
0x299: {  	v4 =	vld [tilespmem:s26+$0x125A0];
	[tilespmem:s26+$0x1AAB0] =	vst v5  }
0x29a: {  	[tilespmem:s26+$0x1A520] =	vst v0;
	v0 =	vld [tilespmem:s26+$0x125B0]  }
0x29b: {  	[tilespmem:s26+$0x1A530] =	vst v1;
	v1 =	vld [tilespmem:s26+$0x12600]  }
0x29c: {  	[tilespmem:s26+$0x1A580] =	vst v2;
	v2 =	vld [tilespmem:s26+$0x12610]  }
0x29d: {  	[tilespmem:s26+$0x1A590] =	vst v3;
	v3 =	vld [tilespmem:s26+$0x12620]  }
0x29e: {  	[tilespmem:s26+$0x1A5A0] =	vst v4;
	v4 =	vld [tilespmem:s26+$0x12630]  }
0x29f: {  	[tilespmem:s26+$0x1A5B0] =	vst v0;
	v0 =	vld [tilespmem:s26+$0x12680]  }
0x2a0: {  	[tilespmem:s26+$0x1A600] =	vst v1;
	v1 =	vld [tilespmem:s26+$0x12690]  }
0x2a1: {  	[tilespmem:s26+$0x1A610] =	vst v2;
	v2 =	vld [tilespmem:s26+$0x126A0]  }
0x2a2: {  	[tilespmem:s26+$0x1A620] =	vst v3;
	v3 =	vld [tilespmem:s26+$0x126B0]  }
0x2a3: {  	[tilespmem:s26+$0x1A630] =	vst v4;
	v4 =	vld [tilespmem:s26+$0x12700]  }
0x2a4: {  	[tilespmem:s26+$0x1A680] =	vst v0;
	v0 =	vld [tilespmem:s26+$0x12710]  }
0x2a5: {  	[tilespmem:s26+$0x1A690] =	vst v1;
	v1 =	vld [tilespmem:s26+$0x12720]  }
0x2a6: {  	[tilespmem:s26+$0x1A6A0] =	vst v2;
	v2 =	vld [tilespmem:s26+$0x12730]  }
0x2a7: {  	[tilespmem:s26+$0x1A6B0] =	vst v3;
	v3 =	vld [tilespmem:s26+$0x12780]  }
0x2a8: {  	[tilespmem:s26+$0x1A700] =	vst v4;
	v4 =	vld [tilespmem:s26+$0x12790]  }
0x2a9: {  	[tilespmem:s26+$0x1A710] =	vst v0;
	v0 =	vld [tilespmem:s26+$0x127A0]  }
0x2aa: {  	[tilespmem:s26+$0x1A720] =	vst v1;
	v1 =	vld [tilespmem:s26+$0x127B0]  }
0x2ab: {  	[tilespmem:s26+$0x1A730] =	vst v2;
	v2 =	vld [tilespmem:s26+$0x12800]  }
0x2ac: {  	[tilespmem:s26+$0x1A780] =	vst v3;
	v3 =	vld [tilespmem:s26+$0x12810]  }
0x2ad: {  	[tilespmem:s26+$0x1A790] =	vst v4;
	v4 =	vld [tilespmem:s26+$0x12820]  }
0x2ae: {  	[tilespmem:s26+$0x1A7A0] =	vst v0;
	v0 =	vld [tilespmem:s26+$0x12830]  }
0x2af: {  	[tilespmem:s26+$0x1A7B0] =	vst v1;
	v1 =	vld [tilespmem:s26+$0x12880]  }
0x2b0: {  	[tilespmem:s26+$0x1A800] =	vst v2;
	v2 =	vld [tilespmem:s26+$0x12890]  }
0x2b1: {  	[tilespmem:s26+$0x1A810] =	vst v3;
	v3 =	vld [tilespmem:s26+$0x128A0]  }
0x2b2: {  	[tilespmem:s26+$0x1A820] =	vst v4;
	v4 =	vld [tilespmem:s26+$0x128B0]  }
0x2b3: {  	[tilespmem:s26+$0x1A830] =	vst v0;
	v0 =	vld [tilespmem:s26+$0x12900]  }
0x2b4: {  	[tilespmem:s26+$0x1A880] =	vst v1;
	v1 =	vld [tilespmem:s26+$0x12910]  }
0x2b5: {  	[tilespmem:s26+$0x1A890] =	vst v2;
	v2 =	vld [tilespmem:s26+$0x12920]  }
0x2b6: {  	[tilespmem:s26+$0x1A8A0] =	vst v3;
	v3 =	vld [tilespmem:s26+$0x12930]  }
0x2b7: {  	[tilespmem:s26+$0x1A8B0] =	vst v4;
	v4 =	vld [tilespmem:s26+$0x12980]  }
0x2b8: {  	[tilespmem:s26+$0x1A900] =	vst v0;
	v0 =	vld [tilespmem:s26+$0x12990]  }
0x2b9: {  	[tilespmem:s26+$0x1A910] =	vst v1;
	v1 =	vld [tilespmem:s26+$0x129A0]  }
0x2ba: {  	[tilespmem:s26+$0x1A920] =	vst v2;
	v2 =	vld [tilespmem:s26+$0x129B0]  }
0x2bb: {  	[tilespmem:s26+$0x1A930] =	vst v3;
	v3 =	vld [tilespmem:s26+$0x12A00]  }
0x2bc: {  	[tilespmem:s26+$0x1A980] =	vst v4;
	v4 =	vld [tilespmem:s26+$0x12A10]  }
0x2bd: {  	[tilespmem:s26+$0x1A990] =	vst v0;
	v0 =	vld [tilespmem:s26+$0x12A20]  }
0x2be: {  	[tilespmem:s26+$0x1A9A0] =	vst v1;
	v1 =	vld [tilespmem:s26+$0x12A30]  }
0x2bf: {  	[tilespmem:s26+$0x1A9B0] =	vst v2;
	v2 =	vld [tilespmem:s26+$0x12A80]  }
0x2c0: {  	[tilespmem:s26+$0x1AA00] =	vst v3;
	v3 =	vld [tilespmem:s26+$0x12A90]  }
0x2c1: {  	[tilespmem:s26+$0x1AA10] =	vst v4;
	v4 =	vld [tilespmem:s26+$0x12AA0]  }
0x2c2: {  	[tilespmem:s26+$0x1AA20] =	vst v0;
	v0 =	vld [tilespmem:s26+$0x12B20]  }
0x2c3: {  	[tilespmem:s26+$0x1AA30] =	vst v1;
	v1 =	vld [tilespmem:s26+$0x12B30]  }
0x2c4: {  	[tilespmem:s26+$0x1AA80] =	vst v2;
	v2 =	vld [tilespmem:s26+$0x12B80]  }
0x2c5: {  	[tilespmem:s26+$0x1AA90] =	vst v3;
	v3 =	vld [tilespmem:s26+$0x12B90]  }
0x2c6: {  	s29 =	simm.s32 $0x800;
	s28 =	simm.s32 $0x4000;
	[tilespmem:s26+$0x1AAA0] =	vst v4;
	v4 =	vld [tilespmem:s26+$0x12BA0]  }
.LBB2_9:
0x2c7: {  	p1 =	sne.s32 s28, $0xE000;
	v5 =	vld [tilespmem:s29+$0x12BB0];
	[tilespmem:s26+$0x1AB20] =	vst v0  }
0x2c8: {  	v0 =	vld [tilespmem:s29+$0x12400];
	[tilespmem:s26+$0x1AB30] =	vst v1  }
0x2c9: {  	v1 =	vld [tilespmem:s29+$0x12410];
	[tilespmem:s26+$0x1AB80] =	vst v2  }
0x2ca: {  	v2 =	vld [tilespmem:s29+$0x12420];
	[tilespmem:s26+$0x1AB90] =	vst v3  }
0x2cb: {  	v3 =	vld [tilespmem:s29+$0x12430];
	[tilespmem:s26+$0x1ABA0] =	vst v4;
	s26 =	smov.u32 s29  }
0x2cc: {  	v4 =	vld [tilespmem:s26+$0x12480];
	[tilespmem:s26+$0x1ABB0] =	vst v5  }
0x2cd: {  	[tilespmem:s26+$0x1A400] =	vst v0;
	v0 =	vld [tilespmem:s26+$0x12490]  }
0x2ce: {  	[tilespmem:s26+$0x1A410] =	vst v1;
	v1 =	vld [tilespmem:s26+$0x124A0]  }
0x2cf: {  	[tilespmem:s26+$0x1A420] =	vst v2;
	v2 =	vld [tilespmem:s26+$0x124B0]  }
0x2d0: {  	[tilespmem:s26+$0x1A430] =	vst v3;
	v3 =	vld [tilespmem:s26+$0x12500]  }
0x2d1: {  	[tilespmem:s26+$0x1A480] =	vst v4;
	v4 =	vld [tilespmem:s26+$0x12510]  }
0x2d2: {  	[tilespmem:s26+$0x1A490] =	vst v0;
	v0 =	vld [tilespmem:s26+$0x12520]  }
0x2d3: {  	[tilespmem:s26+$0x1A4A0] =	vst v1;
	v1 =	vld [tilespmem:s26+$0x12530]  }
0x2d4: {  	[tilespmem:s26+$0x1A4B0] =	vst v2;
	v2 =	vld [tilespmem:s26+$0x12580]  }
0x2d5: {  	[tilespmem:s26+$0x1A500] =	vst v3;
	v3 =	vld [tilespmem:s26+$0x12590]  }
0x2d6: {  	[tilespmem:s26+$0x1A510] =	vst v4;
	v4 =	vld [tilespmem:s26+$0x125A0]  }
0x2d7: {  	[tilespmem:s26+$0x1A520] =	vst v0;
	v0 =	vld [tilespmem:s26+$0x125B0]  }
0x2d8: {  	[tilespmem:s26+$0x1A530] =	vst v1;
	v1 =	vld [tilespmem:s26+$0x12600]  }
0x2d9: {  	[tilespmem:s26+$0x1A580] =	vst v2;
	v2 =	vld [tilespmem:s26+$0x12610]  }
0x2da: {  	[tilespmem:s26+$0x1A590] =	vst v3;
	v3 =	vld [tilespmem:s26+$0x12620]  }
0x2db: {  	[tilespmem:s26+$0x1A5A0] =	vst v4;
	v4 =	vld [tilespmem:s26+$0x12630]  }
0x2dc: {  	[tilespmem:s26+$0x1A5B0] =	vst v0;
	v0 =	vld [tilespmem:s26+$0x12680]  }
0x2dd: {  	[tilespmem:s26+$0x1A600] =	vst v1;
	v1 =	vld [tilespmem:s26+$0x12690]  }
0x2de: {  	[tilespmem:s26+$0x1A610] =	vst v2;
	v2 =	vld [tilespmem:s26+$0x126A0]  }
0x2df: {  	[tilespmem:s26+$0x1A620] =	vst v3;
	v3 =	vld [tilespmem:s26+$0x126B0]  }
0x2e0: {  	[tilespmem:s26+$0x1A630] =	vst v4;
	v4 =	vld [tilespmem:s26+$0x12700]  }
0x2e1: {  	[tilespmem:s26+$0x1A680] =	vst v0;
	v0 =	vld [tilespmem:s26+$0x12710]  }
0x2e2: {  	[tilespmem:s26+$0x1A690] =	vst v1;
	v1 =	vld [tilespmem:s26+$0x12720]  }
0x2e3: {  	[tilespmem:s26+$0x1A6A0] =	vst v2;
	v2 =	vld [tilespmem:s26+$0x12730]  }
0x2e4: {  	[tilespmem:s26+$0x1A6B0] =	vst v3;
	v3 =	vld [tilespmem:s26+$0x12780]  }
0x2e5: {  	[tilespmem:s26+$0x1A700] =	vst v4;
	v4 =	vld [tilespmem:s26+$0x12790]  }
0x2e6: {  	[tilespmem:s26+$0x1A710] =	vst v0;
	v0 =	vld [tilespmem:s26+$0x127A0]  }
0x2e7: {  	[tilespmem:s26+$0x1A720] =	vst v1;
	v1 =	vld [tilespmem:s26+$0x127B0]  }
0x2e8: {  	[tilespmem:s26+$0x1A730] =	vst v2;
	v2 =	vld [tilespmem:s26+$0x12800]  }
0x2e9: {  	[tilespmem:s26+$0x1A780] =	vst v3;
	v3 =	vld [tilespmem:s26+$0x12810]  }
0x2ea: {  	[tilespmem:s26+$0x1A790] =	vst v4;
	v4 =	vld [tilespmem:s26+$0x12820]  }
0x2eb: {  	[tilespmem:s26+$0x1A7A0] =	vst v0;
	v0 =	vld [tilespmem:s26+$0x12830]  }
0x2ec: {  	[tilespmem:s26+$0x1A7B0] =	vst v1;
	v1 =	vld [tilespmem:s26+$0x12880]  }
0x2ed: {  	[tilespmem:s26+$0x1A800] =	vst v2;
	v2 =	vld [tilespmem:s26+$0x12890]  }
0x2ee: {  	[tilespmem:s26+$0x1A810] =	vst v3;
	v3 =	vld [tilespmem:s26+$0x128A0]  }
0x2ef: {  	[tilespmem:s26+$0x1A820] =	vst v4;
	v4 =	vld [tilespmem:s26+$0x128B0]  }
0x2f0: {  	[tilespmem:s26+$0x1A830] =	vst v0;
	v0 =	vld [tilespmem:s26+$0x12900]  }
0x2f1: {  	[tilespmem:s26+$0x1A880] =	vst v1;
	v1 =	vld [tilespmem:s26+$0x12910]  }
0x2f2: {  	[tilespmem:s26+$0x1A890] =	vst v2;
	v2 =	vld [tilespmem:s26+$0x12920]  }
0x2f3: {  	[tilespmem:s26+$0x1A8A0] =	vst v3;
	v3 =	vld [tilespmem:s26+$0x12930]  }
0x2f4: {  	[tilespmem:s26+$0x1A8B0] =	vst v4;
	v4 =	vld [tilespmem:s26+$0x12980]  }
0x2f5: {  	[tilespmem:s26+$0x1A900] =	vst v0;
	v0 =	vld [tilespmem:s26+$0x12990]  }
0x2f6: {  	[tilespmem:s26+$0x1A910] =	vst v1;
	v1 =	vld [tilespmem:s26+$0x129A0]  }
0x2f7: {  	[tilespmem:s26+$0x1A920] =	vst v2;
	v2 =	vld [tilespmem:s26+$0x129B0]  }
0x2f8: {  	[tilespmem:s26+$0x1A930] =	vst v3;
	v3 =	vld [tilespmem:s26+$0x12A00]  }
0x2f9: {  	[tilespmem:s26+$0x1A980] =	vst v4;
	v4 =	vld [tilespmem:s26+$0x12A10]  }
0x2fa: {  	[tilespmem:s26+$0x1A990] =	vst v0;
	v0 =	vld [tilespmem:s26+$0x12A20]  }
0x2fb: {  	[tilespmem:s26+$0x1A9A0] =	vst v1;
	v1 =	vld [tilespmem:s26+$0x12A30]  }
0x2fc: {  	[tilespmem:s26+$0x1A9B0] =	vst v2;
	v2 =	vld [tilespmem:s26+$0x12A80]  }
0x2fd: {  	[tilespmem:s26+$0x1AA00] =	vst v3;
	v3 =	vld [tilespmem:s26+$0x12A90]  }
0x2fe: {  	[tilespmem:s26+$0x1AA10] =	vst v4;
	v4 =	vld [tilespmem:s26+$0x12AA0]  }
0x2ff: {  	[tilespmem:s26+$0x1AA20] =	vst v0;
	v5 =	vld [tilespmem:s26+$0x12AB0]  }
0x300: {  	[tilespmem:s26+$0x1AA30] =	vst v1;
	v6 =	vld [tilespmem:s26+$0x12B00]  }
0x301: {  	[tilespmem:s26+$0x1AA80] =	vst v2;
	v7 =	vld [tilespmem:s26+$0x12B10]  }
.Ltmp5:
0x302: {  	[tilespmem:s26+$0x1AA90] =	vst v3;
	v0 =	vld [tilespmem:s26+$0x12B20];
	(pc) =	sbr.rel @p1 .LBB2_9-.Ltmp5, $4  }
0x303: {  	[tilespmem:s26+$0x1AAA0] =	vst v4;
	v1 =	vld [tilespmem:s26+$0x12B30]  }
0x304: {  	[tilespmem:s26+$0x1AAB0] =	vst v5;
	v2 =	vld [tilespmem:s26+$0x12B80]  }
0x305: {  	[tilespmem:s26+$0x1AB00] =	vst v6;
	v3 =	vld [tilespmem:s26+$0x12B90]  }
0x306: {  	s29 =	sshra.s32 s28, $0x2;
	s28 =	sadd.s32 $0x2000, s28;
	[tilespmem:s26+$0x1AB10] =	vst v7;
	v4 =	vld [tilespmem:s26+$0x12BA0]  }
0x307: {  	v5 =	vld [tilespmem:s29+$0x12BB0];
	[tilespmem:s26+$0x1AB20] =	vst v0  }
0x308: {  	v0 =	vld [tilespmem:s29+$0x12400];
	[tilespmem:s26+$0x1AB30] =	vst v1  }
0x309: {  	v1 =	vld [tilespmem:s29+$0x12410];
	[tilespmem:s26+$0x1AB80] =	vst v2  }
0x30a: {  	v2 =	vld [tilespmem:s29+$0x12420];
	[tilespmem:s26+$0x1AB90] =	vst v3  }
0x30b: {  	v3 =	vld [tilespmem:s29+$0x12430];
	[tilespmem:s26+$0x1ABA0] =	vst v4  }
0x30c: {  	v4 =	vld [tilespmem:s29+$0x12480];
	[tilespmem:s29+$0x1ABB0] =	vst v5  }
0x30d: {  	v62 =	vld [tilespmem:s29+$0x12490];
	[tilespmem:s29+$0x1A400] =	vst v0  }
0x30e: {  	v63 =	vld [tilespmem:s29+$0x124A0];
	[tilespmem:s29+$0x1A410] =	vst v1  }
0x30f: {  	v8 =	vld [tilespmem:s29+$0x124B0];
	[tilespmem:s29+$0x1A420] =	vst v2  }
0x310: {  	v9 =	vld [tilespmem:s29+$0x12500];
	[tilespmem:s29+$0x1A430] =	vst v3  }
0x311: {  	v10 =	vld [tilespmem:s29+$0x12510];
	[tilespmem:s29+$0x1A480] =	vst v4  }
0x312: {  	v11 =	vld [tilespmem:s29+$0x12520];
	[tilespmem:s29+$0x1A490] =	vst v62  }
0x313: {  	v12 =	vld [tilespmem:s29+$0x12530];
	[tilespmem:s29+$0x1A4A0] =	vst v63  }
0x314: {  	v13 =	vld [tilespmem:s29+$0x12580];
	[tilespmem:s29+$0x1A4B0] =	vst v8  }
0x315: {  	v14 =	vld [tilespmem:s29+$0x12590];
	[tilespmem:s29+$0x1A500] =	vst v9  }
0x316: {  	v15 =	vld [tilespmem:s29+$0x125A0];
	[tilespmem:s29+$0x1A510] =	vst v10  }
0x317: {  	v16 =	vld [tilespmem:s29+$0x125B0];
	[tilespmem:s29+$0x1A520] =	vst v11  }
0x318: {  	v17 =	vld [tilespmem:s29+$0x12600];
	[tilespmem:s29+$0x1A530] =	vst v12  }
0x319: {  	v18 =	vld [tilespmem:s29+$0x12610];
	[tilespmem:s29+$0x1A580] =	vst v13  }
0x31a: {  	v19 =	vld [tilespmem:s29+$0x12620];
	[tilespmem:s29+$0x1A590] =	vst v14  }
0x31b: {  	v20 =	vld [tilespmem:s29+$0x12630];
	[tilespmem:s29+$0x1A5A0] =	vst v15  }
0x31c: {  	v21 =	vld [tilespmem:s29+$0x12680];
	[tilespmem:s29+$0x1A5B0] =	vst v16  }
0x31d: {  	v22 =	vld [tilespmem:s29+$0x12690];
	[tilespmem:s29+$0x1A600] =	vst v17  }
0x31e: {  	v23 =	vld [tilespmem:s29+$0x126A0];
	[tilespmem:s29+$0x1A610] =	vst v18  }
0x31f: {  	v24 =	vld [tilespmem:s29+$0x126B0];
	[tilespmem:s29+$0x1A620] =	vst v19  }
0x320: {  	v25 =	vld [tilespmem:s29+$0x12700];
	[tilespmem:s29+$0x1A630] =	vst v20  }
0x321: {  	v26 =	vld [tilespmem:s29+$0x12710];
	[tilespmem:s29+$0x1A680] =	vst v21  }
0x322: {  	v27 =	vld [tilespmem:s29+$0x12720];
	[tilespmem:s29+$0x1A690] =	vst v22  }
0x323: {  	v28 =	vld [tilespmem:s29+$0x12730];
	[tilespmem:s29+$0x1A6A0] =	vst v23  }
0x324: {  	v29 =	vld [tilespmem:s29+$0x12780];
	[tilespmem:s29+$0x1A6B0] =	vst v24  }
0x325: {  	v30 =	vld [tilespmem:s29+$0x12790];
	[tilespmem:s29+$0x1A700] =	vst v25  }
0x326: {  	v31 =	vld [tilespmem:s29+$0x127A0];
	[tilespmem:s29+$0x1A710] =	vst v26  }
0x327: {  	v32 =	vld [tilespmem:s29+$0x127B0];
	[tilespmem:s29+$0x1A720] =	vst v27  }
0x328: {  	v33 =	vld [tilespmem:s29+$0x12800];
	[tilespmem:s29+$0x1A730] =	vst v28  }
0x329: {  	v34 =	vld [tilespmem:s29+$0x12810];
	[tilespmem:s29+$0x1A780] =	vst v29  }
0x32a: {  	v35 =	vld [tilespmem:s29+$0x12820];
	[tilespmem:s29+$0x1A790] =	vst v30  }
0x32b: {  	v36 =	vld [tilespmem:s29+$0x12830];
	[tilespmem:s29+$0x1A7A0] =	vst v31  }
0x32c: {  	v37 =	vld [tilespmem:s29+$0x12880];
	[tilespmem:s29+$0x1A7B0] =	vst v32  }
0x32d: {  	v38 =	vld [tilespmem:s29+$0x12890];
	[tilespmem:s29+$0x1A800] =	vst v33  }
0x32e: {  	v39 =	vld [tilespmem:s29+$0x128A0];
	[tilespmem:s29+$0x1A810] =	vst v34  }
0x32f: {  	v40 =	vld [tilespmem:s29+$0x128B0];
	[tilespmem:s29+$0x1A820] =	vst v35  }
0x330: {  	v41 =	vld [tilespmem:s29+$0x12900];
	[tilespmem:s29+$0x1A830] =	vst v36  }
0x331: {  	v42 =	vld [tilespmem:s29+$0x12910];
	[tilespmem:s29+$0x1A880] =	vst v37  }
0x332: {  	v43 =	vld [tilespmem:s29+$0x12920];
	[tilespmem:s29+$0x1A890] =	vst v38  }
0x333: {  	v44 =	vld [tilespmem:s29+$0x12930];
	[tilespmem:s29+$0x1A8A0] =	vst v39  }
0x334: {  	v45 =	vld [tilespmem:s29+$0x12980];
	[tilespmem:s29+$0x1A8B0] =	vst v40  }
0x335: {  	v46 =	vld [tilespmem:s29+$0x12990];
	[tilespmem:s29+$0x1A900] =	vst v41  }
0x336: {  	v47 =	vld [tilespmem:s29+$0x129A0];
	[tilespmem:s29+$0x1A910] =	vst v42  }
0x337: {  	v48 =	vld [tilespmem:s29+$0x129B0];
	[tilespmem:s29+$0x1A920] =	vst v43  }
0x338: {  	v49 =	vld [tilespmem:s29+$0x12A00];
	[tilespmem:s29+$0x1A930] =	vst v44  }
0x339: {  	v50 =	vld [tilespmem:s29+$0x12A10];
	[tilespmem:s29+$0x1A980] =	vst v45  }
0x33a: {  	v51 =	vld [tilespmem:s29+$0x12A20];
	[tilespmem:s29+$0x1A990] =	vst v46  }
0x33b: {  	v52 =	vld [tilespmem:s29+$0x12A30];
	[tilespmem:s29+$0x1A9A0] =	vst v47  }
0x33c: {  	v53 =	vld [tilespmem:s29+$0x12A80];
	[tilespmem:s29+$0x1A9B0] =	vst v48  }
0x33d: {  	v54 =	vld [tilespmem:s29+$0x12A90];
	[tilespmem:s29+$0x1AA00] =	vst v49  }
0x33e: {  	v55 =	vld [tilespmem:s29+$0x12AA0];
	[tilespmem:s29+$0x1AA10] =	vst v50  }
0x33f: {  	v56 =	vld [tilespmem:s29+$0x12AB0];
	[tilespmem:s29+$0x1AA20] =	vst v51  }
0x340: {  	v57 =	vld [tilespmem:s29+$0x12B00];
	[tilespmem:s29+$0x1AA30] =	vst v52  }
0x341: {  	v58 =	vld [tilespmem:s29+$0x12B10];
	[tilespmem:s29+$0x1AA80] =	vst v53  }
0x342: {  	v59 =	vld [tilespmem:s29+$0x12B20];
	[tilespmem:s29+$0x1AA90] =	vst v54  }
0x343: {  	v60 =	vld [tilespmem:s29+$0x12B30];
	[tilespmem:s29+$0x1AAA0] =	vst v55  }
0x344: {  	v61 =	vld [tilespmem:s29+$0x12B80];
	[tilespmem:s29+$0x1AAB0] =	vst v56  }
0x345: {  	[tilespmem:s29+$0x1AB00] =	vst v57;
	v62 =	vld [tilespmem:s29+$0x12B90]  }
0x346: {  	[tilespmem:s29+$0x1AB10] =	vst v58;
	v63 =	vld [tilespmem:s29+$0x12BA0]  }
0x347: {  	[tilespmem:s29+$0x1AB20] =	vst v59  }
.Ltmp6:
0x348: {  	[tilespmem:s29+$0x1AB30] =	vst v60;
	(pc) =	sbr.rel @p0 .LBB2_12-.Ltmp6, $4  }
0x349: {  	[tilespmem:s29+$0x1AB80] =	vst v61  }
0x34a: {  	s25 =	sand.u32 $0x1FFFF000, s25;
	[tilespmem:s29+$0x1AB90] =	vst v62  }
0x34b: {  	s25 =	sadd.s32 s25, s7;
	[tilespmem:s29+$0x1ABA0] =	vst v63  }
0x34c: {  	[hbm4b:s25+s2] =	stream.linear.scatter [tilespmem:s18], [sflag:$0x4], $0x4000, $0x38;
	[tilespmem:$0x1E400] =	vst v63  }
.Ltmp7:
0x34d: {  	(pc) =	sbr.rel .LBB2_2-.Ltmp7, $4  }
0x34e: {  	_ = 	snop  }
0x34f: {  	s24 =	sand.u32 $0x3FFFFE00, s24  }
0x350: {  	s23 =	sadd.s32 $0x1, s23;
	s24 =	sadd.s32 $0x300, s24  }
0x351: {  	[tilespmem:s15], [sflag:$0x2] =	stream.indirect.gather [hbm4b:s3+s13], $0x80, s24, s13, $0xb8;
	[tilespmem:$0x1E400] =	vst v63  }
.LBB2_13:
0x352: {  	_ =	sfence.sel $0x180000  }
0x353: {  	[bflag:$0x0] =	sbarrier.arrive $0xFFFF  }
0x354: {  	p0 =	sne.s32 s1, $0x0;
	_ =	strace $0x90000047  }
0x355: {  	s0 =	sadd.s32 @!p0 $0x100000, s0;
	[bflag:$0x2] =	sbarrier.arrive $0xFFFF  }
0x356: {  	[sflag:s0] =	ssyncadd.tile.s32 @!p0 $0x1;
	_ =	shalt  }
.Lfunc_end2:
_tile_overlayer_lowered:
.L_overlay_start_2:
0x357: {  	(tag) =	ssettag $0x2  }
0x358: {  	s0 =	rddreg [dreg:$0x0];
	s2 =	stileid.u32  }
0x359: {  	s1 =	rddreg [dreg:$0x1];
	p0 =	sne.s32 s2, $0x0  }
0x35a: {  	s3 =	rddreg [dreg:$0x2];
	[bflag:$0x3] =	sbarrier.arrive $0xFFFF;
	s2 =	simm.s32 @!p0 $0x1C05  }
0x35b: {  	[timem:s3], [sflag:s2] =	dma.local @!p0 [hbm:s0], s1  }
0x35c: {  	s0 =	simm.s32 @!p0 $0x5  }
0x35d: {  	_ =	swait.ge @!p0 [sflag:s0], s1  }
0x35e: {  	s1 =	ssub.s32 @!p0 $0x0, s1;
	[sflag:s0] =	ssyncset.done @!p0 $0x0  }
0x35f: {  	[sflag:s0] =	ssyncadd.s32 @!p0 s1  }
0x360: {  	[bflag:$0x3] =	sbarrier.arrive $0xFFFF  }
0x361: {  	_ =	shalt  }

// kernel: sparse-core-data-format-call.cloned.1.call-start
scs
called_computation_lowered:
.L_overlay_start_0:
0x0: {  	s2 =	sld [smem:$0x3FD9]  }
0x1: {  	s3 =	sld [smem:$0x3FFE];
	_ =	sdelay $0x1  }
0x2: {  	s1 =	srdreg.scid  }
0x3: {  	s0 =	sand.u32 $0x1, s1  }
0x4: {  	s18 =	sshll.u32 s0, $0xA;
	s2 =	sadd.s32 s3, s2  }
0x5: {  	s2 =	sadd.s32 s2, s18  }
0x6: {  	[smem:$0x3FC6] =	sst s2  }
0x7: {  	_ = 	snop  }
0x8: {  	s2 =	sld [smem:$0x3FD0];
	(tm) =	ssettm $0x1  }
0x9: {  	s19 =	sld [smem:$0x3FFB];
	_ =	sdelay $0x3  }
0xa: {  	_ =	strace s19  }
0xb: {  	s3 =	sld [smem:$0x3FFC];
	_ =	sdelay $0x3  }
0xc: {  	_ =	strace s3  }
0xd: {  	s3 =	sld [smem:$0x3FFD];
	_ =	sdelay $0x3  }
0xe: {  	_ =	strace s3  }
0xf: {  	_ =	strace $0x8FFFFFFF  }
0x10: {  	s20 =	sld [smem:$0x3FDB];
	_ =	sdelay $0x1  }
0x11: {  	s4 =	simm.s32 $_scs_section_size  }
0x12: {  	s5 =	simm.s32 $_size__tile_overlayer_lowered;
	s6 =	simm.s32 $_tile_overlayer_lowered  }
0x13: {  	s23 =	simm.s32 $0x1BFF;
	s22 =	sshll.u32 s6, $0x1;
	s3 =	sadd.s32 s4, s20  }
0x14: {  	s7 =	simm.s32 $0x0;
	s21 =	sshll.u32 s5, $0x1;
	s5 =	sadd.s32 s22, s3  }
0x15: {  	[timem:s7], [sflag:s23] =	dma.local [hbm:s5], s21  }
0x16: {  	_ =	swait.ge [sflag:s23], s21  }
0x17: {  	s4 =	ssub.s32 $0x0, s21;
	[sflag:s23] =	ssyncset.done $0x0  }
0x18: {  	[sflag:s23] =	ssyncadd.s32 s4;
	_ =	sdelay $0x1  }
0x19: {  	s24 =	simm.s32 $0x1B8B  }
0x1a: {  	_ =	swait.ge [sflag:s24], $0x1  }
0x1b: {  	[sflag:s24] =	ssyncset.done $0x0  }
0x1c: {  	s26 =	simm.s32 $0x1B8E;
	s25 =	sld [smem:$0x3FFE];
	[sflag:s24] =	ssyncadd.s32 $0xFFFFFFFF  }
0x1d: {  	s27 =	simm.s32 $execute0_lowered;
	[smem:$0x3FD2] =	sst s26  }
0x1e: {  	s5 =	sshll.u32 s27, $0x1;
	_ =	strace $0x80000049;
	[dreg:$0x1] =	wrdreg $0xFFFFFFFF  }
0x1f: {  	s28 =	simm.s32 $_size_execute0_lowered;
	s3 =	sadd.s32 s3, s5;
	[dreg:$0x0] =	wrdreg $0x0  }
0x20: {  	s5 =	sshll.u32 s28, $0x1;
	[dreg:$0x2] =	wrdreg s3  }
0x21: {  	[dreg:$0x3] =	wrdreg s5  }
0x22: {  	[dreg:$0x4] =	wrdreg $0xC0  }
0x23: {  	_ =	task [dreg:s7], $0x5FFFF  }
0x24: {  	[dreg:$0x1] =	wrdreg $0xFFFFFFFF  }
0x25: {  	[dreg:$0x0] =	wrdreg $0x60  }
0x26: {  	[dreg:$0x2] =	wrdreg s25  }
0x27: {  	[dreg:$0x3] =	wrdreg s2  }
0x28: {  	[dreg:$0x4] =	wrdreg $0x9  }
0x29: {  	_ =	task.clear_ibuf [dreg:s7], $0x5FFFF;
	_ =	strace $0x90000049  }
0x2a: {  	s29 =	simm.s32 $0x9;
	_ =	strace $0x8000004B  }
0x2b: {  	_ =	swait.ge [sflag:s29], $0x1  }
0x2c: {  	[sflag:s29] =	ssyncadd.s32 $0xFFFFFFFF  }
0x2d: {  	_ =	strace $0x9000004B  }
0x2e: {  	_ =	sfence  }
0x2f: {  	s30 =	sld [smem:$0x0];
	_ =	sdelay $0x2  }
0x30: {  	s31 =	sshll.u32 s1, $0xD;
	s1 =	sshrl.u32 s1, $0x2  }
0x31: {  	s3 =	sand.u32 $0x4000, s31;
	s1 =	sadd.s32 s1, s30  }
0x32: {  	s0 =	sor.u32 s3, s0;
	s1 =	sshll.u32 s1, $0x11  }
0x33: {  	s0 =	sor.u32 s1, s0  }
0x34: {  	s0 =	sadd.s32 $0x8F2B, s0  }
0x35: {  	[sflag:s0] =	ssyncadd.remote.s32 $0x1  }
0x36: {  	_ =	sfence.sel $0xFFFF  }
0x37: {  	[dreg:$0x0] =	wrdreg $0xFFFFFFFF;
	(pc) =	sbr.abs _section_cstart, $3  }
0x38: {  	[dreg:$0x1] =	wrdreg $0xFFFFFFFF  }
0x39: {  	_ =	task.clear_ibuf [dreg:s7], $0x2FFFF;
	_ =	strace $0x9FFFFFFF  }
0x3a: {  	(tm) =	ssettm $0x7FFFFFFF  }
0x3b: {  	_ =	shalt  }
tec
execute0_lowered:
.L_overlay_start_1:
0x0: {  	(tag) =	ssettag $0x1  }
0x1: {  	s0 =	srdreg.scid  }
0x2: {  	s1 =	sshll.u32 s0, $0x4  }
0x3: {  	s0 =	stileid.u32;
	s1 =	sand.u32 $0x10, s1  }
0x4: {  	s1 =	sor.u32 s0, s1  }
0x5: {  	s6 =	rddreg [dreg:$0x0];
	s4 =	simm.s32 $0x1;
	s2 =	sshll.u32 s1, $0x7  }
0x6: {  	s7 =	simm.s32 $0x2;
	s12 =	simm.s32 $0x0;
	s1 =	ssub.s32 $0x1000, s2  }
0x7: {  	s8 =	simm.s32 $0x8000;
	s13 =	simm.s32 $0x0;
	s3 =	sand.u32 $0xF80, s1  }
0x8: {  	s9 =	simm.s32 $0x0;
	s5 =	sshrl.u32 s1, $0xC;
	p0 =	sne.s32 s3, $0x0  }
.Ltmp0:
0x9: {  	s1 =	rddreg [dreg:$0x2];
	s4 =	simm.s32 @!p0 $0x0;
	(pc) =	sbr.rel .LBB1_1-.Ltmp0, $4  }
0xa: {  	s11 =	simm.s32 $0x0;
	s3 =	rddreg [dreg:$0x1];
	s5 =	sadd.s32 s4, s5  }
0xb: {  	_ =	strace $0x8000004A;
	s4 =	simm.s32 $0x1;
	s5 =	smul.u32 $0xC8, s5  }
0xc: {  	s6 =	sadd.s32 $0xA00, s6;
	s10 =	smov.u32 s2;
	[sflag:s4] =	ssyncpa.u1 $0x0  }
0xd: {  	p0 =	por $0x0, $0x0;
	[sflag:s7] =	ssyncpa.u1 $0x0;
	s7 =	sor.u32 $0x1, s5  }
.LBB1_4:
0xe: {  	s16 =	sshll.u32 s13, $0x3;
	s17 =	sand.u32 $0x78, s13  }
0xf: {  	s30 =	sand.u32 $0x7E00, s13;
	s12 =	sshll.u32 s12, $0xF;
	s16 =	sand.u32 $0xC00, s16  }
0x10: {  	[tilespmem:s15+$0x810 ss:$0x81] =	vst.msk $0xffff, v2;
	s31 =	sand.u32 $0x7, s13;
	s16 =	sor.u32 s17, s16;
	s17 =	sadd.s32 s3, s30  }
0x11: {  	[tilespmem:s15+$0x1020 ss:$0x81] =	vst.msk $0xffff, v0;
	s13 =	sshll.u32 s31, $0x12;
	s12 =	sadd.s32 s12, s17;
	s16 =	sshrl.u32 s16, $0x3  }
0x12: {  	[tilespmem:s15+$0x0 ss:$0x81] =	vst.msk $0xffff, v1;
	s13 =	sor.u32 $0x400, s13;
	s12 =	sadd.s32 s16, s12  }
0x13: {  	[hbm4b:s12+s13] =	stream.strided.scatter [tilespmem:s14], [sflag:$0x2], $0x2000, s8, s13, $0x20;
	[tilespmem:$0x8080] =	vst v63  }
.LBB1_5:
0x14: {  	s14 =	sadd.s32 $0x1, s9  }
0x15: {  	s12 =	sadd.s32 $0x1000, s10;
	s16 =	smov.u32 s10;
	p2 =	sgt.s32 s14, $0xC7  }
0x16: {  	s16 =	smov.u32 @p2 s12  }
0x17: {  	s14 =	simm.s32 @p2 $0x0;
	p2 =	sgt.s32 s16, $0xFFF  }
0x18: {  	s16 =	smov.u32 @p2 s2;
	p2 =	sne.s32 s11, s7  }
.Ltmp1:
0x19: {  	p1 =	slt.u32 s11, $0x2;
	(pc) =	sbr.rel @!p2 .LBB1_6-.Ltmp1, $4  }
0x1a: {  	s15 =	simm.s32 @!p1 $0x2  }
0x1b: {  	s13 =	smov.u32 s10;
	p0 =	por !p0, !p0;
	_ =	swait.ge @!p1 [sflag:s15], $0x2000  }
0x1c: {  	s12 =	smov.u32 s9;
	[sflag:s15] =	ssyncset.done @!p1 $0x0;
	s9 =	smov.u32 s14  }
0x1d: {  	s11 =	sadd.s32 $0x1, s11;
	[sflag:s15] =	ssyncadd.s32 @!p1 $0xFFFFE000;
	s10 =	smov.u32 s16  }
.LBB1_1:
0x1e: {  	p1 =	sge.u32 s11, s5  }
0x1f: {  	s14 =	sand.u32 @!p1 $0x1FFFFFF, s9  }
0x20: {  	s15 =	smulhi.u32 @!p1 $0x147AE15, s14;
	_ =	sdelay $0x1  }
0x21: {  	s15 =	smul.u32 @!p1 $0xC8, s15  }
0x22: {  	s16 =	sxor.u32 @!p1 $0xFFFFFFFF, s11;
	s17 =	smul.u32 @!p1 $0xC80, s10  }
0x23: {  	s31 =	sadd.s32 $0xFFFFFFFF, s11;
	s16 =	sshll.u32 @!p1 s16, $0xD;
	s14 =	ssub.s32 @!p1 s14, s15  }
0x24: {  	s15 =	sand.u32 @!p1 $0x2000, s16;
	s16 =	sadd.s32 @!p1 s6, s17;
	s14 =	sshll.u32 @!p1 s14, $0x4  }
0x25: {  	s17 =	simm.s32 @!p1 $0x6400;
	s14 =	sadd.s32 @!p1 s14, s16;
	s16 =	simm.s32 @!p1 $0x40  }
0x26: {  	[tilespmem:s15], [sflag:$0x1] =	stream.strided.gather @!p1 [hbm4b:s14+s16], $0x2000, s17, s16, $0x38;
	[tilespmem:$0x8080] =	vst v63  }
0x27: {  	p1 =	sge.u32 s31, s5  }
.Ltmp2:
0x28: {  	_ = 	snop;
	(pc) =	sbr.rel @p1 .LBB1_5-.Ltmp2, $1  }
0x29: {  	_ =	sdelay $0x3  }
0x2a: {  	s14 =	simm.s32 $0x1  }
0x2b: {  	_ =	swait.ge [sflag:s4], $0x2000;
	s14 =	simm.s32 @!p0 $0x0  }
0x2c: {  	[sflag:s4] =	ssyncset.done $0x0;
	s15 =	sshll.u32 s14, $0xD  }
0x2d: {  	[sflag:s4] =	ssyncadd.s32 $0xFFFFE000;
	s18 =	sor.u32 $0x20, s15  }
0x2e: {  	s14 =	smul.u32 $0x8100, s14;
	v3 =	vld [tilespmem:s18+$0x10]  }
0x2f: {  	s30 =	sand.u32 $0x1, s11;
	v2 =	vld [tilespmem:s18+$0xFFFFFFF0]  }
0x30: {  	s15 =	smul.u32 $0x8100, s30;
	s14 =	sshrl.u32 s14, $0x2;
	v0 =	vld [tilespmem:s18+$0x0]  }
0x31: {  	v1 =	vld [tilespmem:s18+$0xFFFFFFE0];
	s16 =	sor.u32 $0x4000, s14  }
0x32: {  	s31 =	sshrl.u32 s15, $0x2;
	s15 =	sadd.s32 $0x0, s16  }
0x33: {  	s17 =	simm.s32 $0x4;
	s18 =	sadd.s32 $0x40, s18;
	s14 =	sor.u32 $0x4000, s31;
	[tilespmem:s15+$0x1830 ss:$0x81] =	vst.msk $0xffff, v3  }
.LBB1_3:
0x34: {  	v3 =	vld [tilespmem:s18+$0x10];
	p1 =	sne.s32 s17, $0x1FC;
	[tilespmem:s15+$0x810 ss:$0x81] =	vst.msk $0xffff, v2;
	s19 =	smov.u32 s17;
	s17 =	sadd.s32 $0x4, s17  }
.Ltmp3:
0x35: {  	v2 =	vld [tilespmem:s18+$0xFFFFFFF0];
	[tilespmem:s15+$0x1020 ss:$0x81] =	vst.msk $0xffff, v0;
	(pc) =	sbr.rel @p1 .LBB1_3-.Ltmp3, $4  }
0x36: {  	v0 =	vld [tilespmem:s18+$0x0];
	[tilespmem:s15+$0x0 ss:$0x81] =	vst.msk $0xffff, v1  }
0x37: {  	s15 =	sshra.s32 s19, $0x2;
	v1 =	vld [tilespmem:s18+$0xFFFFFFE0]  }
0x38: {  	s15 =	sadd.s32 s15, s16  }
0x39: {  	s18 =	sadd.s32 $0x40, s18;
	[tilespmem:s15+$0x1830 ss:$0x81] =	vst.msk $0xffff, v3  }
.Ltmp4:
0x3a: {  	_ = 	snop;
	(pc) =	sbr.rel .LBB1_4-.Ltmp4, $1  }
0x3b: {  	_ =	sdelay $0x3  }
.LBB1_6:
0x3c: {  	_ =	sfence.sel $0x180000  }
0x3d: {  	s2 =	simm.s32 $0x1;
	[bflag:$0x0] =	sbarrier.arrive $0xFFFF  }
0x3e: {  	s31 =	simm.s32 $0x2;
	[sflag:s2] =	ssyncpa.u1 $0x1  }
0x3f: {  	[sflag:s31] =	ssyncpa.u1 $0x1  }
0x40: {  	p0 =	sne.s32 s0, $0x0;
	_ =	strace $0x9000004A  }
0x41: {  	s0 =	sadd.s32 @!p0 $0x100000, s1;
	[bflag:$0x2] =	sbarrier.arrive $0xFFFF  }
0x42: {  	[sflag:s0] =	ssyncadd.tile.s32 @!p0 $0x1;
	_ =	shalt  }
.Lfunc_end1:
_tile_overlayer_lowered:
.L_overlay_start_2:
0x43: {  	(tag) =	ssettag $0x2  }
0x44: {  	s0 =	rddreg [dreg:$0x0];
	s2 =	stileid.u32  }
0x45: {  	s1 =	rddreg [dreg:$0x1];
	p0 =	sne.s32 s2, $0x0  }
0x46: {  	s3 =	rddreg [dreg:$0x2];
	[bflag:$0x3] =	sbarrier.arrive $0xFFFF;
	s2 =	simm.s32 @!p0 $0x1C01  }
0x47: {  	[timem:s3], [sflag:s2] =	dma.local @!p0 [hbm:s0], s1  }
0x48: {  	s0 =	simm.s32 @!p0 $0x1  }
0x49: {  	_ =	swait.ge @!p0 [sflag:s0], s1  }
0x4a: {  	s1 =	ssub.s32 @!p0 $0x0, s1;
	[sflag:s0] =	ssyncset.done @!p0 $0x0  }
0x4b: {  	[sflag:s0] =	ssyncadd.s32 @!p0 s1  }
0x4c: {  	[bflag:$0x3] =	sbarrier.arrive $0xFFFF  }
0x4d: {  	_ =	shalt  }

</sc_bundles>
